<compile_context>
chip_gen: v7x
topology: tpu7x:2x2x1
jax: 0.10.2.dev20260603
libtpu: 0.0.44.dev20260713+nightly
codegen_flags: <defaults>
</compile_context>

<pallas_src>
import functools

import jax
import jax.numpy as jnp
from jax import lax
from jax.experimental import pallas as pl
from jax.experimental.pallas import tpu as pltpu
from jax.experimental.pallas import tpu_sc as plsc

N = 10000
E = 320000
D = 128

NC = 2
NS = 16
NW = NC * NS
EW = E // NW

B = 50
K = EW // B
G = 8
NG = K // G
NSLOT = 3
NBUF = 6

HB_B = 125
HB_K = EW // HB_B
HB_BATCH = 16

RPT = 624
REM = N - NS * RPT

NPAD = 10240
HB = NPAD // NS

_mesh = plsc.VectorSubcoreMesh(core_axis_name="c", subcore_axis_name="s")


@functools.partial(
    pl.kernel,
    out_type=jax.ShapeDtypeStruct((NC, NPAD), jnp.float32),
    mesh=_mesh,
    scratch_types=[
        pltpu.VMEM((HB_K, HB_B), jnp.int32),
        pltpu.VMEM((HB_B,), jnp.float32),
        pltpu.VMEM_SHARED((NPAD,), jnp.float32),
        pltpu.SemaphoreType.DMA,
    ],
)
def _degree_kernel(dst_hbm, ones_hbm, zeros_hbm, out_hbm,
                   idx_v, ones_v, deg_sh, hsem):
    cid = lax.axis_index("c")
    sid = lax.axis_index("s")
    wid = cid * NS + sid
    pltpu.sync_copy(dst_hbm.at[pl.ds(wid * HB_K, HB_K)], idx_v)
    pltpu.sync_copy(ones_hbm, ones_v)
    pltpu.sync_copy(zeros_hbm.at[pl.ds(sid * HB, HB)],
                    deg_sh.at[pl.ds(sid * HB, HB)])
    plsc.subcore_barrier()

    for j in range(HB_K):
        if j >= HB_BATCH:
            pltpu.make_async_copy(ones_v, deg_sh.at[idx_v.at[0]], hsem).wait()
        pltpu.async_copy(ones_v, deg_sh.at[idx_v.at[j]], hsem, add=True)
    for _ in range(HB_BATCH):
        pltpu.make_async_copy(ones_v, deg_sh.at[idx_v.at[0]], hsem).wait()

    plsc.subcore_barrier()
    pltpu.sync_copy(deg_sh.at[pl.ds(sid * HB, HB)],
                    out_hbm.at[cid, pl.ds(sid * HB, HB)])


@functools.partial(
    pl.kernel,
    out_type=jax.ShapeDtypeStruct((NC, N, D), jnp.float32),
    mesh=_mesh,
    scratch_types=[
        pltpu.VMEM((NSLOT, G, B), jnp.int32),
        pltpu.VMEM((NSLOT, G, B), jnp.int32),
        pltpu.VMEM((NBUF, B, D), jnp.float32),
        pltpu.VMEM_SHARED((N, D), jnp.float32),
        pltpu.SemaphoreType.DMA,
        pltpu.SemaphoreType.DMA,
        pltpu.SemaphoreType.DMA,
    ],
)
def _propagate_kernel(g_hbm, src_hbm, dst_hbm, zeros_hbm, out_hbm,
                      sidx, didx, rows_v, acc_sh, gsem, ssem, isem):
    cid = lax.axis_index("c")
    sid = lax.axis_index("s")
    wid = cid * NS + sid

    pltpu.sync_copy(src_hbm.at[wid, pl.ds(0, G)], sidx.at[0])
    pltpu.sync_copy(dst_hbm.at[wid, pl.ds(0, G)], didx.at[0])

    @pl.when(cid == 0)
    def _seed_g():
        pltpu.sync_copy(g_hbm.at[pl.ds(sid * RPT, RPT)],
                        acc_sh.at[pl.ds(sid * RPT, RPT)])

        @pl.when(sid == NS - 1)
        def _seed_rem():
            pltpu.sync_copy(g_hbm.at[pl.ds(NS * RPT, REM)],
                            acc_sh.at[pl.ds(NS * RPT, REM)])

    @pl.when(cid == 1)
    def _seed_zero():
        pltpu.sync_copy(zeros_hbm, acc_sh.at[pl.ds(sid * RPT, RPT)])

        @pl.when(sid == NS - 1)
        def _zero_rem():
            pltpu.sync_copy(zeros_hbm.at[pl.ds(0, REM)],
                            acc_sh.at[pl.ds(NS * RPT, REM)])

    for b in range(NBUF - 1):
        pltpu.async_copy(g_hbm.at[sidx.at[0, b]], rows_v.at[b], gsem)
    pltpu.async_copy(src_hbm.at[wid, pl.ds(G, G)], sidx.at[1], isem)
    pltpu.async_copy(dst_hbm.at[wid, pl.ds(G, G)], didx.at[1], isem)

    plsc.subcore_barrier()

    def body(j, carry):
        m = lax.div(j, G)
        r = lax.rem(j, G)
        slot = lax.rem(m, NSLOT)
        buf = lax.rem(j, NBUF)

        pltpu.make_async_copy(g_hbm.at[sidx.at[slot, r]], rows_v.at[buf],
                              gsem).wait()

        @pl.when(j >= 1)
        def _drain_prev():
            pltpu.make_async_copy(rows_v.at[buf], acc_sh.at[didx.at[slot, r]],
                                  ssem).wait()

        pltpu.async_copy(rows_v.at[buf], acc_sh.at[didx.at[slot, r]], ssem,
                         add=True)

        @pl.when((r == 1) & (m + 2 < NG))
        def _prefetch_group():
            gm = m + 2
            gslot = lax.rem(gm, NSLOT)
            pltpu.async_copy(src_hbm.at[wid, pl.ds(gm * G, G)],
                             sidx.at[gslot], isem)
            pltpu.async_copy(dst_hbm.at[wid, pl.ds(gm * G, G)],
                             didx.at[gslot], isem)

        jn = j + NBUF - 1

        @pl.when(jn < K)
        def _refill():
            gm = lax.div(jn, G)
            gr = lax.rem(jn, G)
            gslot = lax.rem(gm, NSLOT)

            @pl.when((gr == 0) & (gm >= 1))
            def _wait_group():
                pltpu.make_async_copy(src_hbm.at[wid, pl.ds(0, G)],
                                      sidx.at[0], isem).wait()
                pltpu.make_async_copy(dst_hbm.at[wid, pl.ds(0, G)],
                                      didx.at[0], isem).wait()

            pltpu.async_copy(g_hbm.at[sidx.at[gslot, gr]],
                             rows_v.at[lax.rem(jn, NBUF)], gsem)

        return carry

    lax.fori_loop(0, K, body, 0)
    pltpu.make_async_copy(rows_v.at[0], acc_sh.at[didx.at[0, 0]], ssem).wait()

    plsc.subcore_barrier()
    pltpu.sync_copy(acc_sh.at[pl.ds(sid * RPT, RPT)],
                    out_hbm.at[cid, pl.ds(sid * RPT, RPT)])

    @pl.when(sid == NS - 1)
    def _write_rem():
        pltpu.sync_copy(acc_sh.at[pl.ds(NS * RPT, REM)],
                        out_hbm.at[cid, pl.ds(NS * RPT, REM)])


BN = 5000
GRID = N // BN


def _t1_body(degT_ref, x_ref, wpre_ref, bpre_ref, w1_ref, g1_ref):
    dinv = lax.rsqrt(degT_ref[:, 0] + degT_ref[:, 1] + 1.0)
    h0 = jnp.dot(x_ref[...], wpre_ref[...],
                 preferred_element_type=jnp.float32) + bpre_ref[...]
    y1 = jnp.dot(h0, w1_ref[...], preferred_element_type=jnp.float32)
    g1_ref[...] = y1 * dinv[:, None]


def _t2_body(degT_ref, part_ref, b1_ref, w2_ref, g2_ref):
    dinv = lax.rsqrt(degT_ref[:, 0] + degT_ref[:, 1] + 1.0)
    s = part_ref[0] + part_ref[1]
    h1 = jax.nn.relu(s * dinv[:, None] + b1_ref[...])
    y2 = jnp.dot(h1, w2_ref[...], preferred_element_type=jnp.float32)
    g2_ref[...] = y2 * dinv[:, None]


def _t3_body(degT_ref, part_ref, b2_ref, out_ref):
    dinv = lax.rsqrt(degT_ref[:, 0] + degT_ref[:, 1] + 1.0)
    s = part_ref[0] + part_ref[1]
    h2 = s * dinv[:, None] + b2_ref[...]
    nrm = jnp.sqrt(jnp.sum(h2 * h2, axis=-1, keepdims=True))
    out_ref[...] = h2 / jnp.maximum(nrm, 1e-12)


_deg_spec = pl.BlockSpec((BN, 2), lambda i: (i, 0))
_row_spec = pl.BlockSpec((BN, D), lambda i: (i, 0))
_w_spec = pl.BlockSpec((D, D), lambda i: (0, 0))
_b_spec = pl.BlockSpec((1, D), lambda i: (0, 0))
_part_spec = pl.BlockSpec((NC, BN, D), lambda i: (0, i, 0))

_t1 = pl.pallas_call(
    _t1_body,
    grid=(GRID,),
    in_specs=[_deg_spec, _row_spec, _w_spec, _b_spec, _w_spec],
    out_specs=_row_spec,
    out_shape=jax.ShapeDtypeStruct((N, D), jnp.float32),
)

_t2 = pl.pallas_call(
    _t2_body,
    grid=(GRID,),
    in_specs=[_deg_spec, _part_spec, _b_spec, _w_spec],
    out_specs=_row_spec,
    out_shape=jax.ShapeDtypeStruct((N, D), jnp.float32),
)

_t3 = pl.pallas_call(
    _t3_body,
    grid=(GRID,),
    in_specs=[_deg_spec, _part_spec, _b_spec],
    out_specs=_row_spec,
    out_shape=jax.ShapeDtypeStruct((N, D), jnp.float32),
)


def kernel(x, edge_index, W_pre, b_pre, W1, b1, W2, b2):
    src3d = edge_index[0].reshape(NW, K, B)
    dst3d = edge_index[1].reshape(NW, K, B)
    dst2d_h = edge_index[1].reshape(E // HB_B, HB_B)
    ones_b = jnp.ones((HB_B,), jnp.float32)
    zeros_np = jnp.zeros((NPAD,), jnp.float32)
    zeros_st = jnp.zeros((RPT, D), jnp.float32)

    deg_part = _degree_kernel(dst2d_h, ones_b, zeros_np)
    degT = deg_part[:, :N].T

    g1 = _t1(degT, x, W_pre, b_pre.reshape(1, D), W1)
    p1 = _propagate_kernel(g1, src3d, dst3d, zeros_st)
    g2 = _t2(degT, p1, b1.reshape(1, D), W2)
    p2 = _propagate_kernel(g2, src3d, dst3d, zeros_st)
    return _t3(degT, p2, b2.reshape(1, D))

# --- scband reference (transcript-rebuilt; emitter-appended) ---
"""Pipeline reference for scband-gnn-90589450207317 (READ-ONLY COPY).

The authoritative reference and input builder live on the scoring server;
editing this copy changes nothing except your own understanding.
"""

import jax, jax.numpy as jnp
import numpy as np

N = 10000
E = 320000
D = 128


def setup_inputs(seed: int = 0) -> dict:
    key = jax.random.key(seed)
    ks = jax.random.split(key, 8)
    x = jax.random.normal(ks[0], (N, D), dtype=jnp.float32)
    edge_index = jax.random.randint(ks[1], (2, E), 0, N, dtype=jnp.int32)
    s = 1.0 / np.sqrt(D)
    W_pre = jax.random.uniform(ks[2], (D, D), jnp.float32, -s, s)
    b_pre = jnp.zeros((D,), jnp.float32)
    W1 = jax.random.uniform(ks[3], (D, D), jnp.float32, -s, s)
    b1 = jnp.zeros((D,), jnp.float32)
    W2 = jax.random.uniform(ks[4], (D, D), jnp.float32, -s, s)
    b2 = jnp.zeros((D,), jnp.float32)
    return {"x": x, "edge_index": edge_index, "W_pre": W_pre, "b_pre": b_pre,
            "W1": W1, "b1": b1, "W2": W2, "b2": b2}


def _gcn_layer(h, src, dst, W, b):
    # PyG-style GCNConv: h' = D^{-1/2} (A + I) D^{-1/2} (h W) + b
    h = h @ W
    loop = jnp.arange(N, dtype=src.dtype)
    s2 = jnp.concatenate([src, loop])
    d2 = jnp.concatenate([dst, loop])
    deg = jnp.zeros((N,), jnp.float32).at[d2].add(1.0)
    dinv = jnp.where(deg > 0, 1.0 / jnp.sqrt(deg), 0.0)
    norm = dinv[s2] * dinv[d2]
    msg = h[s2] * norm[:, None]
    out = jax.ops.segment_sum(msg, d2, num_segments=N)
    return out + b


def reference(x, edge_index, W_pre, b_pre, W1, b1, W2, b2):
    src = edge_index[0]
    dst = edge_index[1]
    # feature_pre linear
    h = x @ W_pre + b_pre
    # GCN layer 1 + relu (dropout is identity in eval mode)
    h = _gcn_layer(h, src, dst, W1, b1)
    h = jax.nn.relu(h)
    # GCN layer 2 (final, no activation)
    h = _gcn_layer(h, src, dst, W2, b2)
    # F.normalize(p=2, dim=-1)
    nrm = jnp.sqrt(jnp.sum(h * h, axis=-1, keepdims=True))
    h = h / jnp.maximum(nrm, 1e-12)
    return h

if __name__ == "__main__":
    import jax
    _d = setup_inputs()
    print(jax.jit(kernel)(*tuple(_d.values())))

</pallas_src>

<mosaic_0001>
#map = affine_map<(d0, d1) -> (0, 0)>
#map1 = affine_map<(d0, d1) -> (0, 0, 0)>
module attributes {stable_mosaic.version = 14 : i64} {
  func.func @_propagate_kernel(%arg0: i32, %arg1: i32, %arg2: memref<10000x128xf32, #tpu.memory_space<hbm>>, %arg3: memref<32x200x50xi32, #tpu.memory_space<hbm>>, %arg4: memref<32x200x50xi32, #tpu.memory_space<hbm>>, %arg5: memref<624x128xf32, #tpu.memory_space<hbm>>, %arg6: memref<2x10000x128xf32, #tpu.memory_space<hbm>>, %arg7: memref<3x8x50xi32, #tpu.memory_space<vmem>>, %arg8: memref<3x8x50xi32, #tpu.memory_space<vmem>>, %arg9: memref<6x50x128xf32, #tpu.memory_space<vmem>>, %arg10: memref<10000x128xf32, #tpu.memory_space<vmem_shared>>, %arg11: memref<!tpu.dma_semaphore, #tpu.memory_space<semaphore_mem>>, %arg12: memref<!tpu.dma_semaphore, #tpu.memory_space<semaphore_mem>>, %arg13: memref<!tpu.dma_semaphore, #tpu.memory_space<semaphore_mem>>) attributes {dimension_semantics = [#tpu.dimension_semantics<core_parallel>, #tpu.dimension_semantics<subcore_parallel>], iteration_bounds = array<i64: 2, 16>, scalar_prefetch = 0 : i64, scratch_operands = 7 : i64, tpu.core_type = #tpu.core_type<sc_vector_subcore>, window_params = [{transform_indices = #map}, {transform_indices = #map1}, {transform_indices = #map1}, {transform_indices = #map}, {transform_indices = #map1}]} {
    %mul3A = arith.constant 16 : i32
    %mul3A_0 = arith.muli %arg0, %mul3A : i32
    %add3A = arith.addi %mul3A_0, %arg1 : i32
    %run_scoped3A = arith.constant 0 : i32
    "tpu.region"() ({
      %run_scoped3A_134 = tpu.sem_alloc : memref<!tpu.dma_semaphore, #tpu.memory_space<semaphore_mem>>
      %dma_start3A_135 = arith.constant 0 : i32
      %dma_start3A_136 = arith.constant 0 : i32
      %dma_start3A_137 = tpu.memref_slice %arg7[%run_scoped3A, %dma_start3A_135, %dma_start3A_136] : memref<3x8x50xi32, #tpu.memory_space<vmem>> -> memref<1x8x50xi32, #tpu.memory_space<vmem>>
      %dma_start3A_138 = tpu.memref_squeeze %dma_start3A_137 : memref<1x8x50xi32, #tpu.memory_space<vmem>> -> memref<8x50xi32, #tpu.memory_space<vmem>>
      %dma_start3A_139 = arith.constant 0 : i32
      %dma_start3A_140 = arith.constant 0 : i32
      %dma_start3A_141 = tpu.memref_slice %arg3[%add3A, %dma_start3A_139, %dma_start3A_140] : memref<32x200x50xi32, #tpu.memory_space<hbm>> -> memref<1x8x50xi32, #tpu.memory_space<hbm>>
      %dma_start3A_142 = tpu.memref_squeeze %dma_start3A_141 : memref<1x8x50xi32, #tpu.memory_space<hbm>> -> memref<8x50xi32, #tpu.memory_space<hbm>>
      %dma_start3A_143 = arith.constant 0 : i32
      %dma_start3A_144 = arith.constant 0 : i32
      %dma_start3A_145 = tpu.memref_slice %arg7[%run_scoped3A, %dma_start3A_143, %dma_start3A_144] : memref<3x8x50xi32, #tpu.memory_space<vmem>> -> memref<1x8x50xi32, #tpu.memory_space<vmem>>
      %dma_start3A_146 = tpu.memref_squeeze %dma_start3A_145 : memref<1x8x50xi32, #tpu.memory_space<vmem>> -> memref<8x50xi32, #tpu.memory_space<vmem>>
      %dma_start3A_147 = arith.constant 0 : i32
      %dma_start3A_148 = arith.constant 0 : i32
      %dma_start3A_149 = tpu.memref_slice %arg3[%add3A, %dma_start3A_147, %dma_start3A_148] : memref<32x200x50xi32, #tpu.memory_space<hbm>> -> memref<1x8x50xi32, #tpu.memory_space<hbm>>
      %dma_start3A_150 = tpu.memref_squeeze %dma_start3A_149 : memref<1x8x50xi32, #tpu.memory_space<hbm>> -> memref<8x50xi32, #tpu.memory_space<hbm>>
      tpu.enqueue_dma source(%dma_start3A_150 : memref<8x50xi32, #tpu.memory_space<hbm>>) target(%dma_start3A_146 : memref<8x50xi32, #tpu.memory_space<vmem>>) target_semaphore(%run_scoped3A_134 : memref<!tpu.dma_semaphore, #tpu.memory_space<semaphore_mem>>)
      %dma_wait3A_151 = arith.constant 0 : i32
      %dma_wait3A_152 = arith.constant 0 : i32
      %dma_wait3A_153 = tpu.memref_slice %arg7[%run_scoped3A, %dma_wait3A_151, %dma_wait3A_152] : memref<3x8x50xi32, #tpu.memory_space<vmem>> -> memref<1x8x50xi32, #tpu.memory_space<vmem>>
      %dma_wait3A_154 = tpu.memref_squeeze %dma_wait3A_153 : memref<1x8x50xi32, #tpu.memory_space<vmem>> -> memref<8x50xi32, #tpu.memory_space<vmem>>
      %dma_wait3A_155 = arith.constant 0 : i32
      %dma_wait3A_156 = arith.constant 0 : i32
      %dma_wait3A_157 = tpu.memref_slice %arg3[%add3A, %dma_wait3A_155, %dma_wait3A_156] : memref<32x200x50xi32, #tpu.memory_space<hbm>> -> memref<1x8x50xi32, #tpu.memory_space<hbm>>
      %dma_wait3A_158 = tpu.memref_squeeze %dma_wait3A_157 : memref<1x8x50xi32, #tpu.memory_space<hbm>> -> memref<8x50xi32, #tpu.memory_space<hbm>>
      %dma_wait3A_159 = arith.constant 0 : i32
      %dma_wait3A_160 = arith.constant 0 : i32
      %dma_wait3A_161 = tpu.memref_slice %arg7[%run_scoped3A, %dma_wait3A_159, %dma_wait3A_160] : memref<3x8x50xi32, #tpu.memory_space<vmem>> -> memref<1x8x50xi32, #tpu.memory_space<vmem>>
      %dma_wait3A_162 = tpu.memref_squeeze %dma_wait3A_161 : memref<1x8x50xi32, #tpu.memory_space<vmem>> -> memref<8x50xi32, #tpu.memory_space<vmem>>
      %dma_wait3A_163 = arith.constant 0 : i32
      %dma_wait3A_164 = arith.constant 0 : i32
      %dma_wait3A_165 = tpu.memref_slice %arg3[%add3A, %dma_wait3A_163, %dma_wait3A_164] : memref<32x200x50xi32, #tpu.memory_space<hbm>> -> memref<1x8x50xi32, #tpu.memory_space<hbm>>
      %dma_wait3A_166 = tpu.memref_squeeze %dma_wait3A_165 : memref<1x8x50xi32, #tpu.memory_space<hbm>> -> memref<8x50xi32, #tpu.memory_space<hbm>>
      tpu.wait_dma2 semaphore(%run_scoped3A_134 : memref<!tpu.dma_semaphore, #tpu.memory_space<semaphore_mem>>) src(%dma_wait3A_166 : memref<8x50xi32, #tpu.memory_space<hbm>>) dst(%dma_wait3A_162 : memref<8x50xi32, #tpu.memory_space<vmem>>)
      tpu.yield
    }) : () -> ()
    %run_scoped3A_1 = arith.constant 0 : i32
    "tpu.region"() ({
      %run_scoped3A_134 = tpu.sem_alloc : memref<!tpu.dma_semaphore, #tpu.memory_space<semaphore_mem>>
      %dma_start3A_135 = arith.constant 0 : i32
      %dma_start3A_136 = arith.constant 0 : i32
      %dma_start3A_137 = tpu.memref_slice %arg8[%run_scoped3A_1, %dma_start3A_135, %dma_start3A_136] : memref<3x8x50xi32, #tpu.memory_space<vmem>> -> memref<1x8x50xi32, #tpu.memory_space<vmem>>
      %dma_start3A_138 = tpu.memref_squeeze %dma_start3A_137 : memref<1x8x50xi32, #tpu.memory_space<vmem>> -> memref<8x50xi32, #tpu.memory_space<vmem>>
      %dma_start3A_139 = arith.constant 0 : i32
      %dma_start3A_140 = arith.constant 0 : i32
      %dma_start3A_141 = tpu.memref_slice %arg4[%add3A, %dma_start3A_139, %dma_start3A_140] : memref<32x200x50xi32, #tpu.memory_space<hbm>> -> memref<1x8x50xi32, #tpu.memory_space<hbm>>
      %dma_start3A_142 = tpu.memref_squeeze %dma_start3A_141 : memref<1x8x50xi32, #tpu.memory_space<hbm>> -> memref<8x50xi32, #tpu.memory_space<hbm>>
      %dma_start3A_143 = arith.constant 0 : i32
      %dma_start3A_144 = arith.constant 0 : i32
      %dma_start3A_145 = tpu.memref_slice %arg8[%run_scoped3A_1, %dma_start3A_143, %dma_start3A_144] : memref<3x8x50xi32, #tpu.memory_space<vmem>> -> memref<1x8x50xi32, #tpu.memory_space<vmem>>
      %dma_start3A_146 = tpu.memref_squeeze %dma_start3A_145 : memref<1x8x50xi32, #tpu.memory_space<vmem>> -> memref<8x50xi32, #tpu.memory_space<vmem>>
      %dma_start3A_147 = arith.constant 0 : i32
      %dma_start3A_148 = arith.constant 0 : i32
      %dma_start3A_149 = tpu.memref_slice %arg4[%add3A, %dma_start3A_147, %dma_start3A_148] : memref<32x200x50xi32, #tpu.memory_space<hbm>> -> memref<1x8x50xi32, #tpu.memory_space<hbm>>
      %dma_start3A_150 = tpu.memref_squeeze %dma_start3A_149 : memref<1x8x50xi32, #tpu.memory_space<hbm>> -> memref<8x50xi32, #tpu.memory_space<hbm>>
      tpu.enqueue_dma source(%dma_start3A_150 : memref<8x50xi32, #tpu.memory_space<hbm>>) target(%dma_start3A_146 : memref<8x50xi32, #tpu.memory_space<vmem>>) target_semaphore(%run_scoped3A_134 : memref<!tpu.dma_semaphore, #tpu.memory_space<semaphore_mem>>)
      %dma_wait3A_151 = arith.constant 0 : i32
      %dma_wait3A_152 = arith.constant 0 : i32
      %dma_wait3A_153 = tpu.memref_slice %arg8[%run_scoped3A_1, %dma_wait3A_151, %dma_wait3A_152] : memref<3x8x50xi32, #tpu.memory_space<vmem>> -> memref<1x8x50xi32, #tpu.memory_space<vmem>>
      %dma_wait3A_154 = tpu.memref_squeeze %dma_wait3A_153 : memref<1x8x50xi32, #tpu.memory_space<vmem>> -> memref<8x50xi32, #tpu.memory_space<vmem>>
      %dma_wait3A_155 = arith.constant 0 : i32
      %dma_wait3A_156 = arith.constant 0 : i32
      %dma_wait3A_157 = tpu.memref_slice %arg4[%add3A, %dma_wait3A_155, %dma_wait3A_156] : memref<32x200x50xi32, #tpu.memory_space<hbm>> -> memref<1x8x50xi32, #tpu.memory_space<hbm>>
      %dma_wait3A_158 = tpu.memref_squeeze %dma_wait3A_157 : memref<1x8x50xi32, #tpu.memory_space<hbm>> -> memref<8x50xi32, #tpu.memory_space<hbm>>
      %dma_wait3A_159 = arith.constant 0 : i32
      %dma_wait3A_160 = arith.constant 0 : i32
      %dma_wait3A_161 = tpu.memref_slice %arg8[%run_scoped3A_1, %dma_wait3A_159, %dma_wait3A_160] : memref<3x8x50xi32, #tpu.memory_space<vmem>> -> memref<1x8x50xi32, #tpu.memory_space<vmem>>
      %dma_wait3A_162 = tpu.memref_squeeze %dma_wait3A_161 : memref<1x8x50xi32, #tpu.memory_space<vmem>> -> memref<8x50xi32, #tpu.memory_space<vmem>>
      %dma_wait3A_163 = arith.constant 0 : i32
      %dma_wait3A_164 = arith.constant 0 : i32
      %dma_wait3A_165 = tpu.memref_slice %arg4[%add3A, %dma_wait3A_163, %dma_wait3A_164] : memref<32x200x50xi32, #tpu.memory_space<hbm>> -> memref<1x8x50xi32, #tpu.memory_space<hbm>>
      %dma_wait3A_166 = tpu.memref_squeeze %dma_wait3A_165 : memref<1x8x50xi32, #tpu.memory_space<hbm>> -> memref<8x50xi32, #tpu.memory_space<hbm>>
      tpu.wait_dma2 semaphore(%run_scoped3A_134 : memref<!tpu.dma_semaphore, #tpu.memory_space<semaphore_mem>>) src(%dma_wait3A_166 : memref<8x50xi32, #tpu.memory_space<hbm>>) dst(%dma_wait3A_162 : memref<8x50xi32, #tpu.memory_space<vmem>>)
      tpu.yield
    }) : () -> ()
    %eq3A = arith.constant 0 : i32
    %eq3A_2 = arith.cmpi eq, %arg0, %eq3A : i32
    %convert_element_type3A = arith.extui %eq3A_2 : i1 to i32
    %cond3A = arith.constant 0 : i32
    %cond3A_3 = arith.cmpi ne, %convert_element_type3A, %cond3A : i32
    scf.if %cond3A_3 {
      %mul3A_134 = arith.constant 624 : i32
      %mul3A_135 = arith.muli %arg1, %mul3A_134 : i32
      %mul3A_136 = arith.constant 624 : i32
      %mul3A_137 = arith.muli %arg1, %mul3A_136 : i32
      "tpu.region"() ({
        %run_scoped3A_143 = tpu.sem_alloc : memref<!tpu.dma_semaphore, #tpu.memory_space<semaphore_mem>>
        %dma_start3A_144 = arith.constant 0 : i32
        %dma_start3A_145 = tpu.memref_slice %arg10[%mul3A_137, %dma_start3A_144] : memref<10000x128xf32, #tpu.memory_space<vmem_shared>> -> memref<624x128xf32, #tpu.memory_space<vmem_shared>>
        %dma_start3A_146 = arith.constant 0 : i32
        %dma_start3A_147 = tpu.memref_slice %arg2[%mul3A_135, %dma_start3A_146] : memref<10000x128xf32, #tpu.memory_space<hbm>> -> memref<624x128xf32, #tpu.memory_space<hbm>>
        tpu.enqueue_dma source(%dma_start3A_147 : memref<624x128xf32, #tpu.memory_space<hbm>>) target(%dma_start3A_145 : memref<624x128xf32, #tpu.memory_space<vmem_shared>>) target_semaphore(%run_scoped3A_143 : memref<!tpu.dma_semaphore, #tpu.memory_space<semaphore_mem>>)
        %dma_wait3A_148 = arith.constant 0 : i32
        %dma_wait3A_149 = tpu.memref_slice %arg10[%mul3A_137, %dma_wait3A_148] : memref<10000x128xf32, #tpu.memory_space<vmem_shared>> -> memref<624x128xf32, #tpu.memory_space<vmem_shared>>
        %dma_wait3A_150 = arith.constant 0 : i32
        %dma_wait3A_151 = tpu.memref_slice %arg2[%mul3A_135, %dma_wait3A_150] : memref<10000x128xf32, #tpu.memory_space<hbm>> -> memref<624x128xf32, #tpu.memory_space<hbm>>
        tpu.wait_dma2 semaphore(%run_scoped3A_143 : memref<!tpu.dma_semaphore, #tpu.memory_space<semaphore_mem>>) src(%dma_wait3A_151 : memref<624x128xf32, #tpu.memory_space<hbm>>) dst(%dma_wait3A_149 : memref<624x128xf32, #tpu.memory_space<vmem_shared>>)
        tpu.yield
      }) : () -> ()
      %eq3A_138 = arith.constant 15 : i32
      %eq3A_139 = arith.cmpi eq, %arg1, %eq3A_138 : i32
      %convert_element_type3A_140 = arith.extui %eq3A_139 : i1 to i32
      %cond3A_141 = arith.constant 0 : i32
      %cond3A_142 = arith.cmpi ne, %convert_element_type3A_140, %cond3A_141 : i32
      scf.if %cond3A_142 {
        "tpu.region"() ({
          %run_scoped3A_143 = tpu.sem_alloc : memref<!tpu.dma_semaphore, #tpu.memory_space<semaphore_mem>>
          %dma_start3A_144 = arith.constant 9984 : i32
          %dma_start3A_145 = arith.constant 0 : i32
          %dma_start3A_146 = tpu.memref_slice %arg10[%dma_start3A_144, %dma_start3A_145] : memref<10000x128xf32, #tpu.memory_space<vmem_shared>> -> memref<16x128xf32, #tpu.memory_space<vmem_shared>>
          %dma_start3A_147 = arith.constant 9984 : i32
          %dma_start3A_148 = arith.constant 0 : i32
          %dma_start3A_149 = tpu.memref_slice %arg2[%dma_start3A_147, %dma_start3A_148] : memref<10000x128xf32, #tpu.memory_space<hbm>> -> memref<16x128xf32, #tpu.memory_space<hbm>>
          tpu.enqueue_dma source(%dma_start3A_149 : memref<16x128xf32, #tpu.memory_space<hbm>>) target(%dma_start3A_146 : memref<16x128xf32, #tpu.memory_space<vmem_shared>>) target_semaphore(%run_scoped3A_143 : memref<!tpu.dma_semaphore, #tpu.memory_space<semaphore_mem>>)
          %dma_wait3A_150 = arith.constant 9984 : i32
          %dma_wait3A_151 = arith.constant 0 : i32
          %dma_wait3A_152 = tpu.memref_slice %arg10[%dma_wait3A_150, %dma_wait3A_151] : memref<10000x128xf32, #tpu.memory_space<vmem_shared>> -> memref<16x128xf32, #tpu.memory_space<vmem_shared>>
          %dma_wait3A_153 = arith.constant 9984 : i32
          %dma_wait3A_154 = arith.constant 0 : i32
          %dma_wait3A_155 = tpu.memref_slice %arg2[%dma_wait3A_153, %dma_wait3A_154] : memref<10000x128xf32, #tpu.memory_space<hbm>> -> memref<16x128xf32, #tpu.memory_space<hbm>>
          tpu.wait_dma2 semaphore(%run_scoped3A_143 : memref<!tpu.dma_semaphore, #tpu.memory_space<semaphore_mem>>) src(%dma_wait3A_155 : memref<16x128xf32, #tpu.memory_space<hbm>>) dst(%dma_wait3A_152 : memref<16x128xf32, #tpu.memory_space<vmem_shared>>)
          tpu.yield
        }) : () -> ()
      } else {
      }
    } else {
    }
    %eq3A_4 = arith.constant 1 : i32
    %eq3A_5 = arith.cmpi eq, %arg0, %eq3A_4 : i32
    %convert_element_type3A_6 = arith.extui %eq3A_5 : i1 to i32
    %cond3A_7 = arith.constant 0 : i32
    %cond3A_8 = arith.cmpi ne, %convert_element_type3A_6, %cond3A_7 : i32
    scf.if %cond3A_8 {
      %mul3A_134 = arith.constant 624 : i32
      %mul3A_135 = arith.muli %arg1, %mul3A_134 : i32
      "tpu.region"() ({
        %run_scoped3A_141 = tpu.sem_alloc : memref<!tpu.dma_semaphore, #tpu.memory_space<semaphore_mem>>
        %dma_start3A_142 = arith.constant 0 : i32
        %dma_start3A_143 = tpu.memref_slice %arg10[%mul3A_135, %dma_start3A_142] : memref<10000x128xf32, #tpu.memory_space<vmem_shared>> -> memref<624x128xf32, #tpu.memory_space<vmem_shared>>
        tpu.enqueue_dma source(%arg5 : memref<624x128xf32, #tpu.memory_space<hbm>>) target(%dma_start3A_143 : memref<624x128xf32, #tpu.memory_space<vmem_shared>>) target_semaphore(%run_scoped3A_141 : memref<!tpu.dma_semaphore, #tpu.memory_space<semaphore_mem>>)
        %dma_wait3A_144 = arith.constant 0 : i32
        %dma_wait3A_145 = tpu.memref_slice %arg10[%mul3A_135, %dma_wait3A_144] : memref<10000x128xf32, #tpu.memory_space<vmem_shared>> -> memref<624x128xf32, #tpu.memory_space<vmem_shared>>
        tpu.wait_dma2 semaphore(%run_scoped3A_141 : memref<!tpu.dma_semaphore, #tpu.memory_space<semaphore_mem>>) src(%arg5 : memref<624x128xf32, #tpu.memory_space<hbm>>) dst(%dma_wait3A_145 : memref<624x128xf32, #tpu.memory_space<vmem_shared>>)
        tpu.yield
      }) : () -> ()
      %eq3A_136 = arith.constant 15 : i32
      %eq3A_137 = arith.cmpi eq, %arg1, %eq3A_136 : i32
      %convert_element_type3A_138 = arith.extui %eq3A_137 : i1 to i32
      %cond3A_139 = arith.constant 0 : i32
      %cond3A_140 = arith.cmpi ne, %convert_element_type3A_138, %cond3A_139 : i32
      scf.if %cond3A_140 {
        "tpu.region"() ({
          %run_scoped3A_141 = tpu.sem_alloc : memref<!tpu.dma_semaphore, #tpu.memory_space<semaphore_mem>>
          %dma_start3A_142 = arith.constant 9984 : i32
          %dma_start3A_143 = arith.constant 0 : i32
          %dma_start3A_144 = tpu.memref_slice %arg10[%dma_start3A_142, %dma_start3A_143] : memref<10000x128xf32, #tpu.memory_space<vmem_shared>> -> memref<16x128xf32, #tpu.memory_space<vmem_shared>>
          %dma_start3A_145 = arith.constant 0 : i32
          %dma_start3A_146 = arith.constant 0 : i32
          %dma_start3A_147 = tpu.memref_slice %arg5[%dma_start3A_145, %dma_start3A_146] : memref<624x128xf32, #tpu.memory_space<hbm>> -> memref<16x128xf32, #tpu.memory_space<hbm>>
          tpu.enqueue_dma source(%dma_start3A_147 : memref<16x128xf32, #tpu.memory_space<hbm>>) target(%dma_start3A_144 : memref<16x128xf32, #tpu.memory_space<vmem_shared>>) target_semaphore(%run_scoped3A_141 : memref<!tpu.dma_semaphore, #tpu.memory_space<semaphore_mem>>)
          %dma_wait3A_148 = arith.constant 9984 : i32
          %dma_wait3A_149 = arith.constant 0 : i32
          %dma_wait3A_150 = tpu.memref_slice %arg10[%dma_wait3A_148, %dma_wait3A_149] : memref<10000x128xf32, #tpu.memory_space<vmem_shared>> -> memref<16x128xf32, #tpu.memory_space<vmem_shared>>
          %dma_wait3A_151 = arith.constant 0 : i32
          %dma_wait3A_152 = arith.constant 0 : i32
          %dma_wait3A_153 = tpu.memref_slice %arg5[%dma_wait3A_151, %dma_wait3A_152] : memref<624x128xf32, #tpu.memory_space<hbm>> -> memref<16x128xf32, #tpu.memory_space<hbm>>
          tpu.wait_dma2 semaphore(%run_scoped3A_141 : memref<!tpu.dma_semaphore, #tpu.memory_space<semaphore_mem>>) src(%dma_wait3A_153 : memref<16x128xf32, #tpu.memory_space<hbm>>) dst(%dma_wait3A_150 : memref<16x128xf32, #tpu.memory_space<vmem_shared>>)
          tpu.yield
        }) : () -> ()
      } else {
      }
    } else {
    }
    %dma_start3A = arith.constant 0 : i32
    %dma_start3A_9 = arith.constant 0 : i32
    %dma_start3A_10 = arith.constant 0 : i32
    %dma_start3A_11 = arith.constant 0 : i32
    %dma_start3A_12 = arith.constant 0 : i32
    %dma_start3A_13 = tpu.memref_slice %arg9[%dma_start3A_10, %dma_start3A_11, %dma_start3A_12] : memref<6x50x128xf32, #tpu.memory_space<vmem>> -> memref<1x50x128xf32, #tpu.memory_space<vmem>>
    %dma_start3A_14 = tpu.memref_squeeze %dma_start3A_13 : memref<1x50x128xf32, #tpu.memory_space<vmem>> -> memref<50x128xf32, #tpu.memory_space<vmem>>
    %dma_start3A_15 = arith.constant 0 : i32
    %dma_start3A_16 = tpu.memref_slice %arg7[%dma_start3A, %dma_start3A_9, %dma_start3A_15] : memref<3x8x50xi32, #tpu.memory_space<vmem>> -> memref<1x1x50xi32, #tpu.memory_space<vmem>>
    %dma_start3A_17 = tpu.memref_squeeze %dma_start3A_16 : memref<1x1x50xi32, #tpu.memory_space<vmem>> -> memref<50xi32, #tpu.memory_space<vmem>>
    %dma_start3A_18 = arith.constant 0 : i32
    %dma_start3A_19 = arith.constant 0 : i32
    %dma_start3A_20 = tpu.memref_slice %arg2[%dma_start3A_18, %dma_start3A_19] : memref<10000x128xf32, #tpu.memory_space<hbm>> -> memref<10000x128xf32, #tpu.memory_space<hbm>>
    tpu.enqueue_indirect_dma source(%dma_start3A_20 : memref<10000x128xf32, #tpu.memory_space<hbm>>) target(%dma_start3A_14 : memref<50x128xf32, #tpu.memory_space<vmem>>) offsets(%dma_start3A_17 : memref<50xi32, #tpu.memory_space<vmem>>) semaphore(%arg11 : memref<!tpu.dma_semaphore, #tpu.memory_space<semaphore_mem>>)
    %dma_start3A_21 = arith.constant 0 : i32
    %dma_start3A_22 = arith.constant 1 : i32
    %dma_start3A_23 = arith.constant 1 : i32
    %dma_start3A_24 = arith.constant 0 : i32
    %dma_start3A_25 = arith.constant 0 : i32
    %dma_start3A_26 = tpu.memref_slice %arg9[%dma_start3A_23, %dma_start3A_24, %dma_start3A_25] : memref<6x50x128xf32, #tpu.memory_space<vmem>> -> memref<1x50x128xf32, #tpu.memory_space<vmem>>
    %dma_start3A_27 = tpu.memref_squeeze %dma_start3A_26 : memref<1x50x128xf32, #tpu.memory_space<vmem>> -> memref<50x128xf32, #tpu.memory_space<vmem>>
    %dma_start3A_28 = arith.constant 0 : i32
    %dma_start3A_29 = tpu.memref_slice %arg7[%dma_start3A_21, %dma_start3A_22, %dma_start3A_28] : memref<3x8x50xi32, #tpu.memory_space<vmem>> -> memref<1x1x50xi32, #tpu.memory_space<vmem>>
    %dma_start3A_30 = tpu.memref_squeeze %dma_start3A_29 : memref<1x1x50xi32, #tpu.memory_space<vmem>> -> memref<50xi32, #tpu.memory_space<vmem>>
    %dma_start3A_31 = arith.constant 0 : i32
    %dma_start3A_32 = arith.constant 0 : i32
    %dma_start3A_33 = tpu.memref_slice %arg2[%dma_start3A_31, %dma_start3A_32] : memref<10000x128xf32, #tpu.memory_space<hbm>> -> memref<10000x128xf32, #tpu.memory_space<hbm>>
    tpu.enqueue_indirect_dma source(%dma_start3A_33 : memref<10000x128xf32, #tpu.memory_space<hbm>>) target(%dma_start3A_27 : memref<50x128xf32, #tpu.memory_space<vmem>>) offsets(%dma_start3A_30 : memref<50xi32, #tpu.memory_space<vmem>>) semaphore(%arg11 : memref<!tpu.dma_semaphore, #tpu.memory_space<semaphore_mem>>)
    %dma_start3A_34 = arith.constant 0 : i32
    %dma_start3A_35 = arith.constant 2 : i32
    %dma_start3A_36 = arith.constant 2 : i32
    %dma_start3A_37 = arith.constant 0 : i32
    %dma_start3A_38 = arith.constant 0 : i32
    %dma_start3A_39 = tpu.memref_slice %arg9[%dma_start3A_36, %dma_start3A_37, %dma_start3A_38] : memref<6x50x128xf32, #tpu.memory_space<vmem>> -> memref<1x50x128xf32, #tpu.memory_space<vmem>>
    %dma_start3A_40 = tpu.memref_squeeze %dma_start3A_39 : memref<1x50x128xf32, #tpu.memory_space<vmem>> -> memref<50x128xf32, #tpu.memory_space<vmem>>
    %dma_start3A_41 = arith.constant 0 : i32
    %dma_start3A_42 = tpu.memref_slice %arg7[%dma_start3A_34, %dma_start3A_35, %dma_start3A_41] : memref<3x8x50xi32, #tpu.memory_space<vmem>> -> memref<1x1x50xi32, #tpu.memory_space<vmem>>
    %dma_start3A_43 = tpu.memref_squeeze %dma_start3A_42 : memref<1x1x50xi32, #tpu.memory_space<vmem>> -> memref<50xi32, #tpu.memory_space<vmem>>
    %dma_start3A_44 = arith.constant 0 : i32
    %dma_start3A_45 = arith.constant 0 : i32
    %dma_start3A_46 = tpu.memref_slice %arg2[%dma_start3A_44, %dma_start3A_45] : memref<10000x128xf32, #tpu.memory_space<hbm>> -> memref<10000x128xf32, #tpu.memory_space<hbm>>
    tpu.enqueue_indirect_dma source(%dma_start3A_46 : memref<10000x128xf32, #tpu.memory_space<hbm>>) target(%dma_start3A_40 : memref<50x128xf32, #tpu.memory_space<vmem>>) offsets(%dma_start3A_43 : memref<50xi32, #tpu.memory_space<vmem>>) semaphore(%arg11 : memref<!tpu.dma_semaphore, #tpu.memory_space<semaphore_mem>>)
    %dma_start3A_47 = arith.constant 0 : i32
    %dma_start3A_48 = arith.constant 3 : i32
    %dma_start3A_49 = arith.constant 3 : i32
    %dma_start3A_50 = arith.constant 0 : i32
    %dma_start3A_51 = arith.constant 0 : i32
    %dma_start3A_52 = tpu.memref_slice %arg9[%dma_start3A_49, %dma_start3A_50, %dma_start3A_51] : memref<6x50x128xf32, #tpu.memory_space<vmem>> -> memref<1x50x128xf32, #tpu.memory_space<vmem>>
    %dma_start3A_53 = tpu.memref_squeeze %dma_start3A_52 : memref<1x50x128xf32, #tpu.memory_space<vmem>> -> memref<50x128xf32, #tpu.memory_space<vmem>>
    %dma_start3A_54 = arith.constant 0 : i32
    %dma_start3A_55 = tpu.memref_slice %arg7[%dma_start3A_47, %dma_start3A_48, %dma_start3A_54] : memref<3x8x50xi32, #tpu.memory_space<vmem>> -> memref<1x1x50xi32, #tpu.memory_space<vmem>>
    %dma_start3A_56 = tpu.memref_squeeze %dma_start3A_55 : memref<1x1x50xi32, #tpu.memory_space<vmem>> -> memref<50xi32, #tpu.memory_space<vmem>>
    %dma_start3A_57 = arith.constant 0 : i32
    %dma_start3A_58 = arith.constant 0 : i32
    %dma_start3A_59 = tpu.memref_slice %arg2[%dma_start3A_57, %dma_start3A_58] : memref<10000x128xf32, #tpu.memory_space<hbm>> -> memref<10000x128xf32, #tpu.memory_space<hbm>>
    tpu.enqueue_indirect_dma source(%dma_start3A_59 : memref<10000x128xf32, #tpu.memory_space<hbm>>) target(%dma_start3A_53 : memref<50x128xf32, #tpu.memory_space<vmem>>) offsets(%dma_start3A_56 : memref<50xi32, #tpu.memory_space<vmem>>) semaphore(%arg11 : memref<!tpu.dma_semaphore, #tpu.memory_space<semaphore_mem>>)
    %dma_start3A_60 = arith.constant 0 : i32
    %dma_start3A_61 = arith.constant 4 : i32
    %dma_start3A_62 = arith.constant 4 : i32
    %dma_start3A_63 = arith.constant 0 : i32
    %dma_start3A_64 = arith.constant 0 : i32
    %dma_start3A_65 = tpu.memref_slice %arg9[%dma_start3A_62, %dma_start3A_63, %dma_start3A_64] : memref<6x50x128xf32, #tpu.memory_space<vmem>> -> memref<1x50x128xf32, #tpu.memory_space<vmem>>
    %dma_start3A_66 = tpu.memref_squeeze %dma_start3A_65 : memref<1x50x128xf32, #tpu.memory_space<vmem>> -> memref<50x128xf32, #tpu.memory_space<vmem>>
    %dma_start3A_67 = arith.constant 0 : i32
    %dma_start3A_68 = tpu.memref_slice %arg7[%dma_start3A_60, %dma_start3A_61, %dma_start3A_67] : memref<3x8x50xi32, #tpu.memory_space<vmem>> -> memref<1x1x50xi32, #tpu.memory_space<vmem>>
    %dma_start3A_69 = tpu.memref_squeeze %dma_start3A_68 : memref<1x1x50xi32, #tpu.memory_space<vmem>> -> memref<50xi32, #tpu.memory_space<vmem>>
    %dma_start3A_70 = arith.constant 0 : i32
    %dma_start3A_71 = arith.constant 0 : i32
    %dma_start3A_72 = tpu.memref_slice %arg2[%dma_start3A_70, %dma_start3A_71] : memref<10000x128xf32, #tpu.memory_space<hbm>> -> memref<10000x128xf32, #tpu.memory_space<hbm>>
    tpu.enqueue_indirect_dma source(%dma_start3A_72 : memref<10000x128xf32, #tpu.memory_space<hbm>>) target(%dma_start3A_66 : memref<50x128xf32, #tpu.memory_space<vmem>>) offsets(%dma_start3A_69 : memref<50xi32, #tpu.memory_space<vmem>>) semaphore(%arg11 : memref<!tpu.dma_semaphore, #tpu.memory_space<semaphore_mem>>)
    %dma_start3A_73 = arith.constant 1 : i32
    %dma_start3A_74 = arith.constant 0 : i32
    %dma_start3A_75 = arith.constant 0 : i32
    %dma_start3A_76 = tpu.memref_slice %arg7[%dma_start3A_73, %dma_start3A_74, %dma_start3A_75] : memref<3x8x50xi32, #tpu.memory_space<vmem>> -> memref<1x8x50xi32, #tpu.memory_space<vmem>>
    %dma_start3A_77 = tpu.memref_squeeze %dma_start3A_76 : memref<1x8x50xi32, #tpu.memory_space<vmem>> -> memref<8x50xi32, #tpu.memory_space<vmem>>
    %dma_start3A_78 = arith.constant 8 : i32
    %dma_start3A_79 = arith.constant 0 : i32
    %dma_start3A_80 = tpu.memref_slice %arg3[%add3A, %dma_start3A_78, %dma_start3A_79] : memref<32x200x50xi32, #tpu.memory_space<hbm>> -> memref<1x8x50xi32, #tpu.memory_space<hbm>>
    %dma_start3A_81 = tpu.memref_squeeze %dma_start3A_80 : memref<1x8x50xi32, #tpu.memory_space<hbm>> -> memref<8x50xi32, #tpu.memory_space<hbm>>
    %dma_start3A_82 = arith.constant 0 : i32
    %dma_start3A_83 = arith.constant 0 : i32
    %dma_start3A_84 = tpu.memref_slice %arg7[%dma_start3A_73, %dma_start3A_82, %dma_start3A_83] : memref<3x8x50xi32, #tpu.memory_space<vmem>> -> memref<1x8x50xi32, #tpu.memory_space<vmem>>
    %dma_start3A_85 = tpu.memref_squeeze %dma_start3A_84 : memref<1x8x50xi32, #tpu.memory_space<vmem>> -> memref<8x50xi32, #tpu.memory_space<vmem>>
    %dma_start3A_86 = arith.constant 8 : i32
    %dma_start3A_87 = arith.constant 0 : i32
    %dma_start3A_88 = tpu.memref_slice %arg3[%add3A, %dma_start3A_86, %dma_start3A_87] : memref<32x200x50xi32, #tpu.memory_space<hbm>> -> memref<1x8x50xi32, #tpu.memory_space<hbm>>
    %dma_start3A_89 = tpu.memref_squeeze %dma_start3A_88 : memref<1x8x50xi32, #tpu.memory_space<hbm>> -> memref<8x50xi32, #tpu.memory_space<hbm>>
    tpu.enqueue_dma source(%dma_start3A_89 : memref<8x50xi32, #tpu.memory_space<hbm>>) target(%dma_start3A_85 : memref<8x50xi32, #tpu.memory_space<vmem>>) target_semaphore(%arg13 : memref<!tpu.dma_semaphore, #tpu.memory_space<semaphore_mem>>)
    %dma_start3A_90 = arith.constant 1 : i32
    %dma_start3A_91 = arith.constant 0 : i32
    %dma_start3A_92 = arith.constant 0 : i32
    %dma_start3A_93 = tpu.memref_slice %arg8[%dma_start3A_90, %dma_start3A_91, %dma_start3A_92] : memref<3x8x50xi32, #tpu.memory_space<vmem>> -> memref<1x8x50xi32, #tpu.memory_space<vmem>>
    %dma_start3A_94 = tpu.memref_squeeze %dma_start3A_93 : memref<1x8x50xi32, #tpu.memory_space<vmem>> -> memref<8x50xi32, #tpu.memory_space<vmem>>
    %dma_start3A_95 = arith.constant 8 : i32
    %dma_start3A_96 = arith.constant 0 : i32
    %dma_start3A_97 = tpu.memref_slice %arg4[%add3A, %dma_start3A_95, %dma_start3A_96] : memref<32x200x50xi32, #tpu.memory_space<hbm>> -> memref<1x8x50xi32, #tpu.memory_space<hbm>>
    %dma_start3A_98 = tpu.memref_squeeze %dma_start3A_97 : memref<1x8x50xi32, #tpu.memory_space<hbm>> -> memref<8x50xi32, #tpu.memory_space<hbm>>
    %dma_start3A_99 = arith.constant 0 : i32
    %dma_start3A_100 = arith.constant 0 : i32
    %dma_start3A_101 = tpu.memref_slice %arg8[%dma_start3A_90, %dma_start3A_99, %dma_start3A_100] : memref<3x8x50xi32, #tpu.memory_space<vmem>> -> memref<1x8x50xi32, #tpu.memory_space<vmem>>
    %dma_start3A_102 = tpu.memref_squeeze %dma_start3A_101 : memref<1x8x50xi32, #tpu.memory_space<vmem>> -> memref<8x50xi32, #tpu.memory_space<vmem>>
    %dma_start3A_103 = arith.constant 8 : i32
    %dma_start3A_104 = arith.constant 0 : i32
    %dma_start3A_105 = tpu.memref_slice %arg4[%add3A, %dma_start3A_103, %dma_start3A_104] : memref<32x200x50xi32, #tpu.memory_space<hbm>> -> memref<1x8x50xi32, #tpu.memory_space<hbm>>
    %dma_start3A_106 = tpu.memref_squeeze %dma_start3A_105 : memref<1x8x50xi32, #tpu.memory_space<hbm>> -> memref<8x50xi32, #tpu.memory_space<hbm>>
    tpu.enqueue_dma source(%dma_start3A_106 : memref<8x50xi32, #tpu.memory_space<hbm>>) target(%dma_start3A_102 : memref<8x50xi32, #tpu.memory_space<vmem>>) target_semaphore(%arg13 : memref<!tpu.dma_semaphore, #tpu.memory_space<semaphore_mem>>)
    %barrier3A = arith.constant 0 : index
    tpu.barrier barrier_id(%barrier3A)
    %scan3A = arith.constant 0 : i32
    %scan3A_107 = arith.constant 0 : i32
    %scan3A_108 = arith.constant 200 : i32
    %scan3A_109 = arith.addi %scan3A_107, %scan3A_108 : i32
    %scan3A_110 = arith.constant 1 : i32
    scf.for %scan3A_134 = %scan3A_107 to %scan3A_109 step %scan3A_110  : i32 {
      %div3A = arith.constant 8 : i32
      %div3A_135 = arith.divsi %scan3A_134, %div3A : i32
      %rem3A = arith.constant 8 : i32
      %rem3A_136 = arith.remsi %scan3A_134, %rem3A : i32
      %rem3A_137 = arith.constant 3 : i32
      %rem3A_138 = arith.remsi %div3A_135, %rem3A_137 : i32
      %rem3A_139 = arith.constant 6 : i32
      %rem3A_140 = arith.remsi %scan3A_134, %rem3A_139 : i32
      %dma_wait3A_141 = arith.constant 0 : i32
      %dma_wait3A_142 = arith.constant 0 : i32
      %dma_wait3A_143 = tpu.memref_slice %arg9[%rem3A_140, %dma_wait3A_141, %dma_wait3A_142] : memref<6x50x128xf32, #tpu.memory_space<vmem>> -> memref<1x50x128xf32, #tpu.memory_space<vmem>>
      %dma_wait3A_144 = tpu.memref_squeeze %dma_wait3A_143 : memref<1x50x128xf32, #tpu.memory_space<vmem>> -> memref<50x128xf32, #tpu.memory_space<vmem>>
      %dma_wait3A_145 = arith.constant 0 : i32
      %dma_wait3A_146 = tpu.memref_slice %arg7[%rem3A_138, %rem3A_136, %dma_wait3A_145] : memref<3x8x50xi32, #tpu.memory_space<vmem>> -> memref<1x1x50xi32, #tpu.memory_space<vmem>>
      %dma_wait3A_147 = tpu.memref_squeeze %dma_wait3A_146 : memref<1x1x50xi32, #tpu.memory_space<vmem>> -> memref<50xi32, #tpu.memory_space<vmem>>
      %dma_wait3A_148 = arith.constant 0 : i32
      %dma_wait3A_149 = arith.constant 0 : i32
      %dma_wait3A_150 = tpu.memref_slice %arg2[%dma_wait3A_148, %dma_wait3A_149] : memref<10000x128xf32, #tpu.memory_space<hbm>> -> memref<10000x128xf32, #tpu.memory_space<hbm>>
      tpu.wait_indirect_dma semaphore(%arg11 : memref<!tpu.dma_semaphore, #tpu.memory_space<semaphore_mem>>) src(%dma_wait3A_150 : memref<10000x128xf32, #tpu.memory_space<hbm>>) dst(%dma_wait3A_144 : memref<50x128xf32, #tpu.memory_space<vmem>>)
      %ge3A = arith.constant 1 : i32
      %ge3A_151 = arith.cmpi sge, %scan3A_134, %ge3A : i32
      %convert_element_type3A_152 = arith.extui %ge3A_151 : i1 to i32
      %cond3A_153 = arith.constant 0 : i32
      %cond3A_154 = arith.cmpi ne, %convert_element_type3A_152, %cond3A_153 : i32
      scf.if %cond3A_154 {
        %dma_wait3A_181 = arith.constant 0 : i32
        %dma_wait3A_182 = arith.constant 0 : i32
        %dma_wait3A_183 = tpu.memref_slice %arg9[%rem3A_140, %dma_wait3A_181, %dma_wait3A_182] : memref<6x50x128xf32, #tpu.memory_space<vmem>> -> memref<1x50x128xf32, #tpu.memory_space<vmem>>
        %dma_wait3A_184 = tpu.memref_squeeze %dma_wait3A_183 : memref<1x50x128xf32, #tpu.memory_space<vmem>> -> memref<50x128xf32, #tpu.memory_space<vmem>>
        %dma_wait3A_185 = arith.constant 0 : i32
        %dma_wait3A_186 = tpu.memref_slice %arg8[%rem3A_138, %rem3A_136, %dma_wait3A_185] : memref<3x8x50xi32, #tpu.memory_space<vmem>> -> memref<1x1x50xi32, #tpu.memory_space<vmem>>
        %dma_wait3A_187 = tpu.memref_squeeze %dma_wait3A_186 : memref<1x1x50xi32, #tpu.memory_space<vmem>> -> memref<50xi32, #tpu.memory_space<vmem>>
        %dma_wait3A_188 = arith.constant 0 : i32
        %dma_wait3A_189 = arith.constant 0 : i32
        %dma_wait3A_190 = tpu.memref_slice %arg10[%dma_wait3A_188, %dma_wait3A_189] : memref<10000x128xf32, #tpu.memory_space<vmem_shared>> -> memref<10000x128xf32, #tpu.memory_space<vmem_shared>>
        tpu.wait_indirect_dma semaphore(%arg12 : memref<!tpu.dma_semaphore, #tpu.memory_space<semaphore_mem>>) src(%dma_wait3A_184 : memref<50x128xf32, #tpu.memory_space<vmem>>) dst(%dma_wait3A_190 : memref<10000x128xf32, #tpu.memory_space<vmem_shared>>)
      } else {
      }
      %dma_start3A_155 = arith.constant 0 : i32
      %dma_start3A_156 = arith.constant 0 : i32
      %dma_start3A_157 = tpu.memref_slice %arg9[%rem3A_140, %dma_start3A_155, %dma_start3A_156] : memref<6x50x128xf32, #tpu.memory_space<vmem>> -> memref<1x50x128xf32, #tpu.memory_space<vmem>>
      %dma_start3A_158 = tpu.memref_squeeze %dma_start3A_157 : memref<1x50x128xf32, #tpu.memory_space<vmem>> -> memref<50x128xf32, #tpu.memory_space<vmem>>
      %dma_start3A_159 = arith.constant 0 : i32
      %dma_start3A_160 = tpu.memref_slice %arg8[%rem3A_138, %rem3A_136, %dma_start3A_159] : memref<3x8x50xi32, #tpu.memory_space<vmem>> -> memref<1x1x50xi32, #tpu.memory_space<vmem>>
      %dma_start3A_161 = tpu.memref_squeeze %dma_start3A_160 : memref<1x1x50xi32, #tpu.memory_space<vmem>> -> memref<50xi32, #tpu.memory_space<vmem>>
      %dma_start3A_162 = arith.constant 0 : i32
      %dma_start3A_163 = arith.constant 0 : i32
      %dma_start3A_164 = tpu.memref_slice %arg10[%dma_start3A_162, %dma_start3A_163] : memref<10000x128xf32, #tpu.memory_space<vmem_shared>> -> memref<10000x128xf32, #tpu.memory_space<vmem_shared>>
      tpu.enqueue_indirect_dma source(%dma_start3A_158 : memref<50x128xf32, #tpu.memory_space<vmem>>) target(%dma_start3A_164 : memref<10000x128xf32, #tpu.memory_space<vmem_shared>>) offsets(%dma_start3A_161 : memref<50xi32, #tpu.memory_space<vmem>>) semaphore(%arg12 : memref<!tpu.dma_semaphore, #tpu.memory_space<semaphore_mem>>) {add = true}
      %eq3A_165 = arith.constant 1 : i32
      %eq3A_166 = arith.cmpi eq, %rem3A_136, %eq3A_165 : i32
      %add3A_167 = arith.constant 2 : i32
      %add3A_168 = arith.addi %div3A_135, %add3A_167 : i32
      %lt3A = arith.constant 25 : i32
      %lt3A_169 = arith.cmpi slt, %add3A_168, %lt3A : i32
      %and3A = arith.andi %eq3A_166, %lt3A_169 : i1
      %convert_element_type3A_170 = arith.extui %and3A : i1 to i32
      %cond3A_171 = arith.constant 0 : i32
      %cond3A_172 = arith.cmpi ne, %convert_element_type3A_170, %cond3A_171 : i32
      scf.if %cond3A_172 {
        %add3A_181 = arith.constant 2 : i32
        %add3A_182 = arith.addi %div3A_135, %add3A_181 : i32
        %rem3A_183 = arith.constant 3 : i32
        %rem3A_184 = arith.remsi %add3A_182, %rem3A_183 : i32
        %mul3A_185 = arith.constant 8 : i32
        %mul3A_186 = arith.muli %add3A_182, %mul3A_185 : i32
        %dma_start3A_187 = arith.constant 0 : i32
        %dma_start3A_188 = arith.constant 0 : i32
        %dma_start3A_189 = tpu.memref_slice %arg7[%rem3A_184, %dma_start3A_187, %dma_start3A_188] : memref<3x8x50xi32, #tpu.memory_space<vmem>> -> memref<1x8x50xi32, #tpu.memory_space<vmem>>
        %dma_start3A_190 = tpu.memref_squeeze %dma_start3A_189 : memref<1x8x50xi32, #tpu.memory_space<vmem>> -> memref<8x50xi32, #tpu.memory_space<vmem>>
        %dma_start3A_191 = arith.constant 0 : i32
        %dma_start3A_192 = tpu.memref_slice %arg3[%add3A, %mul3A_186, %dma_start3A_191] : memref<32x200x50xi32, #tpu.memory_space<hbm>> -> memref<1x8x50xi32, #tpu.memory_space<hbm>>
        %dma_start3A_193 = tpu.memref_squeeze %dma_start3A_192 : memref<1x8x50xi32, #tpu.memory_space<hbm>> -> memref<8x50xi32, #tpu.memory_space<hbm>>
        %dma_start3A_194 = arith.constant 0 : i32
        %dma_start3A_195 = arith.constant 0 : i32
        %dma_start3A_196 = tpu.memref_slice %arg7[%rem3A_184, %dma_start3A_194, %dma_start3A_195] : memref<3x8x50xi32, #tpu.memory_space<vmem>> -> memref<1x8x50xi32, #tpu.memory_space<vmem>>
        %dma_start3A_197 = tpu.memref_squeeze %dma_start3A_196 : memref<1x8x50xi32, #tpu.memory_space<vmem>> -> memref<8x50xi32, #tpu.memory_space<vmem>>
        %dma_start3A_198 = arith.constant 0 : i32
        %dma_start3A_199 = tpu.memref_slice %arg3[%add3A, %mul3A_186, %dma_start3A_198] : memref<32x200x50xi32, #tpu.memory_space<hbm>> -> memref<1x8x50xi32, #tpu.memory_space<hbm>>
        %dma_start3A_200 = tpu.memref_squeeze %dma_start3A_199 : memref<1x8x50xi32, #tpu.memory_space<hbm>> -> memref<8x50xi32, #tpu.memory_space<hbm>>
        tpu.enqueue_dma source(%dma_start3A_200 : memref<8x50xi32, #tpu.memory_space<hbm>>) target(%dma_start3A_197 : memref<8x50xi32, #tpu.memory_space<vmem>>) target_semaphore(%arg13 : memref<!tpu.dma_semaphore, #tpu.memory_space<semaphore_mem>>)
        %mul3A_201 = arith.constant 8 : i32
        %mul3A_202 = arith.muli %add3A_182, %mul3A_201 : i32
        %dma_start3A_203 = arith.constant 0 : i32
        %dma_start3A_204 = arith.constant 0 : i32
        %dma_start3A_205 = tpu.memref_slice %arg8[%rem3A_184, %dma_start3A_203, %dma_start3A_204] : memref<3x8x50xi32, #tpu.memory_space<vmem>> -> memref<1x8x50xi32, #tpu.memory_space<vmem>>
        %dma_start3A_206 = tpu.memref_squeeze %dma_start3A_205 : memref<1x8x50xi32, #tpu.memory_space<vmem>> -> memref<8x50xi32, #tpu.memory_space<vmem>>
        %dma_start3A_207 = arith.constant 0 : i32
        %dma_start3A_208 = tpu.memref_slice %arg4[%add3A, %mul3A_202, %dma_start3A_207] : memref<32x200x50xi32, #tpu.memory_space<hbm>> -> memref<1x8x50xi32, #tpu.memory_space<hbm>>
        %dma_start3A_209 = tpu.memref_squeeze %dma_start3A_208 : memref<1x8x50xi32, #tpu.memory_space<hbm>> -> memref<8x50xi32, #tpu.memory_space<hbm>>
        %dma_start3A_210 = arith.constant 0 : i32
        %dma_start3A_211 = arith.constant 0 : i32
        %dma_start3A_212 = tpu.memref_slice %arg8[%rem3A_184, %dma_start3A_210, %dma_start3A_211] : memref<3x8x50xi32, #tpu.memory_space<vmem>> -> memref<1x8x50xi32, #tpu.memory_space<vmem>>
        %dma_start3A_213 = tpu.memref_squeeze %dma_start3A_212 : memref<1x8x50xi32, #tpu.memory_space<vmem>> -> memref<8x50xi32, #tpu.memory_space<vmem>>
        %dma_start3A_214 = arith.constant 0 : i32
        %dma_start3A_215 = tpu.memref_slice %arg4[%add3A, %mul3A_202, %dma_start3A_214] : memref<32x200x50xi32, #tpu.memory_space<hbm>> -> memref<1x8x50xi32, #tpu.memory_space<hbm>>
        %dma_start3A_216 = tpu.memref_squeeze %dma_start3A_215 : memref<1x8x50xi32, #tpu.memory_space<hbm>> -> memref<8x50xi32, #tpu.memory_space<hbm>>
        tpu.enqueue_dma source(%dma_start3A_216 : memref<8x50xi32, #tpu.memory_space<hbm>>) target(%dma_start3A_213 : memref<8x50xi32, #tpu.memory_space<vmem>>) target_semaphore(%arg13 : memref<!tpu.dma_semaphore, #tpu.memory_space<semaphore_mem>>)
      } else {
      }
      %add3A_173 = arith.constant 6 : i32
      %add3A_174 = arith.addi %scan3A_134, %add3A_173 : i32
      %sub3A = arith.constant 1 : i32
      %sub3A_175 = arith.subi %add3A_174, %sub3A : i32
      %lt3A_176 = arith.constant 200 : i32
      %lt3A_177 = arith.cmpi slt, %sub3A_175, %lt3A_176 : i32
      %convert_element_type3A_178 = arith.extui %lt3A_177 : i1 to i32
      %cond3A_179 = arith.constant 0 : i32
      %cond3A_180 = arith.cmpi ne, %convert_element_type3A_178, %cond3A_179 : i32
      scf.if %cond3A_180 {
        %div3A_181 = arith.constant 8 : i32
        %div3A_182 = arith.divsi %sub3A_175, %div3A_181 : i32
        %rem3A_183 = arith.constant 8 : i32
        %rem3A_184 = arith.remsi %sub3A_175, %rem3A_183 : i32
        %rem3A_185 = arith.constant 3 : i32
        %rem3A_186 = arith.remsi %div3A_182, %rem3A_185 : i32
        %eq3A_187 = arith.constant 0 : i32
        %eq3A_188 = arith.cmpi eq, %rem3A_184, %eq3A_187 : i32
        %ge3A_189 = arith.constant 1 : i32
        %ge3A_190 = arith.cmpi sge, %div3A_182, %ge3A_189 : i32
        %and3A_191 = arith.andi %eq3A_188, %ge3A_190 : i1
        %convert_element_type3A_192 = arith.extui %and3A_191 : i1 to i32
        %cond3A_193 = arith.constant 0 : i32
        %cond3A_194 = arith.cmpi ne, %convert_element_type3A_192, %cond3A_193 : i32
        scf.if %cond3A_194 {
          %dma_wait3A_207 = arith.constant 0 : i32
          %dma_wait3A_208 = arith.constant 0 : i32
          %dma_wait3A_209 = arith.constant 0 : i32
          %dma_wait3A_210 = tpu.memref_slice %arg7[%dma_wait3A_207, %dma_wait3A_208, %dma_wait3A_209] : memref<3x8x50xi32, #tpu.memory_space<vmem>> -> memref<1x8x50xi32, #tpu.memory_space<vmem>>
          %dma_wait3A_211 = tpu.memref_squeeze %dma_wait3A_210 : memref<1x8x50xi32, #tpu.memory_space<vmem>> -> memref<8x50xi32, #tpu.memory_space<vmem>>
          %dma_wait3A_212 = arith.constant 0 : i32
          %dma_wait3A_213 = arith.constant 0 : i32
          %dma_wait3A_214 = tpu.memref_slice %arg3[%add3A, %dma_wait3A_212, %dma_wait3A_213] : memref<32x200x50xi32, #tpu.memory_space<hbm>> -> memref<1x8x50xi32, #tpu.memory_space<hbm>>
          %dma_wait3A_215 = tpu.memref_squeeze %dma_wait3A_214 : memref<1x8x50xi32, #tpu.memory_space<hbm>> -> memref<8x50xi32, #tpu.memory_space<hbm>>
          %dma_wait3A_216 = arith.constant 0 : i32
          %dma_wait3A_217 = arith.constant 0 : i32
          %dma_wait3A_218 = tpu.memref_slice %arg7[%dma_wait3A_207, %dma_wait3A_216, %dma_wait3A_217] : memref<3x8x50xi32, #tpu.memory_space<vmem>> -> memref<1x8x50xi32, #tpu.memory_space<vmem>>
          %dma_wait3A_219 = tpu.memref_squeeze %dma_wait3A_218 : memref<1x8x50xi32, #tpu.memory_space<vmem>> -> memref<8x50xi32, #tpu.memory_space<vmem>>
          %dma_wait3A_220 = arith.constant 0 : i32
          %dma_wait3A_221 = arith.constant 0 : i32
          %dma_wait3A_222 = tpu.memref_slice %arg3[%add3A, %dma_wait3A_220, %dma_wait3A_221] : memref<32x200x50xi32, #tpu.memory_space<hbm>> -> memref<1x8x50xi32, #tpu.memory_space<hbm>>
          %dma_wait3A_223 = tpu.memref_squeeze %dma_wait3A_222 : memref<1x8x50xi32, #tpu.memory_space<hbm>> -> memref<8x50xi32, #tpu.memory_space<hbm>>
          tpu.wait_dma2 semaphore(%arg13 : memref<!tpu.dma_semaphore, #tpu.memory_space<semaphore_mem>>) src(%dma_wait3A_223 : memref<8x50xi32, #tpu.memory_space<hbm>>) dst(%dma_wait3A_219 : memref<8x50xi32, #tpu.memory_space<vmem>>)
          %dma_wait3A_224 = arith.constant 0 : i32
          %dma_wait3A_225 = arith.constant 0 : i32
          %dma_wait3A_226 = arith.constant 0 : i32
          %dma_wait3A_227 = tpu.memref_slice %arg8[%dma_wait3A_224, %dma_wait3A_225, %dma_wait3A_226] : memref<3x8x50xi32, #tpu.memory_space<vmem>> -> memref<1x8x50xi32, #tpu.memory_space<vmem>>
          %dma_wait3A_228 = tpu.memref_squeeze %dma_wait3A_227 : memref<1x8x50xi32, #tpu.memory_space<vmem>> -> memref<8x50xi32, #tpu.memory_space<vmem>>
          %dma_wait3A_229 = arith.constant 0 : i32
          %dma_wait3A_230 = arith.constant 0 : i32
          %dma_wait3A_231 = tpu.memref_slice %arg4[%add3A, %dma_wait3A_229, %dma_wait3A_230] : memref<32x200x50xi32, #tpu.memory_space<hbm>> -> memref<1x8x50xi32, #tpu.memory_space<hbm>>
          %dma_wait3A_232 = tpu.memref_squeeze %dma_wait3A_231 : memref<1x8x50xi32, #tpu.memory_space<hbm>> -> memref<8x50xi32, #tpu.memory_space<hbm>>
          %dma_wait3A_233 = arith.constant 0 : i32
          %dma_wait3A_234 = arith.constant 0 : i32
          %dma_wait3A_235 = tpu.memref_slice %arg8[%dma_wait3A_224, %dma_wait3A_233, %dma_wait3A_234] : memref<3x8x50xi32, #tpu.memory_space<vmem>> -> memref<1x8x50xi32, #tpu.memory_space<vmem>>
          %dma_wait3A_236 = tpu.memref_squeeze %dma_wait3A_235 : memref<1x8x50xi32, #tpu.memory_space<vmem>> -> memref<8x50xi32, #tpu.memory_space<vmem>>
          %dma_wait3A_237 = arith.constant 0 : i32
          %dma_wait3A_238 = arith.constant 0 : i32
          %dma_wait3A_239 = tpu.memref_slice %arg4[%add3A, %dma_wait3A_237, %dma_wait3A_238] : memref<32x200x50xi32, #tpu.memory_space<hbm>> -> memref<1x8x50xi32, #tpu.memory_space<hbm>>
          %dma_wait3A_240 = tpu.memref_squeeze %dma_wait3A_239 : memref<1x8x50xi32, #tpu.memory_space<hbm>> -> memref<8x50xi32, #tpu.memory_space<hbm>>
          tpu.wait_dma2 semaphore(%arg13 : memref<!tpu.dma_semaphore, #tpu.memory_space<semaphore_mem>>) src(%dma_wait3A_240 : memref<8x50xi32, #tpu.memory_space<hbm>>) dst(%dma_wait3A_236 : memref<8x50xi32, #tpu.memory_space<vmem>>)
        } else {
        }
        %rem3A_195 = arith.constant 6 : i32
        %rem3A_196 = arith.remsi %sub3A_175, %rem3A_195 : i32
        %dma_start3A_197 = arith.constant 0 : i32
        %dma_start3A_198 = arith.constant 0 : i32
        %dma_start3A_199 = tpu.memref_slice %arg9[%rem3A_196, %dma_start3A_197, %dma_start3A_198] : memref<6x50x128xf32, #tpu.memory_space<vmem>> -> memref<1x50x128xf32, #tpu.memory_space<vmem>>
        %dma_start3A_200 = tpu.memref_squeeze %dma_start3A_199 : memref<1x50x128xf32, #tpu.memory_space<vmem>> -> memref<50x128xf32, #tpu.memory_space<vmem>>
        %dma_start3A_201 = arith.constant 0 : i32
        %dma_start3A_202 = tpu.memref_slice %arg7[%rem3A_186, %rem3A_184, %dma_start3A_201] : memref<3x8x50xi32, #tpu.memory_space<vmem>> -> memref<1x1x50xi32, #tpu.memory_space<vmem>>
        %dma_start3A_203 = tpu.memref_squeeze %dma_start3A_202 : memref<1x1x50xi32, #tpu.memory_space<vmem>> -> memref<50xi32, #tpu.memory_space<vmem>>
        %dma_start3A_204 = arith.constant 0 : i32
        %dma_start3A_205 = arith.constant 0 : i32
        %dma_start3A_206 = tpu.memref_slice %arg2[%dma_start3A_204, %dma_start3A_205] : memref<10000x128xf32, #tpu.memory_space<hbm>> -> memref<10000x128xf32, #tpu.memory_space<hbm>>
        tpu.enqueue_indirect_dma source(%dma_start3A_206 : memref<10000x128xf32, #tpu.memory_space<hbm>>) target(%dma_start3A_200 : memref<50x128xf32, #tpu.memory_space<vmem>>) offsets(%dma_start3A_203 : memref<50xi32, #tpu.memory_space<vmem>>) semaphore(%arg11 : memref<!tpu.dma_semaphore, #tpu.memory_space<semaphore_mem>>)
      } else {
      }
    }
    %scan3A_111 = arith.constant 200 : i32
    %dma_wait3A = arith.constant 0 : i32
    %dma_wait3A_112 = arith.constant 0 : i32
    %dma_wait3A_113 = arith.constant 0 : i32
    %dma_wait3A_114 = arith.constant 0 : i32
    %dma_wait3A_115 = arith.constant 0 : i32
    %dma_wait3A_116 = tpu.memref_slice %arg9[%dma_wait3A, %dma_wait3A_114, %dma_wait3A_115] : memref<6x50x128xf32, #tpu.memory_space<vmem>> -> memref<1x50x128xf32, #tpu.memory_space<vmem>>
    %dma_wait3A_117 = tpu.memref_squeeze %dma_wait3A_116 : memref<1x50x128xf32, #tpu.memory_space<vmem>> -> memref<50x128xf32, #tpu.memory_space<vmem>>
    %dma_wait3A_118 = arith.constant 0 : i32
    %dma_wait3A_119 = tpu.memref_slice %arg8[%dma_wait3A_112, %dma_wait3A_113, %dma_wait3A_118] : memref<3x8x50xi32, #tpu.memory_space<vmem>> -> memref<1x1x50xi32, #tpu.memory_space<vmem>>
    %dma_wait3A_120 = tpu.memref_squeeze %dma_wait3A_119 : memref<1x1x50xi32, #tpu.memory_space<vmem>> -> memref<50xi32, #tpu.memory_space<vmem>>
    %dma_wait3A_121 = arith.constant 0 : i32
    %dma_wait3A_122 = arith.constant 0 : i32
    %dma_wait3A_123 = tpu.memref_slice %arg10[%dma_wait3A_121, %dma_wait3A_122] : memref<10000x128xf32, #tpu.memory_space<vmem_shared>> -> memref<10000x128xf32, #tpu.memory_space<vmem_shared>>
    tpu.wait_indirect_dma semaphore(%arg12 : memref<!tpu.dma_semaphore, #tpu.memory_space<semaphore_mem>>) src(%dma_wait3A_117 : memref<50x128xf32, #tpu.memory_space<vmem>>) dst(%dma_wait3A_123 : memref<10000x128xf32, #tpu.memory_space<vmem_shared>>)
    %barrier3A_124 = arith.constant 0 : index
    tpu.barrier barrier_id(%barrier3A_124)
    %mul3A_125 = arith.constant 624 : i32
    %mul3A_126 = arith.muli %arg1, %mul3A_125 : i32
    %mul3A_127 = arith.constant 624 : i32
    %mul3A_128 = arith.muli %arg1, %mul3A_127 : i32
    "tpu.region"() ({
      %run_scoped3A_134 = tpu.sem_alloc : memref<!tpu.dma_semaphore, #tpu.memory_space<semaphore_mem>>
      %dma_start3A_135 = arith.constant 0 : i32
      %dma_start3A_136 = tpu.memref_slice %arg6[%arg0, %mul3A_128, %dma_start3A_135] : memref<2x10000x128xf32, #tpu.memory_space<hbm>> -> memref<1x624x128xf32, #tpu.memory_space<hbm>>
      %dma_start3A_137 = tpu.memref_squeeze %dma_start3A_136 : memref<1x624x128xf32, #tpu.memory_space<hbm>> -> memref<624x128xf32, #tpu.memory_space<hbm>>
      %dma_start3A_138 = arith.constant 0 : i32
      %dma_start3A_139 = tpu.memref_slice %arg10[%mul3A_126, %dma_start3A_138] : memref<10000x128xf32, #tpu.memory_space<vmem_shared>> -> memref<624x128xf32, #tpu.memory_space<vmem_shared>>
      tpu.enqueue_dma source(%dma_start3A_139 : memref<624x128xf32, #tpu.memory_space<vmem_shared>>) target(%dma_start3A_137 : memref<624x128xf32, #tpu.memory_space<hbm>>) target_semaphore(%run_scoped3A_134 : memref<!tpu.dma_semaphore, #tpu.memory_space<semaphore_mem>>)
      %dma_wait3A_140 = arith.constant 0 : i32
      %dma_wait3A_141 = tpu.memref_slice %arg6[%arg0, %mul3A_128, %dma_wait3A_140] : memref<2x10000x128xf32, #tpu.memory_space<hbm>> -> memref<1x624x128xf32, #tpu.memory_space<hbm>>
      %dma_wait3A_142 = tpu.memref_squeeze %dma_wait3A_141 : memref<1x624x128xf32, #tpu.memory_space<hbm>> -> memref<624x128xf32, #tpu.memory_space<hbm>>
      %dma_wait3A_143 = arith.constant 0 : i32
      %dma_wait3A_144 = tpu.memref_slice %arg10[%mul3A_126, %dma_wait3A_143] : memref<10000x128xf32, #tpu.memory_space<vmem_shared>> -> memref<624x128xf32, #tpu.memory_space<vmem_shared>>
      tpu.wait_dma2 semaphore(%run_scoped3A_134 : memref<!tpu.dma_semaphore, #tpu.memory_space<semaphore_mem>>) src(%dma_wait3A_144 : memref<624x128xf32, #tpu.memory_space<vmem_shared>>) dst(%dma_wait3A_142 : memref<624x128xf32, #tpu.memory_space<hbm>>)
      tpu.yield
    }) : () -> ()
    %eq3A_129 = arith.constant 15 : i32
    %eq3A_130 = arith.cmpi eq, %arg1, %eq3A_129 : i32
    %convert_element_type3A_131 = arith.extui %eq3A_130 : i1 to i32
    %cond3A_132 = arith.constant 0 : i32
    %cond3A_133 = arith.cmpi ne, %convert_element_type3A_131, %cond3A_132 : i32
    scf.if %cond3A_133 {
      "tpu.region"() ({
        %run_scoped3A_134 = tpu.sem_alloc : memref<!tpu.dma_semaphore, #tpu.memory_space<semaphore_mem>>
        %dma_start3A_135 = arith.constant 9984 : i32
        %dma_start3A_136 = arith.constant 0 : i32
        %dma_start3A_137 = tpu.memref_slice %arg6[%arg0, %dma_start3A_135, %dma_start3A_136] : memref<2x10000x128xf32, #tpu.memory_space<hbm>> -> memref<1x16x128xf32, #tpu.memory_space<hbm>>
        %dma_start3A_138 = tpu.memref_squeeze %dma_start3A_137 : memref<1x16x128xf32, #tpu.memory_space<hbm>> -> memref<16x128xf32, #tpu.memory_space<hbm>>
        %dma_start3A_139 = arith.constant 9984 : i32
        %dma_start3A_140 = arith.constant 0 : i32
        %dma_start3A_141 = tpu.memref_slice %arg10[%dma_start3A_139, %dma_start3A_140] : memref<10000x128xf32, #tpu.memory_space<vmem_shared>> -> memref<16x128xf32, #tpu.memory_space<vmem_shared>>
        tpu.enqueue_dma source(%dma_start3A_141 : memref<16x128xf32, #tpu.memory_space<vmem_shared>>) target(%dma_start3A_138 : memref<16x128xf32, #tpu.memory_space<hbm>>) target_semaphore(%run_scoped3A_134 : memref<!tpu.dma_semaphore, #tpu.memory_space<semaphore_mem>>)
        %dma_wait3A_142 = arith.constant 9984 : i32
        %dma_wait3A_143 = arith.constant 0 : i32
        %dma_wait3A_144 = tpu.memref_slice %arg6[%arg0, %dma_wait3A_142, %dma_wait3A_143] : memref<2x10000x128xf32, #tpu.memory_space<hbm>> -> memref<1x16x128xf32, #tpu.memory_space<hbm>>
        %dma_wait3A_145 = tpu.memref_squeeze %dma_wait3A_144 : memref<1x16x128xf32, #tpu.memory_space<hbm>> -> memref<16x128xf32, #tpu.memory_space<hbm>>
        %dma_wait3A_146 = arith.constant 9984 : i32
        %dma_wait3A_147 = arith.constant 0 : i32
        %dma_wait3A_148 = tpu.memref_slice %arg10[%dma_wait3A_146, %dma_wait3A_147] : memref<10000x128xf32, #tpu.memory_space<vmem_shared>> -> memref<16x128xf32, #tpu.memory_space<vmem_shared>>
        tpu.wait_dma2 semaphore(%run_scoped3A_134 : memref<!tpu.dma_semaphore, #tpu.memory_space<semaphore_mem>>) src(%dma_wait3A_148 : memref<16x128xf32, #tpu.memory_space<vmem_shared>>) dst(%dma_wait3A_145 : memref<16x128xf32, #tpu.memory_space<hbm>>)
        tpu.yield
      }) : () -> ()
    } else {
    }
    return
  }
}

#map = affine_map<(d0, d1) -> (0, 0)>
#map1 = affine_map<(d0, d1) -> (0)>
module attributes {stable_mosaic.version = 14 : i64} {
  func.func @_degree_kernel(%arg0: i32, %arg1: i32, %arg2: memref<2560x125xi32, #tpu.memory_space<hbm>>, %arg3: memref<125xf32, #tpu.memory_space<hbm>>, %arg4: memref<10240xf32, #tpu.memory_space<hbm>>, %arg5: memref<2x10240xf32, #tpu.memory_space<hbm>>, %arg6: memref<80x125xi32, #tpu.memory_space<vmem>>, %arg7: memref<125xf32, #tpu.memory_space<vmem>>, %arg8: memref<10240xf32, #tpu.memory_space<vmem_shared>>, %arg9: memref<!tpu.dma_semaphore, #tpu.memory_space<semaphore_mem>>) attributes {dimension_semantics = [#tpu.dimension_semantics<core_parallel>, #tpu.dimension_semantics<subcore_parallel>], iteration_bounds = array<i64: 2, 16>, scalar_prefetch = 0 : i64, scratch_operands = 4 : i64, tpu.core_type = #tpu.core_type<sc_vector_subcore>, window_params = [{transform_indices = #map}, {transform_indices = #map1}, {transform_indices = #map1}, {transform_indices = #map}]} {
    %mul3A = arith.constant 16 : i32
    %mul3A_0 = arith.muli %arg0, %mul3A : i32
    %add3A = arith.addi %mul3A_0, %arg1 : i32
    %mul3A_1 = arith.constant 80 : i32
    %mul3A_2 = arith.muli %add3A, %mul3A_1 : i32
    "tpu.region"() ({
      %run_scoped3A = tpu.sem_alloc : memref<!tpu.dma_semaphore, #tpu.memory_space<semaphore_mem>>
      %dma_start3A_970 = arith.constant 0 : i32
      %dma_start3A_971 = tpu.memref_slice %arg2[%mul3A_2, %dma_start3A_970] : memref<2560x125xi32, #tpu.memory_space<hbm>> -> memref<80x125xi32, #tpu.memory_space<hbm>>
      %dma_start3A_972 = arith.constant 0 : i32
      %dma_start3A_973 = tpu.memref_slice %arg2[%mul3A_2, %dma_start3A_972] : memref<2560x125xi32, #tpu.memory_space<hbm>> -> memref<80x125xi32, #tpu.memory_space<hbm>>
      tpu.enqueue_dma source(%dma_start3A_973 : memref<80x125xi32, #tpu.memory_space<hbm>>) target(%arg6 : memref<80x125xi32, #tpu.memory_space<vmem>>) target_semaphore(%run_scoped3A : memref<!tpu.dma_semaphore, #tpu.memory_space<semaphore_mem>>)
      %dma_wait3A_974 = arith.constant 0 : i32
      %dma_wait3A_975 = tpu.memref_slice %arg2[%mul3A_2, %dma_wait3A_974] : memref<2560x125xi32, #tpu.memory_space<hbm>> -> memref<80x125xi32, #tpu.memory_space<hbm>>
      %dma_wait3A_976 = arith.constant 0 : i32
      %dma_wait3A_977 = tpu.memref_slice %arg2[%mul3A_2, %dma_wait3A_976] : memref<2560x125xi32, #tpu.memory_space<hbm>> -> memref<80x125xi32, #tpu.memory_space<hbm>>
      tpu.wait_dma2 semaphore(%run_scoped3A : memref<!tpu.dma_semaphore, #tpu.memory_space<semaphore_mem>>) src(%dma_wait3A_977 : memref<80x125xi32, #tpu.memory_space<hbm>>) dst(%arg6 : memref<80x125xi32, #tpu.memory_space<vmem>>)
      tpu.yield
    }) : () -> ()
    "tpu.region"() ({
      %run_scoped3A = tpu.sem_alloc : memref<!tpu.dma_semaphore, #tpu.memory_space<semaphore_mem>>
      tpu.enqueue_dma source(%arg3 : memref<125xf32, #tpu.memory_space<hbm>>) target(%arg7 : memref<125xf32, #tpu.memory_space<vmem>>) target_semaphore(%run_scoped3A : memref<!tpu.dma_semaphore, #tpu.memory_space<semaphore_mem>>)
      tpu.wait_dma2 semaphore(%run_scoped3A : memref<!tpu.dma_semaphore, #tpu.memory_space<semaphore_mem>>) src(%arg3 : memref<125xf32, #tpu.memory_space<hbm>>) dst(%arg7 : memref<125xf32, #tpu.memory_space<vmem>>)
      tpu.yield
    }) : () -> ()
    %mul3A_3 = arith.constant 640 : i32
    %mul3A_4 = arith.muli %arg1, %mul3A_3 : i32
    %mul3A_5 = arith.constant 640 : i32
    %mul3A_6 = arith.muli %arg1, %mul3A_5 : i32
    "tpu.region"() ({
      %run_scoped3A = tpu.sem_alloc : memref<!tpu.dma_semaphore, #tpu.memory_space<semaphore_mem>>
      %dma_start3A_970 = tpu.memref_slice %arg8[%mul3A_6] : memref<10240xf32, #tpu.memory_space<vmem_shared>> -> memref<640xf32, #tpu.memory_space<vmem_shared>>
      %dma_start3A_971 = tpu.memref_slice %arg4[%mul3A_4] : memref<10240xf32, #tpu.memory_space<hbm>> -> memref<640xf32, #tpu.memory_space<hbm>>
      tpu.enqueue_dma source(%dma_start3A_971 : memref<640xf32, #tpu.memory_space<hbm>>) target(%dma_start3A_970 : memref<640xf32, #tpu.memory_space<vmem_shared>>) target_semaphore(%run_scoped3A : memref<!tpu.dma_semaphore, #tpu.memory_space<semaphore_mem>>)
      %dma_wait3A_972 = tpu.memref_slice %arg8[%mul3A_6] : memref<10240xf32, #tpu.memory_space<vmem_shared>> -> memref<640xf32, #tpu.memory_space<vmem_shared>>
      %dma_wait3A_973 = tpu.memref_slice %arg4[%mul3A_4] : memref<10240xf32, #tpu.memory_space<hbm>> -> memref<640xf32, #tpu.memory_space<hbm>>
      tpu.wait_dma2 semaphore(%run_scoped3A : memref<!tpu.dma_semaphore, #tpu.memory_space<semaphore_mem>>) src(%dma_wait3A_973 : memref<640xf32, #tpu.memory_space<hbm>>) dst(%dma_wait3A_972 : memref<640xf32, #tpu.memory_space<vmem_shared>>)
      tpu.yield
    }) : () -> ()
    %barrier3A = arith.constant 0 : index
    tpu.barrier barrier_id(%barrier3A)
    %dma_start3A = arith.constant 0 : i32
    %dma_start3A_7 = arith.constant 0 : i32
    %dma_start3A_8 = tpu.memref_slice %arg6[%dma_start3A, %dma_start3A_7] : memref<80x125xi32, #tpu.memory_space<vmem>> -> memref<1x125xi32, #tpu.memory_space<vmem>>
    %dma_start3A_9 = tpu.memref_squeeze %dma_start3A_8 : memref<1x125xi32, #tpu.memory_space<vmem>> -> memref<125xi32, #tpu.memory_space<vmem>>
    %dma_start3A_10 = arith.constant 0 : i32
    %dma_start3A_11 = tpu.memref_slice %arg8[%dma_start3A_10] : memref<10240xf32, #tpu.memory_space<vmem_shared>> -> memref<10240xf32, #tpu.memory_space<vmem_shared>>
    tpu.enqueue_indirect_dma source(%arg7 : memref<125xf32, #tpu.memory_space<vmem>>) target(%dma_start3A_11 : memref<10240xf32, #tpu.memory_space<vmem_shared>>) offsets(%dma_start3A_9 : memref<125xi32, #tpu.memory_space<vmem>>) semaphore(%arg9 : memref<!tpu.dma_semaphore, #tpu.memory_space<semaphore_mem>>) {add = true}
    %dma_start3A_12 = arith.constant 1 : i32
    %dma_start3A_13 = arith.constant 0 : i32
    %dma_start3A_14 = tpu.memref_slice %arg6[%dma_start3A_12, %dma_start3A_13] : memref<80x125xi32, #tpu.memory_space<vmem>> -> memref<1x125xi32, #tpu.memory_space<vmem>>
    %dma_start3A_15 = tpu.memref_squeeze %dma_start3A_14 : memref<1x125xi32, #tpu.memory_space<vmem>> -> memref<125xi32, #tpu.memory_space<vmem>>
    %dma_start3A_16 = arith.constant 0 : i32
    %dma_start3A_17 = tpu.memref_slice %arg8[%dma_start3A_16] : memref<10240xf32, #tpu.memory_space<vmem_shared>> -> memref<10240xf32, #tpu.memory_space<vmem_shared>>
    tpu.enqueue_indirect_dma source(%arg7 : memref<125xf32, #tpu.memory_space<vmem>>) target(%dma_start3A_17 : memref<10240xf32, #tpu.memory_space<vmem_shared>>) offsets(%dma_start3A_15 : memref<125xi32, #tpu.memory_space<vmem>>) semaphore(%arg9 : memref<!tpu.dma_semaphore, #tpu.memory_space<semaphore_mem>>) {add = true}
    %dma_start3A_18 = arith.constant 2 : i32
    %dma_start3A_19 = arith.constant 0 : i32
    %dma_start3A_20 = tpu.memref_slice %arg6[%dma_start3A_18, %dma_start3A_19] : memref<80x125xi32, #tpu.memory_space<vmem>> -> memref<1x125xi32, #tpu.memory_space<vmem>>
    %dma_start3A_21 = tpu.memref_squeeze %dma_start3A_20 : memref<1x125xi32, #tpu.memory_space<vmem>> -> memref<125xi32, #tpu.memory_space<vmem>>
    %dma_start3A_22 = arith.constant 0 : i32
    %dma_start3A_23 = tpu.memref_slice %arg8[%dma_start3A_22] : memref<10240xf32, #tpu.memory_space<vmem_shared>> -> memref<10240xf32, #tpu.memory_space<vmem_shared>>
    tpu.enqueue_indirect_dma source(%arg7 : memref<125xf32, #tpu.memory_space<vmem>>) target(%dma_start3A_23 : memref<10240xf32, #tpu.memory_space<vmem_shared>>) offsets(%dma_start3A_21 : memref<125xi32, #tpu.memory_space<vmem>>) semaphore(%arg9 : memref<!tpu.dma_semaphore, #tpu.memory_space<semaphore_mem>>) {add = true}
    %dma_start3A_24 = arith.constant 3 : i32
    %dma_start3A_25 = arith.constant 0 : i32
    %dma_start3A_26 = tpu.memref_slice %arg6[%dma_start3A_24, %dma_start3A_25] : memref<80x125xi32, #tpu.memory_space<vmem>> -> memref<1x125xi32, #tpu.memory_space<vmem>>
    %dma_start3A_27 = tpu.memref_squeeze %dma_start3A_26 : memref<1x125xi32, #tpu.memory_space<vmem>> -> memref<125xi32, #tpu.memory_space<vmem>>
    %dma_start3A_28 = arith.constant 0 : i32
    %dma_start3A_29 = tpu.memref_slice %arg8[%dma_start3A_28] : memref<10240xf32, #tpu.memory_space<vmem_shared>> -> memref<10240xf32, #tpu.memory_space<vmem_shared>>
    tpu.enqueue_indirect_dma source(%arg7 : memref<125xf32, #tpu.memory_space<vmem>>) target(%dma_start3A_29 : memref<10240xf32, #tpu.memory_space<vmem_shared>>) offsets(%dma_start3A_27 : memref<125xi32, #tpu.memory_space<vmem>>) semaphore(%arg9 : memref<!tpu.dma_semaphore, #tpu.memory_space<semaphore_mem>>) {add = true}
    %dma_start3A_30 = arith.constant 4 : i32
    %dma_start3A_31 = arith.constant 0 : i32
    %dma_start3A_32 = tpu.memref_slice %arg6[%dma_start3A_30, %dma_start3A_31] : memref<80x125xi32, #tpu.memory_space<vmem>> -> memref<1x125xi32, #tpu.memory_space<vmem>>
    %dma_start3A_33 = tpu.memref_squeeze %dma_start3A_32 : memref<1x125xi32, #tpu.memory_space<vmem>> -> memref<125xi32, #tpu.memory_space<vmem>>
    %dma_start3A_34 = arith.constant 0 : i32
    %dma_start3A_35 = tpu.memref_slice %arg8[%dma_start3A_34] : memref<10240xf32, #tpu.memory_space<vmem_shared>> -> memref<10240xf32, #tpu.memory_space<vmem_shared>>
    tpu.enqueue_indirect_dma source(%arg7 : memref<125xf32, #tpu.memory_space<vmem>>) target(%dma_start3A_35 : memref<10240xf32, #tpu.memory_space<vmem_shared>>) offsets(%dma_start3A_33 : memref<125xi32, #tpu.memory_space<vmem>>) semaphore(%arg9 : memref<!tpu.dma_semaphore, #tpu.memory_space<semaphore_mem>>) {add = true}
    %dma_start3A_36 = arith.constant 5 : i32
    %dma_start3A_37 = arith.constant 0 : i32
    %dma_start3A_38 = tpu.memref_slice %arg6[%dma_start3A_36, %dma_start3A_37] : memref<80x125xi32, #tpu.memory_space<vmem>> -> memref<1x125xi32, #tpu.memory_space<vmem>>
    %dma_start3A_39 = tpu.memref_squeeze %dma_start3A_38 : memref<1x125xi32, #tpu.memory_space<vmem>> -> memref<125xi32, #tpu.memory_space<vmem>>
    %dma_start3A_40 = arith.constant 0 : i32
    %dma_start3A_41 = tpu.memref_slice %arg8[%dma_start3A_40] : memref<10240xf32, #tpu.memory_space<vmem_shared>> -> memref<10240xf32, #tpu.memory_space<vmem_shared>>
    tpu.enqueue_indirect_dma source(%arg7 : memref<125xf32, #tpu.memory_space<vmem>>) target(%dma_start3A_41 : memref<10240xf32, #tpu.memory_space<vmem_shared>>) offsets(%dma_start3A_39 : memref<125xi32, #tpu.memory_space<vmem>>) semaphore(%arg9 : memref<!tpu.dma_semaphore, #tpu.memory_space<semaphore_mem>>) {add = true}
    %dma_start3A_42 = arith.constant 6 : i32
    %dma_start3A_43 = arith.constant 0 : i32
    %dma_start3A_44 = tpu.memref_slice %arg6[%dma_start3A_42, %dma_start3A_43] : memref<80x125xi32, #tpu.memory_space<vmem>> -> memref<1x125xi32, #tpu.memory_space<vmem>>
    %dma_start3A_45 = tpu.memref_squeeze %dma_start3A_44 : memref<1x125xi32, #tpu.memory_space<vmem>> -> memref<125xi32, #tpu.memory_space<vmem>>
    %dma_start3A_46 = arith.constant 0 : i32
    %dma_start3A_47 = tpu.memref_slice %arg8[%dma_start3A_46] : memref<10240xf32, #tpu.memory_space<vmem_shared>> -> memref<10240xf32, #tpu.memory_space<vmem_shared>>
    tpu.enqueue_indirect_dma source(%arg7 : memref<125xf32, #tpu.memory_space<vmem>>) target(%dma_start3A_47 : memref<10240xf32, #tpu.memory_space<vmem_shared>>) offsets(%dma_start3A_45 : memref<125xi32, #tpu.memory_space<vmem>>) semaphore(%arg9 : memref<!tpu.dma_semaphore, #tpu.memory_space<semaphore_mem>>) {add = true}
    %dma_start3A_48 = arith.constant 7 : i32
    %dma_start3A_49 = arith.constant 0 : i32
    %dma_start3A_50 = tpu.memref_slice %arg6[%dma_start3A_48, %dma_start3A_49] : memref<80x125xi32, #tpu.memory_space<vmem>> -> memref<1x125xi32, #tpu.memory_space<vmem>>
    %dma_start3A_51 = tpu.memref_squeeze %dma_start3A_50 : memref<1x125xi32, #tpu.memory_space<vmem>> -> memref<125xi32, #tpu.memory_space<vmem>>
    %dma_start3A_52 = arith.constant 0 : i32
    %dma_start3A_53 = tpu.memref_slice %arg8[%dma_start3A_52] : memref<10240xf32, #tpu.memory_space<vmem_shared>> -> memref<10240xf32, #tpu.memory_space<vmem_shared>>
    tpu.enqueue_indirect_dma source(%arg7 : memref<125xf32, #tpu.memory_space<vmem>>) target(%dma_start3A_53 : memref<10240xf32, #tpu.memory_space<vmem_shared>>) offsets(%dma_start3A_51 : memref<125xi32, #tpu.memory_space<vmem>>) semaphore(%arg9 : memref<!tpu.dma_semaphore, #tpu.memory_space<semaphore_mem>>) {add = true}
    %dma_start3A_54 = arith.constant 8 : i32
    %dma_start3A_55 = arith.constant 0 : i32
    %dma_start3A_56 = tpu.memref_slice %arg6[%dma_start3A_54, %dma_start3A_55] : memref<80x125xi32, #tpu.memory_space<vmem>> -> memref<1x125xi32, #tpu.memory_space<vmem>>
    %dma_start3A_57 = tpu.memref_squeeze %dma_start3A_56 : memref<1x125xi32, #tpu.memory_space<vmem>> -> memref<125xi32, #tpu.memory_space<vmem>>
    %dma_start3A_58 = arith.constant 0 : i32
    %dma_start3A_59 = tpu.memref_slice %arg8[%dma_start3A_58] : memref<10240xf32, #tpu.memory_space<vmem_shared>> -> memref<10240xf32, #tpu.memory_space<vmem_shared>>
    tpu.enqueue_indirect_dma source(%arg7 : memref<125xf32, #tpu.memory_space<vmem>>) target(%dma_start3A_59 : memref<10240xf32, #tpu.memory_space<vmem_shared>>) offsets(%dma_start3A_57 : memref<125xi32, #tpu.memory_space<vmem>>) semaphore(%arg9 : memref<!tpu.dma_semaphore, #tpu.memory_space<semaphore_mem>>) {add = true}
    %dma_start3A_60 = arith.constant 9 : i32
    %dma_start3A_61 = arith.constant 0 : i32
    %dma_start3A_62 = tpu.memref_slice %arg6[%dma_start3A_60, %dma_start3A_61] : memref<80x125xi32, #tpu.memory_space<vmem>> -> memref<1x125xi32, #tpu.memory_space<vmem>>
    %dma_start3A_63 = tpu.memref_squeeze %dma_start3A_62 : memref<1x125xi32, #tpu.memory_space<vmem>> -> memref<125xi32, #tpu.memory_space<vmem>>
    %dma_start3A_64 = arith.constant 0 : i32
    %dma_start3A_65 = tpu.memref_slice %arg8[%dma_start3A_64] : memref<10240xf32, #tpu.memory_space<vmem_shared>> -> memref<10240xf32, #tpu.memory_space<vmem_shared>>
    tpu.enqueue_indirect_dma source(%arg7 : memref<125xf32, #tpu.memory_space<vmem>>) target(%dma_start3A_65 : memref<10240xf32, #tpu.memory_space<vmem_shared>>) offsets(%dma_start3A_63 : memref<125xi32, #tpu.memory_space<vmem>>) semaphore(%arg9 : memref<!tpu.dma_semaphore, #tpu.memory_space<semaphore_mem>>) {add = true}
    %dma_start3A_66 = arith.constant 10 : i32
    %dma_start3A_67 = arith.constant 0 : i32
    %dma_start3A_68 = tpu.memref_slice %arg6[%dma_start3A_66, %dma_start3A_67] : memref<80x125xi32, #tpu.memory_space<vmem>> -> memref<1x125xi32, #tpu.memory_space<vmem>>
    %dma_start3A_69 = tpu.memref_squeeze %dma_start3A_68 : memref<1x125xi32, #tpu.memory_space<vmem>> -> memref<125xi32, #tpu.memory_space<vmem>>
    %dma_start3A_70 = arith.constant 0 : i32
    %dma_start3A_71 = tpu.memref_slice %arg8[%dma_start3A_70] : memref<10240xf32, #tpu.memory_space<vmem_shared>> -> memref<10240xf32, #tpu.memory_space<vmem_shared>>
    tpu.enqueue_indirect_dma source(%arg7 : memref<125xf32, #tpu.memory_space<vmem>>) target(%dma_start3A_71 : memref<10240xf32, #tpu.memory_space<vmem_shared>>) offsets(%dma_start3A_69 : memref<125xi32, #tpu.memory_space<vmem>>) semaphore(%arg9 : memref<!tpu.dma_semaphore, #tpu.memory_space<semaphore_mem>>) {add = true}
    %dma_start3A_72 = arith.constant 11 : i32
    %dma_start3A_73 = arith.constant 0 : i32
    %dma_start3A_74 = tpu.memref_slice %arg6[%dma_start3A_72, %dma_start3A_73] : memref<80x125xi32, #tpu.memory_space<vmem>> -> memref<1x125xi32, #tpu.memory_space<vmem>>
    %dma_start3A_75 = tpu.memref_squeeze %dma_start3A_74 : memref<1x125xi32, #tpu.memory_space<vmem>> -> memref<125xi32, #tpu.memory_space<vmem>>
    %dma_start3A_76 = arith.constant 0 : i32
    %dma_start3A_77 = tpu.memref_slice %arg8[%dma_start3A_76] : memref<10240xf32, #tpu.memory_space<vmem_shared>> -> memref<10240xf32, #tpu.memory_space<vmem_shared>>
    tpu.enqueue_indirect_dma source(%arg7 : memref<125xf32, #tpu.memory_space<vmem>>) target(%dma_start3A_77 : memref<10240xf32, #tpu.memory_space<vmem_shared>>) offsets(%dma_start3A_75 : memref<125xi32, #tpu.memory_space<vmem>>) semaphore(%arg9 : memref<!tpu.dma_semaphore, #tpu.memory_space<semaphore_mem>>) {add = true}
    %dma_start3A_78 = arith.constant 12 : i32
    %dma_start3A_79 = arith.constant 0 : i32
    %dma_start3A_80 = tpu.memref_slice %arg6[%dma_start3A_78, %dma_start3A_79] : memref<80x125xi32, #tpu.memory_space<vmem>> -> memref<1x125xi32, #tpu.memory_space<vmem>>
    %dma_start3A_81 = tpu.memref_squeeze %dma_start3A_80 : memref<1x125xi32, #tpu.memory_space<vmem>> -> memref<125xi32, #tpu.memory_space<vmem>>
    %dma_start3A_82 = arith.constant 0 : i32
    %dma_start3A_83 = tpu.memref_slice %arg8[%dma_start3A_82] : memref<10240xf32, #tpu.memory_space<vmem_shared>> -> memref<10240xf32, #tpu.memory_space<vmem_shared>>
    tpu.enqueue_indirect_dma source(%arg7 : memref<125xf32, #tpu.memory_space<vmem>>) target(%dma_start3A_83 : memref<10240xf32, #tpu.memory_space<vmem_shared>>) offsets(%dma_start3A_81 : memref<125xi32, #tpu.memory_space<vmem>>) semaphore(%arg9 : memref<!tpu.dma_semaphore, #tpu.memory_space<semaphore_mem>>) {add = true}
    %dma_start3A_84 = arith.constant 13 : i32
    %dma_start3A_85 = arith.constant 0 : i32
    %dma_start3A_86 = tpu.memref_slice %arg6[%dma_start3A_84, %dma_start3A_85] : memref<80x125xi32, #tpu.memory_space<vmem>> -> memref<1x125xi32, #tpu.memory_space<vmem>>
    %dma_start3A_87 = tpu.memref_squeeze %dma_start3A_86 : memref<1x125xi32, #tpu.memory_space<vmem>> -> memref<125xi32, #tpu.memory_space<vmem>>
    %dma_start3A_88 = arith.constant 0 : i32
    %dma_start3A_89 = tpu.memref_slice %arg8[%dma_start3A_88] : memref<10240xf32, #tpu.memory_space<vmem_shared>> -> memref<10240xf32, #tpu.memory_space<vmem_shared>>
    tpu.enqueue_indirect_dma source(%arg7 : memref<125xf32, #tpu.memory_space<vmem>>) target(%dma_start3A_89 : memref<10240xf32, #tpu.memory_space<vmem_shared>>) offsets(%dma_start3A_87 : memref<125xi32, #tpu.memory_space<vmem>>) semaphore(%arg9 : memref<!tpu.dma_semaphore, #tpu.memory_space<semaphore_mem>>) {add = true}
    %dma_start3A_90 = arith.constant 14 : i32
    %dma_start3A_91 = arith.constant 0 : i32
    %dma_start3A_92 = tpu.memref_slice %arg6[%dma_start3A_90, %dma_start3A_91] : memref<80x125xi32, #tpu.memory_space<vmem>> -> memref<1x125xi32, #tpu.memory_space<vmem>>
    %dma_start3A_93 = tpu.memref_squeeze %dma_start3A_92 : memref<1x125xi32, #tpu.memory_space<vmem>> -> memref<125xi32, #tpu.memory_space<vmem>>
    %dma_start3A_94 = arith.constant 0 : i32
    %dma_start3A_95 = tpu.memref_slice %arg8[%dma_start3A_94] : memref<10240xf32, #tpu.memory_space<vmem_shared>> -> memref<10240xf32, #tpu.memory_space<vmem_shared>>
    tpu.enqueue_indirect_dma source(%arg7 : memref<125xf32, #tpu.memory_space<vmem>>) target(%dma_start3A_95 : memref<10240xf32, #tpu.memory_space<vmem_shared>>) offsets(%dma_start3A_93 : memref<125xi32, #tpu.memory_space<vmem>>) semaphore(%arg9 : memref<!tpu.dma_semaphore, #tpu.memory_space<semaphore_mem>>) {add = true}
    %dma_start3A_96 = arith.constant 15 : i32
    %dma_start3A_97 = arith.constant 0 : i32
    %dma_start3A_98 = tpu.memref_slice %arg6[%dma_start3A_96, %dma_start3A_97] : memref<80x125xi32, #tpu.memory_space<vmem>> -> memref<1x125xi32, #tpu.memory_space<vmem>>
    %dma_start3A_99 = tpu.memref_squeeze %dma_start3A_98 : memref<1x125xi32, #tpu.memory_space<vmem>> -> memref<125xi32, #tpu.memory_space<vmem>>
    %dma_start3A_100 = arith.constant 0 : i32
    %dma_start3A_101 = tpu.memref_slice %arg8[%dma_start3A_100] : memref<10240xf32, #tpu.memory_space<vmem_shared>> -> memref<10240xf32, #tpu.memory_space<vmem_shared>>
    tpu.enqueue_indirect_dma source(%arg7 : memref<125xf32, #tpu.memory_space<vmem>>) target(%dma_start3A_101 : memref<10240xf32, #tpu.memory_space<vmem_shared>>) offsets(%dma_start3A_99 : memref<125xi32, #tpu.memory_space<vmem>>) semaphore(%arg9 : memref<!tpu.dma_semaphore, #tpu.memory_space<semaphore_mem>>) {add = true}
    %dma_wait3A = arith.constant 0 : i32
    %dma_wait3A_102 = arith.constant 0 : i32
    %dma_wait3A_103 = tpu.memref_slice %arg6[%dma_wait3A, %dma_wait3A_102] : memref<80x125xi32, #tpu.memory_space<vmem>> -> memref<1x125xi32, #tpu.memory_space<vmem>>
    %dma_wait3A_104 = tpu.memref_squeeze %dma_wait3A_103 : memref<1x125xi32, #tpu.memory_space<vmem>> -> memref<125xi32, #tpu.memory_space<vmem>>
    %dma_wait3A_105 = arith.constant 0 : i32
    %dma_wait3A_106 = tpu.memref_slice %arg8[%dma_wait3A_105] : memref<10240xf32, #tpu.memory_space<vmem_shared>> -> memref<10240xf32, #tpu.memory_space<vmem_shared>>
    tpu.wait_indirect_dma semaphore(%arg9 : memref<!tpu.dma_semaphore, #tpu.memory_space<semaphore_mem>>) src(%arg7 : memref<125xf32, #tpu.memory_space<vmem>>) dst(%dma_wait3A_106 : memref<10240xf32, #tpu.memory_space<vmem_shared>>)
    %dma_start3A_107 = arith.constant 16 : i32
    %dma_start3A_108 = arith.constant 0 : i32
    %dma_start3A_109 = tpu.memref_slice %arg6[%dma_start3A_107, %dma_start3A_108] : memref<80x125xi32, #tpu.memory_space<vmem>> -> memref<1x125xi32, #tpu.memory_space<vmem>>
    %dma_start3A_110 = tpu.memref_squeeze %dma_start3A_109 : memref<1x125xi32, #tpu.memory_space<vmem>> -> memref<125xi32, #tpu.memory_space<vmem>>
    %dma_start3A_111 = arith.constant 0 : i32
    %dma_start3A_112 = tpu.memref_slice %arg8[%dma_start3A_111] : memref<10240xf32, #tpu.memory_space<vmem_shared>> -> memref<10240xf32, #tpu.memory_space<vmem_shared>>
    tpu.enqueue_indirect_dma source(%arg7 : memref<125xf32, #tpu.memory_space<vmem>>) target(%dma_start3A_112 : memref<10240xf32, #tpu.memory_space<vmem_shared>>) offsets(%dma_start3A_110 : memref<125xi32, #tpu.memory_space<vmem>>) semaphore(%arg9 : memref<!tpu.dma_semaphore, #tpu.memory_space<semaphore_mem>>) {add = true}
    %dma_wait3A_113 = arith.constant 0 : i32
    %dma_wait3A_114 = arith.constant 0 : i32
    %dma_wait3A_115 = tpu.memref_slice %arg6[%dma_wait3A_113, %dma_wait3A_114] : memref<80x125xi32, #tpu.memory_space<vmem>> -> memref<1x125xi32, #tpu.memory_space<vmem>>
    %dma_wait3A_116 = tpu.memref_squeeze %dma_wait3A_115 : memref<1x125xi32, #tpu.memory_space<vmem>> -> memref<125xi32, #tpu.memory_space<vmem>>
    %dma_wait3A_117 = arith.constant 0 : i32
    %dma_wait3A_118 = tpu.memref_slice %arg8[%dma_wait3A_117] : memref<10240xf32, #tpu.memory_space<vmem_shared>> -> memref<10240xf32, #tpu.memory_space<vmem_shared>>
    tpu.wait_indirect_dma semaphore(%arg9 : memref<!tpu.dma_semaphore, #tpu.memory_space<semaphore_mem>>) src(%arg7 : memref<125xf32, #tpu.memory_space<vmem>>) dst(%dma_wait3A_118 : memref<10240xf32, #tpu.memory_space<vmem_shared>>)
    %dma_start3A_119 = arith.constant 17 : i32
    %dma_start3A_120 = arith.constant 0 : i32
    %dma_start3A_121 = tpu.memref_slice %arg6[%dma_start3A_119, %dma_start3A_120] : memref<80x125xi32, #tpu.memory_space<vmem>> -> memref<1x125xi32, #tpu.memory_space<vmem>>
    %dma_start3A_122 = tpu.memref_squeeze %dma_start3A_121 : memref<1x125xi32, #tpu.memory_space<vmem>> -> memref<125xi32, #tpu.memory_space<vmem>>
    %dma_start3A_123 = arith.constant 0 : i32
    %dma_start3A_124 = tpu.memref_slice %arg8[%dma_start3A_123] : memref<10240xf32, #tpu.memory_space<vmem_shared>> -> memref<10240xf32, #tpu.memory_space<vmem_shared>>
    tpu.enqueue_indirect_dma source(%arg7 : memref<125xf32, #tpu.memory_space<vmem>>) target(%dma_start3A_124 : memref<10240xf32, #tpu.memory_space<vmem_shared>>) offsets(%dma_start3A_122 : memref<125xi32, #tpu.memory_space<vmem>>) semaphore(%arg9 : memref<!tpu.dma_semaphore, #tpu.memory_space<semaphore_mem>>) {add = true}
    %dma_wait3A_125 = arith.constant 0 : i32
    %dma_wait3A_126 = arith.constant 0 : i32
    %dma_wait3A_127 = tpu.memref_slice %arg6[%dma_wait3A_125, %dma_wait3A_126] : memref<80x125xi32, #tpu.memory_space<vmem>> -> memref<1x125xi32, #tpu.memory_space<vmem>>
    %dma_wait3A_128 = tpu.memref_squeeze %dma_wait3A_127 : memref<1x125xi32, #tpu.memory_space<vmem>> -> memref<125xi32, #tpu.memory_space<vmem>>
    %dma_wait3A_129 = arith.constant 0 : i32
    %dma_wait3A_130 = tpu.memref_slice %arg8[%dma_wait3A_129] : memref<10240xf32, #tpu.memory_space<vmem_shared>> -> memref<10240xf32, #tpu.memory_space<vmem_shared>>
    tpu.wait_indirect_dma semaphore(%arg9 : memref<!tpu.dma_semaphore, #tpu.memory_space<semaphore_mem>>) src(%arg7 : memref<125xf32, #tpu.memory_space<vmem>>) dst(%dma_wait3A_130 : memref<10240xf32, #tpu.memory_space<vmem_shared>>)
    %dma_start3A_131 = arith.constant 18 : i32
    %dma_start3A_132 = arith.constant 0 : i32
    %dma_start3A_133 = tpu.memref_slice %arg6[%dma_start3A_131, %dma_start3A_132] : memref<80x125xi32, #tpu.memory_space<vmem>> -> memref<1x125xi32, #tpu.memory_space<vmem>>
    %dma_start3A_134 = tpu.memref_squeeze %dma_start3A_133 : memref<1x125xi32, #tpu.memory_space<vmem>> -> memref<125xi32, #tpu.memory_space<vmem>>
    %dma_start3A_135 = arith.constant 0 : i32
    %dma_start3A_136 = tpu.memref_slice %arg8[%dma_start3A_135] : memref<10240xf32, #tpu.memory_space<vmem_shared>> -> memref<10240xf32, #tpu.memory_space<vmem_shared>>
    tpu.enqueue_indirect_dma source(%arg7 : memref<125xf32, #tpu.memory_space<vmem>>) target(%dma_start3A_136 : memref<10240xf32, #tpu.memory_space<vmem_shared>>) offsets(%dma_start3A_134 : memref<125xi32, #tpu.memory_space<vmem>>) semaphore(%arg9 : memref<!tpu.dma_semaphore, #tpu.memory_space<semaphore_mem>>) {add = true}
    %dma_wait3A_137 = arith.constant 0 : i32
    %dma_wait3A_138 = arith.constant 0 : i32
    %dma_wait3A_139 = tpu.memref_slice %arg6[%dma_wait3A_137, %dma_wait3A_138] : memref<80x125xi32, #tpu.memory_space<vmem>> -> memref<1x125xi32, #tpu.memory_space<vmem>>
    %dma_wait3A_140 = tpu.memref_squeeze %dma_wait3A_139 : memref<1x125xi32, #tpu.memory_space<vmem>> -> memref<125xi32, #tpu.memory_space<vmem>>
    %dma_wait3A_141 = arith.constant 0 : i32
    %dma_wait3A_142 = tpu.memref_slice %arg8[%dma_wait3A_141] : memref<10240xf32, #tpu.memory_space<vmem_shared>> -> memref<10240xf32, #tpu.memory_space<vmem_shared>>
    tpu.wait_indirect_dma semaphore(%arg9 : memref<!tpu.dma_semaphore, #tpu.memory_space<semaphore_mem>>) src(%arg7 : memref<125xf32, #tpu.memory_space<vmem>>) dst(%dma_wait3A_142 : memref<10240xf32, #tpu.memory_space<vmem_shared>>)
    %dma_start3A_143 = arith.constant 19 : i32
    %dma_start3A_144 = arith.constant 0 : i32
    %dma_start3A_145 = tpu.memref_slice %arg6[%dma_start3A_143, %dma_start3A_144] : memref<80x125xi32, #tpu.memory_space<vmem>> -> memref<1x125xi32, #tpu.memory_space<vmem>>
    %dma_start3A_146 = tpu.memref_squeeze %dma_start3A_145 : memref<1x125xi32, #tpu.memory_space<vmem>> -> memref<125xi32, #tpu.memory_space<vmem>>
    %dma_start3A_147 = arith.constant 0 : i32
    %dma_start3A_148 = tpu.memref_slice %arg8[%dma_start3A_147] : memref<10240xf32, #tpu.memory_space<vmem_shared>> -> memref<10240xf32, #tpu.memory_space<vmem_shared>>
    tpu.enqueue_indirect_dma source(%arg7 : memref<125xf32, #tpu.memory_space<vmem>>) target(%dma_start3A_148 : memref<10240xf32, #tpu.memory_space<vmem_shared>>) offsets(%dma_start3A_146 : memref<125xi32, #tpu.memory_space<vmem>>) semaphore(%arg9 : memref<!tpu.dma_semaphore, #tpu.memory_space<semaphore_mem>>) {add = true}
    %dma_wait3A_149 = arith.constant 0 : i32
    %dma_wait3A_150 = arith.constant 0 : i32
    %dma_wait3A_151 = tpu.memref_slice %arg6[%dma_wait3A_149, %dma_wait3A_150] : memref<80x125xi32, #tpu.memory_space<vmem>> -> memref<1x125xi32, #tpu.memory_space<vmem>>
    %dma_wait3A_152 = tpu.memref_squeeze %dma_wait3A_151 : memref<1x125xi32, #tpu.memory_space<vmem>> -> memref<125xi32, #tpu.memory_space<vmem>>
    %dma_wait3A_153 = arith.constant 0 : i32
    %dma_wait3A_154 = tpu.memref_slice %arg8[%dma_wait3A_153] : memref<10240xf32, #tpu.memory_space<vmem_shared>> -> memref<10240xf32, #tpu.memory_space<vmem_shared>>
    tpu.wait_indirect_dma semaphore(%arg9 : memref<!tpu.dma_semaphore, #tpu.memory_space<semaphore_mem>>) src(%arg7 : memref<125xf32, #tpu.memory_space<vmem>>) dst(%dma_wait3A_154 : memref<10240xf32, #tpu.memory_space<vmem_shared>>)
    %dma_start3A_155 = arith.constant 20 : i32
    %dma_start3A_156 = arith.constant 0 : i32
    %dma_start3A_157 = tpu.memref_slice %arg6[%dma_start3A_155, %dma_start3A_156] : memref<80x125xi32, #tpu.memory_space<vmem>> -> memref<1x125xi32, #tpu.memory_space<vmem>>
    %dma_start3A_158 = tpu.memref_squeeze %dma_start3A_157 : memref<1x125xi32, #tpu.memory_space<vmem>> -> memref<125xi32, #tpu.memory_space<vmem>>
    %dma_start3A_159 = arith.constant 0 : i32
    %dma_start3A_160 = tpu.memref_slice %arg8[%dma_start3A_159] : memref<10240xf32, #tpu.memory_space<vmem_shared>> -> memref<10240xf32, #tpu.memory_space<vmem_shared>>
    tpu.enqueue_indirect_dma source(%arg7 : memref<125xf32, #tpu.memory_space<vmem>>) target(%dma_start3A_160 : memref<10240xf32, #tpu.memory_space<vmem_shared>>) offsets(%dma_start3A_158 : memref<125xi32, #tpu.memory_space<vmem>>) semaphore(%arg9 : memref<!tpu.dma_semaphore, #tpu.memory_space<semaphore_mem>>) {add = true}
    %dma_wait3A_161 = arith.constant 0 : i32
    %dma_wait3A_162 = arith.constant 0 : i32
    %dma_wait3A_163 = tpu.memref_slice %arg6[%dma_wait3A_161, %dma_wait3A_162] : memref<80x125xi32, #tpu.memory_space<vmem>> -> memref<1x125xi32, #tpu.memory_space<vmem>>
    %dma_wait3A_164 = tpu.memref_squeeze %dma_wait3A_163 : memref<1x125xi32, #tpu.memory_space<vmem>> -> memref<125xi32, #tpu.memory_space<vmem>>
    %dma_wait3A_165 = arith.constant 0 : i32
    %dma_wait3A_166 = tpu.memref_slice %arg8[%dma_wait3A_165] : memref<10240xf32, #tpu.memory_space<vmem_shared>> -> memref<10240xf32, #tpu.memory_space<vmem_shared>>
    tpu.wait_indirect_dma semaphore(%arg9 : memref<!tpu.dma_semaphore, #tpu.memory_space<semaphore_mem>>) src(%arg7 : memref<125xf32, #tpu.memory_space<vmem>>) dst(%dma_wait3A_166 : memref<10240xf32, #tpu.memory_space<vmem_shared>>)
    %dma_start3A_167 = arith.constant 21 : i32
    %dma_start3A_168 = arith.constant 0 : i32
    %dma_start3A_169 = tpu.memref_slice %arg6[%dma_start3A_167, %dma_start3A_168] : memref<80x125xi32, #tpu.memory_space<vmem>> -> memref<1x125xi32, #tpu.memory_space<vmem>>
    %dma_start3A_170 = tpu.memref_squeeze %dma_start3A_169 : memref<1x125xi32, #tpu.memory_space<vmem>> -> memref<125xi32, #tpu.memory_space<vmem>>
    %dma_start3A_171 = arith.constant 0 : i32
    %dma_start3A_172 = tpu.memref_slice %arg8[%dma_start3A_171] : memref<10240xf32, #tpu.memory_space<vmem_shared>> -> memref<10240xf32, #tpu.memory_space<vmem_shared>>
    tpu.enqueue_indirect_dma source(%arg7 : memref<125xf32, #tpu.memory_space<vmem>>) target(%dma_start3A_172 : memref<10240xf32, #tpu.memory_space<vmem_shared>>) offsets(%dma_start3A_170 : memref<125xi32, #tpu.memory_space<vmem>>) semaphore(%arg9 : memref<!tpu.dma_semaphore, #tpu.memory_space<semaphore_mem>>) {add = true}
    %dma_wait3A_173 = arith.constant 0 : i32
    %dma_wait3A_174 = arith.constant 0 : i32
    %dma_wait3A_175 = tpu.memref_slice %arg6[%dma_wait3A_173, %dma_wait3A_174] : memref<80x125xi32, #tpu.memory_space<vmem>> -> memref<1x125xi32, #tpu.memory_space<vmem>>
    %dma_wait3A_176 = tpu.memref_squeeze %dma_wait3A_175 : memref<1x125xi32, #tpu.memory_space<vmem>> -> memref<125xi32, #tpu.memory_space<vmem>>
    %dma_wait3A_177 = arith.constant 0 : i32
    %dma_wait3A_178 = tpu.memref_slice %arg8[%dma_wait3A_177] : memref<10240xf32, #tpu.memory_space<vmem_shared>> -> memref<10240xf32, #tpu.memory_space<vmem_shared>>
    tpu.wait_indirect_dma semaphore(%arg9 : memref<!tpu.dma_semaphore, #tpu.memory_space<semaphore_mem>>) src(%arg7 : memref<125xf32, #tpu.memory_space<vmem>>) dst(%dma_wait3A_178 : memref<10240xf32, #tpu.memory_space<vmem_shared>>)
    %dma_start3A_179 = arith.constant 22 : i32
    %dma_start3A_180 = arith.constant 0 : i32
    %dma_start3A_181 = tpu.memref_slice %arg6[%dma_start3A_179, %dma_start3A_180] : memref<80x125xi32, #tpu.memory_space<vmem>> -> memref<1x125xi32, #tpu.memory_space<vmem>>
    %dma_start3A_182 = tpu.memref_squeeze %dma_start3A_181 : memref<1x125xi32, #tpu.memory_space<vmem>> -> memref<125xi32, #tpu.memory_space<vmem>>
    %dma_start3A_183 = arith.constant 0 : i32
    %dma_start3A_184 = tpu.memref_slice %arg8[%dma_start3A_183] : memref<10240xf32, #tpu.memory_space<vmem_shared>> -> memref<10240xf32, #tpu.memory_space<vmem_shared>>
    tpu.enqueue_indirect_dma source(%arg7 : memref<125xf32, #tpu.memory_space<vmem>>) target(%dma_start3A_184 : memref<10240xf32, #tpu.memory_space<vmem_shared>>) offsets(%dma_start3A_182 : memref<125xi32, #tpu.memory_space<vmem>>) semaphore(%arg9 : memref<!tpu.dma_semaphore, #tpu.memory_space<semaphore_mem>>) {add = true}
    %dma_wait3A_185 = arith.constant 0 : i32
    %dma_wait3A_186 = arith.constant 0 : i32
    %dma_wait3A_187 = tpu.memref_slice %arg6[%dma_wait3A_185, %dma_wait3A_186] : memref<80x125xi32, #tpu.memory_space<vmem>> -> memref<1x125xi32, #tpu.memory_space<vmem>>
    %dma_wait3A_188 = tpu.memref_squeeze %dma_wait3A_187 : memref<1x125xi32, #tpu.memory_space<vmem>> -> memref<125xi32, #tpu.memory_space<vmem>>
    %dma_wait3A_189 = arith.constant 0 : i32
    %dma_wait3A_190 = tpu.memref_slice %arg8[%dma_wait3A_189] : memref<10240xf32, #tpu.memory_space<vmem_shared>> -> memref<10240xf32, #tpu.memory_space<vmem_shared>>
    tpu.wait_indirect_dma semaphore(%arg9 : memref<!tpu.dma_semaphore, #tpu.memory_space<semaphore_mem>>) src(%arg7 : memref<125xf32, #tpu.memory_space<vmem>>) dst(%dma_wait3A_190 : memref<10240xf32, #tpu.memory_space<vmem_shared>>)
    %dma_start3A_191 = arith.constant 23 : i32
    %dma_start3A_192 = arith.constant 0 : i32
    %dma_start3A_193 = tpu.memref_slice %arg6[%dma_start3A_191, %dma_start3A_192] : memref<80x125xi32, #tpu.memory_space<vmem>> -> memref<1x125xi32, #tpu.memory_space<vmem>>
    %dma_start3A_194 = tpu.memref_squeeze %dma_start3A_193 : memref<1x125xi32, #tpu.memory_space<vmem>> -> memref<125xi32, #tpu.memory_space<vmem>>
    %dma_start3A_195 = arith.constant 0 : i32
    %dma_start3A_196 = tpu.memref_slice %arg8[%dma_start3A_195] : memref<10240xf32, #tpu.memory_space<vmem_shared>> -> memref<10240xf32, #tpu.memory_space<vmem_shared>>
    tpu.enqueue_indirect_dma source(%arg7 : memref<125xf32, #tpu.memory_space<vmem>>) target(%dma_start3A_196 : memref<10240xf32, #tpu.memory_space<vmem_shared>>) offsets(%dma_start3A_194 : memref<125xi32, #tpu.memory_space<vmem>>) semaphore(%arg9 : memref<!tpu.dma_semaphore, #tpu.memory_space<semaphore_mem>>) {add = true}
    %dma_wait3A_197 = arith.constant 0 : i32
    %dma_wait3A_198 = arith.constant 0 : i32
    %dma_wait3A_199 = tpu.memref_slice %arg6[%dma_wait3A_197, %dma_wait3A_198] : memref<80x125xi32, #tpu.memory_space<vmem>> -> memref<1x125xi32, #tpu.memory_space<vmem>>
    %dma_wait3A_200 = tpu.memref_squeeze %dma_wait3A_199 : memref<1x125xi32, #tpu.memory_space<vmem>> -> memref<125xi32, #tpu.memory_space<vmem>>
    %dma_wait3A_201 = arith.constant 0 : i32
    %dma_wait3A_202 = tpu.memref_slice %arg8[%dma_wait3A_201] : memref<10240xf32, #tpu.memory_space<vmem_shared>> -> memref<10240xf32, #tpu.memory_space<vmem_shared>>
    tpu.wait_indirect_dma semaphore(%arg9 : memref<!tpu.dma_semaphore, #tpu.memory_space<semaphore_mem>>) src(%arg7 : memref<125xf32, #tpu.memory_space<vmem>>) dst(%dma_wait3A_202 : memref<10240xf32, #tpu.memory_space<vmem_shared>>)
    %dma_start3A_203 = arith.constant 24 : i32
    %dma_start3A_204 = arith.constant 0 : i32
    %dma_start3A_205 = tpu.memref_slice %arg6[%dma_start3A_203, %dma_start3A_204] : memref<80x125xi32, #tpu.memory_space<vmem>> -> memref<1x125xi32, #tpu.memory_space<vmem>>
    %dma_start3A_206 = tpu.memref_squeeze %dma_start3A_205 : memref<1x125xi32, #tpu.memory_space<vmem>> -> memref<125xi32, #tpu.memory_space<vmem>>
    %dma_start3A_207 = arith.constant 0 : i32
    %dma_start3A_208 = tpu.memref_slice %arg8[%dma_start3A_207] : memref<10240xf32, #tpu.memory_space<vmem_shared>> -> memref<10240xf32, #tpu.memory_space<vmem_shared>>
    tpu.enqueue_indirect_dma source(%arg7 : memref<125xf32, #tpu.memory_space<vmem>>) target(%dma_start3A_208 : memref<10240xf32, #tpu.memory_space<vmem_shared>>) offsets(%dma_start3A_206 : memref<125xi32, #tpu.memory_space<vmem>>) semaphore(%arg9 : memref<!tpu.dma_semaphore, #tpu.memory_space<semaphore_mem>>) {add = true}
    %dma_wait3A_209 = arith.constant 0 : i32
    %dma_wait3A_210 = arith.constant 0 : i32
    %dma_wait3A_211 = tpu.memref_slice %arg6[%dma_wait3A_209, %dma_wait3A_210] : memref<80x125xi32, #tpu.memory_space<vmem>> -> memref<1x125xi32, #tpu.memory_space<vmem>>
    %dma_wait3A_212 = tpu.memref_squeeze %dma_wait3A_211 : memref<1x125xi32, #tpu.memory_space<vmem>> -> memref<125xi32, #tpu.memory_space<vmem>>
    %dma_wait3A_213 = arith.constant 0 : i32
    %dma_wait3A_214 = tpu.memref_slice %arg8[%dma_wait3A_213] : memref<10240xf32, #tpu.memory_space<vmem_shared>> -> memref<10240xf32, #tpu.memory_space<vmem_shared>>
    tpu.wait_indirect_dma semaphore(%arg9 : memref<!tpu.dma_semaphore, #tpu.memory_space<semaphore_mem>>) src(%arg7 : memref<125xf32, #tpu.memory_space<vmem>>) dst(%dma_wait3A_214 : memref<10240xf32, #tpu.memory_space<vmem_shared>>)
    %dma_start3A_215 = arith.constant 25 : i32
    %dma_start3A_216 = arith.constant 0 : i32
    %dma_start3A_217 = tpu.memref_slice %arg6[%dma_start3A_215, %dma_start3A_216] : memref<80x125xi32, #tpu.memory_space<vmem>> -> memref<1x125xi32, #tpu.memory_space<vmem>>
    %dma_start3A_218 = tpu.memref_squeeze %dma_start3A_217 : memref<1x125xi32, #tpu.memory_space<vmem>> -> memref<125xi32, #tpu.memory_space<vmem>>
    %dma_start3A_219 = arith.constant 0 : i32
    %dma_start3A_220 = tpu.memref_slice %arg8[%dma_start3A_219] : memref<10240xf32, #tpu.memory_space<vmem_shared>> -> memref<10240xf32, #tpu.memory_space<vmem_shared>>
    tpu.enqueue_indirect_dma source(%arg7 : memref<125xf32, #tpu.memory_space<vmem>>) target(%dma_start3A_220 : memref<10240xf32, #tpu.memory_space<vmem_shared>>) offsets(%dma_start3A_218 : memref<125xi32, #tpu.memory_space<vmem>>) semaphore(%arg9 : memref<!tpu.dma_semaphore, #tpu.memory_space<semaphore_mem>>) {add = true}
    %dma_wait3A_221 = arith.constant 0 : i32
    %dma_wait3A_222 = arith.constant 0 : i32
    %dma_wait3A_223 = tpu.memref_slice %arg6[%dma_wait3A_221, %dma_wait3A_222] : memref<80x125xi32, #tpu.memory_space<vmem>> -> memref<1x125xi32, #tpu.memory_space<vmem>>
    %dma_wait3A_224 = tpu.memref_squeeze %dma_wait3A_223 : memref<1x125xi32, #tpu.memory_space<vmem>> -> memref<125xi32, #tpu.memory_space<vmem>>
    %dma_wait3A_225 = arith.constant 0 : i32
    %dma_wait3A_226 = tpu.memref_slice %arg8[%dma_wait3A_225] : memref<10240xf32, #tpu.memory_space<vmem_shared>> -> memref<10240xf32, #tpu.memory_space<vmem_shared>>
    tpu.wait_indirect_dma semaphore(%arg9 : memref<!tpu.dma_semaphore, #tpu.memory_space<semaphore_mem>>) src(%arg7 : memref<125xf32, #tpu.memory_space<vmem>>) dst(%dma_wait3A_226 : memref<10240xf32, #tpu.memory_space<vmem_shared>>)
    %dma_start3A_227 = arith.constant 26 : i32
    %dma_start3A_228 = arith.constant 0 : i32
    %dma_start3A_229 = tpu.memref_slice %arg6[%dma_start3A_227, %dma_start3A_228] : memref<80x125xi32, #tpu.memory_space<vmem>> -> memref<1x125xi32, #tpu.memory_space<vmem>>
    %dma_start3A_230 = tpu.memref_squeeze %dma_start3A_229 : memref<1x125xi32, #tpu.memory_space<vmem>> -> memref<125xi32, #tpu.memory_space<vmem>>
    %dma_start3A_231 = arith.constant 0 : i32
    %dma_start3A_232 = tpu.memref_slice %arg8[%dma_start3A_231] : memref<10240xf32, #tpu.memory_space<vmem_shared>> -> memref<10240xf32, #tpu.memory_space<vmem_shared>>
    tpu.enqueue_indirect_dma source(%arg7 : memref<125xf32, #tpu.memory_space<vmem>>) target(%dma_start3A_232 : memref<10240xf32, #tpu.memory_space<vmem_shared>>) offsets(%dma_start3A_230 : memref<125xi32, #tpu.memory_space<vmem>>) semaphore(%arg9 : memref<!tpu.dma_semaphore, #tpu.memory_space<semaphore_mem>>) {add = true}
    %dma_wait3A_233 = arith.constant 0 : i32
    %dma_wait3A_234 = arith.constant 0 : i32
    %dma_wait3A_235 = tpu.memref_slice %arg6[%dma_wait3A_233, %dma_wait3A_234] : memref<80x125xi32, #tpu.memory_space<vmem>> -> memref<1x125xi32, #tpu.memory_space<vmem>>
    %dma_wait3A_236 = tpu.memref_squeeze %dma_wait3A_235 : memref<1x125xi32, #tpu.memory_space<vmem>> -> memref<125xi32, #tpu.memory_space<vmem>>
    %dma_wait3A_237 = arith.constant 0 : i32
    %dma_wait3A_238 = tpu.memref_slice %arg8[%dma_wait3A_237] : memref<10240xf32, #tpu.memory_space<vmem_shared>> -> memref<10240xf32, #tpu.memory_space<vmem_shared>>
    tpu.wait_indirect_dma semaphore(%arg9 : memref<!tpu.dma_semaphore, #tpu.memory_space<semaphore_mem>>) src(%arg7 : memref<125xf32, #tpu.memory_space<vmem>>) dst(%dma_wait3A_238 : memref<10240xf32, #tpu.memory_space<vmem_shared>>)
    %dma_start3A_239 = arith.constant 27 : i32
    %dma_start3A_240 = arith.constant 0 : i32
    %dma_start3A_241 = tpu.memref_slice %arg6[%dma_start3A_239, %dma_start3A_240] : memref<80x125xi32, #tpu.memory_space<vmem>> -> memref<1x125xi32, #tpu.memory_space<vmem>>
    %dma_start3A_242 = tpu.memref_squeeze %dma_start3A_241 : memref<1x125xi32, #tpu.memory_space<vmem>> -> memref<125xi32, #tpu.memory_space<vmem>>
    %dma_start3A_243 = arith.constant 0 : i32
    %dma_start3A_244 = tpu.memref_slice %arg8[%dma_start3A_243] : memref<10240xf32, #tpu.memory_space<vmem_shared>> -> memref<10240xf32, #tpu.memory_space<vmem_shared>>
    tpu.enqueue_indirect_dma source(%arg7 : memref<125xf32, #tpu.memory_space<vmem>>) target(%dma_start3A_244 : memref<10240xf32, #tpu.memory_space<vmem_shared>>) offsets(%dma_start3A_242 : memref<125xi32, #tpu.memory_space<vmem>>) semaphore(%arg9 : memref<!tpu.dma_semaphore, #tpu.memory_space<semaphore_mem>>) {add = true}
    %dma_wait3A_245 = arith.constant 0 : i32
    %dma_wait3A_246 = arith.constant 0 : i32
    %dma_wait3A_247 = tpu.memref_slice %arg6[%dma_wait3A_245, %dma_wait3A_246] : memref<80x125xi32, #tpu.memory_space<vmem>> -> memref<1x125xi32, #tpu.memory_space<vmem>>
    %dma_wait3A_248 = tpu.memref_squeeze %dma_wait3A_247 : memref<1x125xi32, #tpu.memory_space<vmem>> -> memref<125xi32, #tpu.memory_space<vmem>>
    %dma_wait3A_249 = arith.constant 0 : i32
    %dma_wait3A_250 = tpu.memref_slice %arg8[%dma_wait3A_249] : memref<10240xf32, #tpu.memory_space<vmem_shared>> -> memref<10240xf32, #tpu.memory_space<vmem_shared>>
    tpu.wait_indirect_dma semaphore(%arg9 : memref<!tpu.dma_semaphore, #tpu.memory_space<semaphore_mem>>) src(%arg7 : memref<125xf32, #tpu.memory_space<vmem>>) dst(%dma_wait3A_250 : memref<10240xf32, #tpu.memory_space<vmem_shared>>)
    %dma_start3A_251 = arith.constant 28 : i32
    %dma_start3A_252 = arith.constant 0 : i32
    %dma_start3A_253 = tpu.memref_slice %arg6[%dma_start3A_251, %dma_start3A_252] : memref<80x125xi32, #tpu.memory_space<vmem>> -> memref<1x125xi32, #tpu.memory_space<vmem>>
    %dma_start3A_254 = tpu.memref_squeeze %dma_start3A_253 : memref<1x125xi32, #tpu.memory_space<vmem>> -> memref<125xi32, #tpu.memory_space<vmem>>
    %dma_start3A_255 = arith.constant 0 : i32
    %dma_start3A_256 = tpu.memref_slice %arg8[%dma_start3A_255] : memref<10240xf32, #tpu.memory_space<vmem_shared>> -> memref<10240xf32, #tpu.memory_space<vmem_shared>>
    tpu.enqueue_indirect_dma source(%arg7 : memref<125xf32, #tpu.memory_space<vmem>>) target(%dma_start3A_256 : memref<10240xf32, #tpu.memory_space<vmem_shared>>) offsets(%dma_start3A_254 : memref<125xi32, #tpu.memory_space<vmem>>) semaphore(%arg9 : memref<!tpu.dma_semaphore, #tpu.memory_space<semaphore_mem>>) {add = true}
    %dma_wait3A_257 = arith.constant 0 : i32
    %dma_wait3A_258 = arith.constant 0 : i32
    %dma_wait3A_259 = tpu.memref_slice %arg6[%dma_wait3A_257, %dma_wait3A_258] : memref<80x125xi32, #tpu.memory_space<vmem>> -> memref<1x125xi32, #tpu.memory_space<vmem>>
    %dma_wait3A_260 = tpu.memref_squeeze %dma_wait3A_259 : memref<1x125xi32, #tpu.memory_space<vmem>> -> memref<125xi32, #tpu.memory_space<vmem>>
    %dma_wait3A_261 = arith.constant 0 : i32
    %dma_wait3A_262 = tpu.memref_slice %arg8[%dma_wait3A_261] : memref<10240xf32, #tpu.memory_space<vmem_shared>> -> memref<10240xf32, #tpu.memory_space<vmem_shared>>
    tpu.wait_indirect_dma semaphore(%arg9 : memref<!tpu.dma_semaphore, #tpu.memory_space<semaphore_mem>>) src(%arg7 : memref<125xf32, #tpu.memory_space<vmem>>) dst(%dma_wait3A_262 : memref<10240xf32, #tpu.memory_space<vmem_shared>>)
    %dma_start3A_263 = arith.constant 29 : i32
    %dma_start3A_264 = arith.constant 0 : i32
    %dma_start3A_265 = tpu.memref_slice %arg6[%dma_start3A_263, %dma_start3A_264] : memref<80x125xi32, #tpu.memory_space<vmem>> -> memref<1x125xi32, #tpu.memory_space<vmem>>
    %dma_start3A_266 = tpu.memref_squeeze %dma_start3A_265 : memref<1x125xi32, #tpu.memory_space<vmem>> -> memref<125xi32, #tpu.memory_space<vmem>>
    %dma_start3A_267 = arith.constant 0 : i32
    %dma_start3A_268 = tpu.memref_slice %arg8[%dma_start3A_267] : memref<10240xf32, #tpu.memory_space<vmem_shared>> -> memref<10240xf32, #tpu.memory_space<vmem_shared>>
    tpu.enqueue_indirect_dma source(%arg7 : memref<125xf32, #tpu.memory_space<vmem>>) target(%dma_start3A_268 : memref<10240xf32, #tpu.memory_space<vmem_shared>>) offsets(%dma_start3A_266 : memref<125xi32, #tpu.memory_space<vmem>>) semaphore(%arg9 : memref<!tpu.dma_semaphore, #tpu.memory_space<semaphore_mem>>) {add = true}
    %dma_wait3A_269 = arith.constant 0 : i32
    %dma_wait3A_270 = arith.constant 0 : i32
    %dma_wait3A_271 = tpu.memref_slice %arg6[%dma_wait3A_269, %dma_wait3A_270] : memref<80x125xi32, #tpu.memory_space<vmem>> -> memref<1x125xi32, #tpu.memory_space<vmem>>
    %dma_wait3A_272 = tpu.memref_squeeze %dma_wait3A_271 : memref<1x125xi32, #tpu.memory_space<vmem>> -> memref<125xi32, #tpu.memory_space<vmem>>
    %dma_wait3A_273 = arith.constant 0 : i32
    %dma_wait3A_274 = tpu.memref_slice %arg8[%dma_wait3A_273] : memref<10240xf32, #tpu.memory_space<vmem_shared>> -> memref<10240xf32, #tpu.memory_space<vmem_shared>>
    tpu.wait_indirect_dma semaphore(%arg9 : memref<!tpu.dma_semaphore, #tpu.memory_space<semaphore_mem>>) src(%arg7 : memref<125xf32, #tpu.memory_space<vmem>>) dst(%dma_wait3A_274 : memref<10240xf32, #tpu.memory_space<vmem_shared>>)
    %dma_start3A_275 = arith.constant 30 : i32
    %dma_start3A_276 = arith.constant 0 : i32
    %dma_start3A_277 = tpu.memref_slice %arg6[%dma_start3A_275, %dma_start3A_276] : memref<80x125xi32, #tpu.memory_space<vmem>> -> memref<1x125xi32, #tpu.memory_space<vmem>>
    %dma_start3A_278 = tpu.memref_squeeze %dma_start3A_277 : memref<1x125xi32, #tpu.memory_space<vmem>> -> memref<125xi32, #tpu.memory_space<vmem>>
    %dma_start3A_279 = arith.constant 0 : i32
    %dma_start3A_280 = tpu.memref_slice %arg8[%dma_start3A_279] : memref<10240xf32, #tpu.memory_space<vmem_shared>> -> memref<10240xf32, #tpu.memory_space<vmem_shared>>
    tpu.enqueue_indirect_dma source(%arg7 : memref<125xf32, #tpu.memory_space<vmem>>) target(%dma_start3A_280 : memref<10240xf32, #tpu.memory_space<vmem_shared>>) offsets(%dma_start3A_278 : memref<125xi32, #tpu.memory_space<vmem>>) semaphore(%arg9 : memref<!tpu.dma_semaphore, #tpu.memory_space<semaphore_mem>>) {add = true}
    %dma_wait3A_281 = arith.constant 0 : i32
    %dma_wait3A_282 = arith.constant 0 : i32
    %dma_wait3A_283 = tpu.memref_slice %arg6[%dma_wait3A_281, %dma_wait3A_282] : memref<80x125xi32, #tpu.memory_space<vmem>> -> memref<1x125xi32, #tpu.memory_space<vmem>>
    %dma_wait3A_284 = tpu.memref_squeeze %dma_wait3A_283 : memref<1x125xi32, #tpu.memory_space<vmem>> -> memref<125xi32, #tpu.memory_space<vmem>>
    %dma_wait3A_285 = arith.constant 0 : i32
    %dma_wait3A_286 = tpu.memref_slice %arg8[%dma_wait3A_285] : memref<10240xf32, #tpu.memory_space<vmem_shared>> -> memref<10240xf32, #tpu.memory_space<vmem_shared>>
    tpu.wait_indirect_dma semaphore(%arg9 : memref<!tpu.dma_semaphore, #tpu.memory_space<semaphore_mem>>) src(%arg7 : memref<125xf32, #tpu.memory_space<vmem>>) dst(%dma_wait3A_286 : memref<10240xf32, #tpu.memory_space<vmem_shared>>)
    %dma_start3A_287 = arith.constant 31 : i32
    %dma_start3A_288 = arith.constant 0 : i32
    %dma_start3A_289 = tpu.memref_slice %arg6[%dma_start3A_287, %dma_start3A_288] : memref<80x125xi32, #tpu.memory_space<vmem>> -> memref<1x125xi32, #tpu.memory_space<vmem>>
    %dma_start3A_290 = tpu.memref_squeeze %dma_start3A_289 : memref<1x125xi32, #tpu.memory_space<vmem>> -> memref<125xi32, #tpu.memory_space<vmem>>
    %dma_start3A_291 = arith.constant 0 : i32
    %dma_start3A_292 = tpu.memref_slice %arg8[%dma_start3A_291] : memref<10240xf32, #tpu.memory_space<vmem_shared>> -> memref<10240xf32, #tpu.memory_space<vmem_shared>>
    tpu.enqueue_indirect_dma source(%arg7 : memref<125xf32, #tpu.memory_space<vmem>>) target(%dma_start3A_292 : memref<10240xf32, #tpu.memory_space<vmem_shared>>) offsets(%dma_start3A_290 : memref<125xi32, #tpu.memory_space<vmem>>) semaphore(%arg9 : memref<!tpu.dma_semaphore, #tpu.memory_space<semaphore_mem>>) {add = true}
    %dma_wait3A_293 = arith.constant 0 : i32
    %dma_wait3A_294 = arith.constant 0 : i32
    %dma_wait3A_295 = tpu.memref_slice %arg6[%dma_wait3A_293, %dma_wait3A_294] : memref<80x125xi32, #tpu.memory_space<vmem>> -> memref<1x125xi32, #tpu.memory_space<vmem>>
    %dma_wait3A_296 = tpu.memref_squeeze %dma_wait3A_295 : memref<1x125xi32, #tpu.memory_space<vmem>> -> memref<125xi32, #tpu.memory_space<vmem>>
    %dma_wait3A_297 = arith.constant 0 : i32
    %dma_wait3A_298 = tpu.memref_slice %arg8[%dma_wait3A_297] : memref<10240xf32, #tpu.memory_space<vmem_shared>> -> memref<10240xf32, #tpu.memory_space<vmem_shared>>
    tpu.wait_indirect_dma semaphore(%arg9 : memref<!tpu.dma_semaphore, #tpu.memory_space<semaphore_mem>>) src(%arg7 : memref<125xf32, #tpu.memory_space<vmem>>) dst(%dma_wait3A_298 : memref<10240xf32, #tpu.memory_space<vmem_shared>>)
    %dma_start3A_299 = arith.constant 32 : i32
    %dma_start3A_300 = arith.constant 0 : i32
    %dma_start3A_301 = tpu.memref_slice %arg6[%dma_start3A_299, %dma_start3A_300] : memref<80x125xi32, #tpu.memory_space<vmem>> -> memref<1x125xi32, #tpu.memory_space<vmem>>
    %dma_start3A_302 = tpu.memref_squeeze %dma_start3A_301 : memref<1x125xi32, #tpu.memory_space<vmem>> -> memref<125xi32, #tpu.memory_space<vmem>>
    %dma_start3A_303 = arith.constant 0 : i32
    %dma_start3A_304 = tpu.memref_slice %arg8[%dma_start3A_303] : memref<10240xf32, #tpu.memory_space<vmem_shared>> -> memref<10240xf32, #tpu.memory_space<vmem_shared>>
    tpu.enqueue_indirect_dma source(%arg7 : memref<125xf32, #tpu.memory_space<vmem>>) target(%dma_start3A_304 : memref<10240xf32, #tpu.memory_space<vmem_shared>>) offsets(%dma_start3A_302 : memref<125xi32, #tpu.memory_space<vmem>>) semaphore(%arg9 : memref<!tpu.dma_semaphore, #tpu.memory_space<semaphore_mem>>) {add = true}
    %dma_wait3A_305 = arith.constant 0 : i32
    %dma_wait3A_306 = arith.constant 0 : i32
    %dma_wait3A_307 = tpu.memref_slice %arg6[%dma_wait3A_305, %dma_wait3A_306] : memref<80x125xi32, #tpu.memory_space<vmem>> -> memref<1x125xi32, #tpu.memory_space<vmem>>
    %dma_wait3A_308 = tpu.memref_squeeze %dma_wait3A_307 : memref<1x125xi32, #tpu.memory_space<vmem>> -> memref<125xi32, #tpu.memory_space<vmem>>
    %dma_wait3A_309 = arith.constant 0 : i32
    %dma_wait3A_310 = tpu.memref_slice %arg8[%dma_wait3A_309] : memref<10240xf32, #tpu.memory_space<vmem_shared>> -> memref<10240xf32, #tpu.memory_space<vmem_shared>>
    tpu.wait_indirect_dma semaphore(%arg9 : memref<!tpu.dma_semaphore, #tpu.memory_space<semaphore_mem>>) src(%arg7 : memref<125xf32, #tpu.memory_space<vmem>>) dst(%dma_wait3A_310 : memref<10240xf32, #tpu.memory_space<vmem_shared>>)
    %dma_start3A_311 = arith.constant 33 : i32
    %dma_start3A_312 = arith.constant 0 : i32
    %dma_start3A_313 = tpu.memref_slice %arg6[%dma_start3A_311, %dma_start3A_312] : memref<80x125xi32, #tpu.memory_space<vmem>> -> memref<1x125xi32, #tpu.memory_space<vmem>>
    %dma_start3A_314 = tpu.memref_squeeze %dma_start3A_313 : memref<1x125xi32, #tpu.memory_space<vmem>> -> memref<125xi32, #tpu.memory_space<vmem>>
    %dma_start3A_315 = arith.constant 0 : i32
    %dma_start3A_316 = tpu.memref_slice %arg8[%dma_start3A_315] : memref<10240xf32, #tpu.memory_space<vmem_shared>> -> memref<10240xf32, #tpu.memory_space<vmem_shared>>
    tpu.enqueue_indirect_dma source(%arg7 : memref<125xf32, #tpu.memory_space<vmem>>) target(%dma_start3A_316 : memref<10240xf32, #tpu.memory_space<vmem_shared>>) offsets(%dma_start3A_314 : memref<125xi32, #tpu.memory_space<vmem>>) semaphore(%arg9 : memref<!tpu.dma_semaphore, #tpu.memory_space<semaphore_mem>>) {add = true}
    %dma_wait3A_317 = arith.constant 0 : i32
    %dma_wait3A_318 = arith.constant 0 : i32
    %dma_wait3A_319 = tpu.memref_slice %arg6[%dma_wait3A_317, %dma_wait3A_318] : memref<80x125xi32, #tpu.memory_space<vmem>> -> memref<1x125xi32, #tpu.memory_space<vmem>>
    %dma_wait3A_320 = tpu.memref_squeeze %dma_wait3A_319 : memref<1x125xi32, #tpu.memory_space<vmem>> -> memref<125xi32, #tpu.memory_space<vmem>>
    %dma_wait3A_321 = arith.constant 0 : i32
    %dma_wait3A_322 = tpu.memref_slice %arg8[%dma_wait3A_321] : memref<10240xf32, #tpu.memory_space<vmem_shared>> -> memref<10240xf32, #tpu.memory_space<vmem_shared>>
    tpu.wait_indirect_dma semaphore(%arg9 : memref<!tpu.dma_semaphore, #tpu.memory_space<semaphore_mem>>) src(%arg7 : memref<125xf32, #tpu.memory_space<vmem>>) dst(%dma_wait3A_322 : memref<10240xf32, #tpu.memory_space<vmem_shared>>)
    %dma_start3A_323 = arith.constant 34 : i32
    %dma_start3A_324 = arith.constant 0 : i32
    %dma_start3A_325 = tpu.memref_slice %arg6[%dma_start3A_323, %dma_start3A_324] : memref<80x125xi32, #tpu.memory_space<vmem>> -> memref<1x125xi32, #tpu.memory_space<vmem>>
    %dma_start3A_326 = tpu.memref_squeeze %dma_start3A_325 : memref<1x125xi32, #tpu.memory_space<vmem>> -> memref<125xi32, #tpu.memory_space<vmem>>
    %dma_start3A_327 = arith.constant 0 : i32
    %dma_start3A_328 = tpu.memref_slice %arg8[%dma_start3A_327] : memref<10240xf32, #tpu.memory_space<vmem_shared>> -> memref<10240xf32, #tpu.memory_space<vmem_shared>>
    tpu.enqueue_indirect_dma source(%arg7 : memref<125xf32, #tpu.memory_space<vmem>>) target(%dma_start3A_328 : memref<10240xf32, #tpu.memory_space<vmem_shared>>) offsets(%dma_start3A_326 : memref<125xi32, #tpu.memory_space<vmem>>) semaphore(%arg9 : memref<!tpu.dma_semaphore, #tpu.memory_space<semaphore_mem>>) {add = true}
    %dma_wait3A_329 = arith.constant 0 : i32
    %dma_wait3A_330 = arith.constant 0 : i32
    %dma_wait3A_331 = tpu.memref_slice %arg6[%dma_wait3A_329, %dma_wait3A_330] : memref<80x125xi32, #tpu.memory_space<vmem>> -> memref<1x125xi32, #tpu.memory_space<vmem>>
    %dma_wait3A_332 = tpu.memref_squeeze %dma_wait3A_331 : memref<1x125xi32, #tpu.memory_space<vmem>> -> memref<125xi32, #tpu.memory_space<vmem>>
    %dma_wait3A_333 = arith.constant 0 : i32
    %dma_wait3A_334 = tpu.memref_slice %arg8[%dma_wait3A_333] : memref<10240xf32, #tpu.memory_space<vmem_shared>> -> memref<10240xf32, #tpu.memory_space<vmem_shared>>
    tpu.wait_indirect_dma semaphore(%arg9 : memref<!tpu.dma_semaphore, #tpu.memory_space<semaphore_mem>>) src(%arg7 : memref<125xf32, #tpu.memory_space<vmem>>) dst(%dma_wait3A_334 : memref<10240xf32, #tpu.memory_space<vmem_shared>>)
    %dma_start3A_335 = arith.constant 35 : i32
    %dma_start3A_336 = arith.constant 0 : i32
    %dma_start3A_337 = tpu.memref_slice %arg6[%dma_start3A_335, %dma_start3A_336] : memref<80x125xi32, #tpu.memory_space<vmem>> -> memref<1x125xi32, #tpu.memory_space<vmem>>
    %dma_start3A_338 = tpu.memref_squeeze %dma_start3A_337 : memref<1x125xi32, #tpu.memory_space<vmem>> -> memref<125xi32, #tpu.memory_space<vmem>>
    %dma_start3A_339 = arith.constant 0 : i32
    %dma_start3A_340 = tpu.memref_slice %arg8[%dma_start3A_339] : memref<10240xf32, #tpu.memory_space<vmem_shared>> -> memref<10240xf32, #tpu.memory_space<vmem_shared>>
    tpu.enqueue_indirect_dma source(%arg7 : memref<125xf32, #tpu.memory_space<vmem>>) target(%dma_start3A_340 : memref<10240xf32, #tpu.memory_space<vmem_shared>>) offsets(%dma_start3A_338 : memref<125xi32, #tpu.memory_space<vmem>>) semaphore(%arg9 : memref<!tpu.dma_semaphore, #tpu.memory_space<semaphore_mem>>) {add = true}
    %dma_wait3A_341 = arith.constant 0 : i32
    %dma_wait3A_342 = arith.constant 0 : i32
    %dma_wait3A_343 = tpu.memref_slice %arg6[%dma_wait3A_341, %dma_wait3A_342] : memref<80x125xi32, #tpu.memory_space<vmem>> -> memref<1x125xi32, #tpu.memory_space<vmem>>
    %dma_wait3A_344 = tpu.memref_squeeze %dma_wait3A_343 : memref<1x125xi32, #tpu.memory_space<vmem>> -> memref<125xi32, #tpu.memory_space<vmem>>
    %dma_wait3A_345 = arith.constant 0 : i32
    %dma_wait3A_346 = tpu.memref_slice %arg8[%dma_wait3A_345] : memref<10240xf32, #tpu.memory_space<vmem_shared>> -> memref<10240xf32, #tpu.memory_space<vmem_shared>>
    tpu.wait_indirect_dma semaphore(%arg9 : memref<!tpu.dma_semaphore, #tpu.memory_space<semaphore_mem>>) src(%arg7 : memref<125xf32, #tpu.memory_space<vmem>>) dst(%dma_wait3A_346 : memref<10240xf32, #tpu.memory_space<vmem_shared>>)
    %dma_start3A_347 = arith.constant 36 : i32
    %dma_start3A_348 = arith.constant 0 : i32
    %dma_start3A_349 = tpu.memref_slice %arg6[%dma_start3A_347, %dma_start3A_348] : memref<80x125xi32, #tpu.memory_space<vmem>> -> memref<1x125xi32, #tpu.memory_space<vmem>>
    %dma_start3A_350 = tpu.memref_squeeze %dma_start3A_349 : memref<1x125xi32, #tpu.memory_space<vmem>> -> memref<125xi32, #tpu.memory_space<vmem>>
    %dma_start3A_351 = arith.constant 0 : i32
    %dma_start3A_352 = tpu.memref_slice %arg8[%dma_start3A_351] : memref<10240xf32, #tpu.memory_space<vmem_shared>> -> memref<10240xf32, #tpu.memory_space<vmem_shared>>
    tpu.enqueue_indirect_dma source(%arg7 : memref<125xf32, #tpu.memory_space<vmem>>) target(%dma_start3A_352 : memref<10240xf32, #tpu.memory_space<vmem_shared>>) offsets(%dma_start3A_350 : memref<125xi32, #tpu.memory_space<vmem>>) semaphore(%arg9 : memref<!tpu.dma_semaphore, #tpu.memory_space<semaphore_mem>>) {add = true}
    %dma_wait3A_353 = arith.constant 0 : i32
    %dma_wait3A_354 = arith.constant 0 : i32
    %dma_wait3A_355 = tpu.memref_slice %arg6[%dma_wait3A_353, %dma_wait3A_354] : memref<80x125xi32, #tpu.memory_space<vmem>> -> memref<1x125xi32, #tpu.memory_space<vmem>>
    %dma_wait3A_356 = tpu.memref_squeeze %dma_wait3A_355 : memref<1x125xi32, #tpu.memory_space<vmem>> -> memref<125xi32, #tpu.memory_space<vmem>>
    %dma_wait3A_357 = arith.constant 0 : i32
    %dma_wait3A_358 = tpu.memref_slice %arg8[%dma_wait3A_357] : memref<10240xf32, #tpu.memory_space<vmem_shared>> -> memref<10240xf32, #tpu.memory_space<vmem_shared>>
    tpu.wait_indirect_dma semaphore(%arg9 : memref<!tpu.dma_semaphore, #tpu.memory_space<semaphore_mem>>) src(%arg7 : memref<125xf32, #tpu.memory_space<vmem>>) dst(%dma_wait3A_358 : memref<10240xf32, #tpu.memory_space<vmem_shared>>)
    %dma_start3A_359 = arith.constant 37 : i32
    %dma_start3A_360 = arith.constant 0 : i32
    %dma_start3A_361 = tpu.memref_slice %arg6[%dma_start3A_359, %dma_start3A_360] : memref<80x125xi32, #tpu.memory_space<vmem>> -> memref<1x125xi32, #tpu.memory_space<vmem>>
    %dma_start3A_362 = tpu.memref_squeeze %dma_start3A_361 : memref<1x125xi32, #tpu.memory_space<vmem>> -> memref<125xi32, #tpu.memory_space<vmem>>
    %dma_start3A_363 = arith.constant 0 : i32
    %dma_start3A_364 = tpu.memref_slice %arg8[%dma_start3A_363] : memref<10240xf32, #tpu.memory_space<vmem_shared>> -> memref<10240xf32, #tpu.memory_space<vmem_shared>>
    tpu.enqueue_indirect_dma source(%arg7 : memref<125xf32, #tpu.memory_space<vmem>>) target(%dma_start3A_364 : memref<10240xf32, #tpu.memory_space<vmem_shared>>) offsets(%dma_start3A_362 : memref<125xi32, #tpu.memory_space<vmem>>) semaphore(%arg9 : memref<!tpu.dma_semaphore, #tpu.memory_space<semaphore_mem>>) {add = true}
    %dma_wait3A_365 = arith.constant 0 : i32
    %dma_wait3A_366 = arith.constant 0 : i32
    %dma_wait3A_367 = tpu.memref_slice %arg6[%dma_wait3A_365, %dma_wait3A_366] : memref<80x125xi32, #tpu.memory_space<vmem>> -> memref<1x125xi32, #tpu.memory_space<vmem>>
    %dma_wait3A_368 = tpu.memref_squeeze %dma_wait3A_367 : memref<1x125xi32, #tpu.memory_space<vmem>> -> memref<125xi32, #tpu.memory_space<vmem>>
    %dma_wait3A_369 = arith.constant 0 : i32
    %dma_wait3A_370 = tpu.memref_slice %arg8[%dma_wait3A_369] : memref<10240xf32, #tpu.memory_space<vmem_shared>> -> memref<10240xf32, #tpu.memory_space<vmem_shared>>
    tpu.wait_indirect_dma semaphore(%arg9 : memref<!tpu.dma_semaphore, #tpu.memory_space<semaphore_mem>>) src(%arg7 : memref<125xf32, #tpu.memory_space<vmem>>) dst(%dma_wait3A_370 : memref<10240xf32, #tpu.memory_space<vmem_shared>>)
    %dma_start3A_371 = arith.constant 38 : i32
    %dma_start3A_372 = arith.constant 0 : i32
    %dma_start3A_373 = tpu.memref_slice %arg6[%dma_start3A_371, %dma_start3A_372] : memref<80x125xi32, #tpu.memory_space<vmem>> -> memref<1x125xi32, #tpu.memory_space<vmem>>
    %dma_start3A_374 = tpu.memref_squeeze %dma_start3A_373 : memref<1x125xi32, #tpu.memory_space<vmem>> -> memref<125xi32, #tpu.memory_space<vmem>>
    %dma_start3A_375 = arith.constant 0 : i32
    %dma_start3A_376 = tpu.memref_slice %arg8[%dma_start3A_375] : memref<10240xf32, #tpu.memory_space<vmem_shared>> -> memref<10240xf32, #tpu.memory_space<vmem_shared>>
    tpu.enqueue_indirect_dma source(%arg7 : memref<125xf32, #tpu.memory_space<vmem>>) target(%dma_start3A_376 : memref<10240xf32, #tpu.memory_space<vmem_shared>>) offsets(%dma_start3A_374 : memref<125xi32, #tpu.memory_space<vmem>>) semaphore(%arg9 : memref<!tpu.dma_semaphore, #tpu.memory_space<semaphore_mem>>) {add = true}
    %dma_wait3A_377 = arith.constant 0 : i32
    %dma_wait3A_378 = arith.constant 0 : i32
    %dma_wait3A_379 = tpu.memref_slice %arg6[%dma_wait3A_377, %dma_wait3A_378] : memref<80x125xi32, #tpu.memory_space<vmem>> -> memref<1x125xi32, #tpu.memory_space<vmem>>
    %dma_wait3A_380 = tpu.memref_squeeze %dma_wait3A_379 : memref<1x125xi32, #tpu.memory_space<vmem>> -> memref<125xi32, #tpu.memory_space<vmem>>
    %dma_wait3A_381 = arith.constant 0 : i32
    %dma_wait3A_382 = tpu.memref_slice %arg8[%dma_wait3A_381] : memref<10240xf32, #tpu.memory_space<vmem_shared>> -> memref<10240xf32, #tpu.memory_space<vmem_shared>>
    tpu.wait_indirect_dma semaphore(%arg9 : memref<!tpu.dma_semaphore, #tpu.memory_space<semaphore_mem>>) src(%arg7 : memref<125xf32, #tpu.memory_space<vmem>>) dst(%dma_wait3A_382 : memref<10240xf32, #tpu.memory_space<vmem_shared>>)
    %dma_start3A_383 = arith.constant 39 : i32
    %dma_start3A_384 = arith.constant 0 : i32
    %dma_start3A_385 = tpu.memref_slice %arg6[%dma_start3A_383, %dma_start3A_384] : memref<80x125xi32, #tpu.memory_space<vmem>> -> memref<1x125xi32, #tpu.memory_space<vmem>>
    %dma_start3A_386 = tpu.memref_squeeze %dma_start3A_385 : memref<1x125xi32, #tpu.memory_space<vmem>> -> memref<125xi32, #tpu.memory_space<vmem>>
    %dma_start3A_387 = arith.constant 0 : i32
    %dma_start3A_388 = tpu.memref_slice %arg8[%dma_start3A_387] : memref<10240xf32, #tpu.memory_space<vmem_shared>> -> memref<10240xf32, #tpu.memory_space<vmem_shared>>
    tpu.enqueue_indirect_dma source(%arg7 : memref<125xf32, #tpu.memory_space<vmem>>) target(%dma_start3A_388 : memref<10240xf32, #tpu.memory_space<vmem_shared>>) offsets(%dma_start3A_386 : memref<125xi32, #tpu.memory_space<vmem>>) semaphore(%arg9 : memref<!tpu.dma_semaphore, #tpu.memory_space<semaphore_mem>>) {add = true}
    %dma_wait3A_389 = arith.constant 0 : i32
    %dma_wait3A_390 = arith.constant 0 : i32
    %dma_wait3A_391 = tpu.memref_slice %arg6[%dma_wait3A_389, %dma_wait3A_390] : memref<80x125xi32, #tpu.memory_space<vmem>> -> memref<1x125xi32, #tpu.memory_space<vmem>>
    %dma_wait3A_392 = tpu.memref_squeeze %dma_wait3A_391 : memref<1x125xi32, #tpu.memory_space<vmem>> -> memref<125xi32, #tpu.memory_space<vmem>>
    %dma_wait3A_393 = arith.constant 0 : i32
    %dma_wait3A_394 = tpu.memref_slice %arg8[%dma_wait3A_393] : memref<10240xf32, #tpu.memory_space<vmem_shared>> -> memref<10240xf32, #tpu.memory_space<vmem_shared>>
    tpu.wait_indirect_dma semaphore(%arg9 : memref<!tpu.dma_semaphore, #tpu.memory_space<semaphore_mem>>) src(%arg7 : memref<125xf32, #tpu.memory_space<vmem>>) dst(%dma_wait3A_394 : memref<10240xf32, #tpu.memory_space<vmem_shared>>)
    %dma_start3A_395 = arith.constant 40 : i32
    %dma_start3A_396 = arith.constant 0 : i32
    %dma_start3A_397 = tpu.memref_slice %arg6[%dma_start3A_395, %dma_start3A_396] : memref<80x125xi32, #tpu.memory_space<vmem>> -> memref<1x125xi32, #tpu.memory_space<vmem>>
    %dma_start3A_398 = tpu.memref_squeeze %dma_start3A_397 : memref<1x125xi32, #tpu.memory_space<vmem>> -> memref<125xi32, #tpu.memory_space<vmem>>
    %dma_start3A_399 = arith.constant 0 : i32
    %dma_start3A_400 = tpu.memref_slice %arg8[%dma_start3A_399] : memref<10240xf32, #tpu.memory_space<vmem_shared>> -> memref<10240xf32, #tpu.memory_space<vmem_shared>>
    tpu.enqueue_indirect_dma source(%arg7 : memref<125xf32, #tpu.memory_space<vmem>>) target(%dma_start3A_400 : memref<10240xf32, #tpu.memory_space<vmem_shared>>) offsets(%dma_start3A_398 : memref<125xi32, #tpu.memory_space<vmem>>) semaphore(%arg9 : memref<!tpu.dma_semaphore, #tpu.memory_space<semaphore_mem>>) {add = true}
    %dma_wait3A_401 = arith.constant 0 : i32
    %dma_wait3A_402 = arith.constant 0 : i32
    %dma_wait3A_403 = tpu.memref_slice %arg6[%dma_wait3A_401, %dma_wait3A_402] : memref<80x125xi32, #tpu.memory_space<vmem>> -> memref<1x125xi32, #tpu.memory_space<vmem>>
    %dma_wait3A_404 = tpu.memref_squeeze %dma_wait3A_403 : memref<1x125xi32, #tpu.memory_space<vmem>> -> memref<125xi32, #tpu.memory_space<vmem>>
    %dma_wait3A_405 = arith.constant 0 : i32
    %dma_wait3A_406 = tpu.memref_slice %arg8[%dma_wait3A_405] : memref<10240xf32, #tpu.memory_space<vmem_shared>> -> memref<10240xf32, #tpu.memory_space<vmem_shared>>
    tpu.wait_indirect_dma semaphore(%arg9 : memref<!tpu.dma_semaphore, #tpu.memory_space<semaphore_mem>>) src(%arg7 : memref<125xf32, #tpu.memory_space<vmem>>) dst(%dma_wait3A_406 : memref<10240xf32, #tpu.memory_space<vmem_shared>>)
    %dma_start3A_407 = arith.constant 41 : i32
    %dma_start3A_408 = arith.constant 0 : i32
    %dma_start3A_409 = tpu.memref_slice %arg6[%dma_start3A_407, %dma_start3A_408] : memref<80x125xi32, #tpu.memory_space<vmem>> -> memref<1x125xi32, #tpu.memory_space<vmem>>
    %dma_start3A_410 = tpu.memref_squeeze %dma_start3A_409 : memref<1x125xi32, #tpu.memory_space<vmem>> -> memref<125xi32, #tpu.memory_space<vmem>>
    %dma_start3A_411 = arith.constant 0 : i32
    %dma_start3A_412 = tpu.memref_slice %arg8[%dma_start3A_411] : memref<10240xf32, #tpu.memory_space<vmem_shared>> -> memref<10240xf32, #tpu.memory_space<vmem_shared>>
    tpu.enqueue_indirect_dma source(%arg7 : memref<125xf32, #tpu.memory_space<vmem>>) target(%dma_start3A_412 : memref<10240xf32, #tpu.memory_space<vmem_shared>>) offsets(%dma_start3A_410 : memref<125xi32, #tpu.memory_space<vmem>>) semaphore(%arg9 : memref<!tpu.dma_semaphore, #tpu.memory_space<semaphore_mem>>) {add = true}
    %dma_wait3A_413 = arith.constant 0 : i32
    %dma_wait3A_414 = arith.constant 0 : i32
    %dma_wait3A_415 = tpu.memref_slice %arg6[%dma_wait3A_413, %dma_wait3A_414] : memref<80x125xi32, #tpu.memory_space<vmem>> -> memref<1x125xi32, #tpu.memory_space<vmem>>
    %dma_wait3A_416 = tpu.memref_squeeze %dma_wait3A_415 : memref<1x125xi32, #tpu.memory_space<vmem>> -> memref<125xi32, #tpu.memory_space<vmem>>
    %dma_wait3A_417 = arith.constant 0 : i32
    %dma_wait3A_418 = tpu.memref_slice %arg8[%dma_wait3A_417] : memref<10240xf32, #tpu.memory_space<vmem_shared>> -> memref<10240xf32, #tpu.memory_space<vmem_shared>>
    tpu.wait_indirect_dma semaphore(%arg9 : memref<!tpu.dma_semaphore, #tpu.memory_space<semaphore_mem>>) src(%arg7 : memref<125xf32, #tpu.memory_space<vmem>>) dst(%dma_wait3A_418 : memref<10240xf32, #tpu.memory_space<vmem_shared>>)
    %dma_start3A_419 = arith.constant 42 : i32
    %dma_start3A_420 = arith.constant 0 : i32
    %dma_start3A_421 = tpu.memref_slice %arg6[%dma_start3A_419, %dma_start3A_420] : memref<80x125xi32, #tpu.memory_space<vmem>> -> memref<1x125xi32, #tpu.memory_space<vmem>>
    %dma_start3A_422 = tpu.memref_squeeze %dma_start3A_421 : memref<1x125xi32, #tpu.memory_space<vmem>> -> memref<125xi32, #tpu.memory_space<vmem>>
    %dma_start3A_423 = arith.constant 0 : i32
    %dma_start3A_424 = tpu.memref_slice %arg8[%dma_start3A_423] : memref<10240xf32, #tpu.memory_space<vmem_shared>> -> memref<10240xf32, #tpu.memory_space<vmem_shared>>
    tpu.enqueue_indirect_dma source(%arg7 : memref<125xf32, #tpu.memory_space<vmem>>) target(%dma_start3A_424 : memref<10240xf32, #tpu.memory_space<vmem_shared>>) offsets(%dma_start3A_422 : memref<125xi32, #tpu.memory_space<vmem>>) semaphore(%arg9 : memref<!tpu.dma_semaphore, #tpu.memory_space<semaphore_mem>>) {add = true}
    %dma_wait3A_425 = arith.constant 0 : i32
    %dma_wait3A_426 = arith.constant 0 : i32
    %dma_wait3A_427 = tpu.memref_slice %arg6[%dma_wait3A_425, %dma_wait3A_426] : memref<80x125xi32, #tpu.memory_space<vmem>> -> memref<1x125xi32, #tpu.memory_space<vmem>>
    %dma_wait3A_428 = tpu.memref_squeeze %dma_wait3A_427 : memref<1x125xi32, #tpu.memory_space<vmem>> -> memref<125xi32, #tpu.memory_space<vmem>>
    %dma_wait3A_429 = arith.constant 0 : i32
    %dma_wait3A_430 = tpu.memref_slice %arg8[%dma_wait3A_429] : memref<10240xf32, #tpu.memory_space<vmem_shared>> -> memref<10240xf32, #tpu.memory_space<vmem_shared>>
    tpu.wait_indirect_dma semaphore(%arg9 : memref<!tpu.dma_semaphore, #tpu.memory_space<semaphore_mem>>) src(%arg7 : memref<125xf32, #tpu.memory_space<vmem>>) dst(%dma_wait3A_430 : memref<10240xf32, #tpu.memory_space<vmem_shared>>)
    %dma_start3A_431 = arith.constant 43 : i32
    %dma_start3A_432 = arith.constant 0 : i32
    %dma_start3A_433 = tpu.memref_slice %arg6[%dma_start3A_431, %dma_start3A_432] : memref<80x125xi32, #tpu.memory_space<vmem>> -> memref<1x125xi32, #tpu.memory_space<vmem>>
    %dma_start3A_434 = tpu.memref_squeeze %dma_start3A_433 : memref<1x125xi32, #tpu.memory_space<vmem>> -> memref<125xi32, #tpu.memory_space<vmem>>
    %dma_start3A_435 = arith.constant 0 : i32
    %dma_start3A_436 = tpu.memref_slice %arg8[%dma_start3A_435] : memref<10240xf32, #tpu.memory_space<vmem_shared>> -> memref<10240xf32, #tpu.memory_space<vmem_shared>>
    tpu.enqueue_indirect_dma source(%arg7 : memref<125xf32, #tpu.memory_space<vmem>>) target(%dma_start3A_436 : memref<10240xf32, #tpu.memory_space<vmem_shared>>) offsets(%dma_start3A_434 : memref<125xi32, #tpu.memory_space<vmem>>) semaphore(%arg9 : memref<!tpu.dma_semaphore, #tpu.memory_space<semaphore_mem>>) {add = true}
    %dma_wait3A_437 = arith.constant 0 : i32
    %dma_wait3A_438 = arith.constant 0 : i32
    %dma_wait3A_439 = tpu.memref_slice %arg6[%dma_wait3A_437, %dma_wait3A_438] : memref<80x125xi32, #tpu.memory_space<vmem>> -> memref<1x125xi32, #tpu.memory_space<vmem>>
    %dma_wait3A_440 = tpu.memref_squeeze %dma_wait3A_439 : memref<1x125xi32, #tpu.memory_space<vmem>> -> memref<125xi32, #tpu.memory_space<vmem>>
    %dma_wait3A_441 = arith.constant 0 : i32
    %dma_wait3A_442 = tpu.memref_slice %arg8[%dma_wait3A_441] : memref<10240xf32, #tpu.memory_space<vmem_shared>> -> memref<10240xf32, #tpu.memory_space<vmem_shared>>
    tpu.wait_indirect_dma semaphore(%arg9 : memref<!tpu.dma_semaphore, #tpu.memory_space<semaphore_mem>>) src(%arg7 : memref<125xf32, #tpu.memory_space<vmem>>) dst(%dma_wait3A_442 : memref<10240xf32, #tpu.memory_space<vmem_shared>>)
    %dma_start3A_443 = arith.constant 44 : i32
    %dma_start3A_444 = arith.constant 0 : i32
    %dma_start3A_445 = tpu.memref_slice %arg6[%dma_start3A_443, %dma_start3A_444] : memref<80x125xi32, #tpu.memory_space<vmem>> -> memref<1x125xi32, #tpu.memory_space<vmem>>
    %dma_start3A_446 = tpu.memref_squeeze %dma_start3A_445 : memref<1x125xi32, #tpu.memory_space<vmem>> -> memref<125xi32, #tpu.memory_space<vmem>>
    %dma_start3A_447 = arith.constant 0 : i32
    %dma_start3A_448 = tpu.memref_slice %arg8[%dma_start3A_447] : memref<10240xf32, #tpu.memory_space<vmem_shared>> -> memref<10240xf32, #tpu.memory_space<vmem_shared>>
    tpu.enqueue_indirect_dma source(%arg7 : memref<125xf32, #tpu.memory_space<vmem>>) target(%dma_start3A_448 : memref<10240xf32, #tpu.memory_space<vmem_shared>>) offsets(%dma_start3A_446 : memref<125xi32, #tpu.memory_space<vmem>>) semaphore(%arg9 : memref<!tpu.dma_semaphore, #tpu.memory_space<semaphore_mem>>) {add = true}
    %dma_wait3A_449 = arith.constant 0 : i32
    %dma_wait3A_450 = arith.constant 0 : i32
    %dma_wait3A_451 = tpu.memref_slice %arg6[%dma_wait3A_449, %dma_wait3A_450] : memref<80x125xi32, #tpu.memory_space<vmem>> -> memref<1x125xi32, #tpu.memory_space<vmem>>
    %dma_wait3A_452 = tpu.memref_squeeze %dma_wait3A_451 : memref<1x125xi32, #tpu.memory_space<vmem>> -> memref<125xi32, #tpu.memory_space<vmem>>
    %dma_wait3A_453 = arith.constant 0 : i32
    %dma_wait3A_454 = tpu.memref_slice %arg8[%dma_wait3A_453] : memref<10240xf32, #tpu.memory_space<vmem_shared>> -> memref<10240xf32, #tpu.memory_space<vmem_shared>>
    tpu.wait_indirect_dma semaphore(%arg9 : memref<!tpu.dma_semaphore, #tpu.memory_space<semaphore_mem>>) src(%arg7 : memref<125xf32, #tpu.memory_space<vmem>>) dst(%dma_wait3A_454 : memref<10240xf32, #tpu.memory_space<vmem_shared>>)
    %dma_start3A_455 = arith.constant 45 : i32
    %dma_start3A_456 = arith.constant 0 : i32
    %dma_start3A_457 = tpu.memref_slice %arg6[%dma_start3A_455, %dma_start3A_456] : memref<80x125xi32, #tpu.memory_space<vmem>> -> memref<1x125xi32, #tpu.memory_space<vmem>>
    %dma_start3A_458 = tpu.memref_squeeze %dma_start3A_457 : memref<1x125xi32, #tpu.memory_space<vmem>> -> memref<125xi32, #tpu.memory_space<vmem>>
    %dma_start3A_459 = arith.constant 0 : i32
    %dma_start3A_460 = tpu.memref_slice %arg8[%dma_start3A_459] : memref<10240xf32, #tpu.memory_space<vmem_shared>> -> memref<10240xf32, #tpu.memory_space<vmem_shared>>
    tpu.enqueue_indirect_dma source(%arg7 : memref<125xf32, #tpu.memory_space<vmem>>) target(%dma_start3A_460 : memref<10240xf32, #tpu.memory_space<vmem_shared>>) offsets(%dma_start3A_458 : memref<125xi32, #tpu.memory_space<vmem>>) semaphore(%arg9 : memref<!tpu.dma_semaphore, #tpu.memory_space<semaphore_mem>>) {add = true}
    %dma_wait3A_461 = arith.constant 0 : i32
    %dma_wait3A_462 = arith.constant 0 : i32
    %dma_wait3A_463 = tpu.memref_slice %arg6[%dma_wait3A_461, %dma_wait3A_462] : memref<80x125xi32, #tpu.memory_space<vmem>> -> memref<1x125xi32, #tpu.memory_space<vmem>>
    %dma_wait3A_464 = tpu.memref_squeeze %dma_wait3A_463 : memref<1x125xi32, #tpu.memory_space<vmem>> -> memref<125xi32, #tpu.memory_space<vmem>>
    %dma_wait3A_465 = arith.constant 0 : i32
    %dma_wait3A_466 = tpu.memref_slice %arg8[%dma_wait3A_465] : memref<10240xf32, #tpu.memory_space<vmem_shared>> -> memref<10240xf32, #tpu.memory_space<vmem_shared>>
    tpu.wait_indirect_dma semaphore(%arg9 : memref<!tpu.dma_semaphore, #tpu.memory_space<semaphore_mem>>) src(%arg7 : memref<125xf32, #tpu.memory_space<vmem>>) dst(%dma_wait3A_466 : memref<10240xf32, #tpu.memory_space<vmem_shared>>)
    %dma_start3A_467 = arith.constant 46 : i32
    %dma_start3A_468 = arith.constant 0 : i32
    %dma_start3A_469 = tpu.memref_slice %arg6[%dma_start3A_467, %dma_start3A_468] : memref<80x125xi32, #tpu.memory_space<vmem>> -> memref<1x125xi32, #tpu.memory_space<vmem>>
    %dma_start3A_470 = tpu.memref_squeeze %dma_start3A_469 : memref<1x125xi32, #tpu.memory_space<vmem>> -> memref<125xi32, #tpu.memory_space<vmem>>
    %dma_start3A_471 = arith.constant 0 : i32
    %dma_start3A_472 = tpu.memref_slice %arg8[%dma_start3A_471] : memref<10240xf32, #tpu.memory_space<vmem_shared>> -> memref<10240xf32, #tpu.memory_space<vmem_shared>>
    tpu.enqueue_indirect_dma source(%arg7 : memref<125xf32, #tpu.memory_space<vmem>>) target(%dma_start3A_472 : memref<10240xf32, #tpu.memory_space<vmem_shared>>) offsets(%dma_start3A_470 : memref<125xi32, #tpu.memory_space<vmem>>) semaphore(%arg9 : memref<!tpu.dma_semaphore, #tpu.memory_space<semaphore_mem>>) {add = true}
    %dma_wait3A_473 = arith.constant 0 : i32
    %dma_wait3A_474 = arith.constant 0 : i32
    %dma_wait3A_475 = tpu.memref_slice %arg6[%dma_wait3A_473, %dma_wait3A_474] : memref<80x125xi32, #tpu.memory_space<vmem>> -> memref<1x125xi32, #tpu.memory_space<vmem>>
    %dma_wait3A_476 = tpu.memref_squeeze %dma_wait3A_475 : memref<1x125xi32, #tpu.memory_space<vmem>> -> memref<125xi32, #tpu.memory_space<vmem>>
    %dma_wait3A_477 = arith.constant 0 : i32
    %dma_wait3A_478 = tpu.memref_slice %arg8[%dma_wait3A_477] : memref<10240xf32, #tpu.memory_space<vmem_shared>> -> memref<10240xf32, #tpu.memory_space<vmem_shared>>
    tpu.wait_indirect_dma semaphore(%arg9 : memref<!tpu.dma_semaphore, #tpu.memory_space<semaphore_mem>>) src(%arg7 : memref<125xf32, #tpu.memory_space<vmem>>) dst(%dma_wait3A_478 : memref<10240xf32, #tpu.memory_space<vmem_shared>>)
    %dma_start3A_479 = arith.constant 47 : i32
    %dma_start3A_480 = arith.constant 0 : i32
    %dma_start3A_481 = tpu.memref_slice %arg6[%dma_start3A_479, %dma_start3A_480] : memref<80x125xi32, #tpu.memory_space<vmem>> -> memref<1x125xi32, #tpu.memory_space<vmem>>
    %dma_start3A_482 = tpu.memref_squeeze %dma_start3A_481 : memref<1x125xi32, #tpu.memory_space<vmem>> -> memref<125xi32, #tpu.memory_space<vmem>>
    %dma_start3A_483 = arith.constant 0 : i32
    %dma_start3A_484 = tpu.memref_slice %arg8[%dma_start3A_483] : memref<10240xf32, #tpu.memory_space<vmem_shared>> -> memref<10240xf32, #tpu.memory_space<vmem_shared>>
    tpu.enqueue_indirect_dma source(%arg7 : memref<125xf32, #tpu.memory_space<vmem>>) target(%dma_start3A_484 : memref<10240xf32, #tpu.memory_space<vmem_shared>>) offsets(%dma_start3A_482 : memref<125xi32, #tpu.memory_space<vmem>>) semaphore(%arg9 : memref<!tpu.dma_semaphore, #tpu.memory_space<semaphore_mem>>) {add = true}
    %dma_wait3A_485 = arith.constant 0 : i32
    %dma_wait3A_486 = arith.constant 0 : i32
    %dma_wait3A_487 = tpu.memref_slice %arg6[%dma_wait3A_485, %dma_wait3A_486] : memref<80x125xi32, #tpu.memory_space<vmem>> -> memref<1x125xi32, #tpu.memory_space<vmem>>
    %dma_wait3A_488 = tpu.memref_squeeze %dma_wait3A_487 : memref<1x125xi32, #tpu.memory_space<vmem>> -> memref<125xi32, #tpu.memory_space<vmem>>
    %dma_wait3A_489 = arith.constant 0 : i32
    %dma_wait3A_490 = tpu.memref_slice %arg8[%dma_wait3A_489] : memref<10240xf32, #tpu.memory_space<vmem_shared>> -> memref<10240xf32, #tpu.memory_space<vmem_shared>>
    tpu.wait_indirect_dma semaphore(%arg9 : memref<!tpu.dma_semaphore, #tpu.memory_space<semaphore_mem>>) src(%arg7 : memref<125xf32, #tpu.memory_space<vmem>>) dst(%dma_wait3A_490 : memref<10240xf32, #tpu.memory_space<vmem_shared>>)
    %dma_start3A_491 = arith.constant 48 : i32
    %dma_start3A_492 = arith.constant 0 : i32
    %dma_start3A_493 = tpu.memref_slice %arg6[%dma_start3A_491, %dma_start3A_492] : memref<80x125xi32, #tpu.memory_space<vmem>> -> memref<1x125xi32, #tpu.memory_space<vmem>>
    %dma_start3A_494 = tpu.memref_squeeze %dma_start3A_493 : memref<1x125xi32, #tpu.memory_space<vmem>> -> memref<125xi32, #tpu.memory_space<vmem>>
    %dma_start3A_495 = arith.constant 0 : i32
    %dma_start3A_496 = tpu.memref_slice %arg8[%dma_start3A_495] : memref<10240xf32, #tpu.memory_space<vmem_shared>> -> memref<10240xf32, #tpu.memory_space<vmem_shared>>
    tpu.enqueue_indirect_dma source(%arg7 : memref<125xf32, #tpu.memory_space<vmem>>) target(%dma_start3A_496 : memref<10240xf32, #tpu.memory_space<vmem_shared>>) offsets(%dma_start3A_494 : memref<125xi32, #tpu.memory_space<vmem>>) semaphore(%arg9 : memref<!tpu.dma_semaphore, #tpu.memory_space<semaphore_mem>>) {add = true}
    %dma_wait3A_497 = arith.constant 0 : i32
    %dma_wait3A_498 = arith.constant 0 : i32
    %dma_wait3A_499 = tpu.memref_slice %arg6[%dma_wait3A_497, %dma_wait3A_498] : memref<80x125xi32, #tpu.memory_space<vmem>> -> memref<1x125xi32, #tpu.memory_space<vmem>>
    %dma_wait3A_500 = tpu.memref_squeeze %dma_wait3A_499 : memref<1x125xi32, #tpu.memory_space<vmem>> -> memref<125xi32, #tpu.memory_space<vmem>>
    %dma_wait3A_501 = arith.constant 0 : i32
    %dma_wait3A_502 = tpu.memref_slice %arg8[%dma_wait3A_501] : memref<10240xf32, #tpu.memory_space<vmem_shared>> -> memref<10240xf32, #tpu.memory_space<vmem_shared>>
    tpu.wait_indirect_dma semaphore(%arg9 : memref<!tpu.dma_semaphore, #tpu.memory_space<semaphore_mem>>) src(%arg7 : memref<125xf32, #tpu.memory_space<vmem>>) dst(%dma_wait3A_502 : memref<10240xf32, #tpu.memory_space<vmem_shared>>)
    %dma_start3A_503 = arith.constant 49 : i32
    %dma_start3A_504 = arith.constant 0 : i32
    %dma_start3A_505 = tpu.memref_slice %arg6[%dma_start3A_503, %dma_start3A_504] : memref<80x125xi32, #tpu.memory_space<vmem>> -> memref<1x125xi32, #tpu.memory_space<vmem>>
    %dma_start3A_506 = tpu.memref_squeeze %dma_start3A_505 : memref<1x125xi32, #tpu.memory_space<vmem>> -> memref<125xi32, #tpu.memory_space<vmem>>
    %dma_start3A_507 = arith.constant 0 : i32
    %dma_start3A_508 = tpu.memref_slice %arg8[%dma_start3A_507] : memref<10240xf32, #tpu.memory_space<vmem_shared>> -> memref<10240xf32, #tpu.memory_space<vmem_shared>>
    tpu.enqueue_indirect_dma source(%arg7 : memref<125xf32, #tpu.memory_space<vmem>>) target(%dma_start3A_508 : memref<10240xf32, #tpu.memory_space<vmem_shared>>) offsets(%dma_start3A_506 : memref<125xi32, #tpu.memory_space<vmem>>) semaphore(%arg9 : memref<!tpu.dma_semaphore, #tpu.memory_space<semaphore_mem>>) {add = true}
    %dma_wait3A_509 = arith.constant 0 : i32
    %dma_wait3A_510 = arith.constant 0 : i32
    %dma_wait3A_511 = tpu.memref_slice %arg6[%dma_wait3A_509, %dma_wait3A_510] : memref<80x125xi32, #tpu.memory_space<vmem>> -> memref<1x125xi32, #tpu.memory_space<vmem>>
    %dma_wait3A_512 = tpu.memref_squeeze %dma_wait3A_511 : memref<1x125xi32, #tpu.memory_space<vmem>> -> memref<125xi32, #tpu.memory_space<vmem>>
    %dma_wait3A_513 = arith.constant 0 : i32
    %dma_wait3A_514 = tpu.memref_slice %arg8[%dma_wait3A_513] : memref<10240xf32, #tpu.memory_space<vmem_shared>> -> memref<10240xf32, #tpu.memory_space<vmem_shared>>
    tpu.wait_indirect_dma semaphore(%arg9 : memref<!tpu.dma_semaphore, #tpu.memory_space<semaphore_mem>>) src(%arg7 : memref<125xf32, #tpu.memory_space<vmem>>) dst(%dma_wait3A_514 : memref<10240xf32, #tpu.memory_space<vmem_shared>>)
    %dma_start3A_515 = arith.constant 50 : i32
    %dma_start3A_516 = arith.constant 0 : i32
    %dma_start3A_517 = tpu.memref_slice %arg6[%dma_start3A_515, %dma_start3A_516] : memref<80x125xi32, #tpu.memory_space<vmem>> -> memref<1x125xi32, #tpu.memory_space<vmem>>
    %dma_start3A_518 = tpu.memref_squeeze %dma_start3A_517 : memref<1x125xi32, #tpu.memory_space<vmem>> -> memref<125xi32, #tpu.memory_space<vmem>>
    %dma_start3A_519 = arith.constant 0 : i32
    %dma_start3A_520 = tpu.memref_slice %arg8[%dma_start3A_519] : memref<10240xf32, #tpu.memory_space<vmem_shared>> -> memref<10240xf32, #tpu.memory_space<vmem_shared>>
    tpu.enqueue_indirect_dma source(%arg7 : memref<125xf32, #tpu.memory_space<vmem>>) target(%dma_start3A_520 : memref<10240xf32, #tpu.memory_space<vmem_shared>>) offsets(%dma_start3A_518 : memref<125xi32, #tpu.memory_space<vmem>>) semaphore(%arg9 : memref<!tpu.dma_semaphore, #tpu.memory_space<semaphore_mem>>) {add = true}
    %dma_wait3A_521 = arith.constant 0 : i32
    %dma_wait3A_522 = arith.constant 0 : i32
    %dma_wait3A_523 = tpu.memref_slice %arg6[%dma_wait3A_521, %dma_wait3A_522] : memref<80x125xi32, #tpu.memory_space<vmem>> -> memref<1x125xi32, #tpu.memory_space<vmem>>
    %dma_wait3A_524 = tpu.memref_squeeze %dma_wait3A_523 : memref<1x125xi32, #tpu.memory_space<vmem>> -> memref<125xi32, #tpu.memory_space<vmem>>
    %dma_wait3A_525 = arith.constant 0 : i32
    %dma_wait3A_526 = tpu.memref_slice %arg8[%dma_wait3A_525] : memref<10240xf32, #tpu.memory_space<vmem_shared>> -> memref<10240xf32, #tpu.memory_space<vmem_shared>>
    tpu.wait_indirect_dma semaphore(%arg9 : memref<!tpu.dma_semaphore, #tpu.memory_space<semaphore_mem>>) src(%arg7 : memref<125xf32, #tpu.memory_space<vmem>>) dst(%dma_wait3A_526 : memref<10240xf32, #tpu.memory_space<vmem_shared>>)
    %dma_start3A_527 = arith.constant 51 : i32
    %dma_start3A_528 = arith.constant 0 : i32
    %dma_start3A_529 = tpu.memref_slice %arg6[%dma_start3A_527, %dma_start3A_528] : memref<80x125xi32, #tpu.memory_space<vmem>> -> memref<1x125xi32, #tpu.memory_space<vmem>>
    %dma_start3A_530 = tpu.memref_squeeze %dma_start3A_529 : memref<1x125xi32, #tpu.memory_space<vmem>> -> memref<125xi32, #tpu.memory_space<vmem>>
    %dma_start3A_531 = arith.constant 0 : i32
    %dma_start3A_532 = tpu.memref_slice %arg8[%dma_start3A_531] : memref<10240xf32, #tpu.memory_space<vmem_shared>> -> memref<10240xf32, #tpu.memory_space<vmem_shared>>
    tpu.enqueue_indirect_dma source(%arg7 : memref<125xf32, #tpu.memory_space<vmem>>) target(%dma_start3A_532 : memref<10240xf32, #tpu.memory_space<vmem_shared>>) offsets(%dma_start3A_530 : memref<125xi32, #tpu.memory_space<vmem>>) semaphore(%arg9 : memref<!tpu.dma_semaphore, #tpu.memory_space<semaphore_mem>>) {add = true}
    %dma_wait3A_533 = arith.constant 0 : i32
    %dma_wait3A_534 = arith.constant 0 : i32
    %dma_wait3A_535 = tpu.memref_slice %arg6[%dma_wait3A_533, %dma_wait3A_534] : memref<80x125xi32, #tpu.memory_space<vmem>> -> memref<1x125xi32, #tpu.memory_space<vmem>>
    %dma_wait3A_536 = tpu.memref_squeeze %dma_wait3A_535 : memref<1x125xi32, #tpu.memory_space<vmem>> -> memref<125xi32, #tpu.memory_space<vmem>>
    %dma_wait3A_537 = arith.constant 0 : i32
    %dma_wait3A_538 = tpu.memref_slice %arg8[%dma_wait3A_537] : memref<10240xf32, #tpu.memory_space<vmem_shared>> -> memref<10240xf32, #tpu.memory_space<vmem_shared>>
    tpu.wait_indirect_dma semaphore(%arg9 : memref<!tpu.dma_semaphore, #tpu.memory_space<semaphore_mem>>) src(%arg7 : memref<125xf32, #tpu.memory_space<vmem>>) dst(%dma_wait3A_538 : memref<10240xf32, #tpu.memory_space<vmem_shared>>)
    %dma_start3A_539 = arith.constant 52 : i32
    %dma_start3A_540 = arith.constant 0 : i32
    %dma_start3A_541 = tpu.memref_slice %arg6[%dma_start3A_539, %dma_start3A_540] : memref<80x125xi32, #tpu.memory_space<vmem>> -> memref<1x125xi32, #tpu.memory_space<vmem>>
    %dma_start3A_542 = tpu.memref_squeeze %dma_start3A_541 : memref<1x125xi32, #tpu.memory_space<vmem>> -> memref<125xi32, #tpu.memory_space<vmem>>
    %dma_start3A_543 = arith.constant 0 : i32
    %dma_start3A_544 = tpu.memref_slice %arg8[%dma_start3A_543] : memref<10240xf32, #tpu.memory_space<vmem_shared>> -> memref<10240xf32, #tpu.memory_space<vmem_shared>>
    tpu.enqueue_indirect_dma source(%arg7 : memref<125xf32, #tpu.memory_space<vmem>>) target(%dma_start3A_544 : memref<10240xf32, #tpu.memory_space<vmem_shared>>) offsets(%dma_start3A_542 : memref<125xi32, #tpu.memory_space<vmem>>) semaphore(%arg9 : memref<!tpu.dma_semaphore, #tpu.memory_space<semaphore_mem>>) {add = true}
    %dma_wait3A_545 = arith.constant 0 : i32
    %dma_wait3A_546 = arith.constant 0 : i32
    %dma_wait3A_547 = tpu.memref_slice %arg6[%dma_wait3A_545, %dma_wait3A_546] : memref<80x125xi32, #tpu.memory_space<vmem>> -> memref<1x125xi32, #tpu.memory_space<vmem>>
    %dma_wait3A_548 = tpu.memref_squeeze %dma_wait3A_547 : memref<1x125xi32, #tpu.memory_space<vmem>> -> memref<125xi32, #tpu.memory_space<vmem>>
    %dma_wait3A_549 = arith.constant 0 : i32
    %dma_wait3A_550 = tpu.memref_slice %arg8[%dma_wait3A_549] : memref<10240xf32, #tpu.memory_space<vmem_shared>> -> memref<10240xf32, #tpu.memory_space<vmem_shared>>
    tpu.wait_indirect_dma semaphore(%arg9 : memref<!tpu.dma_semaphore, #tpu.memory_space<semaphore_mem>>) src(%arg7 : memref<125xf32, #tpu.memory_space<vmem>>) dst(%dma_wait3A_550 : memref<10240xf32, #tpu.memory_space<vmem_shared>>)
    %dma_start3A_551 = arith.constant 53 : i32
    %dma_start3A_552 = arith.constant 0 : i32
    %dma_start3A_553 = tpu.memref_slice %arg6[%dma_start3A_551, %dma_start3A_552] : memref<80x125xi32, #tpu.memory_space<vmem>> -> memref<1x125xi32, #tpu.memory_space<vmem>>
    %dma_start3A_554 = tpu.memref_squeeze %dma_start3A_553 : memref<1x125xi32, #tpu.memory_space<vmem>> -> memref<125xi32, #tpu.memory_space<vmem>>
    %dma_start3A_555 = arith.constant 0 : i32
    %dma_start3A_556 = tpu.memref_slice %arg8[%dma_start3A_555] : memref<10240xf32, #tpu.memory_space<vmem_shared>> -> memref<10240xf32, #tpu.memory_space<vmem_shared>>
    tpu.enqueue_indirect_dma source(%arg7 : memref<125xf32, #tpu.memory_space<vmem>>) target(%dma_start3A_556 : memref<10240xf32, #tpu.memory_space<vmem_shared>>) offsets(%dma_start3A_554 : memref<125xi32, #tpu.memory_space<vmem>>) semaphore(%arg9 : memref<!tpu.dma_semaphore, #tpu.memory_space<semaphore_mem>>) {add = true}
    %dma_wait3A_557 = arith.constant 0 : i32
    %dma_wait3A_558 = arith.constant 0 : i32
    %dma_wait3A_559 = tpu.memref_slice %arg6[%dma_wait3A_557, %dma_wait3A_558] : memref<80x125xi32, #tpu.memory_space<vmem>> -> memref<1x125xi32, #tpu.memory_space<vmem>>
    %dma_wait3A_560 = tpu.memref_squeeze %dma_wait3A_559 : memref<1x125xi32, #tpu.memory_space<vmem>> -> memref<125xi32, #tpu.memory_space<vmem>>
    %dma_wait3A_561 = arith.constant 0 : i32
    %dma_wait3A_562 = tpu.memref_slice %arg8[%dma_wait3A_561] : memref<10240xf32, #tpu.memory_space<vmem_shared>> -> memref<10240xf32, #tpu.memory_space<vmem_shared>>
    tpu.wait_indirect_dma semaphore(%arg9 : memref<!tpu.dma_semaphore, #tpu.memory_space<semaphore_mem>>) src(%arg7 : memref<125xf32, #tpu.memory_space<vmem>>) dst(%dma_wait3A_562 : memref<10240xf32, #tpu.memory_space<vmem_shared>>)
    %dma_start3A_563 = arith.constant 54 : i32
    %dma_start3A_564 = arith.constant 0 : i32
    %dma_start3A_565 = tpu.memref_slice %arg6[%dma_start3A_563, %dma_start3A_564] : memref<80x125xi32, #tpu.memory_space<vmem>> -> memref<1x125xi32, #tpu.memory_space<vmem>>
    %dma_start3A_566 = tpu.memref_squeeze %dma_start3A_565 : memref<1x125xi32, #tpu.memory_space<vmem>> -> memref<125xi32, #tpu.memory_space<vmem>>
    %dma_start3A_567 = arith.constant 0 : i32
    %dma_start3A_568 = tpu.memref_slice %arg8[%dma_start3A_567] : memref<10240xf32, #tpu.memory_space<vmem_shared>> -> memref<10240xf32, #tpu.memory_space<vmem_shared>>
    tpu.enqueue_indirect_dma source(%arg7 : memref<125xf32, #tpu.memory_space<vmem>>) target(%dma_start3A_568 : memref<10240xf32, #tpu.memory_space<vmem_shared>>) offsets(%dma_start3A_566 : memref<125xi32, #tpu.memory_space<vmem>>) semaphore(%arg9 : memref<!tpu.dma_semaphore, #tpu.memory_space<semaphore_mem>>) {add = true}
    %dma_wait3A_569 = arith.constant 0 : i32
    %dma_wait3A_570 = arith.constant 0 : i32
    %dma_wait3A_571 = tpu.memref_slice %arg6[%dma_wait3A_569, %dma_wait3A_570] : memref<80x125xi32, #tpu.memory_space<vmem>> -> memref<1x125xi32, #tpu.memory_space<vmem>>
    %dma_wait3A_572 = tpu.memref_squeeze %dma_wait3A_571 : memref<1x125xi32, #tpu.memory_space<vmem>> -> memref<125xi32, #tpu.memory_space<vmem>>
    %dma_wait3A_573 = arith.constant 0 : i32
    %dma_wait3A_574 = tpu.memref_slice %arg8[%dma_wait3A_573] : memref<10240xf32, #tpu.memory_space<vmem_shared>> -> memref<10240xf32, #tpu.memory_space<vmem_shared>>
    tpu.wait_indirect_dma semaphore(%arg9 : memref<!tpu.dma_semaphore, #tpu.memory_space<semaphore_mem>>) src(%arg7 : memref<125xf32, #tpu.memory_space<vmem>>) dst(%dma_wait3A_574 : memref<10240xf32, #tpu.memory_space<vmem_shared>>)
    %dma_start3A_575 = arith.constant 55 : i32
    %dma_start3A_576 = arith.constant 0 : i32
    %dma_start3A_577 = tpu.memref_slice %arg6[%dma_start3A_575, %dma_start3A_576] : memref<80x125xi32, #tpu.memory_space<vmem>> -> memref<1x125xi32, #tpu.memory_space<vmem>>
    %dma_start3A_578 = tpu.memref_squeeze %dma_start3A_577 : memref<1x125xi32, #tpu.memory_space<vmem>> -> memref<125xi32, #tpu.memory_space<vmem>>
    %dma_start3A_579 = arith.constant 0 : i32
    %dma_start3A_580 = tpu.memref_slice %arg8[%dma_start3A_579] : memref<10240xf32, #tpu.memory_space<vmem_shared>> -> memref<10240xf32, #tpu.memory_space<vmem_shared>>
    tpu.enqueue_indirect_dma source(%arg7 : memref<125xf32, #tpu.memory_space<vmem>>) target(%dma_start3A_580 : memref<10240xf32, #tpu.memory_space<vmem_shared>>) offsets(%dma_start3A_578 : memref<125xi32, #tpu.memory_space<vmem>>) semaphore(%arg9 : memref<!tpu.dma_semaphore, #tpu.memory_space<semaphore_mem>>) {add = true}
    %dma_wait3A_581 = arith.constant 0 : i32
    %dma_wait3A_582 = arith.constant 0 : i32
    %dma_wait3A_583 = tpu.memref_slice %arg6[%dma_wait3A_581, %dma_wait3A_582] : memref<80x125xi32, #tpu.memory_space<vmem>> -> memref<1x125xi32, #tpu.memory_space<vmem>>
    %dma_wait3A_584 = tpu.memref_squeeze %dma_wait3A_583 : memref<1x125xi32, #tpu.memory_space<vmem>> -> memref<125xi32, #tpu.memory_space<vmem>>
    %dma_wait3A_585 = arith.constant 0 : i32
    %dma_wait3A_586 = tpu.memref_slice %arg8[%dma_wait3A_585] : memref<10240xf32, #tpu.memory_space<vmem_shared>> -> memref<10240xf32, #tpu.memory_space<vmem_shared>>
    tpu.wait_indirect_dma semaphore(%arg9 : memref<!tpu.dma_semaphore, #tpu.memory_space<semaphore_mem>>) src(%arg7 : memref<125xf32, #tpu.memory_space<vmem>>) dst(%dma_wait3A_586 : memref<10240xf32, #tpu.memory_space<vmem_shared>>)
    %dma_start3A_587 = arith.constant 56 : i32
    %dma_start3A_588 = arith.constant 0 : i32
    %dma_start3A_589 = tpu.memref_slice %arg6[%dma_start3A_587, %dma_start3A_588] : memref<80x125xi32, #tpu.memory_space<vmem>> -> memref<1x125xi32, #tpu.memory_space<vmem>>
    %dma_start3A_590 = tpu.memref_squeeze %dma_start3A_589 : memref<1x125xi32, #tpu.memory_space<vmem>> -> memref<125xi32, #tpu.memory_space<vmem>>
    %dma_start3A_591 = arith.constant 0 : i32
    %dma_start3A_592 = tpu.memref_slice %arg8[%dma_start3A_591] : memref<10240xf32, #tpu.memory_space<vmem_shared>> -> memref<10240xf32, #tpu.memory_space<vmem_shared>>
    tpu.enqueue_indirect_dma source(%arg7 : memref<125xf32, #tpu.memory_space<vmem>>) target(%dma_start3A_592 : memref<10240xf32, #tpu.memory_space<vmem_shared>>) offsets(%dma_start3A_590 : memref<125xi32, #tpu.memory_space<vmem>>) semaphore(%arg9 : memref<!tpu.dma_semaphore, #tpu.memory_space<semaphore_mem>>) {add = true}
    %dma_wait3A_593 = arith.constant 0 : i32
    %dma_wait3A_594 = arith.constant 0 : i32
    %dma_wait3A_595 = tpu.memref_slice %arg6[%dma_wait3A_593, %dma_wait3A_594] : memref<80x125xi32, #tpu.memory_space<vmem>> -> memref<1x125xi32, #tpu.memory_space<vmem>>
    %dma_wait3A_596 = tpu.memref_squeeze %dma_wait3A_595 : memref<1x125xi32, #tpu.memory_space<vmem>> -> memref<125xi32, #tpu.memory_space<vmem>>
    %dma_wait3A_597 = arith.constant 0 : i32
    %dma_wait3A_598 = tpu.memref_slice %arg8[%dma_wait3A_597] : memref<10240xf32, #tpu.memory_space<vmem_shared>> -> memref<10240xf32, #tpu.memory_space<vmem_shared>>
    tpu.wait_indirect_dma semaphore(%arg9 : memref<!tpu.dma_semaphore, #tpu.memory_space<semaphore_mem>>) src(%arg7 : memref<125xf32, #tpu.memory_space<vmem>>) dst(%dma_wait3A_598 : memref<10240xf32, #tpu.memory_space<vmem_shared>>)
    %dma_start3A_599 = arith.constant 57 : i32
    %dma_start3A_600 = arith.constant 0 : i32
    %dma_start3A_601 = tpu.memref_slice %arg6[%dma_start3A_599, %dma_start3A_600] : memref<80x125xi32, #tpu.memory_space<vmem>> -> memref<1x125xi32, #tpu.memory_space<vmem>>
    %dma_start3A_602 = tpu.memref_squeeze %dma_start3A_601 : memref<1x125xi32, #tpu.memory_space<vmem>> -> memref<125xi32, #tpu.memory_space<vmem>>
    %dma_start3A_603 = arith.constant 0 : i32
    %dma_start3A_604 = tpu.memref_slice %arg8[%dma_start3A_603] : memref<10240xf32, #tpu.memory_space<vmem_shared>> -> memref<10240xf32, #tpu.memory_space<vmem_shared>>
    tpu.enqueue_indirect_dma source(%arg7 : memref<125xf32, #tpu.memory_space<vmem>>) target(%dma_start3A_604 : memref<10240xf32, #tpu.memory_space<vmem_shared>>) offsets(%dma_start3A_602 : memref<125xi32, #tpu.memory_space<vmem>>) semaphore(%arg9 : memref<!tpu.dma_semaphore, #tpu.memory_space<semaphore_mem>>) {add = true}
    %dma_wait3A_605 = arith.constant 0 : i32
    %dma_wait3A_606 = arith.constant 0 : i32
    %dma_wait3A_607 = tpu.memref_slice %arg6[%dma_wait3A_605, %dma_wait3A_606] : memref<80x125xi32, #tpu.memory_space<vmem>> -> memref<1x125xi32, #tpu.memory_space<vmem>>
    %dma_wait3A_608 = tpu.memref_squeeze %dma_wait3A_607 : memref<1x125xi32, #tpu.memory_space<vmem>> -> memref<125xi32, #tpu.memory_space<vmem>>
    %dma_wait3A_609 = arith.constant 0 : i32
    %dma_wait3A_610 = tpu.memref_slice %arg8[%dma_wait3A_609] : memref<10240xf32, #tpu.memory_space<vmem_shared>> -> memref<10240xf32, #tpu.memory_space<vmem_shared>>
    tpu.wait_indirect_dma semaphore(%arg9 : memref<!tpu.dma_semaphore, #tpu.memory_space<semaphore_mem>>) src(%arg7 : memref<125xf32, #tpu.memory_space<vmem>>) dst(%dma_wait3A_610 : memref<10240xf32, #tpu.memory_space<vmem_shared>>)
    %dma_start3A_611 = arith.constant 58 : i32
    %dma_start3A_612 = arith.constant 0 : i32
    %dma_start3A_613 = tpu.memref_slice %arg6[%dma_start3A_611, %dma_start3A_612] : memref<80x125xi32, #tpu.memory_space<vmem>> -> memref<1x125xi32, #tpu.memory_space<vmem>>
    %dma_start3A_614 = tpu.memref_squeeze %dma_start3A_613 : memref<1x125xi32, #tpu.memory_space<vmem>> -> memref<125xi32, #tpu.memory_space<vmem>>
    %dma_start3A_615 = arith.constant 0 : i32
    %dma_start3A_616 = tpu.memref_slice %arg8[%dma_start3A_615] : memref<10240xf32, #tpu.memory_space<vmem_shared>> -> memref<10240xf32, #tpu.memory_space<vmem_shared>>
    tpu.enqueue_indirect_dma source(%arg7 : memref<125xf32, #tpu.memory_space<vmem>>) target(%dma_start3A_616 : memref<10240xf32, #tpu.memory_space<vmem_shared>>) offsets(%dma_start3A_614 : memref<125xi32, #tpu.memory_space<vmem>>) semaphore(%arg9 : memref<!tpu.dma_semaphore, #tpu.memory_space<semaphore_mem>>) {add = true}
    %dma_wait3A_617 = arith.constant 0 : i32
    %dma_wait3A_618 = arith.constant 0 : i32
    %dma_wait3A_619 = tpu.memref_slice %arg6[%dma_wait3A_617, %dma_wait3A_618] : memref<80x125xi32, #tpu.memory_space<vmem>> -> memref<1x125xi32, #tpu.memory_space<vmem>>
    %dma_wait3A_620 = tpu.memref_squeeze %dma_wait3A_619 : memref<1x125xi32, #tpu.memory_space<vmem>> -> memref<125xi32, #tpu.memory_space<vmem>>
    %dma_wait3A_621 = arith.constant 0 : i32
    %dma_wait3A_622 = tpu.memref_slice %arg8[%dma_wait3A_621] : memref<10240xf32, #tpu.memory_space<vmem_shared>> -> memref<10240xf32, #tpu.memory_space<vmem_shared>>
    tpu.wait_indirect_dma semaphore(%arg9 : memref<!tpu.dma_semaphore, #tpu.memory_space<semaphore_mem>>) src(%arg7 : memref<125xf32, #tpu.memory_space<vmem>>) dst(%dma_wait3A_622 : memref<10240xf32, #tpu.memory_space<vmem_shared>>)
    %dma_start3A_623 = arith.constant 59 : i32
    %dma_start3A_624 = arith.constant 0 : i32
    %dma_start3A_625 = tpu.memref_slice %arg6[%dma_start3A_623, %dma_start3A_624] : memref<80x125xi32, #tpu.memory_space<vmem>> -> memref<1x125xi32, #tpu.memory_space<vmem>>
    %dma_start3A_626 = tpu.memref_squeeze %dma_start3A_625 : memref<1x125xi32, #tpu.memory_space<vmem>> -> memref<125xi32, #tpu.memory_space<vmem>>
    %dma_start3A_627 = arith.constant 0 : i32
    %dma_start3A_628 = tpu.memref_slice %arg8[%dma_start3A_627] : memref<10240xf32, #tpu.memory_space<vmem_shared>> -> memref<10240xf32, #tpu.memory_space<vmem_shared>>
    tpu.enqueue_indirect_dma source(%arg7 : memref<125xf32, #tpu.memory_space<vmem>>) target(%dma_start3A_628 : memref<10240xf32, #tpu.memory_space<vmem_shared>>) offsets(%dma_start3A_626 : memref<125xi32, #tpu.memory_space<vmem>>) semaphore(%arg9 : memref<!tpu.dma_semaphore, #tpu.memory_space<semaphore_mem>>) {add = true}
    %dma_wait3A_629 = arith.constant 0 : i32
    %dma_wait3A_630 = arith.constant 0 : i32
    %dma_wait3A_631 = tpu.memref_slice %arg6[%dma_wait3A_629, %dma_wait3A_630] : memref<80x125xi32, #tpu.memory_space<vmem>> -> memref<1x125xi32, #tpu.memory_space<vmem>>
    %dma_wait3A_632 = tpu.memref_squeeze %dma_wait3A_631 : memref<1x125xi32, #tpu.memory_space<vmem>> -> memref<125xi32, #tpu.memory_space<vmem>>
    %dma_wait3A_633 = arith.constant 0 : i32
    %dma_wait3A_634 = tpu.memref_slice %arg8[%dma_wait3A_633] : memref<10240xf32, #tpu.memory_space<vmem_shared>> -> memref<10240xf32, #tpu.memory_space<vmem_shared>>
    tpu.wait_indirect_dma semaphore(%arg9 : memref<!tpu.dma_semaphore, #tpu.memory_space<semaphore_mem>>) src(%arg7 : memref<125xf32, #tpu.memory_space<vmem>>) dst(%dma_wait3A_634 : memref<10240xf32, #tpu.memory_space<vmem_shared>>)
    %dma_start3A_635 = arith.constant 60 : i32
    %dma_start3A_636 = arith.constant 0 : i32
    %dma_start3A_637 = tpu.memref_slice %arg6[%dma_start3A_635, %dma_start3A_636] : memref<80x125xi32, #tpu.memory_space<vmem>> -> memref<1x125xi32, #tpu.memory_space<vmem>>
    %dma_start3A_638 = tpu.memref_squeeze %dma_start3A_637 : memref<1x125xi32, #tpu.memory_space<vmem>> -> memref<125xi32, #tpu.memory_space<vmem>>
    %dma_start3A_639 = arith.constant 0 : i32
    %dma_start3A_640 = tpu.memref_slice %arg8[%dma_start3A_639] : memref<10240xf32, #tpu.memory_space<vmem_shared>> -> memref<10240xf32, #tpu.memory_space<vmem_shared>>
    tpu.enqueue_indirect_dma source(%arg7 : memref<125xf32, #tpu.memory_space<vmem>>) target(%dma_start3A_640 : memref<10240xf32, #tpu.memory_space<vmem_shared>>) offsets(%dma_start3A_638 : memref<125xi32, #tpu.memory_space<vmem>>) semaphore(%arg9 : memref<!tpu.dma_semaphore, #tpu.memory_space<semaphore_mem>>) {add = true}
    %dma_wait3A_641 = arith.constant 0 : i32
    %dma_wait3A_642 = arith.constant 0 : i32
    %dma_wait3A_643 = tpu.memref_slice %arg6[%dma_wait3A_641, %dma_wait3A_642] : memref<80x125xi32, #tpu.memory_space<vmem>> -> memref<1x125xi32, #tpu.memory_space<vmem>>
    %dma_wait3A_644 = tpu.memref_squeeze %dma_wait3A_643 : memref<1x125xi32, #tpu.memory_space<vmem>> -> memref<125xi32, #tpu.memory_space<vmem>>
    %dma_wait3A_645 = arith.constant 0 : i32
    %dma_wait3A_646 = tpu.memref_slice %arg8[%dma_wait3A_645] : memref<10240xf32, #tpu.memory_space<vmem_shared>> -> memref<10240xf32, #tpu.memory_space<vmem_shared>>
    tpu.wait_indirect_dma semaphore(%arg9 : memref<!tpu.dma_semaphore, #tpu.memory_space<semaphore_mem>>) src(%arg7 : memref<125xf32, #tpu.memory_space<vmem>>) dst(%dma_wait3A_646 : memref<10240xf32, #tpu.memory_space<vmem_shared>>)
    %dma_start3A_647 = arith.constant 61 : i32
    %dma_start3A_648 = arith.constant 0 : i32
    %dma_start3A_649 = tpu.memref_slice %arg6[%dma_start3A_647, %dma_start3A_648] : memref<80x125xi32, #tpu.memory_space<vmem>> -> memref<1x125xi32, #tpu.memory_space<vmem>>
    %dma_start3A_650 = tpu.memref_squeeze %dma_start3A_649 : memref<1x125xi32, #tpu.memory_space<vmem>> -> memref<125xi32, #tpu.memory_space<vmem>>
    %dma_start3A_651 = arith.constant 0 : i32
    %dma_start3A_652 = tpu.memref_slice %arg8[%dma_start3A_651] : memref<10240xf32, #tpu.memory_space<vmem_shared>> -> memref<10240xf32, #tpu.memory_space<vmem_shared>>
    tpu.enqueue_indirect_dma source(%arg7 : memref<125xf32, #tpu.memory_space<vmem>>) target(%dma_start3A_652 : memref<10240xf32, #tpu.memory_space<vmem_shared>>) offsets(%dma_start3A_650 : memref<125xi32, #tpu.memory_space<vmem>>) semaphore(%arg9 : memref<!tpu.dma_semaphore, #tpu.memory_space<semaphore_mem>>) {add = true}
    %dma_wait3A_653 = arith.constant 0 : i32
    %dma_wait3A_654 = arith.constant 0 : i32
    %dma_wait3A_655 = tpu.memref_slice %arg6[%dma_wait3A_653, %dma_wait3A_654] : memref<80x125xi32, #tpu.memory_space<vmem>> -> memref<1x125xi32, #tpu.memory_space<vmem>>
    %dma_wait3A_656 = tpu.memref_squeeze %dma_wait3A_655 : memref<1x125xi32, #tpu.memory_space<vmem>> -> memref<125xi32, #tpu.memory_space<vmem>>
    %dma_wait3A_657 = arith.constant 0 : i32
    %dma_wait3A_658 = tpu.memref_slice %arg8[%dma_wait3A_657] : memref<10240xf32, #tpu.memory_space<vmem_shared>> -> memref<10240xf32, #tpu.memory_space<vmem_shared>>
    tpu.wait_indirect_dma semaphore(%arg9 : memref<!tpu.dma_semaphore, #tpu.memory_space<semaphore_mem>>) src(%arg7 : memref<125xf32, #tpu.memory_space<vmem>>) dst(%dma_wait3A_658 : memref<10240xf32, #tpu.memory_space<vmem_shared>>)
    %dma_start3A_659 = arith.constant 62 : i32
    %dma_start3A_660 = arith.constant 0 : i32
    %dma_start3A_661 = tpu.memref_slice %arg6[%dma_start3A_659, %dma_start3A_660] : memref<80x125xi32, #tpu.memory_space<vmem>> -> memref<1x125xi32, #tpu.memory_space<vmem>>
    %dma_start3A_662 = tpu.memref_squeeze %dma_start3A_661 : memref<1x125xi32, #tpu.memory_space<vmem>> -> memref<125xi32, #tpu.memory_space<vmem>>
    %dma_start3A_663 = arith.constant 0 : i32
    %dma_start3A_664 = tpu.memref_slice %arg8[%dma_start3A_663] : memref<10240xf32, #tpu.memory_space<vmem_shared>> -> memref<10240xf32, #tpu.memory_space<vmem_shared>>
    tpu.enqueue_indirect_dma source(%arg7 : memref<125xf32, #tpu.memory_space<vmem>>) target(%dma_start3A_664 : memref<10240xf32, #tpu.memory_space<vmem_shared>>) offsets(%dma_start3A_662 : memref<125xi32, #tpu.memory_space<vmem>>) semaphore(%arg9 : memref<!tpu.dma_semaphore, #tpu.memory_space<semaphore_mem>>) {add = true}
    %dma_wait3A_665 = arith.constant 0 : i32
    %dma_wait3A_666 = arith.constant 0 : i32
    %dma_wait3A_667 = tpu.memref_slice %arg6[%dma_wait3A_665, %dma_wait3A_666] : memref<80x125xi32, #tpu.memory_space<vmem>> -> memref<1x125xi32, #tpu.memory_space<vmem>>
    %dma_wait3A_668 = tpu.memref_squeeze %dma_wait3A_667 : memref<1x125xi32, #tpu.memory_space<vmem>> -> memref<125xi32, #tpu.memory_space<vmem>>
    %dma_wait3A_669 = arith.constant 0 : i32
    %dma_wait3A_670 = tpu.memref_slice %arg8[%dma_wait3A_669] : memref<10240xf32, #tpu.memory_space<vmem_shared>> -> memref<10240xf32, #tpu.memory_space<vmem_shared>>
    tpu.wait_indirect_dma semaphore(%arg9 : memref<!tpu.dma_semaphore, #tpu.memory_space<semaphore_mem>>) src(%arg7 : memref<125xf32, #tpu.memory_space<vmem>>) dst(%dma_wait3A_670 : memref<10240xf32, #tpu.memory_space<vmem_shared>>)
    %dma_start3A_671 = arith.constant 63 : i32
    %dma_start3A_672 = arith.constant 0 : i32
    %dma_start3A_673 = tpu.memref_slice %arg6[%dma_start3A_671, %dma_start3A_672] : memref<80x125xi32, #tpu.memory_space<vmem>> -> memref<1x125xi32, #tpu.memory_space<vmem>>
    %dma_start3A_674 = tpu.memref_squeeze %dma_start3A_673 : memref<1x125xi32, #tpu.memory_space<vmem>> -> memref<125xi32, #tpu.memory_space<vmem>>
    %dma_start3A_675 = arith.constant 0 : i32
    %dma_start3A_676 = tpu.memref_slice %arg8[%dma_start3A_675] : memref<10240xf32, #tpu.memory_space<vmem_shared>> -> memref<10240xf32, #tpu.memory_space<vmem_shared>>
    tpu.enqueue_indirect_dma source(%arg7 : memref<125xf32, #tpu.memory_space<vmem>>) target(%dma_start3A_676 : memref<10240xf32, #tpu.memory_space<vmem_shared>>) offsets(%dma_start3A_674 : memref<125xi32, #tpu.memory_space<vmem>>) semaphore(%arg9 : memref<!tpu.dma_semaphore, #tpu.memory_space<semaphore_mem>>) {add = true}
    %dma_wait3A_677 = arith.constant 0 : i32
    %dma_wait3A_678 = arith.constant 0 : i32
    %dma_wait3A_679 = tpu.memref_slice %arg6[%dma_wait3A_677, %dma_wait3A_678] : memref<80x125xi32, #tpu.memory_space<vmem>> -> memref<1x125xi32, #tpu.memory_space<vmem>>
    %dma_wait3A_680 = tpu.memref_squeeze %dma_wait3A_679 : memref<1x125xi32, #tpu.memory_space<vmem>> -> memref<125xi32, #tpu.memory_space<vmem>>
    %dma_wait3A_681 = arith.constant 0 : i32
    %dma_wait3A_682 = tpu.memref_slice %arg8[%dma_wait3A_681] : memref<10240xf32, #tpu.memory_space<vmem_shared>> -> memref<10240xf32, #tpu.memory_space<vmem_shared>>
    tpu.wait_indirect_dma semaphore(%arg9 : memref<!tpu.dma_semaphore, #tpu.memory_space<semaphore_mem>>) src(%arg7 : memref<125xf32, #tpu.memory_space<vmem>>) dst(%dma_wait3A_682 : memref<10240xf32, #tpu.memory_space<vmem_shared>>)
    %dma_start3A_683 = arith.constant 64 : i32
    %dma_start3A_684 = arith.constant 0 : i32
    %dma_start3A_685 = tpu.memref_slice %arg6[%dma_start3A_683, %dma_start3A_684] : memref<80x125xi32, #tpu.memory_space<vmem>> -> memref<1x125xi32, #tpu.memory_space<vmem>>
    %dma_start3A_686 = tpu.memref_squeeze %dma_start3A_685 : memref<1x125xi32, #tpu.memory_space<vmem>> -> memref<125xi32, #tpu.memory_space<vmem>>
    %dma_start3A_687 = arith.constant 0 : i32
    %dma_start3A_688 = tpu.memref_slice %arg8[%dma_start3A_687] : memref<10240xf32, #tpu.memory_space<vmem_shared>> -> memref<10240xf32, #tpu.memory_space<vmem_shared>>
    tpu.enqueue_indirect_dma source(%arg7 : memref<125xf32, #tpu.memory_space<vmem>>) target(%dma_start3A_688 : memref<10240xf32, #tpu.memory_space<vmem_shared>>) offsets(%dma_start3A_686 : memref<125xi32, #tpu.memory_space<vmem>>) semaphore(%arg9 : memref<!tpu.dma_semaphore, #tpu.memory_space<semaphore_mem>>) {add = true}
    %dma_wait3A_689 = arith.constant 0 : i32
    %dma_wait3A_690 = arith.constant 0 : i32
    %dma_wait3A_691 = tpu.memref_slice %arg6[%dma_wait3A_689, %dma_wait3A_690] : memref<80x125xi32, #tpu.memory_space<vmem>> -> memref<1x125xi32, #tpu.memory_space<vmem>>
    %dma_wait3A_692 = tpu.memref_squeeze %dma_wait3A_691 : memref<1x125xi32, #tpu.memory_space<vmem>> -> memref<125xi32, #tpu.memory_space<vmem>>
    %dma_wait3A_693 = arith.constant 0 : i32
    %dma_wait3A_694 = tpu.memref_slice %arg8[%dma_wait3A_693] : memref<10240xf32, #tpu.memory_space<vmem_shared>> -> memref<10240xf32, #tpu.memory_space<vmem_shared>>
    tpu.wait_indirect_dma semaphore(%arg9 : memref<!tpu.dma_semaphore, #tpu.memory_space<semaphore_mem>>) src(%arg7 : memref<125xf32, #tpu.memory_space<vmem>>) dst(%dma_wait3A_694 : memref<10240xf32, #tpu.memory_space<vmem_shared>>)
    %dma_start3A_695 = arith.constant 65 : i32
    %dma_start3A_696 = arith.constant 0 : i32
    %dma_start3A_697 = tpu.memref_slice %arg6[%dma_start3A_695, %dma_start3A_696] : memref<80x125xi32, #tpu.memory_space<vmem>> -> memref<1x125xi32, #tpu.memory_space<vmem>>
    %dma_start3A_698 = tpu.memref_squeeze %dma_start3A_697 : memref<1x125xi32, #tpu.memory_space<vmem>> -> memref<125xi32, #tpu.memory_space<vmem>>
    %dma_start3A_699 = arith.constant 0 : i32
    %dma_start3A_700 = tpu.memref_slice %arg8[%dma_start3A_699] : memref<10240xf32, #tpu.memory_space<vmem_shared>> -> memref<10240xf32, #tpu.memory_space<vmem_shared>>
    tpu.enqueue_indirect_dma source(%arg7 : memref<125xf32, #tpu.memory_space<vmem>>) target(%dma_start3A_700 : memref<10240xf32, #tpu.memory_space<vmem_shared>>) offsets(%dma_start3A_698 : memref<125xi32, #tpu.memory_space<vmem>>) semaphore(%arg9 : memref<!tpu.dma_semaphore, #tpu.memory_space<semaphore_mem>>) {add = true}
    %dma_wait3A_701 = arith.constant 0 : i32
    %dma_wait3A_702 = arith.constant 0 : i32
    %dma_wait3A_703 = tpu.memref_slice %arg6[%dma_wait3A_701, %dma_wait3A_702] : memref<80x125xi32, #tpu.memory_space<vmem>> -> memref<1x125xi32, #tpu.memory_space<vmem>>
    %dma_wait3A_704 = tpu.memref_squeeze %dma_wait3A_703 : memref<1x125xi32, #tpu.memory_space<vmem>> -> memref<125xi32, #tpu.memory_space<vmem>>
    %dma_wait3A_705 = arith.constant 0 : i32
    %dma_wait3A_706 = tpu.memref_slice %arg8[%dma_wait3A_705] : memref<10240xf32, #tpu.memory_space<vmem_shared>> -> memref<10240xf32, #tpu.memory_space<vmem_shared>>
    tpu.wait_indirect_dma semaphore(%arg9 : memref<!tpu.dma_semaphore, #tpu.memory_space<semaphore_mem>>) src(%arg7 : memref<125xf32, #tpu.memory_space<vmem>>) dst(%dma_wait3A_706 : memref<10240xf32, #tpu.memory_space<vmem_shared>>)
    %dma_start3A_707 = arith.constant 66 : i32
    %dma_start3A_708 = arith.constant 0 : i32
    %dma_start3A_709 = tpu.memref_slice %arg6[%dma_start3A_707, %dma_start3A_708] : memref<80x125xi32, #tpu.memory_space<vmem>> -> memref<1x125xi32, #tpu.memory_space<vmem>>
    %dma_start3A_710 = tpu.memref_squeeze %dma_start3A_709 : memref<1x125xi32, #tpu.memory_space<vmem>> -> memref<125xi32, #tpu.memory_space<vmem>>
    %dma_start3A_711 = arith.constant 0 : i32
    %dma_start3A_712 = tpu.memref_slice %arg8[%dma_start3A_711] : memref<10240xf32, #tpu.memory_space<vmem_shared>> -> memref<10240xf32, #tpu.memory_space<vmem_shared>>
    tpu.enqueue_indirect_dma source(%arg7 : memref<125xf32, #tpu.memory_space<vmem>>) target(%dma_start3A_712 : memref<10240xf32, #tpu.memory_space<vmem_shared>>) offsets(%dma_start3A_710 : memref<125xi32, #tpu.memory_space<vmem>>) semaphore(%arg9 : memref<!tpu.dma_semaphore, #tpu.memory_space<semaphore_mem>>) {add = true}
    %dma_wait3A_713 = arith.constant 0 : i32
    %dma_wait3A_714 = arith.constant 0 : i32
    %dma_wait3A_715 = tpu.memref_slice %arg6[%dma_wait3A_713, %dma_wait3A_714] : memref<80x125xi32, #tpu.memory_space<vmem>> -> memref<1x125xi32, #tpu.memory_space<vmem>>
    %dma_wait3A_716 = tpu.memref_squeeze %dma_wait3A_715 : memref<1x125xi32, #tpu.memory_space<vmem>> -> memref<125xi32, #tpu.memory_space<vmem>>
    %dma_wait3A_717 = arith.constant 0 : i32
    %dma_wait3A_718 = tpu.memref_slice %arg8[%dma_wait3A_717] : memref<10240xf32, #tpu.memory_space<vmem_shared>> -> memref<10240xf32, #tpu.memory_space<vmem_shared>>
    tpu.wait_indirect_dma semaphore(%arg9 : memref<!tpu.dma_semaphore, #tpu.memory_space<semaphore_mem>>) src(%arg7 : memref<125xf32, #tpu.memory_space<vmem>>) dst(%dma_wait3A_718 : memref<10240xf32, #tpu.memory_space<vmem_shared>>)
    %dma_start3A_719 = arith.constant 67 : i32
    %dma_start3A_720 = arith.constant 0 : i32
    %dma_start3A_721 = tpu.memref_slice %arg6[%dma_start3A_719, %dma_start3A_720] : memref<80x125xi32, #tpu.memory_space<vmem>> -> memref<1x125xi32, #tpu.memory_space<vmem>>
    %dma_start3A_722 = tpu.memref_squeeze %dma_start3A_721 : memref<1x125xi32, #tpu.memory_space<vmem>> -> memref<125xi32, #tpu.memory_space<vmem>>
    %dma_start3A_723 = arith.constant 0 : i32
    %dma_start3A_724 = tpu.memref_slice %arg8[%dma_start3A_723] : memref<10240xf32, #tpu.memory_space<vmem_shared>> -> memref<10240xf32, #tpu.memory_space<vmem_shared>>
    tpu.enqueue_indirect_dma source(%arg7 : memref<125xf32, #tpu.memory_space<vmem>>) target(%dma_start3A_724 : memref<10240xf32, #tpu.memory_space<vmem_shared>>) offsets(%dma_start3A_722 : memref<125xi32, #tpu.memory_space<vmem>>) semaphore(%arg9 : memref<!tpu.dma_semaphore, #tpu.memory_space<semaphore_mem>>) {add = true}
    %dma_wait3A_725 = arith.constant 0 : i32
    %dma_wait3A_726 = arith.constant 0 : i32
    %dma_wait3A_727 = tpu.memref_slice %arg6[%dma_wait3A_725, %dma_wait3A_726] : memref<80x125xi32, #tpu.memory_space<vmem>> -> memref<1x125xi32, #tpu.memory_space<vmem>>
    %dma_wait3A_728 = tpu.memref_squeeze %dma_wait3A_727 : memref<1x125xi32, #tpu.memory_space<vmem>> -> memref<125xi32, #tpu.memory_space<vmem>>
    %dma_wait3A_729 = arith.constant 0 : i32
    %dma_wait3A_730 = tpu.memref_slice %arg8[%dma_wait3A_729] : memref<10240xf32, #tpu.memory_space<vmem_shared>> -> memref<10240xf32, #tpu.memory_space<vmem_shared>>
    tpu.wait_indirect_dma semaphore(%arg9 : memref<!tpu.dma_semaphore, #tpu.memory_space<semaphore_mem>>) src(%arg7 : memref<125xf32, #tpu.memory_space<vmem>>) dst(%dma_wait3A_730 : memref<10240xf32, #tpu.memory_space<vmem_shared>>)
    %dma_start3A_731 = arith.constant 68 : i32
    %dma_start3A_732 = arith.constant 0 : i32
    %dma_start3A_733 = tpu.memref_slice %arg6[%dma_start3A_731, %dma_start3A_732] : memref<80x125xi32, #tpu.memory_space<vmem>> -> memref<1x125xi32, #tpu.memory_space<vmem>>
    %dma_start3A_734 = tpu.memref_squeeze %dma_start3A_733 : memref<1x125xi32, #tpu.memory_space<vmem>> -> memref<125xi32, #tpu.memory_space<vmem>>
    %dma_start3A_735 = arith.constant 0 : i32
    %dma_start3A_736 = tpu.memref_slice %arg8[%dma_start3A_735] : memref<10240xf32, #tpu.memory_space<vmem_shared>> -> memref<10240xf32, #tpu.memory_space<vmem_shared>>
    tpu.enqueue_indirect_dma source(%arg7 : memref<125xf32, #tpu.memory_space<vmem>>) target(%dma_start3A_736 : memref<10240xf32, #tpu.memory_space<vmem_shared>>) offsets(%dma_start3A_734 : memref<125xi32, #tpu.memory_space<vmem>>) semaphore(%arg9 : memref<!tpu.dma_semaphore, #tpu.memory_space<semaphore_mem>>) {add = true}
    %dma_wait3A_737 = arith.constant 0 : i32
    %dma_wait3A_738 = arith.constant 0 : i32
    %dma_wait3A_739 = tpu.memref_slice %arg6[%dma_wait3A_737, %dma_wait3A_738] : memref<80x125xi32, #tpu.memory_space<vmem>> -> memref<1x125xi32, #tpu.memory_space<vmem>>
    %dma_wait3A_740 = tpu.memref_squeeze %dma_wait3A_739 : memref<1x125xi32, #tpu.memory_space<vmem>> -> memref<125xi32, #tpu.memory_space<vmem>>
    %dma_wait3A_741 = arith.constant 0 : i32
    %dma_wait3A_742 = tpu.memref_slice %arg8[%dma_wait3A_741] : memref<10240xf32, #tpu.memory_space<vmem_shared>> -> memref<10240xf32, #tpu.memory_space<vmem_shared>>
    tpu.wait_indirect_dma semaphore(%arg9 : memref<!tpu.dma_semaphore, #tpu.memory_space<semaphore_mem>>) src(%arg7 : memref<125xf32, #tpu.memory_space<vmem>>) dst(%dma_wait3A_742 : memref<10240xf32, #tpu.memory_space<vmem_shared>>)
    %dma_start3A_743 = arith.constant 69 : i32
    %dma_start3A_744 = arith.constant 0 : i32
    %dma_start3A_745 = tpu.memref_slice %arg6[%dma_start3A_743, %dma_start3A_744] : memref<80x125xi32, #tpu.memory_space<vmem>> -> memref<1x125xi32, #tpu.memory_space<vmem>>
    %dma_start3A_746 = tpu.memref_squeeze %dma_start3A_745 : memref<1x125xi32, #tpu.memory_space<vmem>> -> memref<125xi32, #tpu.memory_space<vmem>>
    %dma_start3A_747 = arith.constant 0 : i32
    %dma_start3A_748 = tpu.memref_slice %arg8[%dma_start3A_747] : memref<10240xf32, #tpu.memory_space<vmem_shared>> -> memref<10240xf32, #tpu.memory_space<vmem_shared>>
    tpu.enqueue_indirect_dma source(%arg7 : memref<125xf32, #tpu.memory_space<vmem>>) target(%dma_start3A_748 : memref<10240xf32, #tpu.memory_space<vmem_shared>>) offsets(%dma_start3A_746 : memref<125xi32, #tpu.memory_space<vmem>>) semaphore(%arg9 : memref<!tpu.dma_semaphore, #tpu.memory_space<semaphore_mem>>) {add = true}
    %dma_wait3A_749 = arith.constant 0 : i32
    %dma_wait3A_750 = arith.constant 0 : i32
    %dma_wait3A_751 = tpu.memref_slice %arg6[%dma_wait3A_749, %dma_wait3A_750] : memref<80x125xi32, #tpu.memory_space<vmem>> -> memref<1x125xi32, #tpu.memory_space<vmem>>
    %dma_wait3A_752 = tpu.memref_squeeze %dma_wait3A_751 : memref<1x125xi32, #tpu.memory_space<vmem>> -> memref<125xi32, #tpu.memory_space<vmem>>
    %dma_wait3A_753 = arith.constant 0 : i32
    %dma_wait3A_754 = tpu.memref_slice %arg8[%dma_wait3A_753] : memref<10240xf32, #tpu.memory_space<vmem_shared>> -> memref<10240xf32, #tpu.memory_space<vmem_shared>>
    tpu.wait_indirect_dma semaphore(%arg9 : memref<!tpu.dma_semaphore, #tpu.memory_space<semaphore_mem>>) src(%arg7 : memref<125xf32, #tpu.memory_space<vmem>>) dst(%dma_wait3A_754 : memref<10240xf32, #tpu.memory_space<vmem_shared>>)
    %dma_start3A_755 = arith.constant 70 : i32
    %dma_start3A_756 = arith.constant 0 : i32
    %dma_start3A_757 = tpu.memref_slice %arg6[%dma_start3A_755, %dma_start3A_756] : memref<80x125xi32, #tpu.memory_space<vmem>> -> memref<1x125xi32, #tpu.memory_space<vmem>>
    %dma_start3A_758 = tpu.memref_squeeze %dma_start3A_757 : memref<1x125xi32, #tpu.memory_space<vmem>> -> memref<125xi32, #tpu.memory_space<vmem>>
    %dma_start3A_759 = arith.constant 0 : i32
    %dma_start3A_760 = tpu.memref_slice %arg8[%dma_start3A_759] : memref<10240xf32, #tpu.memory_space<vmem_shared>> -> memref<10240xf32, #tpu.memory_space<vmem_shared>>
    tpu.enqueue_indirect_dma source(%arg7 : memref<125xf32, #tpu.memory_space<vmem>>) target(%dma_start3A_760 : memref<10240xf32, #tpu.memory_space<vmem_shared>>) offsets(%dma_start3A_758 : memref<125xi32, #tpu.memory_space<vmem>>) semaphore(%arg9 : memref<!tpu.dma_semaphore, #tpu.memory_space<semaphore_mem>>) {add = true}
    %dma_wait3A_761 = arith.constant 0 : i32
    %dma_wait3A_762 = arith.constant 0 : i32
    %dma_wait3A_763 = tpu.memref_slice %arg6[%dma_wait3A_761, %dma_wait3A_762] : memref<80x125xi32, #tpu.memory_space<vmem>> -> memref<1x125xi32, #tpu.memory_space<vmem>>
    %dma_wait3A_764 = tpu.memref_squeeze %dma_wait3A_763 : memref<1x125xi32, #tpu.memory_space<vmem>> -> memref<125xi32, #tpu.memory_space<vmem>>
    %dma_wait3A_765 = arith.constant 0 : i32
    %dma_wait3A_766 = tpu.memref_slice %arg8[%dma_wait3A_765] : memref<10240xf32, #tpu.memory_space<vmem_shared>> -> memref<10240xf32, #tpu.memory_space<vmem_shared>>
    tpu.wait_indirect_dma semaphore(%arg9 : memref<!tpu.dma_semaphore, #tpu.memory_space<semaphore_mem>>) src(%arg7 : memref<125xf32, #tpu.memory_space<vmem>>) dst(%dma_wait3A_766 : memref<10240xf32, #tpu.memory_space<vmem_shared>>)
    %dma_start3A_767 = arith.constant 71 : i32
    %dma_start3A_768 = arith.constant 0 : i32
    %dma_start3A_769 = tpu.memref_slice %arg6[%dma_start3A_767, %dma_start3A_768] : memref<80x125xi32, #tpu.memory_space<vmem>> -> memref<1x125xi32, #tpu.memory_space<vmem>>
    %dma_start3A_770 = tpu.memref_squeeze %dma_start3A_769 : memref<1x125xi32, #tpu.memory_space<vmem>> -> memref<125xi32, #tpu.memory_space<vmem>>
    %dma_start3A_771 = arith.constant 0 : i32
    %dma_start3A_772 = tpu.memref_slice %arg8[%dma_start3A_771] : memref<10240xf32, #tpu.memory_space<vmem_shared>> -> memref<10240xf32, #tpu.memory_space<vmem_shared>>
    tpu.enqueue_indirect_dma source(%arg7 : memref<125xf32, #tpu.memory_space<vmem>>) target(%dma_start3A_772 : memref<10240xf32, #tpu.memory_space<vmem_shared>>) offsets(%dma_start3A_770 : memref<125xi32, #tpu.memory_space<vmem>>) semaphore(%arg9 : memref<!tpu.dma_semaphore, #tpu.memory_space<semaphore_mem>>) {add = true}
    %dma_wait3A_773 = arith.constant 0 : i32
    %dma_wait3A_774 = arith.constant 0 : i32
    %dma_wait3A_775 = tpu.memref_slice %arg6[%dma_wait3A_773, %dma_wait3A_774] : memref<80x125xi32, #tpu.memory_space<vmem>> -> memref<1x125xi32, #tpu.memory_space<vmem>>
    %dma_wait3A_776 = tpu.memref_squeeze %dma_wait3A_775 : memref<1x125xi32, #tpu.memory_space<vmem>> -> memref<125xi32, #tpu.memory_space<vmem>>
    %dma_wait3A_777 = arith.constant 0 : i32
    %dma_wait3A_778 = tpu.memref_slice %arg8[%dma_wait3A_777] : memref<10240xf32, #tpu.memory_space<vmem_shared>> -> memref<10240xf32, #tpu.memory_space<vmem_shared>>
    tpu.wait_indirect_dma semaphore(%arg9 : memref<!tpu.dma_semaphore, #tpu.memory_space<semaphore_mem>>) src(%arg7 : memref<125xf32, #tpu.memory_space<vmem>>) dst(%dma_wait3A_778 : memref<10240xf32, #tpu.memory_space<vmem_shared>>)
    %dma_start3A_779 = arith.constant 72 : i32
    %dma_start3A_780 = arith.constant 0 : i32
    %dma_start3A_781 = tpu.memref_slice %arg6[%dma_start3A_779, %dma_start3A_780] : memref<80x125xi32, #tpu.memory_space<vmem>> -> memref<1x125xi32, #tpu.memory_space<vmem>>
    %dma_start3A_782 = tpu.memref_squeeze %dma_start3A_781 : memref<1x125xi32, #tpu.memory_space<vmem>> -> memref<125xi32, #tpu.memory_space<vmem>>
    %dma_start3A_783 = arith.constant 0 : i32
    %dma_start3A_784 = tpu.memref_slice %arg8[%dma_start3A_783] : memref<10240xf32, #tpu.memory_space<vmem_shared>> -> memref<10240xf32, #tpu.memory_space<vmem_shared>>
    tpu.enqueue_indirect_dma source(%arg7 : memref<125xf32, #tpu.memory_space<vmem>>) target(%dma_start3A_784 : memref<10240xf32, #tpu.memory_space<vmem_shared>>) offsets(%dma_start3A_782 : memref<125xi32, #tpu.memory_space<vmem>>) semaphore(%arg9 : memref<!tpu.dma_semaphore, #tpu.memory_space<semaphore_mem>>) {add = true}
    %dma_wait3A_785 = arith.constant 0 : i32
    %dma_wait3A_786 = arith.constant 0 : i32
    %dma_wait3A_787 = tpu.memref_slice %arg6[%dma_wait3A_785, %dma_wait3A_786] : memref<80x125xi32, #tpu.memory_space<vmem>> -> memref<1x125xi32, #tpu.memory_space<vmem>>
    %dma_wait3A_788 = tpu.memref_squeeze %dma_wait3A_787 : memref<1x125xi32, #tpu.memory_space<vmem>> -> memref<125xi32, #tpu.memory_space<vmem>>
    %dma_wait3A_789 = arith.constant 0 : i32
    %dma_wait3A_790 = tpu.memref_slice %arg8[%dma_wait3A_789] : memref<10240xf32, #tpu.memory_space<vmem_shared>> -> memref<10240xf32, #tpu.memory_space<vmem_shared>>
    tpu.wait_indirect_dma semaphore(%arg9 : memref<!tpu.dma_semaphore, #tpu.memory_space<semaphore_mem>>) src(%arg7 : memref<125xf32, #tpu.memory_space<vmem>>) dst(%dma_wait3A_790 : memref<10240xf32, #tpu.memory_space<vmem_shared>>)
    %dma_start3A_791 = arith.constant 73 : i32
    %dma_start3A_792 = arith.constant 0 : i32
    %dma_start3A_793 = tpu.memref_slice %arg6[%dma_start3A_791, %dma_start3A_792] : memref<80x125xi32, #tpu.memory_space<vmem>> -> memref<1x125xi32, #tpu.memory_space<vmem>>
    %dma_start3A_794 = tpu.memref_squeeze %dma_start3A_793 : memref<1x125xi32, #tpu.memory_space<vmem>> -> memref<125xi32, #tpu.memory_space<vmem>>
    %dma_start3A_795 = arith.constant 0 : i32
    %dma_start3A_796 = tpu.memref_slice %arg8[%dma_start3A_795] : memref<10240xf32, #tpu.memory_space<vmem_shared>> -> memref<10240xf32, #tpu.memory_space<vmem_shared>>
    tpu.enqueue_indirect_dma source(%arg7 : memref<125xf32, #tpu.memory_space<vmem>>) target(%dma_start3A_796 : memref<10240xf32, #tpu.memory_space<vmem_shared>>) offsets(%dma_start3A_794 : memref<125xi32, #tpu.memory_space<vmem>>) semaphore(%arg9 : memref<!tpu.dma_semaphore, #tpu.memory_space<semaphore_mem>>) {add = true}
    %dma_wait3A_797 = arith.constant 0 : i32
    %dma_wait3A_798 = arith.constant 0 : i32
    %dma_wait3A_799 = tpu.memref_slice %arg6[%dma_wait3A_797, %dma_wait3A_798] : memref<80x125xi32, #tpu.memory_space<vmem>> -> memref<1x125xi32, #tpu.memory_space<vmem>>
    %dma_wait3A_800 = tpu.memref_squeeze %dma_wait3A_799 : memref<1x125xi32, #tpu.memory_space<vmem>> -> memref<125xi32, #tpu.memory_space<vmem>>
    %dma_wait3A_801 = arith.constant 0 : i32
    %dma_wait3A_802 = tpu.memref_slice %arg8[%dma_wait3A_801] : memref<10240xf32, #tpu.memory_space<vmem_shared>> -> memref<10240xf32, #tpu.memory_space<vmem_shared>>
    tpu.wait_indirect_dma semaphore(%arg9 : memref<!tpu.dma_semaphore, #tpu.memory_space<semaphore_mem>>) src(%arg7 : memref<125xf32, #tpu.memory_space<vmem>>) dst(%dma_wait3A_802 : memref<10240xf32, #tpu.memory_space<vmem_shared>>)
    %dma_start3A_803 = arith.constant 74 : i32
    %dma_start3A_804 = arith.constant 0 : i32
    %dma_start3A_805 = tpu.memref_slice %arg6[%dma_start3A_803, %dma_start3A_804] : memref<80x125xi32, #tpu.memory_space<vmem>> -> memref<1x125xi32, #tpu.memory_space<vmem>>
    %dma_start3A_806 = tpu.memref_squeeze %dma_start3A_805 : memref<1x125xi32, #tpu.memory_space<vmem>> -> memref<125xi32, #tpu.memory_space<vmem>>
    %dma_start3A_807 = arith.constant 0 : i32
    %dma_start3A_808 = tpu.memref_slice %arg8[%dma_start3A_807] : memref<10240xf32, #tpu.memory_space<vmem_shared>> -> memref<10240xf32, #tpu.memory_space<vmem_shared>>
    tpu.enqueue_indirect_dma source(%arg7 : memref<125xf32, #tpu.memory_space<vmem>>) target(%dma_start3A_808 : memref<10240xf32, #tpu.memory_space<vmem_shared>>) offsets(%dma_start3A_806 : memref<125xi32, #tpu.memory_space<vmem>>) semaphore(%arg9 : memref<!tpu.dma_semaphore, #tpu.memory_space<semaphore_mem>>) {add = true}
    %dma_wait3A_809 = arith.constant 0 : i32
    %dma_wait3A_810 = arith.constant 0 : i32
    %dma_wait3A_811 = tpu.memref_slice %arg6[%dma_wait3A_809, %dma_wait3A_810] : memref<80x125xi32, #tpu.memory_space<vmem>> -> memref<1x125xi32, #tpu.memory_space<vmem>>
    %dma_wait3A_812 = tpu.memref_squeeze %dma_wait3A_811 : memref<1x125xi32, #tpu.memory_space<vmem>> -> memref<125xi32, #tpu.memory_space<vmem>>
    %dma_wait3A_813 = arith.constant 0 : i32
    %dma_wait3A_814 = tpu.memref_slice %arg8[%dma_wait3A_813] : memref<10240xf32, #tpu.memory_space<vmem_shared>> -> memref<10240xf32, #tpu.memory_space<vmem_shared>>
    tpu.wait_indirect_dma semaphore(%arg9 : memref<!tpu.dma_semaphore, #tpu.memory_space<semaphore_mem>>) src(%arg7 : memref<125xf32, #tpu.memory_space<vmem>>) dst(%dma_wait3A_814 : memref<10240xf32, #tpu.memory_space<vmem_shared>>)
    %dma_start3A_815 = arith.constant 75 : i32
    %dma_start3A_816 = arith.constant 0 : i32
    %dma_start3A_817 = tpu.memref_slice %arg6[%dma_start3A_815, %dma_start3A_816] : memref<80x125xi32, #tpu.memory_space<vmem>> -> memref<1x125xi32, #tpu.memory_space<vmem>>
    %dma_start3A_818 = tpu.memref_squeeze %dma_start3A_817 : memref<1x125xi32, #tpu.memory_space<vmem>> -> memref<125xi32, #tpu.memory_space<vmem>>
    %dma_start3A_819 = arith.constant 0 : i32
    %dma_start3A_820 = tpu.memref_slice %arg8[%dma_start3A_819] : memref<10240xf32, #tpu.memory_space<vmem_shared>> -> memref<10240xf32, #tpu.memory_space<vmem_shared>>
    tpu.enqueue_indirect_dma source(%arg7 : memref<125xf32, #tpu.memory_space<vmem>>) target(%dma_start3A_820 : memref<10240xf32, #tpu.memory_space<vmem_shared>>) offsets(%dma_start3A_818 : memref<125xi32, #tpu.memory_space<vmem>>) semaphore(%arg9 : memref<!tpu.dma_semaphore, #tpu.memory_space<semaphore_mem>>) {add = true}
    %dma_wait3A_821 = arith.constant 0 : i32
    %dma_wait3A_822 = arith.constant 0 : i32
    %dma_wait3A_823 = tpu.memref_slice %arg6[%dma_wait3A_821, %dma_wait3A_822] : memref<80x125xi32, #tpu.memory_space<vmem>> -> memref<1x125xi32, #tpu.memory_space<vmem>>
    %dma_wait3A_824 = tpu.memref_squeeze %dma_wait3A_823 : memref<1x125xi32, #tpu.memory_space<vmem>> -> memref<125xi32, #tpu.memory_space<vmem>>
    %dma_wait3A_825 = arith.constant 0 : i32
    %dma_wait3A_826 = tpu.memref_slice %arg8[%dma_wait3A_825] : memref<10240xf32, #tpu.memory_space<vmem_shared>> -> memref<10240xf32, #tpu.memory_space<vmem_shared>>
    tpu.wait_indirect_dma semaphore(%arg9 : memref<!tpu.dma_semaphore, #tpu.memory_space<semaphore_mem>>) src(%arg7 : memref<125xf32, #tpu.memory_space<vmem>>) dst(%dma_wait3A_826 : memref<10240xf32, #tpu.memory_space<vmem_shared>>)
    %dma_start3A_827 = arith.constant 76 : i32
    %dma_start3A_828 = arith.constant 0 : i32
    %dma_start3A_829 = tpu.memref_slice %arg6[%dma_start3A_827, %dma_start3A_828] : memref<80x125xi32, #tpu.memory_space<vmem>> -> memref<1x125xi32, #tpu.memory_space<vmem>>
    %dma_start3A_830 = tpu.memref_squeeze %dma_start3A_829 : memref<1x125xi32, #tpu.memory_space<vmem>> -> memref<125xi32, #tpu.memory_space<vmem>>
    %dma_start3A_831 = arith.constant 0 : i32
    %dma_start3A_832 = tpu.memref_slice %arg8[%dma_start3A_831] : memref<10240xf32, #tpu.memory_space<vmem_shared>> -> memref<10240xf32, #tpu.memory_space<vmem_shared>>
    tpu.enqueue_indirect_dma source(%arg7 : memref<125xf32, #tpu.memory_space<vmem>>) target(%dma_start3A_832 : memref<10240xf32, #tpu.memory_space<vmem_shared>>) offsets(%dma_start3A_830 : memref<125xi32, #tpu.memory_space<vmem>>) semaphore(%arg9 : memref<!tpu.dma_semaphore, #tpu.memory_space<semaphore_mem>>) {add = true}
    %dma_wait3A_833 = arith.constant 0 : i32
    %dma_wait3A_834 = arith.constant 0 : i32
    %dma_wait3A_835 = tpu.memref_slice %arg6[%dma_wait3A_833, %dma_wait3A_834] : memref<80x125xi32, #tpu.memory_space<vmem>> -> memref<1x125xi32, #tpu.memory_space<vmem>>
    %dma_wait3A_836 = tpu.memref_squeeze %dma_wait3A_835 : memref<1x125xi32, #tpu.memory_space<vmem>> -> memref<125xi32, #tpu.memory_space<vmem>>
    %dma_wait3A_837 = arith.constant 0 : i32
    %dma_wait3A_838 = tpu.memref_slice %arg8[%dma_wait3A_837] : memref<10240xf32, #tpu.memory_space<vmem_shared>> -> memref<10240xf32, #tpu.memory_space<vmem_shared>>
    tpu.wait_indirect_dma semaphore(%arg9 : memref<!tpu.dma_semaphore, #tpu.memory_space<semaphore_mem>>) src(%arg7 : memref<125xf32, #tpu.memory_space<vmem>>) dst(%dma_wait3A_838 : memref<10240xf32, #tpu.memory_space<vmem_shared>>)
    %dma_start3A_839 = arith.constant 77 : i32
    %dma_start3A_840 = arith.constant 0 : i32
    %dma_start3A_841 = tpu.memref_slice %arg6[%dma_start3A_839, %dma_start3A_840] : memref<80x125xi32, #tpu.memory_space<vmem>> -> memref<1x125xi32, #tpu.memory_space<vmem>>
    %dma_start3A_842 = tpu.memref_squeeze %dma_start3A_841 : memref<1x125xi32, #tpu.memory_space<vmem>> -> memref<125xi32, #tpu.memory_space<vmem>>
    %dma_start3A_843 = arith.constant 0 : i32
    %dma_start3A_844 = tpu.memref_slice %arg8[%dma_start3A_843] : memref<10240xf32, #tpu.memory_space<vmem_shared>> -> memref<10240xf32, #tpu.memory_space<vmem_shared>>
    tpu.enqueue_indirect_dma source(%arg7 : memref<125xf32, #tpu.memory_space<vmem>>) target(%dma_start3A_844 : memref<10240xf32, #tpu.memory_space<vmem_shared>>) offsets(%dma_start3A_842 : memref<125xi32, #tpu.memory_space<vmem>>) semaphore(%arg9 : memref<!tpu.dma_semaphore, #tpu.memory_space<semaphore_mem>>) {add = true}
    %dma_wait3A_845 = arith.constant 0 : i32
    %dma_wait3A_846 = arith.constant 0 : i32
    %dma_wait3A_847 = tpu.memref_slice %arg6[%dma_wait3A_845, %dma_wait3A_846] : memref<80x125xi32, #tpu.memory_space<vmem>> -> memref<1x125xi32, #tpu.memory_space<vmem>>
    %dma_wait3A_848 = tpu.memref_squeeze %dma_wait3A_847 : memref<1x125xi32, #tpu.memory_space<vmem>> -> memref<125xi32, #tpu.memory_space<vmem>>
    %dma_wait3A_849 = arith.constant 0 : i32
    %dma_wait3A_850 = tpu.memref_slice %arg8[%dma_wait3A_849] : memref<10240xf32, #tpu.memory_space<vmem_shared>> -> memref<10240xf32, #tpu.memory_space<vmem_shared>>
    tpu.wait_indirect_dma semaphore(%arg9 : memref<!tpu.dma_semaphore, #tpu.memory_space<semaphore_mem>>) src(%arg7 : memref<125xf32, #tpu.memory_space<vmem>>) dst(%dma_wait3A_850 : memref<10240xf32, #tpu.memory_space<vmem_shared>>)
    %dma_start3A_851 = arith.constant 78 : i32
    %dma_start3A_852 = arith.constant 0 : i32
    %dma_start3A_853 = tpu.memref_slice %arg6[%dma_start3A_851, %dma_start3A_852] : memref<80x125xi32, #tpu.memory_space<vmem>> -> memref<1x125xi32, #tpu.memory_space<vmem>>
    %dma_start3A_854 = tpu.memref_squeeze %dma_start3A_853 : memref<1x125xi32, #tpu.memory_space<vmem>> -> memref<125xi32, #tpu.memory_space<vmem>>
    %dma_start3A_855 = arith.constant 0 : i32
    %dma_start3A_856 = tpu.memref_slice %arg8[%dma_start3A_855] : memref<10240xf32, #tpu.memory_space<vmem_shared>> -> memref<10240xf32, #tpu.memory_space<vmem_shared>>
    tpu.enqueue_indirect_dma source(%arg7 : memref<125xf32, #tpu.memory_space<vmem>>) target(%dma_start3A_856 : memref<10240xf32, #tpu.memory_space<vmem_shared>>) offsets(%dma_start3A_854 : memref<125xi32, #tpu.memory_space<vmem>>) semaphore(%arg9 : memref<!tpu.dma_semaphore, #tpu.memory_space<semaphore_mem>>) {add = true}
    %dma_wait3A_857 = arith.constant 0 : i32
    %dma_wait3A_858 = arith.constant 0 : i32
    %dma_wait3A_859 = tpu.memref_slice %arg6[%dma_wait3A_857, %dma_wait3A_858] : memref<80x125xi32, #tpu.memory_space<vmem>> -> memref<1x125xi32, #tpu.memory_space<vmem>>
    %dma_wait3A_860 = tpu.memref_squeeze %dma_wait3A_859 : memref<1x125xi32, #tpu.memory_space<vmem>> -> memref<125xi32, #tpu.memory_space<vmem>>
    %dma_wait3A_861 = arith.constant 0 : i32
    %dma_wait3A_862 = tpu.memref_slice %arg8[%dma_wait3A_861] : memref<10240xf32, #tpu.memory_space<vmem_shared>> -> memref<10240xf32, #tpu.memory_space<vmem_shared>>
    tpu.wait_indirect_dma semaphore(%arg9 : memref<!tpu.dma_semaphore, #tpu.memory_space<semaphore_mem>>) src(%arg7 : memref<125xf32, #tpu.memory_space<vmem>>) dst(%dma_wait3A_862 : memref<10240xf32, #tpu.memory_space<vmem_shared>>)
    %dma_start3A_863 = arith.constant 79 : i32
    %dma_start3A_864 = arith.constant 0 : i32
    %dma_start3A_865 = tpu.memref_slice %arg6[%dma_start3A_863, %dma_start3A_864] : memref<80x125xi32, #tpu.memory_space<vmem>> -> memref<1x125xi32, #tpu.memory_space<vmem>>
    %dma_start3A_866 = tpu.memref_squeeze %dma_start3A_865 : memref<1x125xi32, #tpu.memory_space<vmem>> -> memref<125xi32, #tpu.memory_space<vmem>>
    %dma_start3A_867 = arith.constant 0 : i32
    %dma_start3A_868 = tpu.memref_slice %arg8[%dma_start3A_867] : memref<10240xf32, #tpu.memory_space<vmem_shared>> -> memref<10240xf32, #tpu.memory_space<vmem_shared>>
    tpu.enqueue_indirect_dma source(%arg7 : memref<125xf32, #tpu.memory_space<vmem>>) target(%dma_start3A_868 : memref<10240xf32, #tpu.memory_space<vmem_shared>>) offsets(%dma_start3A_866 : memref<125xi32, #tpu.memory_space<vmem>>) semaphore(%arg9 : memref<!tpu.dma_semaphore, #tpu.memory_space<semaphore_mem>>) {add = true}
    %dma_wait3A_869 = arith.constant 0 : i32
    %dma_wait3A_870 = arith.constant 0 : i32
    %dma_wait3A_871 = tpu.memref_slice %arg6[%dma_wait3A_869, %dma_wait3A_870] : memref<80x125xi32, #tpu.memory_space<vmem>> -> memref<1x125xi32, #tpu.memory_space<vmem>>
    %dma_wait3A_872 = tpu.memref_squeeze %dma_wait3A_871 : memref<1x125xi32, #tpu.memory_space<vmem>> -> memref<125xi32, #tpu.memory_space<vmem>>
    %dma_wait3A_873 = arith.constant 0 : i32
    %dma_wait3A_874 = tpu.memref_slice %arg8[%dma_wait3A_873] : memref<10240xf32, #tpu.memory_space<vmem_shared>> -> memref<10240xf32, #tpu.memory_space<vmem_shared>>
    tpu.wait_indirect_dma semaphore(%arg9 : memref<!tpu.dma_semaphore, #tpu.memory_space<semaphore_mem>>) src(%arg7 : memref<125xf32, #tpu.memory_space<vmem>>) dst(%dma_wait3A_874 : memref<10240xf32, #tpu.memory_space<vmem_shared>>)
    %dma_wait3A_875 = arith.constant 0 : i32
    %dma_wait3A_876 = arith.constant 0 : i32
    %dma_wait3A_877 = tpu.memref_slice %arg6[%dma_wait3A_875, %dma_wait3A_876] : memref<80x125xi32, #tpu.memory_space<vmem>> -> memref<1x125xi32, #tpu.memory_space<vmem>>
    %dma_wait3A_878 = tpu.memref_squeeze %dma_wait3A_877 : memref<1x125xi32, #tpu.memory_space<vmem>> -> memref<125xi32, #tpu.memory_space<vmem>>
    %dma_wait3A_879 = arith.constant 0 : i32
    %dma_wait3A_880 = tpu.memref_slice %arg8[%dma_wait3A_879] : memref<10240xf32, #tpu.memory_space<vmem_shared>> -> memref<10240xf32, #tpu.memory_space<vmem_shared>>
    tpu.wait_indirect_dma semaphore(%arg9 : memref<!tpu.dma_semaphore, #tpu.memory_space<semaphore_mem>>) src(%arg7 : memref<125xf32, #tpu.memory_space<vmem>>) dst(%dma_wait3A_880 : memref<10240xf32, #tpu.memory_space<vmem_shared>>)
    %dma_wait3A_881 = arith.constant 0 : i32
    %dma_wait3A_882 = arith.constant 0 : i32
    %dma_wait3A_883 = tpu.memref_slice %arg6[%dma_wait3A_881, %dma_wait3A_882] : memref<80x125xi32, #tpu.memory_space<vmem>> -> memref<1x125xi32, #tpu.memory_space<vmem>>
    %dma_wait3A_884 = tpu.memref_squeeze %dma_wait3A_883 : memref<1x125xi32, #tpu.memory_space<vmem>> -> memref<125xi32, #tpu.memory_space<vmem>>
    %dma_wait3A_885 = arith.constant 0 : i32
    %dma_wait3A_886 = tpu.memref_slice %arg8[%dma_wait3A_885] : memref<10240xf32, #tpu.memory_space<vmem_shared>> -> memref<10240xf32, #tpu.memory_space<vmem_shared>>
    tpu.wait_indirect_dma semaphore(%arg9 : memref<!tpu.dma_semaphore, #tpu.memory_space<semaphore_mem>>) src(%arg7 : memref<125xf32, #tpu.memory_space<vmem>>) dst(%dma_wait3A_886 : memref<10240xf32, #tpu.memory_space<vmem_shared>>)
    %dma_wait3A_887 = arith.constant 0 : i32
    %dma_wait3A_888 = arith.constant 0 : i32
    %dma_wait3A_889 = tpu.memref_slice %arg6[%dma_wait3A_887, %dma_wait3A_888] : memref<80x125xi32, #tpu.memory_space<vmem>> -> memref<1x125xi32, #tpu.memory_space<vmem>>
    %dma_wait3A_890 = tpu.memref_squeeze %dma_wait3A_889 : memref<1x125xi32, #tpu.memory_space<vmem>> -> memref<125xi32, #tpu.memory_space<vmem>>
    %dma_wait3A_891 = arith.constant 0 : i32
    %dma_wait3A_892 = tpu.memref_slice %arg8[%dma_wait3A_891] : memref<10240xf32, #tpu.memory_space<vmem_shared>> -> memref<10240xf32, #tpu.memory_space<vmem_shared>>
    tpu.wait_indirect_dma semaphore(%arg9 : memref<!tpu.dma_semaphore, #tpu.memory_space<semaphore_mem>>) src(%arg7 : memref<125xf32, #tpu.memory_space<vmem>>) dst(%dma_wait3A_892 : memref<10240xf32, #tpu.memory_space<vmem_shared>>)
    %dma_wait3A_893 = arith.constant 0 : i32
    %dma_wait3A_894 = arith.constant 0 : i32
    %dma_wait3A_895 = tpu.memref_slice %arg6[%dma_wait3A_893, %dma_wait3A_894] : memref<80x125xi32, #tpu.memory_space<vmem>> -> memref<1x125xi32, #tpu.memory_space<vmem>>
    %dma_wait3A_896 = tpu.memref_squeeze %dma_wait3A_895 : memref<1x125xi32, #tpu.memory_space<vmem>> -> memref<125xi32, #tpu.memory_space<vmem>>
    %dma_wait3A_897 = arith.constant 0 : i32
    %dma_wait3A_898 = tpu.memref_slice %arg8[%dma_wait3A_897] : memref<10240xf32, #tpu.memory_space<vmem_shared>> -> memref<10240xf32, #tpu.memory_space<vmem_shared>>
    tpu.wait_indirect_dma semaphore(%arg9 : memref<!tpu.dma_semaphore, #tpu.memory_space<semaphore_mem>>) src(%arg7 : memref<125xf32, #tpu.memory_space<vmem>>) dst(%dma_wait3A_898 : memref<10240xf32, #tpu.memory_space<vmem_shared>>)
    %dma_wait3A_899 = arith.constant 0 : i32
    %dma_wait3A_900 = arith.constant 0 : i32
    %dma_wait3A_901 = tpu.memref_slice %arg6[%dma_wait3A_899, %dma_wait3A_900] : memref<80x125xi32, #tpu.memory_space<vmem>> -> memref<1x125xi32, #tpu.memory_space<vmem>>
    %dma_wait3A_902 = tpu.memref_squeeze %dma_wait3A_901 : memref<1x125xi32, #tpu.memory_space<vmem>> -> memref<125xi32, #tpu.memory_space<vmem>>
    %dma_wait3A_903 = arith.constant 0 : i32
    %dma_wait3A_904 = tpu.memref_slice %arg8[%dma_wait3A_903] : memref<10240xf32, #tpu.memory_space<vmem_shared>> -> memref<10240xf32, #tpu.memory_space<vmem_shared>>
    tpu.wait_indirect_dma semaphore(%arg9 : memref<!tpu.dma_semaphore, #tpu.memory_space<semaphore_mem>>) src(%arg7 : memref<125xf32, #tpu.memory_space<vmem>>) dst(%dma_wait3A_904 : memref<10240xf32, #tpu.memory_space<vmem_shared>>)
    %dma_wait3A_905 = arith.constant 0 : i32
    %dma_wait3A_906 = arith.constant 0 : i32
    %dma_wait3A_907 = tpu.memref_slice %arg6[%dma_wait3A_905, %dma_wait3A_906] : memref<80x125xi32, #tpu.memory_space<vmem>> -> memref<1x125xi32, #tpu.memory_space<vmem>>
    %dma_wait3A_908 = tpu.memref_squeeze %dma_wait3A_907 : memref<1x125xi32, #tpu.memory_space<vmem>> -> memref<125xi32, #tpu.memory_space<vmem>>
    %dma_wait3A_909 = arith.constant 0 : i32
    %dma_wait3A_910 = tpu.memref_slice %arg8[%dma_wait3A_909] : memref<10240xf32, #tpu.memory_space<vmem_shared>> -> memref<10240xf32, #tpu.memory_space<vmem_shared>>
    tpu.wait_indirect_dma semaphore(%arg9 : memref<!tpu.dma_semaphore, #tpu.memory_space<semaphore_mem>>) src(%arg7 : memref<125xf32, #tpu.memory_space<vmem>>) dst(%dma_wait3A_910 : memref<10240xf32, #tpu.memory_space<vmem_shared>>)
    %dma_wait3A_911 = arith.constant 0 : i32
    %dma_wait3A_912 = arith.constant 0 : i32
    %dma_wait3A_913 = tpu.memref_slice %arg6[%dma_wait3A_911, %dma_wait3A_912] : memref<80x125xi32, #tpu.memory_space<vmem>> -> memref<1x125xi32, #tpu.memory_space<vmem>>
    %dma_wait3A_914 = tpu.memref_squeeze %dma_wait3A_913 : memref<1x125xi32, #tpu.memory_space<vmem>> -> memref<125xi32, #tpu.memory_space<vmem>>
    %dma_wait3A_915 = arith.constant 0 : i32
    %dma_wait3A_916 = tpu.memref_slice %arg8[%dma_wait3A_915] : memref<10240xf32, #tpu.memory_space<vmem_shared>> -> memref<10240xf32, #tpu.memory_space<vmem_shared>>
    tpu.wait_indirect_dma semaphore(%arg9 : memref<!tpu.dma_semaphore, #tpu.memory_space<semaphore_mem>>) src(%arg7 : memref<125xf32, #tpu.memory_space<vmem>>) dst(%dma_wait3A_916 : memref<10240xf32, #tpu.memory_space<vmem_shared>>)
    %dma_wait3A_917 = arith.constant 0 : i32
    %dma_wait3A_918 = arith.constant 0 : i32
    %dma_wait3A_919 = tpu.memref_slice %arg6[%dma_wait3A_917, %dma_wait3A_918] : memref<80x125xi32, #tpu.memory_space<vmem>> -> memref<1x125xi32, #tpu.memory_space<vmem>>
    %dma_wait3A_920 = tpu.memref_squeeze %dma_wait3A_919 : memref<1x125xi32, #tpu.memory_space<vmem>> -> memref<125xi32, #tpu.memory_space<vmem>>
    %dma_wait3A_921 = arith.constant 0 : i32
    %dma_wait3A_922 = tpu.memref_slice %arg8[%dma_wait3A_921] : memref<10240xf32, #tpu.memory_space<vmem_shared>> -> memref<10240xf32, #tpu.memory_space<vmem_shared>>
    tpu.wait_indirect_dma semaphore(%arg9 : memref<!tpu.dma_semaphore, #tpu.memory_space<semaphore_mem>>) src(%arg7 : memref<125xf32, #tpu.memory_space<vmem>>) dst(%dma_wait3A_922 : memref<10240xf32, #tpu.memory_space<vmem_shared>>)
    %dma_wait3A_923 = arith.constant 0 : i32
    %dma_wait3A_924 = arith.constant 0 : i32
    %dma_wait3A_925 = tpu.memref_slice %arg6[%dma_wait3A_923, %dma_wait3A_924] : memref<80x125xi32, #tpu.memory_space<vmem>> -> memref<1x125xi32, #tpu.memory_space<vmem>>
    %dma_wait3A_926 = tpu.memref_squeeze %dma_wait3A_925 : memref<1x125xi32, #tpu.memory_space<vmem>> -> memref<125xi32, #tpu.memory_space<vmem>>
    %dma_wait3A_927 = arith.constant 0 : i32
    %dma_wait3A_928 = tpu.memref_slice %arg8[%dma_wait3A_927] : memref<10240xf32, #tpu.memory_space<vmem_shared>> -> memref<10240xf32, #tpu.memory_space<vmem_shared>>
    tpu.wait_indirect_dma semaphore(%arg9 : memref<!tpu.dma_semaphore, #tpu.memory_space<semaphore_mem>>) src(%arg7 : memref<125xf32, #tpu.memory_space<vmem>>) dst(%dma_wait3A_928 : memref<10240xf32, #tpu.memory_space<vmem_shared>>)
    %dma_wait3A_929 = arith.constant 0 : i32
    %dma_wait3A_930 = arith.constant 0 : i32
    %dma_wait3A_931 = tpu.memref_slice %arg6[%dma_wait3A_929, %dma_wait3A_930] : memref<80x125xi32, #tpu.memory_space<vmem>> -> memref<1x125xi32, #tpu.memory_space<vmem>>
    %dma_wait3A_932 = tpu.memref_squeeze %dma_wait3A_931 : memref<1x125xi32, #tpu.memory_space<vmem>> -> memref<125xi32, #tpu.memory_space<vmem>>
    %dma_wait3A_933 = arith.constant 0 : i32
    %dma_wait3A_934 = tpu.memref_slice %arg8[%dma_wait3A_933] : memref<10240xf32, #tpu.memory_space<vmem_shared>> -> memref<10240xf32, #tpu.memory_space<vmem_shared>>
    tpu.wait_indirect_dma semaphore(%arg9 : memref<!tpu.dma_semaphore, #tpu.memory_space<semaphore_mem>>) src(%arg7 : memref<125xf32, #tpu.memory_space<vmem>>) dst(%dma_wait3A_934 : memref<10240xf32, #tpu.memory_space<vmem_shared>>)
    %dma_wait3A_935 = arith.constant 0 : i32
    %dma_wait3A_936 = arith.constant 0 : i32
    %dma_wait3A_937 = tpu.memref_slice %arg6[%dma_wait3A_935, %dma_wait3A_936] : memref<80x125xi32, #tpu.memory_space<vmem>> -> memref<1x125xi32, #tpu.memory_space<vmem>>
    %dma_wait3A_938 = tpu.memref_squeeze %dma_wait3A_937 : memref<1x125xi32, #tpu.memory_space<vmem>> -> memref<125xi32, #tpu.memory_space<vmem>>
    %dma_wait3A_939 = arith.constant 0 : i32
    %dma_wait3A_940 = tpu.memref_slice %arg8[%dma_wait3A_939] : memref<10240xf32, #tpu.memory_space<vmem_shared>> -> memref<10240xf32, #tpu.memory_space<vmem_shared>>
    tpu.wait_indirect_dma semaphore(%arg9 : memref<!tpu.dma_semaphore, #tpu.memory_space<semaphore_mem>>) src(%arg7 : memref<125xf32, #tpu.memory_space<vmem>>) dst(%dma_wait3A_940 : memref<10240xf32, #tpu.memory_space<vmem_shared>>)
    %dma_wait3A_941 = arith.constant 0 : i32
    %dma_wait3A_942 = arith.constant 0 : i32
    %dma_wait3A_943 = tpu.memref_slice %arg6[%dma_wait3A_941, %dma_wait3A_942] : memref<80x125xi32, #tpu.memory_space<vmem>> -> memref<1x125xi32, #tpu.memory_space<vmem>>
    %dma_wait3A_944 = tpu.memref_squeeze %dma_wait3A_943 : memref<1x125xi32, #tpu.memory_space<vmem>> -> memref<125xi32, #tpu.memory_space<vmem>>
    %dma_wait3A_945 = arith.constant 0 : i32
    %dma_wait3A_946 = tpu.memref_slice %arg8[%dma_wait3A_945] : memref<10240xf32, #tpu.memory_space<vmem_shared>> -> memref<10240xf32, #tpu.memory_space<vmem_shared>>
    tpu.wait_indirect_dma semaphore(%arg9 : memref<!tpu.dma_semaphore, #tpu.memory_space<semaphore_mem>>) src(%arg7 : memref<125xf32, #tpu.memory_space<vmem>>) dst(%dma_wait3A_946 : memref<10240xf32, #tpu.memory_space<vmem_shared>>)
    %dma_wait3A_947 = arith.constant 0 : i32
    %dma_wait3A_948 = arith.constant 0 : i32
    %dma_wait3A_949 = tpu.memref_slice %arg6[%dma_wait3A_947, %dma_wait3A_948] : memref<80x125xi32, #tpu.memory_space<vmem>> -> memref<1x125xi32, #tpu.memory_space<vmem>>
    %dma_wait3A_950 = tpu.memref_squeeze %dma_wait3A_949 : memref<1x125xi32, #tpu.memory_space<vmem>> -> memref<125xi32, #tpu.memory_space<vmem>>
    %dma_wait3A_951 = arith.constant 0 : i32
    %dma_wait3A_952 = tpu.memref_slice %arg8[%dma_wait3A_951] : memref<10240xf32, #tpu.memory_space<vmem_shared>> -> memref<10240xf32, #tpu.memory_space<vmem_shared>>
    tpu.wait_indirect_dma semaphore(%arg9 : memref<!tpu.dma_semaphore, #tpu.memory_space<semaphore_mem>>) src(%arg7 : memref<125xf32, #tpu.memory_space<vmem>>) dst(%dma_wait3A_952 : memref<10240xf32, #tpu.memory_space<vmem_shared>>)
    %dma_wait3A_953 = arith.constant 0 : i32
    %dma_wait3A_954 = arith.constant 0 : i32
    %dma_wait3A_955 = tpu.memref_slice %arg6[%dma_wait3A_953, %dma_wait3A_954] : memref<80x125xi32, #tpu.memory_space<vmem>> -> memref<1x125xi32, #tpu.memory_space<vmem>>
    %dma_wait3A_956 = tpu.memref_squeeze %dma_wait3A_955 : memref<1x125xi32, #tpu.memory_space<vmem>> -> memref<125xi32, #tpu.memory_space<vmem>>
    %dma_wait3A_957 = arith.constant 0 : i32
    %dma_wait3A_958 = tpu.memref_slice %arg8[%dma_wait3A_957] : memref<10240xf32, #tpu.memory_space<vmem_shared>> -> memref<10240xf32, #tpu.memory_space<vmem_shared>>
    tpu.wait_indirect_dma semaphore(%arg9 : memref<!tpu.dma_semaphore, #tpu.memory_space<semaphore_mem>>) src(%arg7 : memref<125xf32, #tpu.memory_space<vmem>>) dst(%dma_wait3A_958 : memref<10240xf32, #tpu.memory_space<vmem_shared>>)
    %dma_wait3A_959 = arith.constant 0 : i32
    %dma_wait3A_960 = arith.constant 0 : i32
    %dma_wait3A_961 = tpu.memref_slice %arg6[%dma_wait3A_959, %dma_wait3A_960] : memref<80x125xi32, #tpu.memory_space<vmem>> -> memref<1x125xi32, #tpu.memory_space<vmem>>
    %dma_wait3A_962 = tpu.memref_squeeze %dma_wait3A_961 : memref<1x125xi32, #tpu.memory_space<vmem>> -> memref<125xi32, #tpu.memory_space<vmem>>
    %dma_wait3A_963 = arith.constant 0 : i32
    %dma_wait3A_964 = tpu.memref_slice %arg8[%dma_wait3A_963] : memref<10240xf32, #tpu.memory_space<vmem_shared>> -> memref<10240xf32, #tpu.memory_space<vmem_shared>>
    tpu.wait_indirect_dma semaphore(%arg9 : memref<!tpu.dma_semaphore, #tpu.memory_space<semaphore_mem>>) src(%arg7 : memref<125xf32, #tpu.memory_space<vmem>>) dst(%dma_wait3A_964 : memref<10240xf32, #tpu.memory_space<vmem_shared>>)
    %barrier3A_965 = arith.constant 0 : index
    tpu.barrier barrier_id(%barrier3A_965)
    %mul3A_966 = arith.constant 640 : i32
    %mul3A_967 = arith.muli %arg1, %mul3A_966 : i32
    %mul3A_968 = arith.constant 640 : i32
    %mul3A_969 = arith.muli %arg1, %mul3A_968 : i32
    "tpu.region"() ({
      %run_scoped3A = tpu.sem_alloc : memref<!tpu.dma_semaphore, #tpu.memory_space<semaphore_mem>>
      %dma_start3A_970 = tpu.memref_slice %arg5[%arg0, %mul3A_969] : memref<2x10240xf32, #tpu.memory_space<hbm>> -> memref<1x640xf32, #tpu.memory_space<hbm>>
      %dma_start3A_971 = tpu.memref_squeeze %dma_start3A_970 : memref<1x640xf32, #tpu.memory_space<hbm>> -> memref<640xf32, #tpu.memory_space<hbm>>
      %dma_start3A_972 = tpu.memref_slice %arg8[%mul3A_967] : memref<10240xf32, #tpu.memory_space<vmem_shared>> -> memref<640xf32, #tpu.memory_space<vmem_shared>>
      tpu.enqueue_dma source(%dma_start3A_972 : memref<640xf32, #tpu.memory_space<vmem_shared>>) target(%dma_start3A_971 : memref<640xf32, #tpu.memory_space<hbm>>) target_semaphore(%run_scoped3A : memref<!tpu.dma_semaphore, #tpu.memory_space<semaphore_mem>>)
      %dma_wait3A_973 = tpu.memref_slice %arg5[%arg0, %mul3A_969] : memref<2x10240xf32, #tpu.memory_space<hbm>> -> memref<1x640xf32, #tpu.memory_space<hbm>>
      %dma_wait3A_974 = tpu.memref_squeeze %dma_wait3A_973 : memref<1x640xf32, #tpu.memory_space<hbm>> -> memref<640xf32, #tpu.memory_space<hbm>>
      %dma_wait3A_975 = tpu.memref_slice %arg8[%mul3A_967] : memref<10240xf32, #tpu.memory_space<vmem_shared>> -> memref<640xf32, #tpu.memory_space<vmem_shared>>
      tpu.wait_dma2 semaphore(%run_scoped3A : memref<!tpu.dma_semaphore, #tpu.memory_space<semaphore_mem>>) src(%dma_wait3A_975 : memref<640xf32, #tpu.memory_space<vmem_shared>>) dst(%dma_wait3A_974 : memref<640xf32, #tpu.memory_space<hbm>>)
      tpu.yield
    }) : () -> ()
    return
  }
}

#map = affine_map<(d0, d1) -> (0, 0)>
#map1 = affine_map<(d0, d1) -> (0, 0, 0)>
module attributes {stable_mosaic.version = 14 : i64} {
  func.func @_propagate_kernel(%arg0: i32, %arg1: i32, %arg2: memref<10000x128xf32, #tpu.memory_space<hbm>>, %arg3: memref<32x200x50xi32, #tpu.memory_space<hbm>>, %arg4: memref<32x200x50xi32, #tpu.memory_space<hbm>>, %arg5: memref<624x128xf32, #tpu.memory_space<hbm>>, %arg6: memref<2x10000x128xf32, #tpu.memory_space<hbm>>, %arg7: memref<3x8x50xi32, #tpu.memory_space<vmem>>, %arg8: memref<3x8x50xi32, #tpu.memory_space<vmem>>, %arg9: memref<6x50x128xf32, #tpu.memory_space<vmem>>, %arg10: memref<10000x128xf32, #tpu.memory_space<vmem_shared>>, %arg11: memref<!tpu.dma_semaphore, #tpu.memory_space<semaphore_mem>>, %arg12: memref<!tpu.dma_semaphore, #tpu.memory_space<semaphore_mem>>, %arg13: memref<!tpu.dma_semaphore, #tpu.memory_space<semaphore_mem>>) attributes {dimension_semantics = [#tpu.dimension_semantics<core_parallel>, #tpu.dimension_semantics<subcore_parallel>], iteration_bounds = array<i64: 2, 16>, scalar_prefetch = 0 : i64, scratch_operands = 7 : i64, tpu.core_type = #tpu.core_type<sc_vector_subcore>, window_params = [{transform_indices = #map}, {transform_indices = #map1}, {transform_indices = #map1}, {transform_indices = #map}, {transform_indices = #map1}]} {
    %mul3A = arith.constant 16 : i32
    %mul3A_0 = arith.muli %arg0, %mul3A : i32
    %add3A = arith.addi %mul3A_0, %arg1 : i32
    %run_scoped3A = arith.constant 0 : i32
    "tpu.region"() ({
      %run_scoped3A_134 = tpu.sem_alloc : memref<!tpu.dma_semaphore, #tpu.memory_space<semaphore_mem>>
      %dma_start3A_135 = arith.constant 0 : i32
      %dma_start3A_136 = arith.constant 0 : i32
      %dma_start3A_137 = tpu.memref_slice %arg7[%run_scoped3A, %dma_start3A_135, %dma_start3A_136] : memref<3x8x50xi32, #tpu.memory_space<vmem>> -> memref<1x8x50xi32, #tpu.memory_space<vmem>>
      %dma_start3A_138 = tpu.memref_squeeze %dma_start3A_137 : memref<1x8x50xi32, #tpu.memory_space<vmem>> -> memref<8x50xi32, #tpu.memory_space<vmem>>
      %dma_start3A_139 = arith.constant 0 : i32
      %dma_start3A_140 = arith.constant 0 : i32
      %dma_start3A_141 = tpu.memref_slice %arg3[%add3A, %dma_start3A_139, %dma_start3A_140] : memref<32x200x50xi32, #tpu.memory_space<hbm>> -> memref<1x8x50xi32, #tpu.memory_space<hbm>>
      %dma_start3A_142 = tpu.memref_squeeze %dma_start3A_141 : memref<1x8x50xi32, #tpu.memory_space<hbm>> -> memref<8x50xi32, #tpu.memory_space<hbm>>
      %dma_start3A_143 = arith.constant 0 : i32
      %dma_start3A_144 = arith.constant 0 : i32
      %dma_start3A_145 = tpu.memref_slice %arg7[%run_scoped3A, %dma_start3A_143, %dma_start3A_144] : memref<3x8x50xi32, #tpu.memory_space<vmem>> -> memref<1x8x50xi32, #tpu.memory_space<vmem>>
      %dma_start3A_146 = tpu.memref_squeeze %dma_start3A_145 : memref<1x8x50xi32, #tpu.memory_space<vmem>> -> memref<8x50xi32, #tpu.memory_space<vmem>>
      %dma_start3A_147 = arith.constant 0 : i32
      %dma_start3A_148 = arith.constant 0 : i32
      %dma_start3A_149 = tpu.memref_slice %arg3[%add3A, %dma_start3A_147, %dma_start3A_148] : memref<32x200x50xi32, #tpu.memory_space<hbm>> -> memref<1x8x50xi32, #tpu.memory_space<hbm>>
      %dma_start3A_150 = tpu.memref_squeeze %dma_start3A_149 : memref<1x8x50xi32, #tpu.memory_space<hbm>> -> memref<8x50xi32, #tpu.memory_space<hbm>>
      tpu.enqueue_dma source(%dma_start3A_150 : memref<8x50xi32, #tpu.memory_space<hbm>>) target(%dma_start3A_146 : memref<8x50xi32, #tpu.memory_space<vmem>>) target_semaphore(%run_scoped3A_134 : memref<!tpu.dma_semaphore, #tpu.memory_space<semaphore_mem>>)
      %dma_wait3A_151 = arith.constant 0 : i32
      %dma_wait3A_152 = arith.constant 0 : i32
      %dma_wait3A_153 = tpu.memref_slice %arg7[%run_scoped3A, %dma_wait3A_151, %dma_wait3A_152] : memref<3x8x50xi32, #tpu.memory_space<vmem>> -> memref<1x8x50xi32, #tpu.memory_space<vmem>>
      %dma_wait3A_154 = tpu.memref_squeeze %dma_wait3A_153 : memref<1x8x50xi32, #tpu.memory_space<vmem>> -> memref<8x50xi32, #tpu.memory_space<vmem>>
      %dma_wait3A_155 = arith.constant 0 : i32
      %dma_wait3A_156 = arith.constant 0 : i32
      %dma_wait3A_157 = tpu.memref_slice %arg3[%add3A, %dma_wait3A_155, %dma_wait3A_156] : memref<32x200x50xi32, #tpu.memory_space<hbm>> -> memref<1x8x50xi32, #tpu.memory_space<hbm>>
      %dma_wait3A_158 = tpu.memref_squeeze %dma_wait3A_157 : memref<1x8x50xi32, #tpu.memory_space<hbm>> -> memref<8x50xi32, #tpu.memory_space<hbm>>
      %dma_wait3A_159 = arith.constant 0 : i32
      %dma_wait3A_160 = arith.constant 0 : i32
      %dma_wait3A_161 = tpu.memref_slice %arg7[%run_scoped3A, %dma_wait3A_159, %dma_wait3A_160] : memref<3x8x50xi32, #tpu.memory_space<vmem>> -> memref<1x8x50xi32, #tpu.memory_space<vmem>>
      %dma_wait3A_162 = tpu.memref_squeeze %dma_wait3A_161 : memref<1x8x50xi32, #tpu.memory_space<vmem>> -> memref<8x50xi32, #tpu.memory_space<vmem>>
      %dma_wait3A_163 = arith.constant 0 : i32
      %dma_wait3A_164 = arith.constant 0 : i32
      %dma_wait3A_165 = tpu.memref_slice %arg3[%add3A, %dma_wait3A_163, %dma_wait3A_164] : memref<32x200x50xi32, #tpu.memory_space<hbm>> -> memref<1x8x50xi32, #tpu.memory_space<hbm>>
      %dma_wait3A_166 = tpu.memref_squeeze %dma_wait3A_165 : memref<1x8x50xi32, #tpu.memory_space<hbm>> -> memref<8x50xi32, #tpu.memory_space<hbm>>
      tpu.wait_dma2 semaphore(%run_scoped3A_134 : memref<!tpu.dma_semaphore, #tpu.memory_space<semaphore_mem>>) src(%dma_wait3A_166 : memref<8x50xi32, #tpu.memory_space<hbm>>) dst(%dma_wait3A_162 : memref<8x50xi32, #tpu.memory_space<vmem>>)
      tpu.yield
    }) : () -> ()
    %run_scoped3A_1 = arith.constant 0 : i32
    "tpu.region"() ({
      %run_scoped3A_134 = tpu.sem_alloc : memref<!tpu.dma_semaphore, #tpu.memory_space<semaphore_mem>>
      %dma_start3A_135 = arith.constant 0 : i32
      %dma_start3A_136 = arith.constant 0 : i32
      %dma_start3A_137 = tpu.memref_slice %arg8[%run_scoped3A_1, %dma_start3A_135, %dma_start3A_136] : memref<3x8x50xi32, #tpu.memory_space<vmem>> -> memref<1x8x50xi32, #tpu.memory_space<vmem>>
      %dma_start3A_138 = tpu.memref_squeeze %dma_start3A_137 : memref<1x8x50xi32, #tpu.memory_space<vmem>> -> memref<8x50xi32, #tpu.memory_space<vmem>>
      %dma_start3A_139 = arith.constant 0 : i32
      %dma_start3A_140 = arith.constant 0 : i32
      %dma_start3A_141 = tpu.memref_slice %arg4[%add3A, %dma_start3A_139, %dma_start3A_140] : memref<32x200x50xi32, #tpu.memory_space<hbm>> -> memref<1x8x50xi32, #tpu.memory_space<hbm>>
      %dma_start3A_142 = tpu.memref_squeeze %dma_start3A_141 : memref<1x8x50xi32, #tpu.memory_space<hbm>> -> memref<8x50xi32, #tpu.memory_space<hbm>>
      %dma_start3A_143 = arith.constant 0 : i32
      %dma_start3A_144 = arith.constant 0 : i32
      %dma_start3A_145 = tpu.memref_slice %arg8[%run_scoped3A_1, %dma_start3A_143, %dma_start3A_144] : memref<3x8x50xi32, #tpu.memory_space<vmem>> -> memref<1x8x50xi32, #tpu.memory_space<vmem>>
      %dma_start3A_146 = tpu.memref_squeeze %dma_start3A_145 : memref<1x8x50xi32, #tpu.memory_space<vmem>> -> memref<8x50xi32, #tpu.memory_space<vmem>>
      %dma_start3A_147 = arith.constant 0 : i32
      %dma_start3A_148 = arith.constant 0 : i32
      %dma_start3A_149 = tpu.memref_slice %arg4[%add3A, %dma_start3A_147, %dma_start3A_148] : memref<32x200x50xi32, #tpu.memory_space<hbm>> -> memref<1x8x50xi32, #tpu.memory_space<hbm>>
      %dma_start3A_150 = tpu.memref_squeeze %dma_start3A_149 : memref<1x8x50xi32, #tpu.memory_space<hbm>> -> memref<8x50xi32, #tpu.memory_space<hbm>>
      tpu.enqueue_dma source(%dma_start3A_150 : memref<8x50xi32, #tpu.memory_space<hbm>>) target(%dma_start3A_146 : memref<8x50xi32, #tpu.memory_space<vmem>>) target_semaphore(%run_scoped3A_134 : memref<!tpu.dma_semaphore, #tpu.memory_space<semaphore_mem>>)
      %dma_wait3A_151 = arith.constant 0 : i32
      %dma_wait3A_152 = arith.constant 0 : i32
      %dma_wait3A_153 = tpu.memref_slice %arg8[%run_scoped3A_1, %dma_wait3A_151, %dma_wait3A_152] : memref<3x8x50xi32, #tpu.memory_space<vmem>> -> memref<1x8x50xi32, #tpu.memory_space<vmem>>
      %dma_wait3A_154 = tpu.memref_squeeze %dma_wait3A_153 : memref<1x8x50xi32, #tpu.memory_space<vmem>> -> memref<8x50xi32, #tpu.memory_space<vmem>>
      %dma_wait3A_155 = arith.constant 0 : i32
      %dma_wait3A_156 = arith.constant 0 : i32
      %dma_wait3A_157 = tpu.memref_slice %arg4[%add3A, %dma_wait3A_155, %dma_wait3A_156] : memref<32x200x50xi32, #tpu.memory_space<hbm>> -> memref<1x8x50xi32, #tpu.memory_space<hbm>>
      %dma_wait3A_158 = tpu.memref_squeeze %dma_wait3A_157 : memref<1x8x50xi32, #tpu.memory_space<hbm>> -> memref<8x50xi32, #tpu.memory_space<hbm>>
      %dma_wait3A_159 = arith.constant 0 : i32
      %dma_wait3A_160 = arith.constant 0 : i32
      %dma_wait3A_161 = tpu.memref_slice %arg8[%run_scoped3A_1, %dma_wait3A_159, %dma_wait3A_160] : memref<3x8x50xi32, #tpu.memory_space<vmem>> -> memref<1x8x50xi32, #tpu.memory_space<vmem>>
      %dma_wait3A_162 = tpu.memref_squeeze %dma_wait3A_161 : memref<1x8x50xi32, #tpu.memory_space<vmem>> -> memref<8x50xi32, #tpu.memory_space<vmem>>
      %dma_wait3A_163 = arith.constant 0 : i32
      %dma_wait3A_164 = arith.constant 0 : i32
      %dma_wait3A_165 = tpu.memref_slice %arg4[%add3A, %dma_wait3A_163, %dma_wait3A_164] : memref<32x200x50xi32, #tpu.memory_space<hbm>> -> memref<1x8x50xi32, #tpu.memory_space<hbm>>
      %dma_wait3A_166 = tpu.memref_squeeze %dma_wait3A_165 : memref<1x8x50xi32, #tpu.memory_space<hbm>> -> memref<8x50xi32, #tpu.memory_space<hbm>>
      tpu.wait_dma2 semaphore(%run_scoped3A_134 : memref<!tpu.dma_semaphore, #tpu.memory_space<semaphore_mem>>) src(%dma_wait3A_166 : memref<8x50xi32, #tpu.memory_space<hbm>>) dst(%dma_wait3A_162 : memref<8x50xi32, #tpu.memory_space<vmem>>)
      tpu.yield
    }) : () -> ()
    %eq3A = arith.constant 0 : i32
    %eq3A_2 = arith.cmpi eq, %arg0, %eq3A : i32
    %convert_element_type3A = arith.extui %eq3A_2 : i1 to i32
    %cond3A = arith.constant 0 : i32
    %cond3A_3 = arith.cmpi ne, %convert_element_type3A, %cond3A : i32
    scf.if %cond3A_3 {
      %mul3A_134 = arith.constant 624 : i32
      %mul3A_135 = arith.muli %arg1, %mul3A_134 : i32
      %mul3A_136 = arith.constant 624 : i32
      %mul3A_137 = arith.muli %arg1, %mul3A_136 : i32
      "tpu.region"() ({
        %run_scoped3A_143 = tpu.sem_alloc : memref<!tpu.dma_semaphore, #tpu.memory_space<semaphore_mem>>
        %dma_start3A_144 = arith.constant 0 : i32
        %dma_start3A_145 = tpu.memref_slice %arg10[%mul3A_137, %dma_start3A_144] : memref<10000x128xf32, #tpu.memory_space<vmem_shared>> -> memref<624x128xf32, #tpu.memory_space<vmem_shared>>
        %dma_start3A_146 = arith.constant 0 : i32
        %dma_start3A_147 = tpu.memref_slice %arg2[%mul3A_135, %dma_start3A_146] : memref<10000x128xf32, #tpu.memory_space<hbm>> -> memref<624x128xf32, #tpu.memory_space<hbm>>
        tpu.enqueue_dma source(%dma_start3A_147 : memref<624x128xf32, #tpu.memory_space<hbm>>) target(%dma_start3A_145 : memref<624x128xf32, #tpu.memory_space<vmem_shared>>) target_semaphore(%run_scoped3A_143 : memref<!tpu.dma_semaphore, #tpu.memory_space<semaphore_mem>>)
        %dma_wait3A_148 = arith.constant 0 : i32
        %dma_wait3A_149 = tpu.memref_slice %arg10[%mul3A_137, %dma_wait3A_148] : memref<10000x128xf32, #tpu.memory_space<vmem_shared>> -> memref<624x128xf32, #tpu.memory_space<vmem_shared>>
        %dma_wait3A_150 = arith.constant 0 : i32
        %dma_wait3A_151 = tpu.memref_slice %arg2[%mul3A_135, %dma_wait3A_150] : memref<10000x128xf32, #tpu.memory_space<hbm>> -> memref<624x128xf32, #tpu.memory_space<hbm>>
        tpu.wait_dma2 semaphore(%run_scoped3A_143 : memref<!tpu.dma_semaphore, #tpu.memory_space<semaphore_mem>>) src(%dma_wait3A_151 : memref<624x128xf32, #tpu.memory_space<hbm>>) dst(%dma_wait3A_149 : memref<624x128xf32, #tpu.memory_space<vmem_shared>>)
        tpu.yield
      }) : () -> ()
      %eq3A_138 = arith.constant 15 : i32
      %eq3A_139 = arith.cmpi eq, %arg1, %eq3A_138 : i32
      %convert_element_type3A_140 = arith.extui %eq3A_139 : i1 to i32
      %cond3A_141 = arith.constant 0 : i32
      %cond3A_142 = arith.cmpi ne, %convert_element_type3A_140, %cond3A_141 : i32
      scf.if %cond3A_142 {
        "tpu.region"() ({
          %run_scoped3A_143 = tpu.sem_alloc : memref<!tpu.dma_semaphore, #tpu.memory_space<semaphore_mem>>
          %dma_start3A_144 = arith.constant 9984 : i32
          %dma_start3A_145 = arith.constant 0 : i32
          %dma_start3A_146 = tpu.memref_slice %arg10[%dma_start3A_144, %dma_start3A_145] : memref<10000x128xf32, #tpu.memory_space<vmem_shared>> -> memref<16x128xf32, #tpu.memory_space<vmem_shared>>
          %dma_start3A_147 = arith.constant 9984 : i32
          %dma_start3A_148 = arith.constant 0 : i32
          %dma_start3A_149 = tpu.memref_slice %arg2[%dma_start3A_147, %dma_start3A_148] : memref<10000x128xf32, #tpu.memory_space<hbm>> -> memref<16x128xf32, #tpu.memory_space<hbm>>
          tpu.enqueue_dma source(%dma_start3A_149 : memref<16x128xf32, #tpu.memory_space<hbm>>) target(%dma_start3A_146 : memref<16x128xf32, #tpu.memory_space<vmem_shared>>) target_semaphore(%run_scoped3A_143 : memref<!tpu.dma_semaphore, #tpu.memory_space<semaphore_mem>>)
          %dma_wait3A_150 = arith.constant 9984 : i32
          %dma_wait3A_151 = arith.constant 0 : i32
          %dma_wait3A_152 = tpu.memref_slice %arg10[%dma_wait3A_150, %dma_wait3A_151] : memref<10000x128xf32, #tpu.memory_space<vmem_shared>> -> memref<16x128xf32, #tpu.memory_space<vmem_shared>>
          %dma_wait3A_153 = arith.constant 9984 : i32
          %dma_wait3A_154 = arith.constant 0 : i32
          %dma_wait3A_155 = tpu.memref_slice %arg2[%dma_wait3A_153, %dma_wait3A_154] : memref<10000x128xf32, #tpu.memory_space<hbm>> -> memref<16x128xf32, #tpu.memory_space<hbm>>
          tpu.wait_dma2 semaphore(%run_scoped3A_143 : memref<!tpu.dma_semaphore, #tpu.memory_space<semaphore_mem>>) src(%dma_wait3A_155 : memref<16x128xf32, #tpu.memory_space<hbm>>) dst(%dma_wait3A_152 : memref<16x128xf32, #tpu.memory_space<vmem_shared>>)
          tpu.yield
        }) : () -> ()
      } else {
      }
    } else {
    }
    %eq3A_4 = arith.constant 1 : i32
    %eq3A_5 = arith.cmpi eq, %arg0, %eq3A_4 : i32
    %convert_element_type3A_6 = arith.extui %eq3A_5 : i1 to i32
    %cond3A_7 = arith.constant 0 : i32
    %cond3A_8 = arith.cmpi ne, %convert_element_type3A_6, %cond3A_7 : i32
    scf.if %cond3A_8 {
      %mul3A_134 = arith.constant 624 : i32
      %mul3A_135 = arith.muli %arg1, %mul3A_134 : i32
      "tpu.region"() ({
        %run_scoped3A_141 = tpu.sem_alloc : memref<!tpu.dma_semaphore, #tpu.memory_space<semaphore_mem>>
        %dma_start3A_142 = arith.constant 0 : i32
        %dma_start3A_143 = tpu.memref_slice %arg10[%mul3A_135, %dma_start3A_142] : memref<10000x128xf32, #tpu.memory_space<vmem_shared>> -> memref<624x128xf32, #tpu.memory_space<vmem_shared>>
        tpu.enqueue_dma source(%arg5 : memref<624x128xf32, #tpu.memory_space<hbm>>) target(%dma_start3A_143 : memref<624x128xf32, #tpu.memory_space<vmem_shared>>) target_semaphore(%run_scoped3A_141 : memref<!tpu.dma_semaphore, #tpu.memory_space<semaphore_mem>>)
        %dma_wait3A_144 = arith.constant 0 : i32
        %dma_wait3A_145 = tpu.memref_slice %arg10[%mul3A_135, %dma_wait3A_144] : memref<10000x128xf32, #tpu.memory_space<vmem_shared>> -> memref<624x128xf32, #tpu.memory_space<vmem_shared>>
        tpu.wait_dma2 semaphore(%run_scoped3A_141 : memref<!tpu.dma_semaphore, #tpu.memory_space<semaphore_mem>>) src(%arg5 : memref<624x128xf32, #tpu.memory_space<hbm>>) dst(%dma_wait3A_145 : memref<624x128xf32, #tpu.memory_space<vmem_shared>>)
        tpu.yield
      }) : () -> ()
      %eq3A_136 = arith.constant 15 : i32
      %eq3A_137 = arith.cmpi eq, %arg1, %eq3A_136 : i32
      %convert_element_type3A_138 = arith.extui %eq3A_137 : i1 to i32
      %cond3A_139 = arith.constant 0 : i32
      %cond3A_140 = arith.cmpi ne, %convert_element_type3A_138, %cond3A_139 : i32
      scf.if %cond3A_140 {
        "tpu.region"() ({
          %run_scoped3A_141 = tpu.sem_alloc : memref<!tpu.dma_semaphore, #tpu.memory_space<semaphore_mem>>
          %dma_start3A_142 = arith.constant 9984 : i32
          %dma_start3A_143 = arith.constant 0 : i32
          %dma_start3A_144 = tpu.memref_slice %arg10[%dma_start3A_142, %dma_start3A_143] : memref<10000x128xf32, #tpu.memory_space<vmem_shared>> -> memref<16x128xf32, #tpu.memory_space<vmem_shared>>
          %dma_start3A_145 = arith.constant 0 : i32
          %dma_start3A_146 = arith.constant 0 : i32
          %dma_start3A_147 = tpu.memref_slice %arg5[%dma_start3A_145, %dma_start3A_146] : memref<624x128xf32, #tpu.memory_space<hbm>> -> memref<16x128xf32, #tpu.memory_space<hbm>>
          tpu.enqueue_dma source(%dma_start3A_147 : memref<16x128xf32, #tpu.memory_space<hbm>>) target(%dma_start3A_144 : memref<16x128xf32, #tpu.memory_space<vmem_shared>>) target_semaphore(%run_scoped3A_141 : memref<!tpu.dma_semaphore, #tpu.memory_space<semaphore_mem>>)
          %dma_wait3A_148 = arith.constant 9984 : i32
          %dma_wait3A_149 = arith.constant 0 : i32
          %dma_wait3A_150 = tpu.memref_slice %arg10[%dma_wait3A_148, %dma_wait3A_149] : memref<10000x128xf32, #tpu.memory_space<vmem_shared>> -> memref<16x128xf32, #tpu.memory_space<vmem_shared>>
          %dma_wait3A_151 = arith.constant 0 : i32
          %dma_wait3A_152 = arith.constant 0 : i32
          %dma_wait3A_153 = tpu.memref_slice %arg5[%dma_wait3A_151, %dma_wait3A_152] : memref<624x128xf32, #tpu.memory_space<hbm>> -> memref<16x128xf32, #tpu.memory_space<hbm>>
          tpu.wait_dma2 semaphore(%run_scoped3A_141 : memref<!tpu.dma_semaphore, #tpu.memory_space<semaphore_mem>>) src(%dma_wait3A_153 : memref<16x128xf32, #tpu.memory_space<hbm>>) dst(%dma_wait3A_150 : memref<16x128xf32, #tpu.memory_space<vmem_shared>>)
          tpu.yield
        }) : () -> ()
      } else {
      }
    } else {
    }
    %dma_start3A = arith.constant 0 : i32
    %dma_start3A_9 = arith.constant 0 : i32
    %dma_start3A_10 = arith.constant 0 : i32
    %dma_start3A_11 = arith.constant 0 : i32
    %dma_start3A_12 = arith.constant 0 : i32
    %dma_start3A_13 = tpu.memref_slice %arg9[%dma_start3A_10, %dma_start3A_11, %dma_start3A_12] : memref<6x50x128xf32, #tpu.memory_space<vmem>> -> memref<1x50x128xf32, #tpu.memory_space<vmem>>
    %dma_start3A_14 = tpu.memref_squeeze %dma_start3A_13 : memref<1x50x128xf32, #tpu.memory_space<vmem>> -> memref<50x128xf32, #tpu.memory_space<vmem>>
    %dma_start3A_15 = arith.constant 0 : i32
    %dma_start3A_16 = tpu.memref_slice %arg7[%dma_start3A, %dma_start3A_9, %dma_start3A_15] : memref<3x8x50xi32, #tpu.memory_space<vmem>> -> memref<1x1x50xi32, #tpu.memory_space<vmem>>
    %dma_start3A_17 = tpu.memref_squeeze %dma_start3A_16 : memref<1x1x50xi32, #tpu.memory_space<vmem>> -> memref<50xi32, #tpu.memory_space<vmem>>
    %dma_start3A_18 = arith.constant 0 : i32
    %dma_start3A_19 = arith.constant 0 : i32
    %dma_start3A_20 = tpu.memref_slice %arg2[%dma_start3A_18, %dma_start3A_19] : memref<10000x128xf32, #tpu.memory_space<hbm>> -> memref<10000x128xf32, #tpu.memory_space<hbm>>
    tpu.enqueue_indirect_dma source(%dma_start3A_20 : memref<10000x128xf32, #tpu.memory_space<hbm>>) target(%dma_start3A_14 : memref<50x128xf32, #tpu.memory_space<vmem>>) offsets(%dma_start3A_17 : memref<50xi32, #tpu.memory_space<vmem>>) semaphore(%arg11 : memref<!tpu.dma_semaphore, #tpu.memory_space<semaphore_mem>>)
    %dma_start3A_21 = arith.constant 0 : i32
    %dma_start3A_22 = arith.constant 1 : i32
    %dma_start3A_23 = arith.constant 1 : i32
    %dma_start3A_24 = arith.constant 0 : i32
    %dma_start3A_25 = arith.constant 0 : i32
    %dma_start3A_26 = tpu.memref_slice %arg9[%dma_start3A_23, %dma_start3A_24, %dma_start3A_25] : memref<6x50x128xf32, #tpu.memory_space<vmem>> -> memref<1x50x128xf32, #tpu.memory_space<vmem>>
    %dma_start3A_27 = tpu.memref_squeeze %dma_start3A_26 : memref<1x50x128xf32, #tpu.memory_space<vmem>> -> memref<50x128xf32, #tpu.memory_space<vmem>>
    %dma_start3A_28 = arith.constant 0 : i32
    %dma_start3A_29 = tpu.memref_slice %arg7[%dma_start3A_21, %dma_start3A_22, %dma_start3A_28] : memref<3x8x50xi32, #tpu.memory_space<vmem>> -> memref<1x1x50xi32, #tpu.memory_space<vmem>>
    %dma_start3A_30 = tpu.memref_squeeze %dma_start3A_29 : memref<1x1x50xi32, #tpu.memory_space<vmem>> -> memref<50xi32, #tpu.memory_space<vmem>>
    %dma_start3A_31 = arith.constant 0 : i32
    %dma_start3A_32 = arith.constant 0 : i32
    %dma_start3A_33 = tpu.memref_slice %arg2[%dma_start3A_31, %dma_start3A_32] : memref<10000x128xf32, #tpu.memory_space<hbm>> -> memref<10000x128xf32, #tpu.memory_space<hbm>>
    tpu.enqueue_indirect_dma source(%dma_start3A_33 : memref<10000x128xf32, #tpu.memory_space<hbm>>) target(%dma_start3A_27 : memref<50x128xf32, #tpu.memory_space<vmem>>) offsets(%dma_start3A_30 : memref<50xi32, #tpu.memory_space<vmem>>) semaphore(%arg11 : memref<!tpu.dma_semaphore, #tpu.memory_space<semaphore_mem>>)
    %dma_start3A_34 = arith.constant 0 : i32
    %dma_start3A_35 = arith.constant 2 : i32
    %dma_start3A_36 = arith.constant 2 : i32
    %dma_start3A_37 = arith.constant 0 : i32
    %dma_start3A_38 = arith.constant 0 : i32
    %dma_start3A_39 = tpu.memref_slice %arg9[%dma_start3A_36, %dma_start3A_37, %dma_start3A_38] : memref<6x50x128xf32, #tpu.memory_space<vmem>> -> memref<1x50x128xf32, #tpu.memory_space<vmem>>
    %dma_start3A_40 = tpu.memref_squeeze %dma_start3A_39 : memref<1x50x128xf32, #tpu.memory_space<vmem>> -> memref<50x128xf32, #tpu.memory_space<vmem>>
    %dma_start3A_41 = arith.constant 0 : i32
    %dma_start3A_42 = tpu.memref_slice %arg7[%dma_start3A_34, %dma_start3A_35, %dma_start3A_41] : memref<3x8x50xi32, #tpu.memory_space<vmem>> -> memref<1x1x50xi32, #tpu.memory_space<vmem>>
    %dma_start3A_43 = tpu.memref_squeeze %dma_start3A_42 : memref<1x1x50xi32, #tpu.memory_space<vmem>> -> memref<50xi32, #tpu.memory_space<vmem>>
    %dma_start3A_44 = arith.constant 0 : i32
    %dma_start3A_45 = arith.constant 0 : i32
    %dma_start3A_46 = tpu.memref_slice %arg2[%dma_start3A_44, %dma_start3A_45] : memref<10000x128xf32, #tpu.memory_space<hbm>> -> memref<10000x128xf32, #tpu.memory_space<hbm>>
    tpu.enqueue_indirect_dma source(%dma_start3A_46 : memref<10000x128xf32, #tpu.memory_space<hbm>>) target(%dma_start3A_40 : memref<50x128xf32, #tpu.memory_space<vmem>>) offsets(%dma_start3A_43 : memref<50xi32, #tpu.memory_space<vmem>>) semaphore(%arg11 : memref<!tpu.dma_semaphore, #tpu.memory_space<semaphore_mem>>)
    %dma_start3A_47 = arith.constant 0 : i32
    %dma_start3A_48 = arith.constant 3 : i32
    %dma_start3A_49 = arith.constant 3 : i32
    %dma_start3A_50 = arith.constant 0 : i32
    %dma_start3A_51 = arith.constant 0 : i32
    %dma_start3A_52 = tpu.memref_slice %arg9[%dma_start3A_49, %dma_start3A_50, %dma_start3A_51] : memref<6x50x128xf32, #tpu.memory_space<vmem>> -> memref<1x50x128xf32, #tpu.memory_space<vmem>>
    %dma_start3A_53 = tpu.memref_squeeze %dma_start3A_52 : memref<1x50x128xf32, #tpu.memory_space<vmem>> -> memref<50x128xf32, #tpu.memory_space<vmem>>
    %dma_start3A_54 = arith.constant 0 : i32
    %dma_start3A_55 = tpu.memref_slice %arg7[%dma_start3A_47, %dma_start3A_48, %dma_start3A_54] : memref<3x8x50xi32, #tpu.memory_space<vmem>> -> memref<1x1x50xi32, #tpu.memory_space<vmem>>
    %dma_start3A_56 = tpu.memref_squeeze %dma_start3A_55 : memref<1x1x50xi32, #tpu.memory_space<vmem>> -> memref<50xi32, #tpu.memory_space<vmem>>
    %dma_start3A_57 = arith.constant 0 : i32
    %dma_start3A_58 = arith.constant 0 : i32
    %dma_start3A_59 = tpu.memref_slice %arg2[%dma_start3A_57, %dma_start3A_58] : memref<10000x128xf32, #tpu.memory_space<hbm>> -> memref<10000x128xf32, #tpu.memory_space<hbm>>
    tpu.enqueue_indirect_dma source(%dma_start3A_59 : memref<10000x128xf32, #tpu.memory_space<hbm>>) target(%dma_start3A_53 : memref<50x128xf32, #tpu.memory_space<vmem>>) offsets(%dma_start3A_56 : memref<50xi32, #tpu.memory_space<vmem>>) semaphore(%arg11 : memref<!tpu.dma_semaphore, #tpu.memory_space<semaphore_mem>>)
    %dma_start3A_60 = arith.constant 0 : i32
    %dma_start3A_61 = arith.constant 4 : i32
    %dma_start3A_62 = arith.constant 4 : i32
    %dma_start3A_63 = arith.constant 0 : i32
    %dma_start3A_64 = arith.constant 0 : i32
    %dma_start3A_65 = tpu.memref_slice %arg9[%dma_start3A_62, %dma_start3A_63, %dma_start3A_64] : memref<6x50x128xf32, #tpu.memory_space<vmem>> -> memref<1x50x128xf32, #tpu.memory_space<vmem>>
    %dma_start3A_66 = tpu.memref_squeeze %dma_start3A_65 : memref<1x50x128xf32, #tpu.memory_space<vmem>> -> memref<50x128xf32, #tpu.memory_space<vmem>>
    %dma_start3A_67 = arith.constant 0 : i32
    %dma_start3A_68 = tpu.memref_slice %arg7[%dma_start3A_60, %dma_start3A_61, %dma_start3A_67] : memref<3x8x50xi32, #tpu.memory_space<vmem>> -> memref<1x1x50xi32, #tpu.memory_space<vmem>>
    %dma_start3A_69 = tpu.memref_squeeze %dma_start3A_68 : memref<1x1x50xi32, #tpu.memory_space<vmem>> -> memref<50xi32, #tpu.memory_space<vmem>>
    %dma_start3A_70 = arith.constant 0 : i32
    %dma_start3A_71 = arith.constant 0 : i32
    %dma_start3A_72 = tpu.memref_slice %arg2[%dma_start3A_70, %dma_start3A_71] : memref<10000x128xf32, #tpu.memory_space<hbm>> -> memref<10000x128xf32, #tpu.memory_space<hbm>>
    tpu.enqueue_indirect_dma source(%dma_start3A_72 : memref<10000x128xf32, #tpu.memory_space<hbm>>) target(%dma_start3A_66 : memref<50x128xf32, #tpu.memory_space<vmem>>) offsets(%dma_start3A_69 : memref<50xi32, #tpu.memory_space<vmem>>) semaphore(%arg11 : memref<!tpu.dma_semaphore, #tpu.memory_space<semaphore_mem>>)
    %dma_start3A_73 = arith.constant 1 : i32
    %dma_start3A_74 = arith.constant 0 : i32
    %dma_start3A_75 = arith.constant 0 : i32
    %dma_start3A_76 = tpu.memref_slice %arg7[%dma_start3A_73, %dma_start3A_74, %dma_start3A_75] : memref<3x8x50xi32, #tpu.memory_space<vmem>> -> memref<1x8x50xi32, #tpu.memory_space<vmem>>
    %dma_start3A_77 = tpu.memref_squeeze %dma_start3A_76 : memref<1x8x50xi32, #tpu.memory_space<vmem>> -> memref<8x50xi32, #tpu.memory_space<vmem>>
    %dma_start3A_78 = arith.constant 8 : i32
    %dma_start3A_79 = arith.constant 0 : i32
    %dma_start3A_80 = tpu.memref_slice %arg3[%add3A, %dma_start3A_78, %dma_start3A_79] : memref<32x200x50xi32, #tpu.memory_space<hbm>> -> memref<1x8x50xi32, #tpu.memory_space<hbm>>
    %dma_start3A_81 = tpu.memref_squeeze %dma_start3A_80 : memref<1x8x50xi32, #tpu.memory_space<hbm>> -> memref<8x50xi32, #tpu.memory_space<hbm>>
    %dma_start3A_82 = arith.constant 0 : i32
    %dma_start3A_83 = arith.constant 0 : i32
    %dma_start3A_84 = tpu.memref_slice %arg7[%dma_start3A_73, %dma_start3A_82, %dma_start3A_83] : memref<3x8x50xi32, #tpu.memory_space<vmem>> -> memref<1x8x50xi32, #tpu.memory_space<vmem>>
    %dma_start3A_85 = tpu.memref_squeeze %dma_start3A_84 : memref<1x8x50xi32, #tpu.memory_space<vmem>> -> memref<8x50xi32, #tpu.memory_space<vmem>>
    %dma_start3A_86 = arith.constant 8 : i32
    %dma_start3A_87 = arith.constant 0 : i32
    %dma_start3A_88 = tpu.memref_slice %arg3[%add3A, %dma_start3A_86, %dma_start3A_87] : memref<32x200x50xi32, #tpu.memory_space<hbm>> -> memref<1x8x50xi32, #tpu.memory_space<hbm>>
    %dma_start3A_89 = tpu.memref_squeeze %dma_start3A_88 : memref<1x8x50xi32, #tpu.memory_space<hbm>> -> memref<8x50xi32, #tpu.memory_space<hbm>>
    tpu.enqueue_dma source(%dma_start3A_89 : memref<8x50xi32, #tpu.memory_space<hbm>>) target(%dma_start3A_85 : memref<8x50xi32, #tpu.memory_space<vmem>>) target_semaphore(%arg13 : memref<!tpu.dma_semaphore, #tpu.memory_space<semaphore_mem>>)
    %dma_start3A_90 = arith.constant 1 : i32
    %dma_start3A_91 = arith.constant 0 : i32
    %dma_start3A_92 = arith.constant 0 : i32
    %dma_start3A_93 = tpu.memref_slice %arg8[%dma_start3A_90, %dma_start3A_91, %dma_start3A_92] : memref<3x8x50xi32, #tpu.memory_space<vmem>> -> memref<1x8x50xi32, #tpu.memory_space<vmem>>
    %dma_start3A_94 = tpu.memref_squeeze %dma_start3A_93 : memref<1x8x50xi32, #tpu.memory_space<vmem>> -> memref<8x50xi32, #tpu.memory_space<vmem>>
    %dma_start3A_95 = arith.constant 8 : i32
    %dma_start3A_96 = arith.constant 0 : i32
    %dma_start3A_97 = tpu.memref_slice %arg4[%add3A, %dma_start3A_95, %dma_start3A_96] : memref<32x200x50xi32, #tpu.memory_space<hbm>> -> memref<1x8x50xi32, #tpu.memory_space<hbm>>
    %dma_start3A_98 = tpu.memref_squeeze %dma_start3A_97 : memref<1x8x50xi32, #tpu.memory_space<hbm>> -> memref<8x50xi32, #tpu.memory_space<hbm>>
    %dma_start3A_99 = arith.constant 0 : i32
    %dma_start3A_100 = arith.constant 0 : i32
    %dma_start3A_101 = tpu.memref_slice %arg8[%dma_start3A_90, %dma_start3A_99, %dma_start3A_100] : memref<3x8x50xi32, #tpu.memory_space<vmem>> -> memref<1x8x50xi32, #tpu.memory_space<vmem>>
    %dma_start3A_102 = tpu.memref_squeeze %dma_start3A_101 : memref<1x8x50xi32, #tpu.memory_space<vmem>> -> memref<8x50xi32, #tpu.memory_space<vmem>>
    %dma_start3A_103 = arith.constant 8 : i32
    %dma_start3A_104 = arith.constant 0 : i32
    %dma_start3A_105 = tpu.memref_slice %arg4[%add3A, %dma_start3A_103, %dma_start3A_104] : memref<32x200x50xi32, #tpu.memory_space<hbm>> -> memref<1x8x50xi32, #tpu.memory_space<hbm>>
    %dma_start3A_106 = tpu.memref_squeeze %dma_start3A_105 : memref<1x8x50xi32, #tpu.memory_space<hbm>> -> memref<8x50xi32, #tpu.memory_space<hbm>>
    tpu.enqueue_dma source(%dma_start3A_106 : memref<8x50xi32, #tpu.memory_space<hbm>>) target(%dma_start3A_102 : memref<8x50xi32, #tpu.memory_space<vmem>>) target_semaphore(%arg13 : memref<!tpu.dma_semaphore, #tpu.memory_space<semaphore_mem>>)
    %barrier3A = arith.constant 0 : index
    tpu.barrier barrier_id(%barrier3A)
    %scan3A = arith.constant 0 : i32
    %scan3A_107 = arith.constant 0 : i32
    %scan3A_108 = arith.constant 200 : i32
    %scan3A_109 = arith.addi %scan3A_107, %scan3A_108 : i32
    %scan3A_110 = arith.constant 1 : i32
    scf.for %scan3A_134 = %scan3A_107 to %scan3A_109 step %scan3A_110  : i32 {
      %div3A = arith.constant 8 : i32
      %div3A_135 = arith.divsi %scan3A_134, %div3A : i32
      %rem3A = arith.constant 8 : i32
      %rem3A_136 = arith.remsi %scan3A_134, %rem3A : i32
      %rem3A_137 = arith.constant 3 : i32
      %rem3A_138 = arith.remsi %div3A_135, %rem3A_137 : i32
      %rem3A_139 = arith.constant 6 : i32
      %rem3A_140 = arith.remsi %scan3A_134, %rem3A_139 : i32
      %dma_wait3A_141 = arith.constant 0 : i32
      %dma_wait3A_142 = arith.constant 0 : i32
      %dma_wait3A_143 = tpu.memref_slice %arg9[%rem3A_140, %dma_wait3A_141, %dma_wait3A_142] : memref<6x50x128xf32, #tpu.memory_space<vmem>> -> memref<1x50x128xf32, #tpu.memory_space<vmem>>
      %dma_wait3A_144 = tpu.memref_squeeze %dma_wait3A_143 : memref<1x50x128xf32, #tpu.memory_space<vmem>> -> memref<50x128xf32, #tpu.memory_space<vmem>>
      %dma_wait3A_145 = arith.constant 0 : i32
      %dma_wait3A_146 = tpu.memref_slice %arg7[%rem3A_138, %rem3A_136, %dma_wait3A_145] : memref<3x8x50xi32, #tpu.memory_space<vmem>> -> memref<1x1x50xi32, #tpu.memory_space<vmem>>
      %dma_wait3A_147 = tpu.memref_squeeze %dma_wait3A_146 : memref<1x1x50xi32, #tpu.memory_space<vmem>> -> memref<50xi32, #tpu.memory_space<vmem>>
      %dma_wait3A_148 = arith.constant 0 : i32
      %dma_wait3A_149 = arith.constant 0 : i32
      %dma_wait3A_150 = tpu.memref_slice %arg2[%dma_wait3A_148, %dma_wait3A_149] : memref<10000x128xf32, #tpu.memory_space<hbm>> -> memref<10000x128xf32, #tpu.memory_space<hbm>>
      tpu.wait_indirect_dma semaphore(%arg11 : memref<!tpu.dma_semaphore, #tpu.memory_space<semaphore_mem>>) src(%dma_wait3A_150 : memref<10000x128xf32, #tpu.memory_space<hbm>>) dst(%dma_wait3A_144 : memref<50x128xf32, #tpu.memory_space<vmem>>)
      %ge3A = arith.constant 1 : i32
      %ge3A_151 = arith.cmpi sge, %scan3A_134, %ge3A : i32
      %convert_element_type3A_152 = arith.extui %ge3A_151 : i1 to i32
      %cond3A_153 = arith.constant 0 : i32
      %cond3A_154 = arith.cmpi ne, %convert_element_type3A_152, %cond3A_153 : i32
      scf.if %cond3A_154 {
        %dma_wait3A_181 = arith.constant 0 : i32
        %dma_wait3A_182 = arith.constant 0 : i32
        %dma_wait3A_183 = tpu.memref_slice %arg9[%rem3A_140, %dma_wait3A_181, %dma_wait3A_182] : memref<6x50x128xf32, #tpu.memory_space<vmem>> -> memref<1x50x128xf32, #tpu.memory_space<vmem>>
        %dma_wait3A_184 = tpu.memref_squeeze %dma_wait3A_183 : memref<1x50x128xf32, #tpu.memory_space<vmem>> -> memref<50x128xf32, #tpu.memory_space<vmem>>
        %dma_wait3A_185 = arith.constant 0 : i32
        %dma_wait3A_186 = tpu.memref_slice %arg8[%rem3A_138, %rem3A_136, %dma_wait3A_185] : memref<3x8x50xi32, #tpu.memory_space<vmem>> -> memref<1x1x50xi32, #tpu.memory_space<vmem>>
        %dma_wait3A_187 = tpu.memref_squeeze %dma_wait3A_186 : memref<1x1x50xi32, #tpu.memory_space<vmem>> -> memref<50xi32, #tpu.memory_space<vmem>>
        %dma_wait3A_188 = arith.constant 0 : i32
        %dma_wait3A_189 = arith.constant 0 : i32
        %dma_wait3A_190 = tpu.memref_slice %arg10[%dma_wait3A_188, %dma_wait3A_189] : memref<10000x128xf32, #tpu.memory_space<vmem_shared>> -> memref<10000x128xf32, #tpu.memory_space<vmem_shared>>
        tpu.wait_indirect_dma semaphore(%arg12 : memref<!tpu.dma_semaphore, #tpu.memory_space<semaphore_mem>>) src(%dma_wait3A_184 : memref<50x128xf32, #tpu.memory_space<vmem>>) dst(%dma_wait3A_190 : memref<10000x128xf32, #tpu.memory_space<vmem_shared>>)
      } else {
      }
      %dma_start3A_155 = arith.constant 0 : i32
      %dma_start3A_156 = arith.constant 0 : i32
      %dma_start3A_157 = tpu.memref_slice %arg9[%rem3A_140, %dma_start3A_155, %dma_start3A_156] : memref<6x50x128xf32, #tpu.memory_space<vmem>> -> memref<1x50x128xf32, #tpu.memory_space<vmem>>
      %dma_start3A_158 = tpu.memref_squeeze %dma_start3A_157 : memref<1x50x128xf32, #tpu.memory_space<vmem>> -> memref<50x128xf32, #tpu.memory_space<vmem>>
      %dma_start3A_159 = arith.constant 0 : i32
      %dma_start3A_160 = tpu.memref_slice %arg8[%rem3A_138, %rem3A_136, %dma_start3A_159] : memref<3x8x50xi32, #tpu.memory_space<vmem>> -> memref<1x1x50xi32, #tpu.memory_space<vmem>>
      %dma_start3A_161 = tpu.memref_squeeze %dma_start3A_160 : memref<1x1x50xi32, #tpu.memory_space<vmem>> -> memref<50xi32, #tpu.memory_space<vmem>>
      %dma_start3A_162 = arith.constant 0 : i32
      %dma_start3A_163 = arith.constant 0 : i32
      %dma_start3A_164 = tpu.memref_slice %arg10[%dma_start3A_162, %dma_start3A_163] : memref<10000x128xf32, #tpu.memory_space<vmem_shared>> -> memref<10000x128xf32, #tpu.memory_space<vmem_shared>>
      tpu.enqueue_indirect_dma source(%dma_start3A_158 : memref<50x128xf32, #tpu.memory_space<vmem>>) target(%dma_start3A_164 : memref<10000x128xf32, #tpu.memory_space<vmem_shared>>) offsets(%dma_start3A_161 : memref<50xi32, #tpu.memory_space<vmem>>) semaphore(%arg12 : memref<!tpu.dma_semaphore, #tpu.memory_space<semaphore_mem>>) {add = true}
      %eq3A_165 = arith.constant 1 : i32
      %eq3A_166 = arith.cmpi eq, %rem3A_136, %eq3A_165 : i32
      %add3A_167 = arith.constant 2 : i32
      %add3A_168 = arith.addi %div3A_135, %add3A_167 : i32
      %lt3A = arith.constant 25 : i32
      %lt3A_169 = arith.cmpi slt, %add3A_168, %lt3A : i32
      %and3A = arith.andi %eq3A_166, %lt3A_169 : i1
      %convert_element_type3A_170 = arith.extui %and3A : i1 to i32
      %cond3A_171 = arith.constant 0 : i32
      %cond3A_172 = arith.cmpi ne, %convert_element_type3A_170, %cond3A_171 : i32
      scf.if %cond3A_172 {
        %add3A_181 = arith.constant 2 : i32
        %add3A_182 = arith.addi %div3A_135, %add3A_181 : i32
        %rem3A_183 = arith.constant 3 : i32
        %rem3A_184 = arith.remsi %add3A_182, %rem3A_183 : i32
        %mul3A_185 = arith.constant 8 : i32
        %mul3A_186 = arith.muli %add3A_182, %mul3A_185 : i32
        %dma_start3A_187 = arith.constant 0 : i32
        %dma_start3A_188 = arith.constant 0 : i32
        %dma_start3A_189 = tpu.memref_slice %arg7[%rem3A_184, %dma_start3A_187, %dma_start3A_188] : memref<3x8x50xi32, #tpu.memory_space<vmem>> -> memref<1x8x50xi32, #tpu.memory_space<vmem>>
        %dma_start3A_190 = tpu.memref_squeeze %dma_start3A_189 : memref<1x8x50xi32, #tpu.memory_space<vmem>> -> memref<8x50xi32, #tpu.memory_space<vmem>>
        %dma_start3A_191 = arith.constant 0 : i32
        %dma_start3A_192 = tpu.memref_slice %arg3[%add3A, %mul3A_186, %dma_start3A_191] : memref<32x200x50xi32, #tpu.memory_space<hbm>> -> memref<1x8x50xi32, #tpu.memory_space<hbm>>
        %dma_start3A_193 = tpu.memref_squeeze %dma_start3A_192 : memref<1x8x50xi32, #tpu.memory_space<hbm>> -> memref<8x50xi32, #tpu.memory_space<hbm>>
        %dma_start3A_194 = arith.constant 0 : i32
        %dma_start3A_195 = arith.constant 0 : i32
        %dma_start3A_196 = tpu.memref_slice %arg7[%rem3A_184, %dma_start3A_194, %dma_start3A_195] : memref<3x8x50xi32, #tpu.memory_space<vmem>> -> memref<1x8x50xi32, #tpu.memory_space<vmem>>
        %dma_start3A_197 = tpu.memref_squeeze %dma_start3A_196 : memref<1x8x50xi32, #tpu.memory_space<vmem>> -> memref<8x50xi32, #tpu.memory_space<vmem>>
        %dma_start3A_198 = arith.constant 0 : i32
        %dma_start3A_199 = tpu.memref_slice %arg3[%add3A, %mul3A_186, %dma_start3A_198] : memref<32x200x50xi32, #tpu.memory_space<hbm>> -> memref<1x8x50xi32, #tpu.memory_space<hbm>>
        %dma_start3A_200 = tpu.memref_squeeze %dma_start3A_199 : memref<1x8x50xi32, #tpu.memory_space<hbm>> -> memref<8x50xi32, #tpu.memory_space<hbm>>
        tpu.enqueue_dma source(%dma_start3A_200 : memref<8x50xi32, #tpu.memory_space<hbm>>) target(%dma_start3A_197 : memref<8x50xi32, #tpu.memory_space<vmem>>) target_semaphore(%arg13 : memref<!tpu.dma_semaphore, #tpu.memory_space<semaphore_mem>>)
        %mul3A_201 = arith.constant 8 : i32
        %mul3A_202 = arith.muli %add3A_182, %mul3A_201 : i32
        %dma_start3A_203 = arith.constant 0 : i32
        %dma_start3A_204 = arith.constant 0 : i32
        %dma_start3A_205 = tpu.memref_slice %arg8[%rem3A_184, %dma_start3A_203, %dma_start3A_204] : memref<3x8x50xi32, #tpu.memory_space<vmem>> -> memref<1x8x50xi32, #tpu.memory_space<vmem>>
        %dma_start3A_206 = tpu.memref_squeeze %dma_start3A_205 : memref<1x8x50xi32, #tpu.memory_space<vmem>> -> memref<8x50xi32, #tpu.memory_space<vmem>>
        %dma_start3A_207 = arith.constant 0 : i32
        %dma_start3A_208 = tpu.memref_slice %arg4[%add3A, %mul3A_202, %dma_start3A_207] : memref<32x200x50xi32, #tpu.memory_space<hbm>> -> memref<1x8x50xi32, #tpu.memory_space<hbm>>
        %dma_start3A_209 = tpu.memref_squeeze %dma_start3A_208 : memref<1x8x50xi32, #tpu.memory_space<hbm>> -> memref<8x50xi32, #tpu.memory_space<hbm>>
        %dma_start3A_210 = arith.constant 0 : i32
        %dma_start3A_211 = arith.constant 0 : i32
        %dma_start3A_212 = tpu.memref_slice %arg8[%rem3A_184, %dma_start3A_210, %dma_start3A_211] : memref<3x8x50xi32, #tpu.memory_space<vmem>> -> memref<1x8x50xi32, #tpu.memory_space<vmem>>
        %dma_start3A_213 = tpu.memref_squeeze %dma_start3A_212 : memref<1x8x50xi32, #tpu.memory_space<vmem>> -> memref<8x50xi32, #tpu.memory_space<vmem>>
        %dma_start3A_214 = arith.constant 0 : i32
        %dma_start3A_215 = tpu.memref_slice %arg4[%add3A, %mul3A_202, %dma_start3A_214] : memref<32x200x50xi32, #tpu.memory_space<hbm>> -> memref<1x8x50xi32, #tpu.memory_space<hbm>>
        %dma_start3A_216 = tpu.memref_squeeze %dma_start3A_215 : memref<1x8x50xi32, #tpu.memory_space<hbm>> -> memref<8x50xi32, #tpu.memory_space<hbm>>
        tpu.enqueue_dma source(%dma_start3A_216 : memref<8x50xi32, #tpu.memory_space<hbm>>) target(%dma_start3A_213 : memref<8x50xi32, #tpu.memory_space<vmem>>) target_semaphore(%arg13 : memref<!tpu.dma_semaphore, #tpu.memory_space<semaphore_mem>>)
      } else {
      }
      %add3A_173 = arith.constant 6 : i32
      %add3A_174 = arith.addi %scan3A_134, %add3A_173 : i32
      %sub3A = arith.constant 1 : i32
      %sub3A_175 = arith.subi %add3A_174, %sub3A : i32
      %lt3A_176 = arith.constant 200 : i32
      %lt3A_177 = arith.cmpi slt, %sub3A_175, %lt3A_176 : i32
      %convert_element_type3A_178 = arith.extui %lt3A_177 : i1 to i32
      %cond3A_179 = arith.constant 0 : i32
      %cond3A_180 = arith.cmpi ne, %convert_element_type3A_178, %cond3A_179 : i32
      scf.if %cond3A_180 {
        %div3A_181 = arith.constant 8 : i32
        %div3A_182 = arith.divsi %sub3A_175, %div3A_181 : i32
        %rem3A_183 = arith.constant 8 : i32
        %rem3A_184 = arith.remsi %sub3A_175, %rem3A_183 : i32
        %rem3A_185 = arith.constant 3 : i32
        %rem3A_186 = arith.remsi %div3A_182, %rem3A_185 : i32
        %eq3A_187 = arith.constant 0 : i32
        %eq3A_188 = arith.cmpi eq, %rem3A_184, %eq3A_187 : i32
        %ge3A_189 = arith.constant 1 : i32
        %ge3A_190 = arith.cmpi sge, %div3A_182, %ge3A_189 : i32
        %and3A_191 = arith.andi %eq3A_188, %ge3A_190 : i1
        %convert_element_type3A_192 = arith.extui %and3A_191 : i1 to i32
        %cond3A_193 = arith.constant 0 : i32
        %cond3A_194 = arith.cmpi ne, %convert_element_type3A_192, %cond3A_193 : i32
        scf.if %cond3A_194 {
          %dma_wait3A_207 = arith.constant 0 : i32
          %dma_wait3A_208 = arith.constant 0 : i32
          %dma_wait3A_209 = arith.constant 0 : i32
          %dma_wait3A_210 = tpu.memref_slice %arg7[%dma_wait3A_207, %dma_wait3A_208, %dma_wait3A_209] : memref<3x8x50xi32, #tpu.memory_space<vmem>> -> memref<1x8x50xi32, #tpu.memory_space<vmem>>
          %dma_wait3A_211 = tpu.memref_squeeze %dma_wait3A_210 : memref<1x8x50xi32, #tpu.memory_space<vmem>> -> memref<8x50xi32, #tpu.memory_space<vmem>>
          %dma_wait3A_212 = arith.constant 0 : i32
          %dma_wait3A_213 = arith.constant 0 : i32
          %dma_wait3A_214 = tpu.memref_slice %arg3[%add3A, %dma_wait3A_212, %dma_wait3A_213] : memref<32x200x50xi32, #tpu.memory_space<hbm>> -> memref<1x8x50xi32, #tpu.memory_space<hbm>>
          %dma_wait3A_215 = tpu.memref_squeeze %dma_wait3A_214 : memref<1x8x50xi32, #tpu.memory_space<hbm>> -> memref<8x50xi32, #tpu.memory_space<hbm>>
          %dma_wait3A_216 = arith.constant 0 : i32
          %dma_wait3A_217 = arith.constant 0 : i32
          %dma_wait3A_218 = tpu.memref_slice %arg7[%dma_wait3A_207, %dma_wait3A_216, %dma_wait3A_217] : memref<3x8x50xi32, #tpu.memory_space<vmem>> -> memref<1x8x50xi32, #tpu.memory_space<vmem>>
          %dma_wait3A_219 = tpu.memref_squeeze %dma_wait3A_218 : memref<1x8x50xi32, #tpu.memory_space<vmem>> -> memref<8x50xi32, #tpu.memory_space<vmem>>
          %dma_wait3A_220 = arith.constant 0 : i32
          %dma_wait3A_221 = arith.constant 0 : i32
          %dma_wait3A_222 = tpu.memref_slice %arg3[%add3A, %dma_wait3A_220, %dma_wait3A_221] : memref<32x200x50xi32, #tpu.memory_space<hbm>> -> memref<1x8x50xi32, #tpu.memory_space<hbm>>
          %dma_wait3A_223 = tpu.memref_squeeze %dma_wait3A_222 : memref<1x8x50xi32, #tpu.memory_space<hbm>> -> memref<8x50xi32, #tpu.memory_space<hbm>>
          tpu.wait_dma2 semaphore(%arg13 : memref<!tpu.dma_semaphore, #tpu.memory_space<semaphore_mem>>) src(%dma_wait3A_223 : memref<8x50xi32, #tpu.memory_space<hbm>>) dst(%dma_wait3A_219 : memref<8x50xi32, #tpu.memory_space<vmem>>)
          %dma_wait3A_224 = arith.constant 0 : i32
          %dma_wait3A_225 = arith.constant 0 : i32
          %dma_wait3A_226 = arith.constant 0 : i32
          %dma_wait3A_227 = tpu.memref_slice %arg8[%dma_wait3A_224, %dma_wait3A_225, %dma_wait3A_226] : memref<3x8x50xi32, #tpu.memory_space<vmem>> -> memref<1x8x50xi32, #tpu.memory_space<vmem>>
          %dma_wait3A_228 = tpu.memref_squeeze %dma_wait3A_227 : memref<1x8x50xi32, #tpu.memory_space<vmem>> -> memref<8x50xi32, #tpu.memory_space<vmem>>
          %dma_wait3A_229 = arith.constant 0 : i32
          %dma_wait3A_230 = arith.constant 0 : i32
          %dma_wait3A_231 = tpu.memref_slice %arg4[%add3A, %dma_wait3A_229, %dma_wait3A_230] : memref<32x200x50xi32, #tpu.memory_space<hbm>> -> memref<1x8x50xi32, #tpu.memory_space<hbm>>
          %dma_wait3A_232 = tpu.memref_squeeze %dma_wait3A_231 : memref<1x8x50xi32, #tpu.memory_space<hbm>> -> memref<8x50xi32, #tpu.memory_space<hbm>>
          %dma_wait3A_233 = arith.constant 0 : i32
          %dma_wait3A_234 = arith.constant 0 : i32
          %dma_wait3A_235 = tpu.memref_slice %arg8[%dma_wait3A_224, %dma_wait3A_233, %dma_wait3A_234] : memref<3x8x50xi32, #tpu.memory_space<vmem>> -> memref<1x8x50xi32, #tpu.memory_space<vmem>>
          %dma_wait3A_236 = tpu.memref_squeeze %dma_wait3A_235 : memref<1x8x50xi32, #tpu.memory_space<vmem>> -> memref<8x50xi32, #tpu.memory_space<vmem>>
          %dma_wait3A_237 = arith.constant 0 : i32
          %dma_wait3A_238 = arith.constant 0 : i32
          %dma_wait3A_239 = tpu.memref_slice %arg4[%add3A, %dma_wait3A_237, %dma_wait3A_238] : memref<32x200x50xi32, #tpu.memory_space<hbm>> -> memref<1x8x50xi32, #tpu.memory_space<hbm>>
          %dma_wait3A_240 = tpu.memref_squeeze %dma_wait3A_239 : memref<1x8x50xi32, #tpu.memory_space<hbm>> -> memref<8x50xi32, #tpu.memory_space<hbm>>
          tpu.wait_dma2 semaphore(%arg13 : memref<!tpu.dma_semaphore, #tpu.memory_space<semaphore_mem>>) src(%dma_wait3A_240 : memref<8x50xi32, #tpu.memory_space<hbm>>) dst(%dma_wait3A_236 : memref<8x50xi32, #tpu.memory_space<vmem>>)
        } else {
        }
        %rem3A_195 = arith.constant 6 : i32
        %rem3A_196 = arith.remsi %sub3A_175, %rem3A_195 : i32
        %dma_start3A_197 = arith.constant 0 : i32
        %dma_start3A_198 = arith.constant 0 : i32
        %dma_start3A_199 = tpu.memref_slice %arg9[%rem3A_196, %dma_start3A_197, %dma_start3A_198] : memref<6x50x128xf32, #tpu.memory_space<vmem>> -> memref<1x50x128xf32, #tpu.memory_space<vmem>>
        %dma_start3A_200 = tpu.memref_squeeze %dma_start3A_199 : memref<1x50x128xf32, #tpu.memory_space<vmem>> -> memref<50x128xf32, #tpu.memory_space<vmem>>
        %dma_start3A_201 = arith.constant 0 : i32
        %dma_start3A_202 = tpu.memref_slice %arg7[%rem3A_186, %rem3A_184, %dma_start3A_201] : memref<3x8x50xi32, #tpu.memory_space<vmem>> -> memref<1x1x50xi32, #tpu.memory_space<vmem>>
        %dma_start3A_203 = tpu.memref_squeeze %dma_start3A_202 : memref<1x1x50xi32, #tpu.memory_space<vmem>> -> memref<50xi32, #tpu.memory_space<vmem>>
        %dma_start3A_204 = arith.constant 0 : i32
        %dma_start3A_205 = arith.constant 0 : i32
        %dma_start3A_206 = tpu.memref_slice %arg2[%dma_start3A_204, %dma_start3A_205] : memref<10000x128xf32, #tpu.memory_space<hbm>> -> memref<10000x128xf32, #tpu.memory_space<hbm>>
        tpu.enqueue_indirect_dma source(%dma_start3A_206 : memref<10000x128xf32, #tpu.memory_space<hbm>>) target(%dma_start3A_200 : memref<50x128xf32, #tpu.memory_space<vmem>>) offsets(%dma_start3A_203 : memref<50xi32, #tpu.memory_space<vmem>>) semaphore(%arg11 : memref<!tpu.dma_semaphore, #tpu.memory_space<semaphore_mem>>)
      } else {
      }
    }
    %scan3A_111 = arith.constant 200 : i32
    %dma_wait3A = arith.constant 0 : i32
    %dma_wait3A_112 = arith.constant 0 : i32
    %dma_wait3A_113 = arith.constant 0 : i32
    %dma_wait3A_114 = arith.constant 0 : i32
    %dma_wait3A_115 = arith.constant 0 : i32
    %dma_wait3A_116 = tpu.memref_slice %arg9[%dma_wait3A, %dma_wait3A_114, %dma_wait3A_115] : memref<6x50x128xf32, #tpu.memory_space<vmem>> -> memref<1x50x128xf32, #tpu.memory_space<vmem>>
    %dma_wait3A_117 = tpu.memref_squeeze %dma_wait3A_116 : memref<1x50x128xf32, #tpu.memory_space<vmem>> -> memref<50x128xf32, #tpu.memory_space<vmem>>
    %dma_wait3A_118 = arith.constant 0 : i32
    %dma_wait3A_119 = tpu.memref_slice %arg8[%dma_wait3A_112, %dma_wait3A_113, %dma_wait3A_118] : memref<3x8x50xi32, #tpu.memory_space<vmem>> -> memref<1x1x50xi32, #tpu.memory_space<vmem>>
    %dma_wait3A_120 = tpu.memref_squeeze %dma_wait3A_119 : memref<1x1x50xi32, #tpu.memory_space<vmem>> -> memref<50xi32, #tpu.memory_space<vmem>>
    %dma_wait3A_121 = arith.constant 0 : i32
    %dma_wait3A_122 = arith.constant 0 : i32
    %dma_wait3A_123 = tpu.memref_slice %arg10[%dma_wait3A_121, %dma_wait3A_122] : memref<10000x128xf32, #tpu.memory_space<vmem_shared>> -> memref<10000x128xf32, #tpu.memory_space<vmem_shared>>
    tpu.wait_indirect_dma semaphore(%arg12 : memref<!tpu.dma_semaphore, #tpu.memory_space<semaphore_mem>>) src(%dma_wait3A_117 : memref<50x128xf32, #tpu.memory_space<vmem>>) dst(%dma_wait3A_123 : memref<10000x128xf32, #tpu.memory_space<vmem_shared>>)
    %barrier3A_124 = arith.constant 0 : index
    tpu.barrier barrier_id(%barrier3A_124)
    %mul3A_125 = arith.constant 624 : i32
    %mul3A_126 = arith.muli %arg1, %mul3A_125 : i32
    %mul3A_127 = arith.constant 624 : i32
    %mul3A_128 = arith.muli %arg1, %mul3A_127 : i32
    "tpu.region"() ({
      %run_scoped3A_134 = tpu.sem_alloc : memref<!tpu.dma_semaphore, #tpu.memory_space<semaphore_mem>>
      %dma_start3A_135 = arith.constant 0 : i32
      %dma_start3A_136 = tpu.memref_slice %arg6[%arg0, %mul3A_128, %dma_start3A_135] : memref<2x10000x128xf32, #tpu.memory_space<hbm>> -> memref<1x624x128xf32, #tpu.memory_space<hbm>>
      %dma_start3A_137 = tpu.memref_squeeze %dma_start3A_136 : memref<1x624x128xf32, #tpu.memory_space<hbm>> -> memref<624x128xf32, #tpu.memory_space<hbm>>
      %dma_start3A_138 = arith.constant 0 : i32
      %dma_start3A_139 = tpu.memref_slice %arg10[%mul3A_126, %dma_start3A_138] : memref<10000x128xf32, #tpu.memory_space<vmem_shared>> -> memref<624x128xf32, #tpu.memory_space<vmem_shared>>
      tpu.enqueue_dma source(%dma_start3A_139 : memref<624x128xf32, #tpu.memory_space<vmem_shared>>) target(%dma_start3A_137 : memref<624x128xf32, #tpu.memory_space<hbm>>) target_semaphore(%run_scoped3A_134 : memref<!tpu.dma_semaphore, #tpu.memory_space<semaphore_mem>>)
      %dma_wait3A_140 = arith.constant 0 : i32
      %dma_wait3A_141 = tpu.memref_slice %arg6[%arg0, %mul3A_128, %dma_wait3A_140] : memref<2x10000x128xf32, #tpu.memory_space<hbm>> -> memref<1x624x128xf32, #tpu.memory_space<hbm>>
      %dma_wait3A_142 = tpu.memref_squeeze %dma_wait3A_141 : memref<1x624x128xf32, #tpu.memory_space<hbm>> -> memref<624x128xf32, #tpu.memory_space<hbm>>
      %dma_wait3A_143 = arith.constant 0 : i32
      %dma_wait3A_144 = tpu.memref_slice %arg10[%mul3A_126, %dma_wait3A_143] : memref<10000x128xf32, #tpu.memory_space<vmem_shared>> -> memref<624x128xf32, #tpu.memory_space<vmem_shared>>
      tpu.wait_dma2 semaphore(%run_scoped3A_134 : memref<!tpu.dma_semaphore, #tpu.memory_space<semaphore_mem>>) src(%dma_wait3A_144 : memref<624x128xf32, #tpu.memory_space<vmem_shared>>) dst(%dma_wait3A_142 : memref<624x128xf32, #tpu.memory_space<hbm>>)
      tpu.yield
    }) : () -> ()
    %eq3A_129 = arith.constant 15 : i32
    %eq3A_130 = arith.cmpi eq, %arg1, %eq3A_129 : i32
    %convert_element_type3A_131 = arith.extui %eq3A_130 : i1 to i32
    %cond3A_132 = arith.constant 0 : i32
    %cond3A_133 = arith.cmpi ne, %convert_element_type3A_131, %cond3A_132 : i32
    scf.if %cond3A_133 {
      "tpu.region"() ({
        %run_scoped3A_134 = tpu.sem_alloc : memref<!tpu.dma_semaphore, #tpu.memory_space<semaphore_mem>>
        %dma_start3A_135 = arith.constant 9984 : i32
        %dma_start3A_136 = arith.constant 0 : i32
        %dma_start3A_137 = tpu.memref_slice %arg6[%arg0, %dma_start3A_135, %dma_start3A_136] : memref<2x10000x128xf32, #tpu.memory_space<hbm>> -> memref<1x16x128xf32, #tpu.memory_space<hbm>>
        %dma_start3A_138 = tpu.memref_squeeze %dma_start3A_137 : memref<1x16x128xf32, #tpu.memory_space<hbm>> -> memref<16x128xf32, #tpu.memory_space<hbm>>
        %dma_start3A_139 = arith.constant 9984 : i32
        %dma_start3A_140 = arith.constant 0 : i32
        %dma_start3A_141 = tpu.memref_slice %arg10[%dma_start3A_139, %dma_start3A_140] : memref<10000x128xf32, #tpu.memory_space<vmem_shared>> -> memref<16x128xf32, #tpu.memory_space<vmem_shared>>
        tpu.enqueue_dma source(%dma_start3A_141 : memref<16x128xf32, #tpu.memory_space<vmem_shared>>) target(%dma_start3A_138 : memref<16x128xf32, #tpu.memory_space<hbm>>) target_semaphore(%run_scoped3A_134 : memref<!tpu.dma_semaphore, #tpu.memory_space<semaphore_mem>>)
        %dma_wait3A_142 = arith.constant 9984 : i32
        %dma_wait3A_143 = arith.constant 0 : i32
        %dma_wait3A_144 = tpu.memref_slice %arg6[%arg0, %dma_wait3A_142, %dma_wait3A_143] : memref<2x10000x128xf32, #tpu.memory_space<hbm>> -> memref<1x16x128xf32, #tpu.memory_space<hbm>>
        %dma_wait3A_145 = tpu.memref_squeeze %dma_wait3A_144 : memref<1x16x128xf32, #tpu.memory_space<hbm>> -> memref<16x128xf32, #tpu.memory_space<hbm>>
        %dma_wait3A_146 = arith.constant 9984 : i32
        %dma_wait3A_147 = arith.constant 0 : i32
        %dma_wait3A_148 = tpu.memref_slice %arg10[%dma_wait3A_146, %dma_wait3A_147] : memref<10000x128xf32, #tpu.memory_space<vmem_shared>> -> memref<16x128xf32, #tpu.memory_space<vmem_shared>>
        tpu.wait_dma2 semaphore(%run_scoped3A_134 : memref<!tpu.dma_semaphore, #tpu.memory_space<semaphore_mem>>) src(%dma_wait3A_148 : memref<16x128xf32, #tpu.memory_space<vmem_shared>>) dst(%dma_wait3A_145 : memref<16x128xf32, #tpu.memory_space<hbm>>)
        tpu.yield
      }) : () -> ()
    } else {
    }
    return
  }
}

module attributes {stable_mosaic.version = 14 : i64} {
  func.func @_t1_body(%arg0: i32, %arg1: memref<5000x2xf32, #tpu.memory_space<vmem>>, %arg2: memref<5000x128xf32, #tpu.memory_space<vmem>>, %arg3: memref<128x128xf32, #tpu.memory_space<vmem>>, %arg4: memref<1x128xf32, #tpu.memory_space<vmem>>, %arg5: memref<128x128xf32, #tpu.memory_space<vmem>>, %arg6: memref<5000x128xf32, #tpu.memory_space<vmem>>) attributes {dimension_semantics = [#tpu.dimension_semantics<arbitrary>], iteration_bounds = array<i64: 2>, scalar_prefetch = 0 : i64, scratch_operands = 0 : i64, tpu.core_type = #tpu.core_type<tc>, window_params = [{transform_indices = @transform_0, window_bounds = array<i64: 5000, 2>}, {transform_indices = @transform_1, window_bounds = array<i64: 5000, 128>}, {pipeline_mode = #tpu.pipeline_mode<synchronous>, transform_indices = @transform_2, window_bounds = array<i64: 128, 128>}, {pipeline_mode = #tpu.pipeline_mode<synchronous>, transform_indices = @transform_3, window_bounds = array<i64: 1, 128>}, {pipeline_mode = #tpu.pipeline_mode<synchronous>, transform_indices = @transform_4, window_bounds = array<i64: 128, 128>}, {transform_indices = @transform_5, window_bounds = array<i64: 5000, 128>}]} {
    %get3A = arith.constant 0 : index
    %get3A_0 = arith.constant 0 : index
    %get3A_1 = vector.load %arg1[%get3A, %get3A_0] : memref<5000x2xf32, #tpu.memory_space<vmem>>, vector<5000x1xf32>
    %get3A_2 = vector.shape_cast %get3A_1 : vector<5000x1xf32> to vector<5000xf32>
    %get3A_3 = arith.constant 0 : index
    %get3A_4 = arith.constant 1 : index
    %get3A_5 = vector.load %arg1[%get3A_3, %get3A_4] : memref<5000x2xf32, #tpu.memory_space<vmem>>, vector<5000x1xf32>
    %get3A_6 = vector.shape_cast %get3A_5 : vector<5000x1xf32> to vector<5000xf32>
    %add3A = arith.addf %get3A_2, %get3A_6 : vector<5000xf32>
    %add3A_7 = arith.constant 1.000000e+00 : f32
    %add3A_8 = vector.broadcast %add3A_7 : f32 to vector<5000xf32>
    %add3A_9 = arith.addf %add3A, %add3A_8 : vector<5000xf32>
    %rsqrt3A = math.rsqrt %add3A_9 : vector<5000xf32>
    %get3A_10 = arith.constant 0 : index
    %get3A_11 = arith.constant 0 : index
    %get3A_12 = vector.load %arg2[%get3A_10, %get3A_11] : memref<5000x128xf32, #tpu.memory_space<vmem>>, vector<5000x128xf32>
    %get3A_13 = arith.constant 0 : index
    %get3A_14 = arith.constant 0 : index
    %get3A_15 = vector.load %arg3[%get3A_13, %get3A_14] : memref<128x128xf32, #tpu.memory_space<vmem>>, vector<128x128xf32>
    %dot_general3A = arith.constant dense<0.000000e+00> : vector<5000x128xf32>
    %dot_general3A_16 = tpu.matmul %get3A_12, %get3A_15, %dot_general3A {dimension_numbers = #tpu.dot_dimension_numbers<[1], [0], [0], [1], [0, 0, 1, 1], [], []>, transpose_lhs_hint = false} : vector<5000x128xf32>, vector<128x128xf32>, vector<5000x128xf32> -> vector<5000x128xf32>
    %get3A_17 = arith.constant 0 : index
    %get3A_18 = arith.constant 0 : index
    %get3A_19 = vector.load %arg4[%get3A_17, %get3A_18] : memref<1x128xf32, #tpu.memory_space<vmem>>, vector<1x128xf32>
    %add3A_20 = vector.broadcast %get3A_19 : vector<1x128xf32> to vector<5000x128xf32>
    %add3A_21 = arith.addf %dot_general3A_16, %add3A_20 : vector<5000x128xf32>
    %get3A_22 = arith.constant 0 : index
    %get3A_23 = arith.constant 0 : index
    %get3A_24 = vector.load %arg5[%get3A_22, %get3A_23] : memref<128x128xf32, #tpu.memory_space<vmem>>, vector<128x128xf32>
    %dot_general3A_25 = arith.constant dense<0.000000e+00> : vector<5000x128xf32>
    %dot_general3A_26 = tpu.matmul %add3A_21, %get3A_24, %dot_general3A_25 {dimension_numbers = #tpu.dot_dimension_numbers<[1], [0], [0], [1], [0, 0, 1, 1], [], []>, transpose_lhs_hint = false} : vector<5000x128xf32>, vector<128x128xf32>, vector<5000x128xf32> -> vector<5000x128xf32>
    %broadcast_in_dim3A = vector.shape_cast %rsqrt3A : vector<5000xf32> to vector<5000x1xf32>
    %mul3A = vector.broadcast %broadcast_in_dim3A : vector<5000x1xf32> to vector<5000x128xf32>
    %mul3A_27 = arith.mulf %dot_general3A_26, %mul3A : vector<5000x128xf32>
    %swap3A = arith.constant 0 : index
    %swap3A_28 = arith.constant 0 : index
    %swap3A_29 = vector.load %arg6[%swap3A, %swap3A_28] : memref<5000x128xf32, #tpu.memory_space<vmem>>, vector<5000x128xf32>
    tpu.vector_store %arg6[%swap3A, %swap3A_28], %mul3A_27 {strides = array<i32>} : memref<5000x128xf32, #tpu.memory_space<vmem>>, vector<5000x128xf32>,
    return
  }
  func.func @transform_0(%arg0: i32) -> (i32, i32) {
    %c0_i32 = arith.constant 0 : i32
    %c0_i32_0 = arith.constant 0 : i32
    return %arg0, %c0_i32 : i32, i32
  }
  func.func @transform_1(%arg0: i32) -> (i32, i32) {
    %c0_i32 = arith.constant 0 : i32
    %c0_i32_0 = arith.constant 0 : i32
    return %arg0, %c0_i32 : i32, i32
  }
  func.func @transform_2(%arg0: i32) -> (i32, i32) {
    %c0_i32 = arith.constant 0 : i32
    %c0_i32_0 = arith.constant 0 : i32
    %c0_i32_1 = arith.constant 0 : i32
    return %c0_i32, %c0_i32_0 : i32, i32
  }
  func.func @transform_3(%arg0: i32) -> (i32, i32) {
    %c0_i32 = arith.constant 0 : i32
    %c0_i32_0 = arith.constant 0 : i32
    %c0_i32_1 = arith.constant 0 : i32
    return %c0_i32, %c0_i32_0 : i32, i32
  }
  func.func @transform_4(%arg0: i32) -> (i32, i32) {
    %c0_i32 = arith.constant 0 : i32
    %c0_i32_0 = arith.constant 0 : i32
    %c0_i32_1 = arith.constant 0 : i32
    return %c0_i32, %c0_i32_0 : i32, i32
  }
  func.func @transform_5(%arg0: i32) -> (i32, i32) {
    %c0_i32 = arith.constant 0 : i32
    %c0_i32_0 = arith.constant 0 : i32
    return %arg0, %c0_i32 : i32, i32
  }
}

module attributes {stable_mosaic.version = 14 : i64} {
  func.func @_t2_body(%arg0: i32, %arg1: memref<5000x2xf32, #tpu.memory_space<vmem>>, %arg2: memref<2x5000x128xf32, #tpu.memory_space<vmem>>, %arg3: memref<1x128xf32, #tpu.memory_space<vmem>>, %arg4: memref<128x128xf32, #tpu.memory_space<vmem>>, %arg5: memref<5000x128xf32, #tpu.memory_space<vmem>>) attributes {dimension_semantics = [#tpu.dimension_semantics<arbitrary>], iteration_bounds = array<i64: 2>, scalar_prefetch = 0 : i64, scratch_operands = 0 : i64, tpu.core_type = #tpu.core_type<tc>, window_params = [{transform_indices = @transform_0, window_bounds = array<i64: 5000, 2>}, {transform_indices = @transform_1, window_bounds = array<i64: 2, 5000, 128>}, {pipeline_mode = #tpu.pipeline_mode<synchronous>, transform_indices = @transform_2, window_bounds = array<i64: 1, 128>}, {pipeline_mode = #tpu.pipeline_mode<synchronous>, transform_indices = @transform_3, window_bounds = array<i64: 128, 128>}, {transform_indices = @transform_4, window_bounds = array<i64: 5000, 128>}]} {
    %get3A = arith.constant 0 : index
    %get3A_0 = arith.constant 0 : index
    %get3A_1 = vector.load %arg1[%get3A, %get3A_0] : memref<5000x2xf32, #tpu.memory_space<vmem>>, vector<5000x1xf32>
    %get3A_2 = vector.shape_cast %get3A_1 : vector<5000x1xf32> to vector<5000xf32>
    %get3A_3 = arith.constant 0 : index
    %get3A_4 = arith.constant 1 : index
    %get3A_5 = vector.load %arg1[%get3A_3, %get3A_4] : memref<5000x2xf32, #tpu.memory_space<vmem>>, vector<5000x1xf32>
    %get3A_6 = vector.shape_cast %get3A_5 : vector<5000x1xf32> to vector<5000xf32>
    %add3A = arith.addf %get3A_2, %get3A_6 : vector<5000xf32>
    %add3A_7 = arith.constant 1.000000e+00 : f32
    %add3A_8 = vector.broadcast %add3A_7 : f32 to vector<5000xf32>
    %add3A_9 = arith.addf %add3A, %add3A_8 : vector<5000xf32>
    %rsqrt3A = math.rsqrt %add3A_9 : vector<5000xf32>
    %get3A_10 = arith.constant 0 : index
    %get3A_11 = arith.constant 0 : index
    %get3A_12 = arith.constant 0 : index
    %get3A_13 = vector.load %arg2[%get3A_10, %get3A_11, %get3A_12] : memref<2x5000x128xf32, #tpu.memory_space<vmem>>, vector<1x5000x128xf32>
    %get3A_14 = vector.shape_cast %get3A_13 : vector<1x5000x128xf32> to vector<5000x128xf32>
    %get3A_15 = arith.constant 1 : index
    %get3A_16 = arith.constant 0 : index
    %get3A_17 = arith.constant 0 : index
    %get3A_18 = vector.load %arg2[%get3A_15, %get3A_16, %get3A_17] : memref<2x5000x128xf32, #tpu.memory_space<vmem>>, vector<1x5000x128xf32>
    %get3A_19 = vector.shape_cast %get3A_18 : vector<1x5000x128xf32> to vector<5000x128xf32>
    %add3A_20 = arith.addf %get3A_14, %get3A_19 : vector<5000x128xf32>
    %broadcast_in_dim3A = vector.shape_cast %rsqrt3A : vector<5000xf32> to vector<5000x1xf32>
    %mul3A = vector.broadcast %broadcast_in_dim3A : vector<5000x1xf32> to vector<5000x128xf32>
    %mul3A_21 = arith.mulf %add3A_20, %mul3A : vector<5000x128xf32>
    %get3A_22 = arith.constant 0 : index
    %get3A_23 = arith.constant 0 : index
    %get3A_24 = vector.load %arg3[%get3A_22, %get3A_23] : memref<1x128xf32, #tpu.memory_space<vmem>>, vector<1x128xf32>
    %add3A_25 = vector.broadcast %get3A_24 : vector<1x128xf32> to vector<5000x128xf32>
    %add3A_26 = arith.addf %mul3A_21, %add3A_25 : vector<5000x128xf32>
    %max3A = arith.constant 0.000000e+00 : f32
    %max3A_27 = vector.broadcast %max3A : f32 to vector<5000x128xf32>
    %max3A_28 = arith.maximumf %add3A_26, %max3A_27 : vector<5000x128xf32>
    %get3A_29 = arith.constant 0 : index
    %get3A_30 = arith.constant 0 : index
    %get3A_31 = vector.load %arg4[%get3A_29, %get3A_30] : memref<128x128xf32, #tpu.memory_space<vmem>>, vector<128x128xf32>
    %dot_general3A = arith.constant dense<0.000000e+00> : vector<5000x128xf32>
    %dot_general3A_32 = tpu.matmul %max3A_28, %get3A_31, %dot_general3A {dimension_numbers = #tpu.dot_dimension_numbers<[1], [0], [0], [1], [0, 0, 1, 1], [], []>, transpose_lhs_hint = false} : vector<5000x128xf32>, vector<128x128xf32>, vector<5000x128xf32> -> vector<5000x128xf32>
    %broadcast_in_dim3A_33 = vector.shape_cast %rsqrt3A : vector<5000xf32> to vector<5000x1xf32>
    %mul3A_34 = vector.broadcast %broadcast_in_dim3A_33 : vector<5000x1xf32> to vector<5000x128xf32>
    %mul3A_35 = arith.mulf %dot_general3A_32, %mul3A_34 : vector<5000x128xf32>
    %swap3A = arith.constant 0 : index
    %swap3A_36 = arith.constant 0 : index
    %swap3A_37 = vector.load %arg5[%swap3A, %swap3A_36] : memref<5000x128xf32, #tpu.memory_space<vmem>>, vector<5000x128xf32>
    tpu.vector_store %arg5[%swap3A, %swap3A_36], %mul3A_35 {strides = array<i32>} : memref<5000x128xf32, #tpu.memory_space<vmem>>, vector<5000x128xf32>,
    return
  }
  func.func @transform_0(%arg0: i32) -> (i32, i32) {
    %c0_i32 = arith.constant 0 : i32
    %c0_i32_0 = arith.constant 0 : i32
    return %arg0, %c0_i32 : i32, i32
  }
  func.func @transform_1(%arg0: i32) -> (i32, i32, i32) {
    %c0_i32 = arith.constant 0 : i32
    %c0_i32_0 = arith.constant 0 : i32
    %c0_i32_1 = arith.constant 0 : i32
    return %c0_i32, %arg0, %c0_i32_0 : i32, i32, i32
  }
  func.func @transform_2(%arg0: i32) -> (i32, i32) {
    %c0_i32 = arith.constant 0 : i32
    %c0_i32_0 = arith.constant 0 : i32
    %c0_i32_1 = arith.constant 0 : i32
    return %c0_i32, %c0_i32_0 : i32, i32
  }
  func.func @transform_3(%arg0: i32) -> (i32, i32) {
    %c0_i32 = arith.constant 0 : i32
    %c0_i32_0 = arith.constant 0 : i32
    %c0_i32_1 = arith.constant 0 : i32
    return %c0_i32, %c0_i32_0 : i32, i32
  }
  func.func @transform_4(%arg0: i32) -> (i32, i32) {
    %c0_i32 = arith.constant 0 : i32
    %c0_i32_0 = arith.constant 0 : i32
    return %arg0, %c0_i32 : i32, i32
  }
}

module attributes {stable_mosaic.version = 14 : i64} {
  func.func @_t3_body(%arg0: i32, %arg1: memref<5000x2xf32, #tpu.memory_space<vmem>>, %arg2: memref<2x5000x128xf32, #tpu.memory_space<vmem>>, %arg3: memref<1x128xf32, #tpu.memory_space<vmem>>, %arg4: memref<5000x128xf32, #tpu.memory_space<vmem>>) attributes {dimension_semantics = [#tpu.dimension_semantics<arbitrary>], iteration_bounds = array<i64: 2>, scalar_prefetch = 0 : i64, scratch_operands = 0 : i64, tpu.core_type = #tpu.core_type<tc>, window_params = [{transform_indices = @transform_0, window_bounds = array<i64: 5000, 2>}, {transform_indices = @transform_1, window_bounds = array<i64: 2, 5000, 128>}, {pipeline_mode = #tpu.pipeline_mode<synchronous>, transform_indices = @transform_2, window_bounds = array<i64: 1, 128>}, {transform_indices = @transform_3, window_bounds = array<i64: 5000, 128>}]} {
    %get3A = arith.constant 0 : index
    %get3A_0 = arith.constant 0 : index
    %get3A_1 = vector.load %arg1[%get3A, %get3A_0] : memref<5000x2xf32, #tpu.memory_space<vmem>>, vector<5000x1xf32>
    %get3A_2 = vector.shape_cast %get3A_1 : vector<5000x1xf32> to vector<5000xf32>
    %get3A_3 = arith.constant 0 : index
    %get3A_4 = arith.constant 1 : index
    %get3A_5 = vector.load %arg1[%get3A_3, %get3A_4] : memref<5000x2xf32, #tpu.memory_space<vmem>>, vector<5000x1xf32>
    %get3A_6 = vector.shape_cast %get3A_5 : vector<5000x1xf32> to vector<5000xf32>
    %add3A = arith.addf %get3A_2, %get3A_6 : vector<5000xf32>
    %add3A_7 = arith.constant 1.000000e+00 : f32
    %add3A_8 = vector.broadcast %add3A_7 : f32 to vector<5000xf32>
    %add3A_9 = arith.addf %add3A, %add3A_8 : vector<5000xf32>
    %rsqrt3A = math.rsqrt %add3A_9 : vector<5000xf32>
    %get3A_10 = arith.constant 0 : index
    %get3A_11 = arith.constant 0 : index
    %get3A_12 = arith.constant 0 : index
    %get3A_13 = vector.load %arg2[%get3A_10, %get3A_11, %get3A_12] : memref<2x5000x128xf32, #tpu.memory_space<vmem>>, vector<1x5000x128xf32>
    %get3A_14 = vector.shape_cast %get3A_13 : vector<1x5000x128xf32> to vector<5000x128xf32>
    %get3A_15 = arith.constant 1 : index
    %get3A_16 = arith.constant 0 : index
    %get3A_17 = arith.constant 0 : index
    %get3A_18 = vector.load %arg2[%get3A_15, %get3A_16, %get3A_17] : memref<2x5000x128xf32, #tpu.memory_space<vmem>>, vector<1x5000x128xf32>
    %get3A_19 = vector.shape_cast %get3A_18 : vector<1x5000x128xf32> to vector<5000x128xf32>
    %add3A_20 = arith.addf %get3A_14, %get3A_19 : vector<5000x128xf32>
    %broadcast_in_dim3A = vector.shape_cast %rsqrt3A : vector<5000xf32> to vector<5000x1xf32>
    %mul3A = vector.broadcast %broadcast_in_dim3A : vector<5000x1xf32> to vector<5000x128xf32>
    %mul3A_21 = arith.mulf %add3A_20, %mul3A : vector<5000x128xf32>
    %get3A_22 = arith.constant 0 : index
    %get3A_23 = arith.constant 0 : index
    %get3A_24 = vector.load %arg3[%get3A_22, %get3A_23] : memref<1x128xf32, #tpu.memory_space<vmem>>, vector<1x128xf32>
    %add3A_25 = vector.broadcast %get3A_24 : vector<1x128xf32> to vector<5000x128xf32>
    %add3A_26 = arith.addf %mul3A_21, %add3A_25 : vector<5000x128xf32>
    %mul3A_27 = arith.mulf %add3A_26, %add3A_26 : vector<5000x128xf32>
    %reduce_sum3A = arith.constant dense<0.000000e+00> : vector<5000xf32>
    %reduce_sum3A_28 = vector.multi_reduction <add>, %mul3A_27, %reduce_sum3A [1] : vector<5000x128xf32> to vector<5000xf32>
    %broadcast_in_dim3A_29 = vector.shape_cast %reduce_sum3A_28 : vector<5000xf32> to vector<5000x1xf32>
    %sqrt3A = math.sqrt %broadcast_in_dim3A_29 : vector<5000x1xf32>
    %max3A = arith.constant 9.99999996E-13 : f32
    %max3A_30 = vector.broadcast %max3A : f32 to vector<5000x1xf32>
    %max3A_31 = arith.maximumf %sqrt3A, %max3A_30 : vector<5000x1xf32>
    %div3A = vector.broadcast %max3A_31 : vector<5000x1xf32> to vector<5000x128xf32>
    %div3A_32 = arith.divf %add3A_26, %div3A : vector<5000x128xf32>
    %swap3A = arith.constant 0 : index
    %swap3A_33 = arith.constant 0 : index
    %swap3A_34 = vector.load %arg4[%swap3A, %swap3A_33] : memref<5000x128xf32, #tpu.memory_space<vmem>>, vector<5000x128xf32>
    tpu.vector_store %arg4[%swap3A, %swap3A_33], %div3A_32 {strides = array<i32>} : memref<5000x128xf32, #tpu.memory_space<vmem>>, vector<5000x128xf32>,
    return
  }
  func.func @transform_0(%arg0: i32) -> (i32, i32) {
    %c0_i32 = arith.constant 0 : i32
    %c0_i32_0 = arith.constant 0 : i32
    return %arg0, %c0_i32 : i32, i32
  }
  func.func @transform_1(%arg0: i32) -> (i32, i32, i32) {
    %c0_i32 = arith.constant 0 : i32
    %c0_i32_0 = arith.constant 0 : i32
    %c0_i32_1 = arith.constant 0 : i32
    return %c0_i32, %arg0, %c0_i32_0 : i32, i32, i32
  }
  func.func @transform_2(%arg0: i32) -> (i32, i32) {
    %c0_i32 = arith.constant 0 : i32
    %c0_i32_0 = arith.constant 0 : i32
    %c0_i32_1 = arith.constant 0 : i32
    return %c0_i32, %c0_i32_0 : i32, i32
  }
  func.func @transform_3(%arg0: i32) -> (i32, i32) {
    %c0_i32 = arith.constant 0 : i32
    %c0_i32_0 = arith.constant 0 : i32
    return %arg0, %c0_i32 : i32, i32
  }
}

</mosaic_0001>

<sc_bundles>
// kernel: kernel.11.cloned.1.call-start
scs
__scs_entry_jumppad:
0x0: {  	(pc) =	sbr.rel $0x88, $3  }
0x1: {  	(tag) =	ssettag $0x0;
	lr =	simm.s32 $0x1  }
0x2: {  	[smem:$0x3F99] =	sst lr;
	_ =	strace $0xD0000000  }
0x3: {  	_ = 	snop  }
0x4: {  	_ = 	snop  }
0x5: {  	_ = 	snop  }
0x6: {  	_ = 	snop  }
0x7: {  	_ = 	snop  }
__scs_overlays_trampoline_lowered:
0x8: {  	[smem:$0x3FA8] =	sst s0  }
0x9: {  	[smem:$0x3FA9] =	sst s1  }
0xa: {  	[smem:$0x3FAA] =	sst s2  }
0xb: {  	[smem:$0x3FAB] =	sst s3  }
0xc: {  	[smem:$0x3FAC] =	sst s4  }
0xd: {  	[smem:$0x3FAD] =	sst s5  }
0xe: {  	[smem:$0x3FAE] =	sst s6  }
0xf: {  	[smem:$0x3FAF] =	sst s7  }
0x10: {  	[smem:$0x3FB0] =	sst s8  }
0x11: {  	[smem:$0x3FB1] =	sst s9;
	s0 =	simm.s32 @!p0 $0x0  }
0x12: {  	s1 =	sld [smem:$0x3F97];
	s0 =	simm.s32 @p0 $0x1  }
0x13: {  	[smem:$0x3FB2] =	sst s0;
	s0 =	simm.s32 @!p1 $0x0  }
0x14: {  	s2 =	sld [smem:$0x3F96];
	s0 =	simm.s32 @p1 $0x1  }
0x15: {  	[smem:$0x3FB3] =	sst s0;
	s0 =	simm.s32 @!p2 $0x0  }
0x16: {  	s3 =	sld [smem:$0x3FDB];
	s0 =	simm.s32 @p2 $0x1  }
0x17: {  	s4 =	simm.s32 $0x1BF5;
	[smem:$0x3FB5] =	sst s0  }
0x18: {  	s0 =	sld [smem:$0x3F98];
	_ =	swait.ge [sflag:s4], $0x0  }
0x19: {  	s7 =	sld [smem:$0x3F99]  }
0x1a: {  	s8 =	sadd.s32 $0xFFFFE003, lr  }
0x1b: {  	s9 =	sadd.s32 $0xFFFFFEF7, lr;
	s5 =	simm.s32 $0xFFFFFFFF;
	p2 =	slt.u32 s8, $0xFFFFF086  }
0x1c: {  	p1 =	slt.u32 s9, $0xF7A;
	s5 =	simm.s32 @!p2 $0x0  }
0x1d: {  	s5 =	simm.s32 @p1 $0x1;
	p0 =	seq.s32 s7, s2  }
0x1e: {  	s7 =	smul.u32 @!p0 $0xF7A, s2;
	p2 =	seq.s32 @!p0 s5, $0x0  }
0x1f: {  	s9 =	smul.u32 $0xF7A, s1;
	s8 =	simm.s32 @!p0 $0x1BF5;
	p2 =	por !p2, p0  }
0x20: {  	[sflag:s8] =	ssyncset.s32 @!p0 $0xFFFFF086;
	s6 =	sadd.s32 @!p0 s3, s7;
	s7 =	simm.s32 @!p0 $0x108  }
0x21: {  	s3 =	sadd.s32 s3, s9;
	s6 =	sadd.s32 @!p0 $0x88, s6;
	s7 =	simm.s32 @p2 $0x1082  }
0x22: {  	[simem:s7], [sflag:s8] =	dma.local @!p0 [hbm:s6], $0xF7A  }
0x23: {  	s9 =	sor.u32 $0xD0000000, s2;
	s6 =	simm.s32 $0x108;
	_ =	swait.ge @!p0 [sflag:s8], $0x0  }
0x24: {  	s3 =	sadd.s32 $0x88, s3;
	s6 =	simm.s32 @!p1 $0x1082;
	[sflag:s4] =	ssyncset.s32 $0xFFFFF086  }
0x25: {  	[simem:s6], [sflag:s4] =	dma.local [hbm:s3], $0xF7A  }
0x26: {  	[smem:$0x3F99] =	sst s1;
	(tag) =	ssettag s2;
	_ =	strace s9  }
0x27: {  	s1 =	sld [smem:$0x3FA9]  }
0x28: {  	s2 =	sld [smem:$0x3FAA]  }
0x29: {  	s4 =	sld [smem:$0x3FAC]  }
0x2a: {  	p0 =	seq.s32 s5, $0x0;
	s5 =	sld [smem:$0x3FAD]  }
0x2b: {  	s6 =	sld [smem:$0x3FAE]  }
0x2c: {  	s7 =	sld [smem:$0x3FAF]  }
0x2d: {  	s3 =	simm.s32 $0x108;
	s8 =	sld [smem:$0x3FB0]  }
0x2e: {  	s3 =	simm.s32 @!p0 $0x1082;
	s9 =	sld [smem:$0x3FB1]  }
0x2f: {  	lr =	sadd.s32 s0, s3;
	s0 =	sld [smem:$0x3FA8]  }
0x30: {  	s3 =	sld [smem:$0x3FAB]  }
0x31: {  	[smem:$0x3FB4] =	sst s10  }
0x32: {  	s10 =	sld [smem:$0x3FB2];
	_ =	sdelay $0x3  }
0x33: {  	p0 =	seq.s32 s10, $0x1;
	s10 =	sld [smem:$0x3FB4];
	_ =	sdelay $0x3  }
0x34: {  	[smem:$0x3FB4] =	sst s10  }
0x35: {  	s10 =	sld [smem:$0x3FB3];
	_ =	sdelay $0x3  }
0x36: {  	p1 =	seq.s32 s10, $0x1;
	s10 =	sld [smem:$0x3FB4];
	_ =	sdelay $0x3  }
0x37: {  	[smem:$0x3FB4] =	sst s10  }
0x38: {  	s10 =	sld [smem:$0x3FB5]  }
0x39: {  	_ = 	snop;
	(pc) =	sbr.ind lr, $3  }
0x3a: {  	_ = 	snop  }
0x3b: {  	_ = 	snop  }
0x3c: {  	p2 =	seq.s32 s10, $0x1;
	s10 =	sld [smem:$0x3FB4]  }
0x3d: {  	_ =	shalt  }
0x3e: {  	_ =	shalt  }
0x3f: {  	_ =	shalt  }
0x40: {  	_ =	shalt  }
0x41: {  	_ =	shalt  }
0x42: {  	_ =	shalt  }
0x43: {  	_ =	shalt  }
0x44: {  	_ =	shalt  }
0x45: {  	_ =	shalt  }
0x46: {  	_ =	shalt  }
0x47: {  	_ =	shalt  }
0x48: {  	_ =	shalt  }
0x49: {  	_ =	shalt  }
0x4a: {  	_ =	shalt  }
0x4b: {  	_ =	shalt  }
0x4c: {  	_ =	shalt  }
0x4d: {  	_ =	shalt  }
0x4e: {  	_ =	shalt  }
0x4f: {  	_ =	shalt  }
0x50: {  	_ =	shalt  }
0x51: {  	_ =	shalt  }
0x52: {  	_ =	shalt  }
0x53: {  	_ =	shalt  }
0x54: {  	_ =	shalt  }
0x55: {  	_ =	shalt  }
0x56: {  	_ =	shalt  }
0x57: {  	_ =	shalt  }
0x58: {  	_ =	shalt  }
0x59: {  	_ =	shalt  }
0x5a: {  	_ =	shalt  }
0x5b: {  	_ =	shalt  }
0x5c: {  	_ =	shalt  }
0x5d: {  	_ =	shalt  }
0x5e: {  	_ =	shalt  }
0x5f: {  	_ =	shalt  }
0x60: {  	_ =	shalt  }
0x61: {  	_ =	shalt  }
0x62: {  	_ =	shalt  }
0x63: {  	_ =	shalt  }
0x64: {  	_ =	shalt  }
0x65: {  	_ =	shalt  }
0x66: {  	_ =	shalt  }
0x67: {  	_ =	shalt  }
0x68: {  	_ =	shalt  }
0x69: {  	_ =	shalt  }
0x6a: {  	_ =	shalt  }
0x6b: {  	_ =	shalt  }
0x6c: {  	_ =	shalt  }
0x6d: {  	_ =	shalt  }
0x6e: {  	_ =	shalt  }
0x6f: {  	_ =	shalt  }
0x70: {  	_ =	shalt  }
0x71: {  	_ =	shalt  }
0x72: {  	_ =	shalt  }
0x73: {  	_ =	shalt  }
0x74: {  	_ =	shalt  }
0x75: {  	_ =	shalt  }
0x76: {  	_ =	shalt  }
0x77: {  	_ =	shalt  }
0x78: {  	_ =	shalt  }
0x79: {  	_ =	shalt  }
0x7a: {  	_ =	shalt  }
0x7b: {  	_ =	shalt  }
0x7c: {  	_ =	shalt  }
0x7d: {  	_ =	shalt  }
0x7e: {  	_ =	shalt  }
0x7f: {  	_ =	shalt  }
0x80: {  	_ =	shalt  }
0x81: {  	_ =	shalt  }
0x82: {  	_ =	shalt  }
0x83: {  	_ =	shalt  }
0x84: {  	_ =	shalt  }
0x85: {  	_ =	shalt  }
0x86: {  	_ =	shalt  }
0x87: {  	_ =	shalt  }
.Lfunc_end0:
.L_simem_size_0:
called_computation.1_lowered:
.L_overlay_start_0:
0x88: {  	s2 =	sld [smem:$0x3FD9]  }
0x89: {  	s3 =	sld [smem:$0x3FFE];
	_ =	sdelay $0x1  }
0x8a: {  	s1 =	srdreg.scid  }
0x8b: {  	s0 =	sand.u32 $0x1, s1  }
0x8c: {  	s17 =	sshll.u32 s0, $0xA;
	s2 =	sadd.s32 s3, s2  }
0x8d: {  	s2 =	sadd.s32 s2, s17  }
0x8e: {  	[smem:$0x3FC0] =	sst s2  }
0x8f: {  	_ = 	snop  }
0x90: {  	s2 =	sld [smem:$0x3FD0];
	(tm) =	ssettm $0x1  }
0x91: {  	s18 =	sld [smem:$0x3FFB];
	_ =	sdelay $0x3  }
0x92: {  	_ =	strace s18  }
0x93: {  	s3 =	sld [smem:$0x3FFC];
	_ =	sdelay $0x3  }
0x94: {  	_ =	strace s3  }
0x95: {  	s3 =	sld [smem:$0x3FFD];
	_ =	sdelay $0x3  }
0x96: {  	_ =	strace s3  }
0x97: {  	_ =	strace $0x8FFFFFFF  }
0x98: {  	s19 =	sld [smem:$0x3FDB];
	_ =	sdelay $0x1  }
0x99: {  	s4 =	simm.s32 $_scs_section_size  }
0x9a: {  	s5 =	simm.s32 $_size__tile_overlayer_lowered;
	s6 =	simm.s32 $_tile_overlayer_lowered  }
0x9b: {  	s22 =	simm.s32 $0x1BFF;
	s21 =	sshll.u32 s6, $0x1;
	s3 =	sadd.s32 s4, s19  }
0x9c: {  	s7 =	simm.s32 $0x0;
	s20 =	sshll.u32 s5, $0x1;
	s5 =	sadd.s32 s21, s3  }
0x9d: {  	[timem:s7], [sflag:s22] =	dma.local [hbm:s5], s20  }
0x9e: {  	_ =	swait.ge [sflag:s22], s20  }
0x9f: {  	s4 =	ssub.s32 $0x0, s20;
	[sflag:s22] =	ssyncset.done $0x0  }
0xa0: {  	[sflag:s22] =	ssyncadd.s32 s4;
	_ =	sdelay $0x1  }
0xa1: {  	s23 =	simm.s32 $0x1B8B  }
0xa2: {  	_ =	swait.ge [sflag:s23], $0x1  }
0xa3: {  	[sflag:s23] =	ssyncset.done $0x0  }
0xa4: {  	s25 =	simm.s32 $0x1B8E;
	s24 =	sld [smem:$0x3FFE];
	[sflag:s23] =	ssyncadd.s32 $0xFFFFFFFF  }
0xa5: {  	s26 =	simm.s32 $execute0_lowered;
	[smem:$0x3FD2] =	sst s25  }
0xa6: {  	s5 =	sshll.u32 s26, $0x1;
	_ =	strace $0x80000049;
	[dreg:$0x1] =	wrdreg $0xFFFFFFFF  }
0xa7: {  	s28 =	simm.s32 $_size_execute0_lowered;
	s3 =	sadd.s32 s3, s5;
	[dreg:$0x0] =	wrdreg $0x0  }
0xa8: {  	s5 =	sshll.u32 s28, $0x1;
	[dreg:$0x2] =	wrdreg s3  }
0xa9: {  	[dreg:$0x3] =	wrdreg s5  }
0xaa: {  	[dreg:$0x4] =	wrdreg $0xC0  }
0xab: {  	_ =	task [dreg:s7], $0x5FFFF  }
0xac: {  	[dreg:$0x1] =	wrdreg $0xFFFFFFFF  }
0xad: {  	[dreg:$0x0] =	wrdreg $0x60  }
0xae: {  	[dreg:$0x2] =	wrdreg s2  }
0xaf: {  	[dreg:$0x3] =	wrdreg s24  }
0xb0: {  	[dreg:$0x4] =	wrdreg $0xC0000  }
0xb1: {  	[dreg:$0x5] =	wrdreg $0x9  }
0xb2: {  	_ =	task.clear_ibuf [dreg:s7], $0x6FFFF;
	_ =	strace $0x90000049  }
0xb3: {  	s29 =	simm.s32 $0x9;
	_ =	strace $0x8000004B  }
0xb4: {  	_ =	swait.ge [sflag:s29], $0x1  }
0xb5: {  	[sflag:s29] =	ssyncadd.s32 $0xFFFFFFFF  }
0xb6: {  	_ =	strace $0x9000004B  }
0xb7: {  	_ =	sfence  }
0xb8: {  	s30 =	sld [smem:$0x0];
	_ =	sdelay $0x2  }
0xb9: {  	s31 =	sshll.u32 s1, $0xD;
	s1 =	sshrl.u32 s1, $0x2  }
0xba: {  	s3 =	sand.u32 $0x4000, s31;
	s1 =	sadd.s32 s1, s30  }
0xbb: {  	s0 =	sor.u32 s3, s0;
	s1 =	sshll.u32 s1, $0x11  }
0xbc: {  	s0 =	sor.u32 s1, s0  }
0xbd: {  	s0 =	sadd.s32 $0x8F2B, s0  }
0xbe: {  	[sflag:s0] =	ssyncadd.remote.s32 $0x1  }
0xbf: {  	_ =	sfence.sel $0xFFFF  }
0xc0: {  	[dreg:$0x0] =	wrdreg $0xFFFFFFFF;
	(pc) =	sbr.abs _section_cstart, $3  }
0xc1: {  	[dreg:$0x1] =	wrdreg $0xFFFFFFFF  }
0xc2: {  	_ =	task.clear_ibuf [dreg:s7], $0x2FFFF;
	_ =	strace $0x9FFFFFFF  }
0xc3: {  	(tm) =	ssettm $0x7FFFFFFF  }
tec
execute0_lowered:
.L_overlay_start_1:
0x0: {  	(tag) =	ssettag $0x1  }
0x1: {  	s1 =	rddreg [dreg:$0x0]  }
0x2: {  	s0 =	rddreg [dreg:$0x1]  }
0x3: {  	s2 =	rddreg [dreg:$0x2]  }
0x4: {  	s3 =	srdreg.scid;
	s4 =	simm.s32 $0x0;
	s21 =	stileid.u32  }
0x5: {  	s20 =	simm.s32 $0x4;
	s23 =	simm.s32 $0x32;
	s24 =	simm.s32 $0x2  }
0x6: {  	s25 =	simm.s32 $0x0;
	s3 =	sand.u32 $0x1, s3;
	s11 =	smul.u32 $0x4E000, s21  }
0x7: {  	[smem:$0x7FF] =	sst s4;
	s6 =	sadd.s32 $0x3200, s0;
	s13 =	smul.u32 $0x2700, s21  }
0x8: {  	s8 =	sadd.s32 $0x35200, s0;
	s29 =	smul.u32 $0x13800, s21;
	s16 =	sadd.s32 $0x27000, s1  }
0x9: {  	s31 =	sshll.u32 s21, $0x6;
	p1 =	sne.s32 s21, $0xF;
	s5 =	sshll.u32 s3, $0x4  }
0xa: {  	_ =	strace $0x8000004A;
	s9 =	ssub.s32 $0x2, s3;
	s15 =	smul.u32 $0x138800, s3  }
0xb: {  	p0 =	seq.s32 s3, $0x1;
	[dreg:$0x5] =	wrdreg s16;
	s22 =	sor.u32 $0x1C04, s31  }
0xc: {  	s7 =	sor.u32 s21, s5;
	s5 =	sadd.s32 $0x1C200, s0;
	s0 =	sadd.s32 $0x37A00, s0  }
0xd: {  	s10 =	sshrl.u32 s9, $0x1;
	s11 =	sshrl.u32 s11, $0x2;
	s13 =	sadd.s32 s1, s13  }
0xe: {  	s21 =	simm.s32 $0x1;
	s7 =	smul.u32 $0x6400, s7;
	s14 =	ssub.s32 s9, s10  }
0xf: {  	s11 =	sadd.s32 s11, s2;
	[dreg:$0x4] =	wrdreg s13;
	s13 =	sadd.s32 $0x138000, s2  }
.Ltmp0:
0x10: {  	s3 =	sadd.s32 s29, s15;
	s30 =	sshrl.u32 s15, $0x3;
	(pc) =	sbr.rel .LBB2_1-.Ltmp0, $4  }
0x11: {  	s3 =	sshrl.u32 s3, $0x3;
	s18 =	sadd.s32 s0, s30;
	s19 =	smax.u32 s14, $0x1  }
0x12: {  	s12 =	sshrl.u32 s7, $0x3;
	s17 =	sadd.s32 s0, s3;
	s18 =	sadd.s32 $0x27000, s18  }
0x13: {  	s9 =	sadd.s32 s5, s12;
	s10 =	sadd.s32 s6, s12;
	s12 =	sadd.s32 $0x80, s12  }
0x14: {  	s15 =	sadd.s32 s5, s12;
	s16 =	sadd.s32 s6, s12;
	s12 =	simm.s32 $0x1000  }
.LBB2_13:
0x15: {  	_ =	swait.ge [sflag:s24], $0x1900  }
0x16: {  	[sflag:s24] =	ssyncset.done $0x0  }
0x17: {  	[sflag:s24] =	ssyncadd.s32 $0xFFFFE700  }
0x18: {  	[bflag:$0x0] =	sbarrier.arrive $0xFFFF  }
0x19: {  	[hbm:s17], [sflag:s22] =	dma.local [spmem:s26], $0x2700  }
0x1a: {  	_ =	swait.ge [sflag:s20], $0x2700  }
0x1b: {  	s25 =	sadd.s32 $0x1, s25;
	[sflag:s20] =	ssyncset.done $0x0  }
0x1c: {  	s0 =	sshrl.u32 @!p1 s13, $0x3;
	p2 =	sne.s32 s25, s19;
	[sflag:s20] =	ssyncadd.s32 $0xFFFFD900  }
0x1d: {  	[hbm:s18], [sflag:s22] =	dma.local @!p1 [spmem:s0], $0x100  }
.Ltmp1:
0x1e: {  	_ = 	snop;
	(pc) =	sbr.rel @!p2 .LBB2_14-.Ltmp1, $4  }
0x1f: {  	s0 =	simm.s32 @!p1 $0x4  }
0x20: {  	_ =	swait.ge @!p1 [sflag:s0], $0x100  }
0x21: {  	[sflag:s0] =	ssyncset.done @!p1 $0x0  }
0x22: {  	[sflag:s0] =	ssyncadd.s32 @!p1 $0xFFFFFF00  }
.LBB2_1:
0x23: {  	[tilespmem:s4], [sflag:$0x4] =	stream.linear.gather [hbm4b:s9+s4], $0x400, $0x38;
	[tilespmem:$0x1F880] =	vst v63  }
0x24: {  	_ =	swait.ge [sflag:s20], $0x400  }
0x25: {  	[sflag:s20] =	ssyncset.done $0x0  }
.Ltmp2:
0x26: {  	s0 =	simm.s32 $0xC00;
	[sflag:s20] =	ssyncadd.s32 $0xFFFFFC00;
	(pc) =	sbr.rel @!p0 .LBB2_2-.Ltmp2, $4  }
0x27: {  	[tilespmem:s0], [sflag:$0x4] =	stream.linear.gather [hbm4b:s10+s4], $0x400, $0x38;
	[tilespmem:$0x1F880] =	vst v63  }
0x28: {  	_ =	swait.ge [sflag:s20], $0x400  }
0x29: {  	[sflag:s20] =	ssyncset.done $0x0  }
0x2a: {  	s26 =	sshrl.u32 s11, $0x3;
	[sflag:s20] =	ssyncadd.s32 $0xFFFFFC00  }
.Ltmp3:
0x2b: {  	(pc) =	sbr.rel @p1 .LBB2_7-.Ltmp3, $4  }
0x2c: {  	[spmem:s26], [sflag:s22] =	dma.local [hbm:s8], $0x2700  }
0x2d: {  	_ =	swait.ge [sflag:s20], $0x2700  }
0x2e: {  	[sflag:s20] =	ssyncset.done $0x0  }
0x2f: {  	[sflag:s20] =	ssyncadd.s32 $0xFFFFD900  }
.Ltmp4:
0x30: {  	(pc) =	sbr.rel .LBB2_6-.Ltmp4, $3  }
0x31: {  	_ =	sdelay $0x1  }
0x32: {  	s28 =	sshrl.u32 s13, $0x3  }
0x33: {  	[spmem:s28], [sflag:s22] =	dma.local [hbm:s8], $0x100  }
.LBB2_2:
.Ltmp5:
0x34: {  	s0 =	rddreg [dreg:$0x4];
	(pc) =	sbr.rel @p1 .LBB2_7-.Ltmp5, $4  }
0x35: {  	[spmem:s26], [sflag:s22] =	dma.local [hbm:s0], $0x2700  }
0x36: {  	_ =	swait.ge [sflag:s20], $0x2700  }
0x37: {  	[sflag:s20] =	ssyncset.done $0x0  }
0x38: {  	[sflag:s20] =	ssyncadd.s32 $0xFFFFD900  }
0x39: {  	s28 =	sshrl.u32 s13, $0x3;
	s0 =	rddreg [dreg:$0x5]  }
0x3a: {  	[spmem:s28], [sflag:s22] =	dma.local [hbm:s0], $0x100  }
.LBB2_6:
0x3b: {  	_ =	swait.ge [sflag:s20], $0x100  }
0x3c: {  	[sflag:s20] =	ssyncset.done $0x0  }
0x3d: {  	[sflag:s20] =	ssyncadd.s32 $0xFFFFFF00  }
.LBB2_7:
0x3e: {  	s28 =	simm.s32 $0x0;
	s0 =	simm.s32 $0x1800  }
0x3f: {  	[tilespmem:s0], [sflag:$0x1] =	stream.indirect.gather [hbm4b:s1+s23], $0x80, s28, s23, $0xb8;
	[tilespmem:$0x1F880] =	vst v63  }
0x40: {  	s29 =	simm.s32 $0x80;
	s3 =	simm.s32 $0x3400  }
0x41: {  	[tilespmem:s3], [sflag:$0x1] =	stream.indirect.gather [hbm4b:s1+s23], $0x80, s29, s23, $0xb8;
	[tilespmem:$0x1F880] =	vst v63  }
0x42: {  	s30 =	simm.s32 $0x100;
	s31 =	simm.s32 $0x5000  }
0x43: {  	[tilespmem:s31], [sflag:$0x1] =	stream.indirect.gather [hbm4b:s1+s23], $0x80, s30, s23, $0xb8;
	[tilespmem:$0x1F880] =	vst v63  }
0x44: {  	s14 =	simm.s32 $0x6C00;
	s3 =	simm.s32 $0x180  }
0x45: {  	[tilespmem:s14], [sflag:$0x1] =	stream.indirect.gather [hbm4b:s1+s23], $0x80, s3, s23, $0xb8;
	[tilespmem:$0x1F880] =	vst v63  }
0x46: {  	s29 =	simm.s32 $0x200;
	s30 =	simm.s32 $0x8800  }
0x47: {  	[tilespmem:s30], [sflag:$0x1] =	stream.indirect.gather [hbm4b:s1+s23], $0x80, s29, s23, $0xb8;
	[tilespmem:$0x1F880] =	vst v63  }
0x48: {  	s31 =	simm.s32 $0x400  }
0x49: {  	[tilespmem:s31], [sflag:$0x3] =	stream.linear.gather [hbm4b:s15+s28], $0x400, $0x38;
	[tilespmem:$0x1F880] =	vst v63  }
.Ltmp6:
0x4a: {  	_ = 	snop;
	(pc) =	sbr.rel .LBB2_8-.Ltmp6, $3  }
0x4b: {  	_ = 	snop  }
0x4c: {  	[tilespmem:s12], [sflag:$0x3] =	stream.linear.gather [hbm4b:s16+s28], $0x400, $0x38;
	[tilespmem:$0x1F880] =	vst v63  }
0x4d: {  	[bflag:$0x0] =	sbarrier.arrive $0xFFFF;
	_ =	sdelay $0x1  }
.LBB2_9:
0x4e: {  	s0 =	sadd.s32 $0x2, s29  }
0x4f: {  	s3 =	smul.u32 $0xAB, s0;
	_ =	sdelay $0x1  }
0x50: {  	s3 =	sshrl.u32 s3, $0x9  }
0x51: {  	s3 =	sand.u32 $0x7F, s3  }
0x52: {  	s3 =	smul.u32 $0x3, s3  }
0x53: {  	s14 =	sshll.u32 s0, $0xA  }
0x54: {  	s14 =	sadd.s32 s7, s14;
	s0 =	ssub.s32 s0, s3  }
0x55: {  	s31 =	sshrl.u32 s14, $0x3;
	s0 =	sand.u32 $0xFF, s0  }
0x56: {  	s14 =	sadd.s32 s5, s31;
	s0 =	sshll.u32 s0, $0xA  }
0x57: {  	[tilespmem:s0], [sflag:$0x3] =	stream.linear.gather [hbm4b:s14+s4], $0x400, $0x38;
	[tilespmem:$0x1F880] =	vst v63  }
0x58: {  	s3 =	sadd.s32 s6, s31;
	s0 =	sadd.s32 $0xC00, s0  }
0x59: {  	[tilespmem:s0], [sflag:$0x3] =	stream.linear.gather [hbm4b:s3+s4], $0x400, $0x38;
	[tilespmem:$0x1F880] =	vst v63  }
.LBB2_11:
0x5a: {  	s0 =	sadd.s32 $0x5, s28  }
0x5b: {  	s3 =	smul.u32 $0xAB, s0  }
0x5c: {  	p2 =	slt.u32 s28, $0x3;
	s14 =	sshrl.u32 s0, $0x3  }
0x5d: {  	s29 =	sand.u32 $0x7, s0;
	s30 =	smul.u32 $0xAB, s14;
	s3 =	sshrl.u32 s3, $0xA  }
0x5e: {  	p3 =	sne.s32 @!p2 s29, $0x0;
	s3 =	sand.u32 $0x3F, s3  }
0x5f: {  	p2 =	por p3, p2;
	s30 =	sshrl.u32 s30, $0x9;
	s3 =	smul.u32 $0x6, s3  }
0x60: {  	s31 =	simm.s32 @!p2 $0x3;
	s30 =	sand.u32 $0x7F, s30  }
0x61: {  	_ =	swait.ge @!p2 [sflag:s31], $0x400;
	s30 =	smul.u32 $0x3, s30;
	s0 =	ssub.s32 s0, s3  }
0x62: {  	[sflag:s31] =	ssyncset.done @!p2 $0x0;
	s0 =	sand.u32 $0xFF, s0  }
0x63: {  	[sflag:s31] =	ssyncadd.s32 @!p2 $0xFFFFFC00;
	s3 =	ssub.s32 s14, s30;
	s0 =	smul.u32 $0x7000, s0  }
0x64: {  	_ =	swait.ge @!p2 [sflag:s31], $0x400;
	s30 =	sshll.u32 s29, $0x7;
	s3 =	sand.u32 $0xFF, s3  }
0x65: {  	[sflag:s31] =	ssyncset.done @!p2 $0x0;
	s3 =	sshll.u32 s3, $0xA;
	s0 =	sshrl.u32 s0, $0x2  }
0x66: {  	[sflag:s31] =	ssyncadd.s32 @!p2 $0xFFFFFC00;
	s3 =	sor.u32 s30, s3;
	s0 =	sadd.s32 $0x1800, s0  }
0x67: {  	[tilespmem:s0], [sflag:$0x1] =	stream.indirect.gather [hbm4b:s1+s23], $0x80, s3, s23, $0xb8;
	[tilespmem:$0x1F880] =	vst v63  }
.LBB2_12:
0x68: {  	s28 =	sadd.s32 $0x1, s28  }
0x69: {  	p2 =	sne.s32 s28, $0xC8  }
.Ltmp7:
0x6a: {  	_ = 	snop;
	(pc) =	sbr.rel @!p2 .LBB2_13-.Ltmp7, $1  }
0x6b: {  	_ =	sdelay $0x3  }
.LBB2_8:
0x6c: {  	s29 =	sshrl.u32 s28, $0x3;
	s31 =	smul.u32 $0xAB, s28  }
0x6d: {  	_ =	swait.ge [sflag:s21], $0x1900;
	p2 =	seq.s32 s28, $0x0;
	s30 =	smul.u32 $0xAB, s29  }
0x6e: {  	[sflag:s21] =	ssyncset.done $0x0;
	s3 =	simm.s32 @!p2 $0x2;
	s31 =	sshrl.u32 s31, $0xA  }
0x6f: {  	[sflag:s21] =	ssyncadd.s32 $0xFFFFE700;
	s30 =	sshrl.u32 s30, $0x9;
	s31 =	sand.u32 $0x3F, s31  }
0x70: {  	_ =	swait.ge @!p2 [sflag:s3], $0x1900;
	s30 =	sand.u32 $0x7F, s30;
	s31 =	smul.u32 $0x6, s31  }
0x71: {  	s0 =	sand.u32 $0x7, s28;
	[sflag:s3] =	ssyncset.done @!p2 $0x0;
	s30 =	smul.u32 $0x3, s30  }
0x72: {  	[sflag:s3] =	ssyncadd.s32 @!p2 $0xFFFFE700;
	p2 =	sgt.u32 s28, $0xB7;
	s31 =	ssub.s32 s28, s31  }
0x73: {  	p3 =	sne.s32 @!p2 s0, $0x1;
	s31 =	sand.u32 $0xFF, s31  }
0x74: {  	s30 =	ssub.s32 s29, s30;
	p2 =	por p2, p3;
	s31 =	smul.u32 $0x7000, s31  }
.Ltmp8:
0x75: {  	s30 =	sand.u32 $0xFF, s30;
	(pc) =	sbr.rel @!p2 .LBB2_9-.Ltmp8, $4  }
0x76: {  	s14 =	sshll.u32 s0, $0x7;
	s30 =	sshll.u32 s30, $0xA  }
0x77: {  	s14 =	sor.u32 s14, s30;
	s31 =	sshrl.u32 s31, $0x2  }
0x78: {  	s30 =	sadd.s32 $0x1800, s31;
	s31 =	sadd.s32 $0xC00, s14  }
0x79: {  	[spmem:s2] =	stream.indirect.scatter.add.f32 [tilespmem:s30], [sflag:$0x2], $0x80, s31, s23, $0xb8;
	[tilespmem:$0x1F880] =	vst v63  }
0x7a: {  	p2 =	sgt.u32 s28, $0xC2  }
.Ltmp9:
0x7b: {  	_ = 	snop;
	(pc) =	sbr.rel @p2 .LBB2_12-.Ltmp9, $4  }
.Ltmp10:
0x7c: {  	_ = 	snop;
	(pc) =	sbr.rel @!p2 .LBB2_11-.Ltmp10, $4  }
0x7d: {  	_ = 	snop  }
0x7e: {  	_ = 	snop  }
0x7f: {  	_ = 	snop  }
0x80: {  	_ = 	snop  }
.LBB2_14:
0x81: {  	_ =	sfence.sel $0x180000  }
0x82: {  	[bflag:$0x0] =	sbarrier.arrive $0xFFFF  }
0x83: {  	_ =	strace $0x9000004A  }
0x84: {  	s0 =	stileid.u32;
	[bflag:$0x2] =	sbarrier.arrive $0xFFFF  }
0x85: {  	p0 =	sne.s32 s0, $0x0;
	s0 =	rddreg [dreg:$0x3]  }
0x86: {  	s0 =	sadd.s32 @!p0 $0x100000, s0  }
0x87: {  	[sflag:s0] =	ssyncadd.tile.s32 @!p0 $0x1;
	_ =	shalt  }
.Lfunc_end2:
_tile_overlayer_lowered:
.L_overlay_start_2:
0x88: {  	(tag) =	ssettag $0x2  }
0x89: {  	s0 =	rddreg [dreg:$0x0];
	s2 =	stileid.u32  }
0x8a: {  	s1 =	rddreg [dreg:$0x1];
	p0 =	sne.s32 s2, $0x0  }
0x8b: {  	s3 =	rddreg [dreg:$0x2];
	[bflag:$0x3] =	sbarrier.arrive $0xFFFF;
	s2 =	simm.s32 @!p0 $0x1C04  }
0x8c: {  	[timem:s3], [sflag:s2] =	dma.local @!p0 [hbm:s0], s1  }
0x8d: {  	s0 =	simm.s32 @!p0 $0x4  }
0x8e: {  	_ =	swait.ge @!p0 [sflag:s0], s1  }
0x8f: {  	s1 =	ssub.s32 @!p0 $0x0, s1;
	[sflag:s0] =	ssyncset.done @!p0 $0x0  }
0x90: {  	[sflag:s0] =	ssyncadd.s32 @!p0 s1  }
0x91: {  	[bflag:$0x3] =	sbarrier.arrive $0xFFFF  }
0x92: {  	_ =	shalt  }

// kernel: kernel.14.cloned.1.call-start
scs
__scs_entry_jumppad:
0x0: {  	(pc) =	sbr.rel $0x88, $3  }
0x1: {  	(tag) =	ssettag $0x0;
	lr =	simm.s32 $0x1  }
0x2: {  	[smem:$0x3F99] =	sst lr;
	_ =	strace $0xD0000000  }
0x3: {  	_ = 	snop  }
0x4: {  	_ = 	snop  }
0x5: {  	_ = 	snop  }
0x6: {  	_ = 	snop  }
0x7: {  	_ = 	snop  }
__scs_overlays_trampoline_lowered:
0x8: {  	[smem:$0x3FA8] =	sst s0  }
0x9: {  	[smem:$0x3FA9] =	sst s1  }
0xa: {  	[smem:$0x3FAA] =	sst s2  }
0xb: {  	[smem:$0x3FAB] =	sst s3  }
0xc: {  	[smem:$0x3FAC] =	sst s4  }
0xd: {  	[smem:$0x3FAD] =	sst s5  }
0xe: {  	[smem:$0x3FAE] =	sst s6  }
0xf: {  	[smem:$0x3FAF] =	sst s7  }
0x10: {  	[smem:$0x3FB0] =	sst s8  }
0x11: {  	[smem:$0x3FB1] =	sst s9;
	s0 =	simm.s32 @!p0 $0x0  }
0x12: {  	s1 =	sld [smem:$0x3F97];
	s0 =	simm.s32 @p0 $0x1  }
0x13: {  	[smem:$0x3FB2] =	sst s0;
	s0 =	simm.s32 @!p1 $0x0  }
0x14: {  	s2 =	sld [smem:$0x3F96];
	s0 =	simm.s32 @p1 $0x1  }
0x15: {  	[smem:$0x3FB3] =	sst s0;
	s0 =	simm.s32 @!p2 $0x0  }
0x16: {  	s3 =	sld [smem:$0x3FDB];
	s0 =	simm.s32 @p2 $0x1  }
0x17: {  	s4 =	simm.s32 $0x1BF5;
	[smem:$0x3FB5] =	sst s0  }
0x18: {  	s0 =	sld [smem:$0x3F98];
	_ =	swait.ge [sflag:s4], $0x0  }
0x19: {  	s7 =	sld [smem:$0x3F99]  }
0x1a: {  	s8 =	sadd.s32 $0xFFFFE003, lr  }
0x1b: {  	s9 =	sadd.s32 $0xFFFFFEF7, lr;
	s5 =	simm.s32 $0xFFFFFFFF;
	p2 =	slt.u32 s8, $0xFFFFF086  }
0x1c: {  	p1 =	slt.u32 s9, $0xF7A;
	s5 =	simm.s32 @!p2 $0x0  }
0x1d: {  	s5 =	simm.s32 @p1 $0x1;
	p0 =	seq.s32 s7, s2  }
0x1e: {  	s7 =	smul.u32 @!p0 $0xF7A, s2;
	p2 =	seq.s32 @!p0 s5, $0x0  }
0x1f: {  	s9 =	smul.u32 $0xF7A, s1;
	s8 =	simm.s32 @!p0 $0x1BF5;
	p2 =	por !p2, p0  }
0x20: {  	[sflag:s8] =	ssyncset.s32 @!p0 $0xFFFFF086;
	s6 =	sadd.s32 @!p0 s3, s7;
	s7 =	simm.s32 @!p0 $0x108  }
0x21: {  	s3 =	sadd.s32 s3, s9;
	s6 =	sadd.s32 @!p0 $0x88, s6;
	s7 =	simm.s32 @p2 $0x1082  }
0x22: {  	[simem:s7], [sflag:s8] =	dma.local @!p0 [hbm:s6], $0xF7A  }
0x23: {  	s9 =	sor.u32 $0xD0000000, s2;
	s6 =	simm.s32 $0x108;
	_ =	swait.ge @!p0 [sflag:s8], $0x0  }
0x24: {  	s3 =	sadd.s32 $0x88, s3;
	s6 =	simm.s32 @!p1 $0x1082;
	[sflag:s4] =	ssyncset.s32 $0xFFFFF086  }
0x25: {  	[simem:s6], [sflag:s4] =	dma.local [hbm:s3], $0xF7A  }
0x26: {  	[smem:$0x3F99] =	sst s1;
	(tag) =	ssettag s2;
	_ =	strace s9  }
0x27: {  	s1 =	sld [smem:$0x3FA9]  }
0x28: {  	s2 =	sld [smem:$0x3FAA]  }
0x29: {  	s4 =	sld [smem:$0x3FAC]  }
0x2a: {  	p0 =	seq.s32 s5, $0x0;
	s5 =	sld [smem:$0x3FAD]  }
0x2b: {  	s6 =	sld [smem:$0x3FAE]  }
0x2c: {  	s7 =	sld [smem:$0x3FAF]  }
0x2d: {  	s3 =	simm.s32 $0x108;
	s8 =	sld [smem:$0x3FB0]  }
0x2e: {  	s3 =	simm.s32 @!p0 $0x1082;
	s9 =	sld [smem:$0x3FB1]  }
0x2f: {  	lr =	sadd.s32 s0, s3;
	s0 =	sld [smem:$0x3FA8]  }
0x30: {  	s3 =	sld [smem:$0x3FAB]  }
0x31: {  	[smem:$0x3FB4] =	sst s10  }
0x32: {  	s10 =	sld [smem:$0x3FB2];
	_ =	sdelay $0x3  }
0x33: {  	p0 =	seq.s32 s10, $0x1;
	s10 =	sld [smem:$0x3FB4];
	_ =	sdelay $0x3  }
0x34: {  	[smem:$0x3FB4] =	sst s10  }
0x35: {  	s10 =	sld [smem:$0x3FB3];
	_ =	sdelay $0x3  }
0x36: {  	p1 =	seq.s32 s10, $0x1;
	s10 =	sld [smem:$0x3FB4];
	_ =	sdelay $0x3  }
0x37: {  	[smem:$0x3FB4] =	sst s10  }
0x38: {  	s10 =	sld [smem:$0x3FB5]  }
0x39: {  	_ = 	snop;
	(pc) =	sbr.ind lr, $3  }
0x3a: {  	_ = 	snop  }
0x3b: {  	_ = 	snop  }
0x3c: {  	p2 =	seq.s32 s10, $0x1;
	s10 =	sld [smem:$0x3FB4]  }
0x3d: {  	_ =	shalt  }
0x3e: {  	_ =	shalt  }
0x3f: {  	_ =	shalt  }
0x40: {  	_ =	shalt  }
0x41: {  	_ =	shalt  }
0x42: {  	_ =	shalt  }
0x43: {  	_ =	shalt  }
0x44: {  	_ =	shalt  }
0x45: {  	_ =	shalt  }
0x46: {  	_ =	shalt  }
0x47: {  	_ =	shalt  }
0x48: {  	_ =	shalt  }
0x49: {  	_ =	shalt  }
0x4a: {  	_ =	shalt  }
0x4b: {  	_ =	shalt  }
0x4c: {  	_ =	shalt  }
0x4d: {  	_ =	shalt  }
0x4e: {  	_ =	shalt  }
0x4f: {  	_ =	shalt  }
0x50: {  	_ =	shalt  }
0x51: {  	_ =	shalt  }
0x52: {  	_ =	shalt  }
0x53: {  	_ =	shalt  }
0x54: {  	_ =	shalt  }
0x55: {  	_ =	shalt  }
0x56: {  	_ =	shalt  }
0x57: {  	_ =	shalt  }
0x58: {  	_ =	shalt  }
0x59: {  	_ =	shalt  }
0x5a: {  	_ =	shalt  }
0x5b: {  	_ =	shalt  }
0x5c: {  	_ =	shalt  }
0x5d: {  	_ =	shalt  }
0x5e: {  	_ =	shalt  }
0x5f: {  	_ =	shalt  }
0x60: {  	_ =	shalt  }
0x61: {  	_ =	shalt  }
0x62: {  	_ =	shalt  }
0x63: {  	_ =	shalt  }
0x64: {  	_ =	shalt  }
0x65: {  	_ =	shalt  }
0x66: {  	_ =	shalt  }
0x67: {  	_ =	shalt  }
0x68: {  	_ =	shalt  }
0x69: {  	_ =	shalt  }
0x6a: {  	_ =	shalt  }
0x6b: {  	_ =	shalt  }
0x6c: {  	_ =	shalt  }
0x6d: {  	_ =	shalt  }
0x6e: {  	_ =	shalt  }
0x6f: {  	_ =	shalt  }
0x70: {  	_ =	shalt  }
0x71: {  	_ =	shalt  }
0x72: {  	_ =	shalt  }
0x73: {  	_ =	shalt  }
0x74: {  	_ =	shalt  }
0x75: {  	_ =	shalt  }
0x76: {  	_ =	shalt  }
0x77: {  	_ =	shalt  }
0x78: {  	_ =	shalt  }
0x79: {  	_ =	shalt  }
0x7a: {  	_ =	shalt  }
0x7b: {  	_ =	shalt  }
0x7c: {  	_ =	shalt  }
0x7d: {  	_ =	shalt  }
0x7e: {  	_ =	shalt  }
0x7f: {  	_ =	shalt  }
0x80: {  	_ =	shalt  }
0x81: {  	_ =	shalt  }
0x82: {  	_ =	shalt  }
0x83: {  	_ =	shalt  }
0x84: {  	_ =	shalt  }
0x85: {  	_ =	shalt  }
0x86: {  	_ =	shalt  }
0x87: {  	_ =	shalt  }
.Lfunc_end0:
.L_simem_size_0:
called_computation.2_lowered:
.L_overlay_start_0:
0x88: {  	s2 =	sld [smem:$0x3FD9]  }
0x89: {  	s3 =	sld [smem:$0x3FFE];
	_ =	sdelay $0x1  }
0x8a: {  	s1 =	srdreg.scid  }
0x8b: {  	s0 =	sand.u32 $0x1, s1  }
0x8c: {  	s17 =	sshll.u32 s0, $0xA;
	s2 =	sadd.s32 s3, s2  }
0x8d: {  	s2 =	sadd.s32 s2, s17  }
0x8e: {  	[smem:$0x3FC0] =	sst s2  }
0x8f: {  	_ = 	snop  }
0x90: {  	s2 =	sld [smem:$0x3FD0];
	(tm) =	ssettm $0x1  }
0x91: {  	s18 =	sld [smem:$0x3FFB];
	_ =	sdelay $0x3  }
0x92: {  	_ =	strace s18  }
0x93: {  	s3 =	sld [smem:$0x3FFC];
	_ =	sdelay $0x3  }
0x94: {  	_ =	strace s3  }
0x95: {  	s3 =	sld [smem:$0x3FFD];
	_ =	sdelay $0x3  }
0x96: {  	_ =	strace s3  }
0x97: {  	_ =	strace $0x8FFFFFFF  }
0x98: {  	s19 =	sld [smem:$0x3FDB];
	_ =	sdelay $0x1  }
0x99: {  	s4 =	simm.s32 $_scs_section_size  }
0x9a: {  	s5 =	simm.s32 $_size__tile_overlayer_lowered;
	s6 =	simm.s32 $_tile_overlayer_lowered  }
0x9b: {  	s22 =	simm.s32 $0x1BFF;
	s21 =	sshll.u32 s6, $0x1;
	s3 =	sadd.s32 s4, s19  }
0x9c: {  	s7 =	simm.s32 $0x0;
	s20 =	sshll.u32 s5, $0x1;
	s5 =	sadd.s32 s21, s3  }
0x9d: {  	[timem:s7], [sflag:s22] =	dma.local [hbm:s5], s20  }
0x9e: {  	_ =	swait.ge [sflag:s22], s20  }
0x9f: {  	s4 =	ssub.s32 $0x0, s20;
	[sflag:s22] =	ssyncset.done $0x0  }
0xa0: {  	[sflag:s22] =	ssyncadd.s32 s4;
	_ =	sdelay $0x1  }
0xa1: {  	s23 =	simm.s32 $0x1B8B  }
0xa2: {  	_ =	swait.ge [sflag:s23], $0x1  }
0xa3: {  	[sflag:s23] =	ssyncset.done $0x0  }
0xa4: {  	s25 =	simm.s32 $0x1B8E;
	s24 =	sld [smem:$0x3FFE];
	[sflag:s23] =	ssyncadd.s32 $0xFFFFFFFF  }
0xa5: {  	s26 =	simm.s32 $execute0_lowered;
	[smem:$0x3FD2] =	sst s25  }
0xa6: {  	s5 =	sshll.u32 s26, $0x1;
	_ =	strace $0x8000004C;
	[dreg:$0x1] =	wrdreg $0xFFFFFFFF  }
0xa7: {  	s28 =	simm.s32 $_size_execute0_lowered;
	s3 =	sadd.s32 s3, s5;
	[dreg:$0x0] =	wrdreg $0x0  }
0xa8: {  	s5 =	sshll.u32 s28, $0x1;
	[dreg:$0x2] =	wrdreg s3  }
0xa9: {  	[dreg:$0x3] =	wrdreg s5  }
0xaa: {  	[dreg:$0x4] =	wrdreg $0xC0  }
0xab: {  	_ =	task [dreg:s7], $0x5FFFF  }
0xac: {  	[dreg:$0x1] =	wrdreg $0xFFFFFFFF  }
0xad: {  	[dreg:$0x0] =	wrdreg $0x60  }
0xae: {  	[dreg:$0x2] =	wrdreg s2  }
0xaf: {  	[dreg:$0x3] =	wrdreg s24  }
0xb0: {  	[dreg:$0x4] =	wrdreg $0xC0000  }
0xb1: {  	[dreg:$0x5] =	wrdreg $0x9  }
0xb2: {  	_ =	task.clear_ibuf [dreg:s7], $0x6FFFF;
	_ =	strace $0x9000004C  }
0xb3: {  	s29 =	simm.s32 $0x9;
	_ =	strace $0x8000004E  }
0xb4: {  	_ =	swait.ge [sflag:s29], $0x1  }
0xb5: {  	[sflag:s29] =	ssyncadd.s32 $0xFFFFFFFF  }
0xb6: {  	_ =	strace $0x9000004E  }
0xb7: {  	_ =	sfence  }
0xb8: {  	s30 =	sld [smem:$0x0];
	_ =	sdelay $0x2  }
0xb9: {  	s31 =	sshll.u32 s1, $0xD;
	s1 =	sshrl.u32 s1, $0x2  }
0xba: {  	s3 =	sand.u32 $0x4000, s31;
	s1 =	sadd.s32 s1, s30  }
0xbb: {  	s0 =	sor.u32 s3, s0;
	s1 =	sshll.u32 s1, $0x11  }
0xbc: {  	s0 =	sor.u32 s1, s0  }
0xbd: {  	s0 =	sadd.s32 $0x8F2B, s0  }
0xbe: {  	[sflag:s0] =	ssyncadd.remote.s32 $0x1  }
0xbf: {  	_ =	sfence.sel $0xFFFF  }
0xc0: {  	[dreg:$0x0] =	wrdreg $0xFFFFFFFF;
	(pc) =	sbr.abs _section_cstart, $3  }
0xc1: {  	[dreg:$0x1] =	wrdreg $0xFFFFFFFF  }
0xc2: {  	_ =	task.clear_ibuf [dreg:s7], $0x2FFFF;
	_ =	strace $0x9FFFFFFF  }
0xc3: {  	(tm) =	ssettm $0x7FFFFFFF  }
tec
execute0_lowered:
.L_overlay_start_1:
0x0: {  	(tag) =	ssettag $0x1  }
0x1: {  	s1 =	rddreg [dreg:$0x0]  }
0x2: {  	s0 =	rddreg [dreg:$0x1]  }
0x3: {  	s2 =	rddreg [dreg:$0x2]  }
0x4: {  	s3 =	srdreg.scid;
	s4 =	simm.s32 $0x0;
	s21 =	stileid.u32  }
0x5: {  	s20 =	simm.s32 $0x4;
	s23 =	simm.s32 $0x32;
	s24 =	simm.s32 $0x2  }
0x6: {  	s25 =	simm.s32 $0x0;
	s3 =	sand.u32 $0x1, s3;
	s11 =	smul.u32 $0x4E000, s21  }
0x7: {  	[smem:$0x7FF] =	sst s4;
	s6 =	sadd.s32 $0x3200, s0;
	s13 =	smul.u32 $0x2700, s21  }
0x8: {  	s8 =	sadd.s32 $0x35200, s0;
	s29 =	smul.u32 $0x13800, s21;
	s16 =	sadd.s32 $0x27000, s1  }
0x9: {  	s31 =	sshll.u32 s21, $0x6;
	p1 =	sne.s32 s21, $0xF;
	s5 =	sshll.u32 s3, $0x4  }
0xa: {  	_ =	strace $0x8000004D;
	s9 =	ssub.s32 $0x2, s3;
	s15 =	smul.u32 $0x138800, s3  }
0xb: {  	p0 =	seq.s32 s3, $0x1;
	[dreg:$0x5] =	wrdreg s16;
	s22 =	sor.u32 $0x1C04, s31  }
0xc: {  	s7 =	sor.u32 s21, s5;
	s5 =	sadd.s32 $0x1C200, s0;
	s0 =	sadd.s32 $0x37A00, s0  }
0xd: {  	s10 =	sshrl.u32 s9, $0x1;
	s11 =	sshrl.u32 s11, $0x2;
	s13 =	sadd.s32 s1, s13  }
0xe: {  	s21 =	simm.s32 $0x1;
	s7 =	smul.u32 $0x6400, s7;
	s14 =	ssub.s32 s9, s10  }
0xf: {  	s11 =	sadd.s32 s11, s2;
	[dreg:$0x4] =	wrdreg s13;
	s13 =	sadd.s32 $0x138000, s2  }
.Ltmp0:
0x10: {  	s3 =	sadd.s32 s29, s15;
	s30 =	sshrl.u32 s15, $0x3;
	(pc) =	sbr.rel .LBB2_1-.Ltmp0, $4  }
0x11: {  	s3 =	sshrl.u32 s3, $0x3;
	s18 =	sadd.s32 s0, s30;
	s19 =	smax.u32 s14, $0x1  }
0x12: {  	s12 =	sshrl.u32 s7, $0x3;
	s17 =	sadd.s32 s0, s3;
	s18 =	sadd.s32 $0x27000, s18  }
0x13: {  	s9 =	sadd.s32 s5, s12;
	s10 =	sadd.s32 s6, s12;
	s12 =	sadd.s32 $0x80, s12  }
0x14: {  	s15 =	sadd.s32 s5, s12;
	s16 =	sadd.s32 s6, s12;
	s12 =	simm.s32 $0x1000  }
.LBB2_13:
0x15: {  	_ =	swait.ge [sflag:s24], $0x1900  }
0x16: {  	[sflag:s24] =	ssyncset.done $0x0  }
0x17: {  	[sflag:s24] =	ssyncadd.s32 $0xFFFFE700  }
0x18: {  	[bflag:$0x0] =	sbarrier.arrive $0xFFFF  }
0x19: {  	[hbm:s17], [sflag:s22] =	dma.local [spmem:s26], $0x2700  }
0x1a: {  	_ =	swait.ge [sflag:s20], $0x2700  }
0x1b: {  	s25 =	sadd.s32 $0x1, s25;
	[sflag:s20] =	ssyncset.done $0x0  }
0x1c: {  	s0 =	sshrl.u32 @!p1 s13, $0x3;
	p2 =	sne.s32 s25, s19;
	[sflag:s20] =	ssyncadd.s32 $0xFFFFD900  }
0x1d: {  	[hbm:s18], [sflag:s22] =	dma.local @!p1 [spmem:s0], $0x100  }
.Ltmp1:
0x1e: {  	_ = 	snop;
	(pc) =	sbr.rel @!p2 .LBB2_14-.Ltmp1, $4  }
0x1f: {  	s0 =	simm.s32 @!p1 $0x4  }
0x20: {  	_ =	swait.ge @!p1 [sflag:s0], $0x100  }
0x21: {  	[sflag:s0] =	ssyncset.done @!p1 $0x0  }
0x22: {  	[sflag:s0] =	ssyncadd.s32 @!p1 $0xFFFFFF00  }
.LBB2_1:
0x23: {  	[tilespmem:s4], [sflag:$0x4] =	stream.linear.gather [hbm4b:s9+s4], $0x400, $0x38;
	[tilespmem:$0x1F880] =	vst v63  }
0x24: {  	_ =	swait.ge [sflag:s20], $0x400  }
0x25: {  	[sflag:s20] =	ssyncset.done $0x0  }
.Ltmp2:
0x26: {  	s0 =	simm.s32 $0xC00;
	[sflag:s20] =	ssyncadd.s32 $0xFFFFFC00;
	(pc) =	sbr.rel @!p0 .LBB2_2-.Ltmp2, $4  }
0x27: {  	[tilespmem:s0], [sflag:$0x4] =	stream.linear.gather [hbm4b:s10+s4], $0x400, $0x38;
	[tilespmem:$0x1F880] =	vst v63  }
0x28: {  	_ =	swait.ge [sflag:s20], $0x400  }
0x29: {  	[sflag:s20] =	ssyncset.done $0x0  }
0x2a: {  	s26 =	sshrl.u32 s11, $0x3;
	[sflag:s20] =	ssyncadd.s32 $0xFFFFFC00  }
.Ltmp3:
0x2b: {  	(pc) =	sbr.rel @p1 .LBB2_7-.Ltmp3, $4  }
0x2c: {  	[spmem:s26], [sflag:s22] =	dma.local [hbm:s8], $0x2700  }
0x2d: {  	_ =	swait.ge [sflag:s20], $0x2700  }
0x2e: {  	[sflag:s20] =	ssyncset.done $0x0  }
0x2f: {  	[sflag:s20] =	ssyncadd.s32 $0xFFFFD900  }
.Ltmp4:
0x30: {  	(pc) =	sbr.rel .LBB2_6-.Ltmp4, $3  }
0x31: {  	_ =	sdelay $0x1  }
0x32: {  	s28 =	sshrl.u32 s13, $0x3  }
0x33: {  	[spmem:s28], [sflag:s22] =	dma.local [hbm:s8], $0x100  }
.LBB2_2:
.Ltmp5:
0x34: {  	s0 =	rddreg [dreg:$0x4];
	(pc) =	sbr.rel @p1 .LBB2_7-.Ltmp5, $4  }
0x35: {  	[spmem:s26], [sflag:s22] =	dma.local [hbm:s0], $0x2700  }
0x36: {  	_ =	swait.ge [sflag:s20], $0x2700  }
0x37: {  	[sflag:s20] =	ssyncset.done $0x0  }
0x38: {  	[sflag:s20] =	ssyncadd.s32 $0xFFFFD900  }
0x39: {  	s28 =	sshrl.u32 s13, $0x3;
	s0 =	rddreg [dreg:$0x5]  }
0x3a: {  	[spmem:s28], [sflag:s22] =	dma.local [hbm:s0], $0x100  }
.LBB2_6:
0x3b: {  	_ =	swait.ge [sflag:s20], $0x100  }
0x3c: {  	[sflag:s20] =	ssyncset.done $0x0  }
0x3d: {  	[sflag:s20] =	ssyncadd.s32 $0xFFFFFF00  }
.LBB2_7:
0x3e: {  	s28 =	simm.s32 $0x0;
	s0 =	simm.s32 $0x1800  }
0x3f: {  	[tilespmem:s0], [sflag:$0x1] =	stream.indirect.gather [hbm4b:s1+s23], $0x80, s28, s23, $0xb8;
	[tilespmem:$0x1F880] =	vst v63  }
0x40: {  	s29 =	simm.s32 $0x80;
	s3 =	simm.s32 $0x3400  }
0x41: {  	[tilespmem:s3], [sflag:$0x1] =	stream.indirect.gather [hbm4b:s1+s23], $0x80, s29, s23, $0xb8;
	[tilespmem:$0x1F880] =	vst v63  }
0x42: {  	s30 =	simm.s32 $0x100;
	s31 =	simm.s32 $0x5000  }
0x43: {  	[tilespmem:s31], [sflag:$0x1] =	stream.indirect.gather [hbm4b:s1+s23], $0x80, s30, s23, $0xb8;
	[tilespmem:$0x1F880] =	vst v63  }
0x44: {  	s14 =	simm.s32 $0x6C00;
	s3 =	simm.s32 $0x180  }
0x45: {  	[tilespmem:s14], [sflag:$0x1] =	stream.indirect.gather [hbm4b:s1+s23], $0x80, s3, s23, $0xb8;
	[tilespmem:$0x1F880] =	vst v63  }
0x46: {  	s29 =	simm.s32 $0x200;
	s30 =	simm.s32 $0x8800  }
0x47: {  	[tilespmem:s30], [sflag:$0x1] =	stream.indirect.gather [hbm4b:s1+s23], $0x80, s29, s23, $0xb8;
	[tilespmem:$0x1F880] =	vst v63  }
0x48: {  	s31 =	simm.s32 $0x400  }
0x49: {  	[tilespmem:s31], [sflag:$0x3] =	stream.linear.gather [hbm4b:s15+s28], $0x400, $0x38;
	[tilespmem:$0x1F880] =	vst v63  }
.Ltmp6:
0x4a: {  	_ = 	snop;
	(pc) =	sbr.rel .LBB2_8-.Ltmp6, $3  }
0x4b: {  	_ = 	snop  }
0x4c: {  	[tilespmem:s12], [sflag:$0x3] =	stream.linear.gather [hbm4b:s16+s28], $0x400, $0x38;
	[tilespmem:$0x1F880] =	vst v63  }
0x4d: {  	[bflag:$0x0] =	sbarrier.arrive $0xFFFF;
	_ =	sdelay $0x1  }
.LBB2_9:
0x4e: {  	s0 =	sadd.s32 $0x2, s29  }
0x4f: {  	s3 =	smul.u32 $0xAB, s0;
	_ =	sdelay $0x1  }
0x50: {  	s3 =	sshrl.u32 s3, $0x9  }
0x51: {  	s3 =	sand.u32 $0x7F, s3  }
0x52: {  	s3 =	smul.u32 $0x3, s3  }
0x53: {  	s14 =	sshll.u32 s0, $0xA  }
0x54: {  	s14 =	sadd.s32 s7, s14;
	s0 =	ssub.s32 s0, s3  }
0x55: {  	s31 =	sshrl.u32 s14, $0x3;
	s0 =	sand.u32 $0xFF, s0  }
0x56: {  	s14 =	sadd.s32 s5, s31;
	s0 =	sshll.u32 s0, $0xA  }
0x57: {  	[tilespmem:s0], [sflag:$0x3] =	stream.linear.gather [hbm4b:s14+s4], $0x400, $0x38;
	[tilespmem:$0x1F880] =	vst v63  }
0x58: {  	s3 =	sadd.s32 s6, s31;
	s0 =	sadd.s32 $0xC00, s0  }
0x59: {  	[tilespmem:s0], [sflag:$0x3] =	stream.linear.gather [hbm4b:s3+s4], $0x400, $0x38;
	[tilespmem:$0x1F880] =	vst v63  }
.LBB2_11:
0x5a: {  	s0 =	sadd.s32 $0x5, s28  }
0x5b: {  	s3 =	smul.u32 $0xAB, s0  }
0x5c: {  	p2 =	slt.u32 s28, $0x3;
	s14 =	sshrl.u32 s0, $0x3  }
0x5d: {  	s29 =	sand.u32 $0x7, s0;
	s30 =	smul.u32 $0xAB, s14;
	s3 =	sshrl.u32 s3, $0xA  }
0x5e: {  	p3 =	sne.s32 @!p2 s29, $0x0;
	s3 =	sand.u32 $0x3F, s3  }
0x5f: {  	p2 =	por p3, p2;
	s30 =	sshrl.u32 s30, $0x9;
	s3 =	smul.u32 $0x6, s3  }
0x60: {  	s31 =	simm.s32 @!p2 $0x3;
	s30 =	sand.u32 $0x7F, s30  }
0x61: {  	_ =	swait.ge @!p2 [sflag:s31], $0x400;
	s30 =	smul.u32 $0x3, s30;
	s0 =	ssub.s32 s0, s3  }
0x62: {  	[sflag:s31] =	ssyncset.done @!p2 $0x0;
	s0 =	sand.u32 $0xFF, s0  }
0x63: {  	[sflag:s31] =	ssyncadd.s32 @!p2 $0xFFFFFC00;
	s3 =	ssub.s32 s14, s30;
	s0 =	smul.u32 $0x7000, s0  }
0x64: {  	_ =	swait.ge @!p2 [sflag:s31], $0x400;
	s30 =	sshll.u32 s29, $0x7;
	s3 =	sand.u32 $0xFF, s3  }
0x65: {  	[sflag:s31] =	ssyncset.done @!p2 $0x0;
	s3 =	sshll.u32 s3, $0xA;
	s0 =	sshrl.u32 s0, $0x2  }
0x66: {  	[sflag:s31] =	ssyncadd.s32 @!p2 $0xFFFFFC00;
	s3 =	sor.u32 s30, s3;
	s0 =	sadd.s32 $0x1800, s0  }
0x67: {  	[tilespmem:s0], [sflag:$0x1] =	stream.indirect.gather [hbm4b:s1+s23], $0x80, s3, s23, $0xb8;
	[tilespmem:$0x1F880] =	vst v63  }
.LBB2_12:
0x68: {  	s28 =	sadd.s32 $0x1, s28  }
0x69: {  	p2 =	sne.s32 s28, $0xC8  }
.Ltmp7:
0x6a: {  	_ = 	snop;
	(pc) =	sbr.rel @!p2 .LBB2_13-.Ltmp7, $1  }
0x6b: {  	_ =	sdelay $0x3  }
.LBB2_8:
0x6c: {  	s29 =	sshrl.u32 s28, $0x3;
	s31 =	smul.u32 $0xAB, s28  }
0x6d: {  	_ =	swait.ge [sflag:s21], $0x1900;
	p2 =	seq.s32 s28, $0x0;
	s30 =	smul.u32 $0xAB, s29  }
0x6e: {  	[sflag:s21] =	ssyncset.done $0x0;
	s3 =	simm.s32 @!p2 $0x2;
	s31 =	sshrl.u32 s31, $0xA  }
0x6f: {  	[sflag:s21] =	ssyncadd.s32 $0xFFFFE700;
	s30 =	sshrl.u32 s30, $0x9;
	s31 =	sand.u32 $0x3F, s31  }
0x70: {  	_ =	swait.ge @!p2 [sflag:s3], $0x1900;
	s30 =	sand.u32 $0x7F, s30;
	s31 =	smul.u32 $0x6, s31  }
0x71: {  	s0 =	sand.u32 $0x7, s28;
	[sflag:s3] =	ssyncset.done @!p2 $0x0;
	s30 =	smul.u32 $0x3, s30  }
0x72: {  	[sflag:s3] =	ssyncadd.s32 @!p2 $0xFFFFE700;
	p2 =	sgt.u32 s28, $0xB7;
	s31 =	ssub.s32 s28, s31  }
0x73: {  	p3 =	sne.s32 @!p2 s0, $0x1;
	s31 =	sand.u32 $0xFF, s31  }
0x74: {  	s30 =	ssub.s32 s29, s30;
	p2 =	por p2, p3;
	s31 =	smul.u32 $0x7000, s31  }
.Ltmp8:
0x75: {  	s30 =	sand.u32 $0xFF, s30;
	(pc) =	sbr.rel @!p2 .LBB2_9-.Ltmp8, $4  }
0x76: {  	s14 =	sshll.u32 s0, $0x7;
	s30 =	sshll.u32 s30, $0xA  }
0x77: {  	s14 =	sor.u32 s14, s30;
	s31 =	sshrl.u32 s31, $0x2  }
0x78: {  	s30 =	sadd.s32 $0x1800, s31;
	s31 =	sadd.s32 $0xC00, s14  }
0x79: {  	[spmem:s2] =	stream.indirect.scatter.add.f32 [tilespmem:s30], [sflag:$0x2], $0x80, s31, s23, $0xb8;
	[tilespmem:$0x1F880] =	vst v63  }
0x7a: {  	p2 =	sgt.u32 s28, $0xC2  }
.Ltmp9:
0x7b: {  	_ = 	snop;
	(pc) =	sbr.rel @p2 .LBB2_12-.Ltmp9, $4  }
.Ltmp10:
0x7c: {  	_ = 	snop;
	(pc) =	sbr.rel @!p2 .LBB2_11-.Ltmp10, $4  }
0x7d: {  	_ = 	snop  }
0x7e: {  	_ = 	snop  }
0x7f: {  	_ = 	snop  }
0x80: {  	_ = 	snop  }
.LBB2_14:
0x81: {  	_ =	sfence.sel $0x180000  }
0x82: {  	[bflag:$0x0] =	sbarrier.arrive $0xFFFF  }
0x83: {  	_ =	strace $0x9000004D  }
0x84: {  	s0 =	stileid.u32;
	[bflag:$0x2] =	sbarrier.arrive $0xFFFF  }
0x85: {  	p0 =	sne.s32 s0, $0x0;
	s0 =	rddreg [dreg:$0x3]  }
0x86: {  	s0 =	sadd.s32 @!p0 $0x100000, s0  }
0x87: {  	[sflag:s0] =	ssyncadd.tile.s32 @!p0 $0x1;
	_ =	shalt  }
.Lfunc_end2:
_tile_overlayer_lowered:
.L_overlay_start_2:
0x88: {  	(tag) =	ssettag $0x2  }
0x89: {  	s0 =	rddreg [dreg:$0x0];
	s2 =	stileid.u32  }
0x8a: {  	s1 =	rddreg [dreg:$0x1];
	p0 =	sne.s32 s2, $0x0  }
0x8b: {  	s3 =	rddreg [dreg:$0x2];
	[bflag:$0x3] =	sbarrier.arrive $0xFFFF;
	s2 =	simm.s32 @!p0 $0x1C04  }
0x8c: {  	[timem:s3], [sflag:s2] =	dma.local @!p0 [hbm:s0], s1  }
0x8d: {  	s0 =	simm.s32 @!p0 $0x4  }
0x8e: {  	_ =	swait.ge @!p0 [sflag:s0], s1  }
0x8f: {  	s1 =	ssub.s32 @!p0 $0x0, s1;
	[sflag:s0] =	ssyncset.done @!p0 $0x0  }
0x90: {  	[sflag:s0] =	ssyncadd.s32 @!p0 s1  }
0x91: {  	[bflag:$0x3] =	sbarrier.arrive $0xFFFF  }
0x92: {  	_ =	shalt  }

// kernel: kernel.8.cloned.1.call-start
scs
__scs_entry_jumppad:
0x0: {  	(pc) =	sbr.rel $0x88, $3  }
0x1: {  	(tag) =	ssettag $0x0;
	lr =	simm.s32 $0x1  }
0x2: {  	[smem:$0x3F99] =	sst lr;
	_ =	strace $0xD0000000  }
0x3: {  	_ = 	snop  }
0x4: {  	_ = 	snop  }
0x5: {  	_ = 	snop  }
0x6: {  	_ = 	snop  }
0x7: {  	_ = 	snop  }
__scs_overlays_trampoline_lowered:
0x8: {  	[smem:$0x3FA8] =	sst s0  }
0x9: {  	[smem:$0x3FA9] =	sst s1  }
0xa: {  	[smem:$0x3FAA] =	sst s2  }
0xb: {  	[smem:$0x3FAB] =	sst s3  }
0xc: {  	[smem:$0x3FAC] =	sst s4  }
0xd: {  	[smem:$0x3FAD] =	sst s5  }
0xe: {  	[smem:$0x3FAE] =	sst s6  }
0xf: {  	[smem:$0x3FAF] =	sst s7  }
0x10: {  	[smem:$0x3FB0] =	sst s8  }
0x11: {  	[smem:$0x3FB1] =	sst s9;
	s0 =	simm.s32 @!p0 $0x0  }
0x12: {  	s1 =	sld [smem:$0x3F97];
	s0 =	simm.s32 @p0 $0x1  }
0x13: {  	[smem:$0x3FB2] =	sst s0;
	s0 =	simm.s32 @!p1 $0x0  }
0x14: {  	s2 =	sld [smem:$0x3F96];
	s0 =	simm.s32 @p1 $0x1  }
0x15: {  	[smem:$0x3FB3] =	sst s0;
	s0 =	simm.s32 @!p2 $0x0  }
0x16: {  	s3 =	sld [smem:$0x3FDB];
	s0 =	simm.s32 @p2 $0x1  }
0x17: {  	s4 =	simm.s32 $0x1BF5;
	[smem:$0x3FB5] =	sst s0  }
0x18: {  	s0 =	sld [smem:$0x3F98];
	_ =	swait.ge [sflag:s4], $0x0  }
0x19: {  	s7 =	sld [smem:$0x3F99]  }
0x1a: {  	s8 =	sadd.s32 $0xFFFFE003, lr  }
0x1b: {  	s9 =	sadd.s32 $0xFFFFFEF7, lr;
	s5 =	simm.s32 $0xFFFFFFFF;
	p2 =	slt.u32 s8, $0xFFFFF086  }
0x1c: {  	p1 =	slt.u32 s9, $0xF7A;
	s5 =	simm.s32 @!p2 $0x0  }
0x1d: {  	s5 =	simm.s32 @p1 $0x1;
	p0 =	seq.s32 s7, s2  }
0x1e: {  	s7 =	smul.u32 @!p0 $0xF7A, s2;
	p2 =	seq.s32 @!p0 s5, $0x0  }
0x1f: {  	s9 =	smul.u32 $0xF7A, s1;
	s8 =	simm.s32 @!p0 $0x1BF5;
	p2 =	por !p2, p0  }
0x20: {  	[sflag:s8] =	ssyncset.s32 @!p0 $0xFFFFF086;
	s6 =	sadd.s32 @!p0 s3, s7;
	s7 =	simm.s32 @!p0 $0x108  }
0x21: {  	s3 =	sadd.s32 s3, s9;
	s6 =	sadd.s32 @!p0 $0x88, s6;
	s7 =	simm.s32 @p2 $0x1082  }
0x22: {  	[simem:s7], [sflag:s8] =	dma.local @!p0 [hbm:s6], $0xF7A  }
0x23: {  	s9 =	sor.u32 $0xD0000000, s2;
	s6 =	simm.s32 $0x108;
	_ =	swait.ge @!p0 [sflag:s8], $0x0  }
0x24: {  	s3 =	sadd.s32 $0x88, s3;
	s6 =	simm.s32 @!p1 $0x1082;
	[sflag:s4] =	ssyncset.s32 $0xFFFFF086  }
0x25: {  	[simem:s6], [sflag:s4] =	dma.local [hbm:s3], $0xF7A  }
0x26: {  	[smem:$0x3F99] =	sst s1;
	(tag) =	ssettag s2;
	_ =	strace s9  }
0x27: {  	s1 =	sld [smem:$0x3FA9]  }
0x28: {  	s2 =	sld [smem:$0x3FAA]  }
0x29: {  	s4 =	sld [smem:$0x3FAC]  }
0x2a: {  	p0 =	seq.s32 s5, $0x0;
	s5 =	sld [smem:$0x3FAD]  }
0x2b: {  	s6 =	sld [smem:$0x3FAE]  }
0x2c: {  	s7 =	sld [smem:$0x3FAF]  }
0x2d: {  	s3 =	simm.s32 $0x108;
	s8 =	sld [smem:$0x3FB0]  }
0x2e: {  	s3 =	simm.s32 @!p0 $0x1082;
	s9 =	sld [smem:$0x3FB1]  }
0x2f: {  	lr =	sadd.s32 s0, s3;
	s0 =	sld [smem:$0x3FA8]  }
0x30: {  	s3 =	sld [smem:$0x3FAB]  }
0x31: {  	[smem:$0x3FB4] =	sst s10  }
0x32: {  	s10 =	sld [smem:$0x3FB2];
	_ =	sdelay $0x3  }
0x33: {  	p0 =	seq.s32 s10, $0x1;
	s10 =	sld [smem:$0x3FB4];
	_ =	sdelay $0x3  }
0x34: {  	[smem:$0x3FB4] =	sst s10  }
0x35: {  	s10 =	sld [smem:$0x3FB3];
	_ =	sdelay $0x3  }
0x36: {  	p1 =	seq.s32 s10, $0x1;
	s10 =	sld [smem:$0x3FB4];
	_ =	sdelay $0x3  }
0x37: {  	[smem:$0x3FB4] =	sst s10  }
0x38: {  	s10 =	sld [smem:$0x3FB5]  }
0x39: {  	_ = 	snop;
	(pc) =	sbr.ind lr, $3  }
0x3a: {  	_ = 	snop  }
0x3b: {  	_ = 	snop  }
0x3c: {  	p2 =	seq.s32 s10, $0x1;
	s10 =	sld [smem:$0x3FB4]  }
0x3d: {  	_ =	shalt  }
0x3e: {  	_ =	shalt  }
0x3f: {  	_ =	shalt  }
0x40: {  	_ =	shalt  }
0x41: {  	_ =	shalt  }
0x42: {  	_ =	shalt  }
0x43: {  	_ =	shalt  }
0x44: {  	_ =	shalt  }
0x45: {  	_ =	shalt  }
0x46: {  	_ =	shalt  }
0x47: {  	_ =	shalt  }
0x48: {  	_ =	shalt  }
0x49: {  	_ =	shalt  }
0x4a: {  	_ =	shalt  }
0x4b: {  	_ =	shalt  }
0x4c: {  	_ =	shalt  }
0x4d: {  	_ =	shalt  }
0x4e: {  	_ =	shalt  }
0x4f: {  	_ =	shalt  }
0x50: {  	_ =	shalt  }
0x51: {  	_ =	shalt  }
0x52: {  	_ =	shalt  }
0x53: {  	_ =	shalt  }
0x54: {  	_ =	shalt  }
0x55: {  	_ =	shalt  }
0x56: {  	_ =	shalt  }
0x57: {  	_ =	shalt  }
0x58: {  	_ =	shalt  }
0x59: {  	_ =	shalt  }
0x5a: {  	_ =	shalt  }
0x5b: {  	_ =	shalt  }
0x5c: {  	_ =	shalt  }
0x5d: {  	_ =	shalt  }
0x5e: {  	_ =	shalt  }
0x5f: {  	_ =	shalt  }
0x60: {  	_ =	shalt  }
0x61: {  	_ =	shalt  }
0x62: {  	_ =	shalt  }
0x63: {  	_ =	shalt  }
0x64: {  	_ =	shalt  }
0x65: {  	_ =	shalt  }
0x66: {  	_ =	shalt  }
0x67: {  	_ =	shalt  }
0x68: {  	_ =	shalt  }
0x69: {  	_ =	shalt  }
0x6a: {  	_ =	shalt  }
0x6b: {  	_ =	shalt  }
0x6c: {  	_ =	shalt  }
0x6d: {  	_ =	shalt  }
0x6e: {  	_ =	shalt  }
0x6f: {  	_ =	shalt  }
0x70: {  	_ =	shalt  }
0x71: {  	_ =	shalt  }
0x72: {  	_ =	shalt  }
0x73: {  	_ =	shalt  }
0x74: {  	_ =	shalt  }
0x75: {  	_ =	shalt  }
0x76: {  	_ =	shalt  }
0x77: {  	_ =	shalt  }
0x78: {  	_ =	shalt  }
0x79: {  	_ =	shalt  }
0x7a: {  	_ =	shalt  }
0x7b: {  	_ =	shalt  }
0x7c: {  	_ =	shalt  }
0x7d: {  	_ =	shalt  }
0x7e: {  	_ =	shalt  }
0x7f: {  	_ =	shalt  }
0x80: {  	_ =	shalt  }
0x81: {  	_ =	shalt  }
0x82: {  	_ =	shalt  }
0x83: {  	_ =	shalt  }
0x84: {  	_ =	shalt  }
0x85: {  	_ =	shalt  }
0x86: {  	_ =	shalt  }
0x87: {  	_ =	shalt  }
.Lfunc_end0:
.L_simem_size_0:
called_computation_lowered:
.L_overlay_start_0:
0x88: {  	s2 =	sld [smem:$0x3FD9]  }
0x89: {  	s3 =	sld [smem:$0x3FFE];
	_ =	sdelay $0x1  }
0x8a: {  	s1 =	srdreg.scid  }
0x8b: {  	s0 =	sand.u32 $0x1, s1  }
0x8c: {  	s17 =	sshll.u32 s0, $0xA;
	s2 =	sadd.s32 s3, s2  }
0x8d: {  	s2 =	sadd.s32 s2, s17  }
0x8e: {  	[smem:$0x3FC0] =	sst s2  }
0x8f: {  	_ = 	snop  }
0x90: {  	s2 =	sld [smem:$0x3FD0];
	(tm) =	ssettm $0x1  }
0x91: {  	s18 =	sld [smem:$0x3FFB];
	_ =	sdelay $0x3  }
0x92: {  	_ =	strace s18  }
0x93: {  	s3 =	sld [smem:$0x3FFC];
	_ =	sdelay $0x3  }
0x94: {  	_ =	strace s3  }
0x95: {  	s3 =	sld [smem:$0x3FFD];
	_ =	sdelay $0x3  }
0x96: {  	_ =	strace s3  }
0x97: {  	_ =	strace $0x8FFFFFFF  }
0x98: {  	s19 =	sld [smem:$0x3FDB];
	_ =	sdelay $0x1  }
0x99: {  	s4 =	simm.s32 $_scs_section_size  }
0x9a: {  	s5 =	simm.s32 $_size__tile_overlayer_lowered;
	s6 =	simm.s32 $_tile_overlayer_lowered  }
0x9b: {  	s22 =	simm.s32 $0x1BFF;
	s21 =	sshll.u32 s6, $0x1;
	s3 =	sadd.s32 s4, s19  }
0x9c: {  	s7 =	simm.s32 $0x0;
	s20 =	sshll.u32 s5, $0x1;
	s5 =	sadd.s32 s21, s3  }
0x9d: {  	[timem:s7], [sflag:s22] =	dma.local [hbm:s5], s20  }
0x9e: {  	_ =	swait.ge [sflag:s22], s20  }
0x9f: {  	s4 =	ssub.s32 $0x0, s20;
	[sflag:s22] =	ssyncset.done $0x0  }
0xa0: {  	[sflag:s22] =	ssyncadd.s32 s4;
	_ =	sdelay $0x1  }
0xa1: {  	s23 =	simm.s32 $0x1B8B  }
0xa2: {  	_ =	swait.ge [sflag:s23], $0x1  }
0xa3: {  	[sflag:s23] =	ssyncset.done $0x0  }
0xa4: {  	s25 =	simm.s32 $0x1B8E;
	s24 =	sld [smem:$0x3FFE];
	[sflag:s23] =	ssyncadd.s32 $0xFFFFFFFF  }
0xa5: {  	s26 =	simm.s32 $execute0_lowered;
	[smem:$0x3FD2] =	sst s25  }
0xa6: {  	s5 =	sshll.u32 s26, $0x1;
	_ =	strace $0x80000046;
	[dreg:$0x1] =	wrdreg $0xFFFFFFFF  }
0xa7: {  	s28 =	simm.s32 $_size_execute0_lowered;
	s3 =	sadd.s32 s3, s5;
	[dreg:$0x0] =	wrdreg $0x0  }
0xa8: {  	s5 =	sshll.u32 s28, $0x1;
	[dreg:$0x2] =	wrdreg s3  }
0xa9: {  	[dreg:$0x3] =	wrdreg s5  }
0xaa: {  	[dreg:$0x4] =	wrdreg $0xC0  }
0xab: {  	_ =	task [dreg:s7], $0x5FFFF  }
0xac: {  	[dreg:$0x1] =	wrdreg $0xFFFFFFFF  }
0xad: {  	[dreg:$0x0] =	wrdreg $0x60  }
0xae: {  	[dreg:$0x2] =	wrdreg s2  }
0xaf: {  	[dreg:$0x3] =	wrdreg s24  }
0xb0: {  	[dreg:$0x4] =	wrdreg $0x28800  }
0xb1: {  	[dreg:$0x5] =	wrdreg $0x9  }
0xb2: {  	_ =	task.clear_ibuf [dreg:s7], $0x6FFFF;
	_ =	strace $0x90000046  }
0xb3: {  	s29 =	simm.s32 $0x9;
	_ =	strace $0x80000048  }
0xb4: {  	_ =	swait.ge [sflag:s29], $0x1  }
0xb5: {  	[sflag:s29] =	ssyncadd.s32 $0xFFFFFFFF  }
0xb6: {  	_ =	strace $0x90000048  }
0xb7: {  	_ =	sfence  }
0xb8: {  	s30 =	sld [smem:$0x0];
	_ =	sdelay $0x2  }
0xb9: {  	s31 =	sshll.u32 s1, $0xD;
	s1 =	sshrl.u32 s1, $0x2  }
0xba: {  	s3 =	sand.u32 $0x4000, s31;
	s1 =	sadd.s32 s1, s30  }
0xbb: {  	s0 =	sor.u32 s3, s0;
	s1 =	sshll.u32 s1, $0x11  }
0xbc: {  	s0 =	sor.u32 s1, s0  }
0xbd: {  	s0 =	sadd.s32 $0x8F2B, s0  }
0xbe: {  	[sflag:s0] =	ssyncadd.remote.s32 $0x1  }
0xbf: {  	_ =	sfence.sel $0xFFFF  }
0xc0: {  	[dreg:$0x0] =	wrdreg $0xFFFFFFFF;
	(pc) =	sbr.abs _section_cstart, $3  }
0xc1: {  	[dreg:$0x1] =	wrdreg $0xFFFFFFFF  }
0xc2: {  	_ =	task.clear_ibuf [dreg:s7], $0x2FFFF;
	_ =	strace $0x9FFFFFFF  }
0xc3: {  	(tm) =	ssettm $0x7FFFFFFF  }
tec
execute0_lowered:
.L_overlay_start_1:
0x0: {  	(tag) =	ssettag $0x1  }
0x1: {  	s1 =	rddreg [dreg:$0x0]  }
0x2: {  	s4 =	rddreg [dreg:$0x1]  }
0x3: {  	s2 =	rddreg [dreg:$0x2];
	s31 =	simm.s32 $0x0  }
0x4: {  	[smem:$0x7FF] =	sst s31;
	s7 =	sadd.s32 $0x2000, s4  }
0x5: {  	s9 =	simm.s32 $0x300;
	_ =	strace $0x80000047;
	[dreg:$0x4] =	wrdreg s7  }
0x6: {  	s11 =	simm.s32 $0x380;
	[dreg:$0xd] =	wrdreg s9  }
0x7: {  	s12 =	simm.s32 $0x400;
	[dreg:$0xe] =	wrdreg s11  }
0x8: {  	s13 =	simm.s32 $0x480;
	[dreg:$0xf] =	wrdreg s12  }
0x9: {  	s14 =	simm.s32 $0x500;
	[dreg:$0x10] =	wrdreg s13  }
0xa: {  	s15 =	simm.s32 $0x580;
	[dreg:$0x11] =	wrdreg s14  }
0xb: {  	s16 =	simm.s32 $0x600;
	[dreg:$0x12] =	wrdreg s15  }
0xc: {  	s17 =	simm.s32 $0x680;
	[dreg:$0x13] =	wrdreg s16  }
0xd: {  	s18 =	simm.s32 $0x700;
	[dreg:$0x14] =	wrdreg s17  }
0xe: {  	s19 =	simm.s32 $0x780;
	[dreg:$0x15] =	wrdreg s18  }
0xf: {  	s20 =	simm.s32 $0x800;
	[dreg:$0x16] =	wrdreg s19  }
0x10: {  	s21 =	simm.s32 $0x880;
	[dreg:$0x17] =	wrdreg s20  }
0x11: {  	s22 =	simm.s32 $0x900;
	[dreg:$0x18] =	wrdreg s21  }
0x12: {  	s23 =	simm.s32 $0x980;
	[dreg:$0x19] =	wrdreg s22  }
0x13: {  	[dreg:$0x1a] =	wrdreg s23;
	s9 =	simm.s32 $0xE00  }
0x14: {  	s11 =	simm.s32 $0xE80;
	[smem:$0x7DD] =	sst s9  }
0x15: {  	s12 =	simm.s32 $0xF00;
	[smem:$0x7DE] =	sst s11  }
0x16: {  	s13 =	simm.s32 $0xF80;
	[smem:$0x7DF] =	sst s12  }
0x17: {  	s14 =	simm.s32 $0x1000;
	[smem:$0x7E0] =	sst s13  }
0x18: {  	s0 =	srdreg.scid;
	s15 =	simm.s32 $0x1080;
	[smem:$0x7E1] =	sst s14  }
0x19: {  	s10 =	stileid.u32;
	s16 =	simm.s32 $0x1100;
	[smem:$0x7E2] =	sst s15  }
0x1a: {  	s30 =	simm.s32 $0x1E80;
	s17 =	simm.s32 $0x1180;
	[smem:$0x7E3] =	sst s16  }
0x1b: {  	s29 =	simm.s32 $0x1F00;
	s18 =	simm.s32 $0x1200;
	[smem:$0x7E4] =	sst s17  }
0x1c: {  	s28 =	simm.s32 $0x1F80;
	s19 =	simm.s32 $0x1280;
	[smem:$0x7E5] =	sst s18  }
0x1d: {  	p0 =	por $0x0, $0x0;
	s20 =	simm.s32 $0x1300;
	[smem:$0x7E6] =	sst s19  }
0x1e: {  	s3 =	sand.u32 $0x1, s0;
	s21 =	simm.s32 $0x1380;
	[smem:$0x7E7] =	sst s20  }
0x1f: {  	s6 =	smul.u32 $0x500, s10;
	s22 =	simm.s32 $0x1400;
	[smem:$0x7E8] =	sst s21  }
0x20: {  	s8 =	sshll.u32 s3, $0x7;
	s23 =	simm.s32 $0x1480;
	[smem:$0x7E9] =	sst s22  }
0x21: {  	s6 =	sor.u32 s8, s6;
	s8 =	simm.s32 $0x280;
	[smem:$0x7EA] =	sst s23  }
0x22: {  	s0 =	smul.u32 $0x280, s10;
	s9 =	simm.s32 $0x1900;
	[dreg:$0xc] =	wrdreg s8  }
0x23: {  	s5 =	sshll.u32 s3, $0x4;
	s12 =	simm.s32 $0x1980;
	[smem:$0x7F3] =	sst s9  }
0x24: {  	s3 =	ssub.s32 $0x2, s3;
	s13 =	simm.s32 $0x1A00;
	[smem:$0x7F4] =	sst s12  }
0x25: {  	s5 =	sor.u32 s10, s5;
	s14 =	simm.s32 $0x1A80;
	[smem:$0x7F5] =	sst s13  }
0x26: {  	s24 =	sshrl.u32 s0, $0x3;
	s19 =	simm.s32 $0x1B00;
	[smem:$0x7F6] =	sst s14  }
0x27: {  	s11 =	sshrl.u32 s3, $0x1;
	s20 =	simm.s32 $0x1B80;
	[smem:$0x7F7] =	sst s19  }
0x28: {  	s0 =	sadd.s32 s0, s2;
	s21 =	simm.s32 $0x1C00;
	[smem:$0x7F8] =	sst s20  }
0x29: {  	s22 =	sshll.u32 s10, $0x6;
	s23 =	simm.s32 $0x1C80;
	[smem:$0x7F9] =	sst s21  }
0x2a: {  	s7 =	sadd.s32 s24, s4;
	s24 =	simm.s32 $0xA00;
	[smem:$0x7FA] =	sst s23  }
0x2b: {  	s10 =	simm.s32 $0x7D;
	s8 =	simm.s32 $0xD80;
	[dreg:$0x1b] =	wrdreg s24  }
0x2c: {  	s6 =	sshrl.u32 s6, $0x3;
	s25 =	sadd.s32 $0x2200, s7;
	[smem:$0x7DC] =	sst s8  }
0x2d: {  	s4 =	sadd.s32 s6, s4;
	s6 =	simm.s32 $0x180;
	[dreg:$0x6] =	wrdreg s25  }
0x2e: {  	s18 =	simm.s32 $0x2400;
	s7 =	simm.s32 $0x200;
	[dreg:$0xa] =	wrdreg s6  }
0x2f: {  	s5 =	smul.u32 $0x500, s5;
	s24 =	simm.s32 $0x1500;
	[dreg:$0xb] =	wrdreg s7  }
0x30: {  	s17 =	simm.s32 $0x2480;
	s8 =	simm.s32 $0x1880;
	[smem:$0x7EB] =	sst s24  }
0x31: {  	s16 =	simm.s32 $0x2500;
	s1 =	sadd.s32 s1, s5;
	[smem:$0x7F2] =	sst s8  }
0x32: {  	s3 =	ssub.s32 s3, s11;
	s26 =	sadd.s32 $0x2800, s4;
	[dreg:$0x5] =	wrdreg s1  }
0x33: {  	s9 =	simm.s32 $0x2800;
	s4 =	simm.s32 $0x80;
	[dreg:$0x7] =	wrdreg s26  }
0x34: {  	s23 =	simm.s32 $0x2180;
	s5 =	simm.s32 $0x100;
	[dreg:$0x8] =	wrdreg s4  }
0x35: {  	s21 =	simm.s32 $0x2280;
	s25 =	simm.s32 $0xA80;
	[dreg:$0x9] =	wrdreg s5  }
0x36: {  	s20 =	simm.s32 $0x2300;
	s6 =	simm.s32 $0xC80;
	[dreg:$0x1c] =	wrdreg s25  }
0x37: {  	s19 =	simm.s32 $0x2380;
	s7 =	simm.s32 $0xD00;
	[smem:$0x7DA] =	sst s6  }
0x38: {  	s14 =	simm.s32 $0x2580;
	s24 =	simm.s32 $0x1D00;
	[smem:$0x7DB] =	sst s7  }
0x39: {  	s13 =	simm.s32 $0x2680;
	s26 =	simm.s32 $0xB00;
	[smem:$0x7FB] =	sst s24  }
0x3a: {  	s12 =	simm.s32 $0x2700;
	s4 =	simm.s32 $0xB80;
	[dreg:$0x1d] =	wrdreg s26  }
0x3b: {  	s11 =	simm.s32 $0x2780;
	s5 =	simm.s32 $0xC00;
	[dreg:$0x1e] =	wrdreg s4  }
0x3c: {  	s15 =	smax.u32 s3, $0x1;
	s25 =	simm.s32 $0x1580;
	[dreg:$0x1f] =	wrdreg s5  }
0x3d: {  	s3 =	simm.s32 $0x2;
	s6 =	simm.s32 $0x1780;
	[smem:$0x7EC] =	sst s25  }
0x3e: {  	p1 =	sne.s32 s15, $0x1;
	s7 =	simm.s32 $0x1800;
	[smem:$0x7F0] =	sst s6  }
0x3f: {  	s8 =	simm.s32 $0x10;
	s24 =	simm.s32 $0x2100;
	[smem:$0x7F1] =	sst s7  }
0x40: {  	s26 =	simm.s32 $0x1600;
	s4 =	simm.s32 $0x1680;
	s1 =	rddreg [dreg:$0x5]  }
0x41: {  	s5 =	simm.s32 $0x1700;
	s25 =	simm.s32 $0x1D80;
	[smem:$0x7ED] =	sst s26  }
.Ltmp0:
0x42: {  	s6 =	simm.s32 $0x1;
	[smem:$0x7EE] =	sst s4;
	(pc) =	sbr.rel @!p1 .LBB2_3-.Ltmp0, $4  }
0x43: {  	s7 =	simm.s32 $0x20;
	[smem:$0x7EF] =	sst s5;
	s4 =	sor.u32 $0x1C02, s22  }
0x44: {  	s5 =	sshrl.u32 s0, $0x3;
	[smem:$0x7FC] =	sst s25;
	s26 =	simm.s32 $0x1E00  }
0x45: {  	s25 =	simm.s32 $0x2080;
	s22 =	simm.s32 $0x2200;
	s0 =	sadd.s32 $0xFFFFFFFF, s15  }
0x46: {  	s15 =	simm.s32 $0x2600;
	[smem:$0x7FD] =	sst s26;
	s26 =	simm.s32 $0x2000  }
0x47: {  	[tilespmem:s31], [sflag:$0x2] =	stream.linear.gather [hbm4b:s1+s31], $0x2800, $0x38;
	[tilespmem:$0x2B00] =	vst v63  }
0x48: {  	_ =	swait.ge [sflag:s3], $0x2800  }
0x49: {  	[sflag:s3] =	ssyncset.done $0x0  }
0x4a: {  	s1 =	rddreg [dreg:$0x4];
	[sflag:s3] =	ssyncadd.s32 $0xFFFFD800  }
0x4b: {  	[tilespmem:s9], [sflag:$0x2] =	stream.linear.gather [hbm4b:s1+s31], $0x80, $0x38;
	[tilespmem:$0x2B00] =	vst v63  }
0x4c: {  	_ =	swait.ge [sflag:s3], $0x80  }
0x4d: {  	[sflag:s3] =	ssyncset.done $0x0  }
0x4e: {  	s1 =	rddreg [dreg:$0x6];
	[sflag:s3] =	ssyncadd.s32 $0xFFFFFF80  }
0x4f: {  	[spmem:s5], [sflag:s4] =	dma.local [hbm:s1], $0x50  }
0x50: {  	_ =	swait.ge [sflag:s3], $0x50  }
0x51: {  	[sflag:s3] =	ssyncset.done $0x0  }
0x52: {  	[sflag:s3] =	ssyncadd.s32 $0xFFFFFFB0  }
0x53: {  	[bflag:$0x0] =	sbarrier.arrive $0xFFFF  }
0x54: {  	s1 =	rddreg [dreg:$0x8]  }
0x55: {  	[spmem:s2] =	stream.indirect.scatter.add.f32 [tilespmem:s9], [sflag:$0x1], $0x1, s31, s10, $0xb8;
	[tilespmem:$0x2B00] =	vst v63  }
0x56: {  	[smem:$0x7D9] =	sst s0  }
0x57: {  	[spmem:s2] =	stream.indirect.scatter.add.f32 [tilespmem:s9], [sflag:$0x1], $0x1, s1, s10, $0xb8;
	[tilespmem:$0x2B00] =	vst v63  }
0x58: {  	s0 =	rddreg [dreg:$0x9]  }
0x59: {  	[spmem:s2] =	stream.indirect.scatter.add.f32 [tilespmem:s9], [sflag:$0x1], $0x1, s0, s10, $0xb8;
	[tilespmem:$0x2B00] =	vst v63  }
0x5a: {  	s1 =	rddreg [dreg:$0xa]  }
0x5b: {  	[spmem:s2] =	stream.indirect.scatter.add.f32 [tilespmem:s9], [sflag:$0x1], $0x1, s1, s10, $0xb8;
	[tilespmem:$0x2B00] =	vst v63  }
0x5c: {  	s0 =	rddreg [dreg:$0xb]  }
0x5d: {  	[spmem:s2] =	stream.indirect.scatter.add.f32 [tilespmem:s9], [sflag:$0x1], $0x1, s0, s10, $0xb8;
	[tilespmem:$0x2B00] =	vst v63  }
0x5e: {  	s1 =	rddreg [dreg:$0xc]  }
0x5f: {  	[spmem:s2] =	stream.indirect.scatter.add.f32 [tilespmem:s9], [sflag:$0x1], $0x1, s1, s10, $0xb8;
	[tilespmem:$0x2B00] =	vst v63  }
0x60: {  	s0 =	rddreg [dreg:$0xd]  }
0x61: {  	[spmem:s2] =	stream.indirect.scatter.add.f32 [tilespmem:s9], [sflag:$0x1], $0x1, s0, s10, $0xb8;
	[tilespmem:$0x2B00] =	vst v63  }
0x62: {  	s1 =	rddreg [dreg:$0xe]  }
0x63: {  	[spmem:s2] =	stream.indirect.scatter.add.f32 [tilespmem:s9], [sflag:$0x1], $0x1, s1, s10, $0xb8;
	[tilespmem:$0x2B00] =	vst v63  }
0x64: {  	s0 =	rddreg [dreg:$0xf]  }
0x65: {  	[spmem:s2] =	stream.indirect.scatter.add.f32 [tilespmem:s9], [sflag:$0x1], $0x1, s0, s10, $0xb8;
	[tilespmem:$0x2B00] =	vst v63  }
0x66: {  	s1 =	rddreg [dreg:$0x10]  }
0x67: {  	[spmem:s2] =	stream.indirect.scatter.add.f32 [tilespmem:s9], [sflag:$0x1], $0x1, s1, s10, $0xb8;
	[tilespmem:$0x2B00] =	vst v63  }
0x68: {  	s0 =	rddreg [dreg:$0x11]  }
0x69: {  	[spmem:s2] =	stream.indirect.scatter.add.f32 [tilespmem:s9], [sflag:$0x1], $0x1, s0, s10, $0xb8;
	[tilespmem:$0x2B00] =	vst v63  }
0x6a: {  	s1 =	rddreg [dreg:$0x12]  }
0x6b: {  	[spmem:s2] =	stream.indirect.scatter.add.f32 [tilespmem:s9], [sflag:$0x1], $0x1, s1, s10, $0xb8;
	[tilespmem:$0x2B00] =	vst v63  }
0x6c: {  	s0 =	rddreg [dreg:$0x13]  }
0x6d: {  	[spmem:s2] =	stream.indirect.scatter.add.f32 [tilespmem:s9], [sflag:$0x1], $0x1, s0, s10, $0xb8;
	[tilespmem:$0x2B00] =	vst v63  }
0x6e: {  	s1 =	rddreg [dreg:$0x14]  }
0x6f: {  	[spmem:s2] =	stream.indirect.scatter.add.f32 [tilespmem:s9], [sflag:$0x1], $0x1, s1, s10, $0xb8;
	[tilespmem:$0x2B00] =	vst v63  }
0x70: {  	s0 =	rddreg [dreg:$0x15]  }
0x71: {  	[spmem:s2] =	stream.indirect.scatter.add.f32 [tilespmem:s9], [sflag:$0x1], $0x1, s0, s10, $0xb8;
	[tilespmem:$0x2B00] =	vst v63  }
0x72: {  	s1 =	rddreg [dreg:$0x16]  }
0x73: {  	[spmem:s2] =	stream.indirect.scatter.add.f32 [tilespmem:s9], [sflag:$0x1], $0x1, s1, s10, $0xb8;
	[tilespmem:$0x2B00] =	vst v63  }
0x74: {  	_ =	swait.ge [sflag:s6], $0x7D  }
0x75: {  	[sflag:s6] =	ssyncset.done $0x0  }
0x76: {  	s1 =	rddreg [dreg:$0x17];
	[sflag:s6] =	ssyncadd.s32 $0xFFFFFF83  }
0x77: {  	[spmem:s2] =	stream.indirect.scatter.add.f32 [tilespmem:s9], [sflag:$0x1], $0x1, s1, s10, $0xb8;
	[tilespmem:$0x2B00] =	vst v63  }
0x78: {  	_ =	swait.ge [sflag:s6], $0x7D  }
0x79: {  	[sflag:s6] =	ssyncset.done $0x0  }
0x7a: {  	s1 =	rddreg [dreg:$0x18];
	[sflag:s6] =	ssyncadd.s32 $0xFFFFFF83  }
0x7b: {  	[spmem:s2] =	stream.indirect.scatter.add.f32 [tilespmem:s9], [sflag:$0x1], $0x1, s1, s10, $0xb8;
	[tilespmem:$0x2B00] =	vst v63  }
0x7c: {  	_ =	swait.ge [sflag:s6], $0x7D  }
0x7d: {  	[sflag:s6] =	ssyncset.done $0x0  }
0x7e: {  	s1 =	rddreg [dreg:$0x19];
	[sflag:s6] =	ssyncadd.s32 $0xFFFFFF83  }
0x7f: {  	[spmem:s2] =	stream.indirect.scatter.add.f32 [tilespmem:s9], [sflag:$0x1], $0x1, s1, s10, $0xb8;
	[tilespmem:$0x2B00] =	vst v63  }
0x80: {  	_ =	swait.ge [sflag:s6], $0x7D  }
0x81: {  	[sflag:s6] =	ssyncset.done $0x0  }
0x82: {  	s1 =	rddreg [dreg:$0x1a];
	[sflag:s6] =	ssyncadd.s32 $0xFFFFFF83  }
0x83: {  	[spmem:s2] =	stream.indirect.scatter.add.f32 [tilespmem:s9], [sflag:$0x1], $0x1, s1, s10, $0xb8;
	[tilespmem:$0x2B00] =	vst v63  }
0x84: {  	_ =	swait.ge [sflag:s6], $0x7D  }
0x85: {  	[sflag:s6] =	ssyncset.done $0x0  }
0x86: {  	s1 =	rddreg [dreg:$0x1b];
	[sflag:s6] =	ssyncadd.s32 $0xFFFFFF83  }
0x87: {  	[spmem:s2] =	stream.indirect.scatter.add.f32 [tilespmem:s9], [sflag:$0x1], $0x1, s1, s10, $0xb8;
	[tilespmem:$0x2B00] =	vst v63  }
0x88: {  	_ =	swait.ge [sflag:s6], $0x7D  }
0x89: {  	[sflag:s6] =	ssyncset.done $0x0  }
0x8a: {  	s1 =	rddreg [dreg:$0x1c];
	[sflag:s6] =	ssyncadd.s32 $0xFFFFFF83  }
0x8b: {  	[spmem:s2] =	stream.indirect.scatter.add.f32 [tilespmem:s9], [sflag:$0x1], $0x1, s1, s10, $0xb8;
	[tilespmem:$0x2B00] =	vst v63  }
0x8c: {  	_ =	swait.ge [sflag:s6], $0x7D  }
0x8d: {  	[sflag:s6] =	ssyncset.done $0x0  }
0x8e: {  	s1 =	rddreg [dreg:$0x1d];
	[sflag:s6] =	ssyncadd.s32 $0xFFFFFF83  }
0x8f: {  	[spmem:s2] =	stream.indirect.scatter.add.f32 [tilespmem:s9], [sflag:$0x1], $0x1, s1, s10, $0xb8;
	[tilespmem:$0x2B00] =	vst v63  }
0x90: {  	_ =	swait.ge [sflag:s6], $0x7D  }
0x91: {  	[sflag:s6] =	ssyncset.done $0x0  }
0x92: {  	s1 =	rddreg [dreg:$0x1e];
	[sflag:s6] =	ssyncadd.s32 $0xFFFFFF83  }
0x93: {  	[spmem:s2] =	stream.indirect.scatter.add.f32 [tilespmem:s9], [sflag:$0x1], $0x1, s1, s10, $0xb8;
	[tilespmem:$0x2B00] =	vst v63  }
0x94: {  	_ =	swait.ge [sflag:s6], $0x7D  }
0x95: {  	[sflag:s6] =	ssyncset.done $0x0  }
0x96: {  	s1 =	rddreg [dreg:$0x1f];
	[sflag:s6] =	ssyncadd.s32 $0xFFFFFF83  }
0x97: {  	[spmem:s2] =	stream.indirect.scatter.add.f32 [tilespmem:s9], [sflag:$0x1], $0x1, s1, s10, $0xb8;
	[tilespmem:$0x2B00] =	vst v63  }
0x98: {  	_ =	swait.ge [sflag:s6], $0x7D  }
0x99: {  	s1 =	sld [smem:$0x7DA]  }
0x9a: {  	[sflag:s6] =	ssyncset.done $0x0  }
0x9b: {  	[sflag:s6] =	ssyncadd.s32 $0xFFFFFF83  }
0x9c: {  	[spmem:s2] =	stream.indirect.scatter.add.f32 [tilespmem:s9], [sflag:$0x1], $0x1, s1, s10, $0xb8;
	[tilespmem:$0x2B00] =	vst v63  }
0x9d: {  	_ =	swait.ge [sflag:s6], $0x7D  }
0x9e: {  	s1 =	sld [smem:$0x7DB]  }
0x9f: {  	[sflag:s6] =	ssyncset.done $0x0  }
0xa0: {  	[sflag:s6] =	ssyncadd.s32 $0xFFFFFF83  }
0xa1: {  	[spmem:s2] =	stream.indirect.scatter.add.f32 [tilespmem:s9], [sflag:$0x1], $0x1, s1, s10, $0xb8;
	[tilespmem:$0x2B00] =	vst v63  }
0xa2: {  	_ =	swait.ge [sflag:s6], $0x7D  }
0xa3: {  	s1 =	sld [smem:$0x7DC]  }
0xa4: {  	[sflag:s6] =	ssyncset.done $0x0  }
0xa5: {  	[sflag:s6] =	ssyncadd.s32 $0xFFFFFF83  }
0xa6: {  	[spmem:s2] =	stream.indirect.scatter.add.f32 [tilespmem:s9], [sflag:$0x1], $0x1, s1, s10, $0xb8;
	[tilespmem:$0x2B00] =	vst v63  }
0xa7: {  	_ =	swait.ge [sflag:s6], $0x7D  }
0xa8: {  	s1 =	sld [smem:$0x7DD]  }
0xa9: {  	[sflag:s6] =	ssyncset.done $0x0  }
0xaa: {  	[sflag:s6] =	ssyncadd.s32 $0xFFFFFF83  }
0xab: {  	[spmem:s2] =	stream.indirect.scatter.add.f32 [tilespmem:s9], [sflag:$0x1], $0x1, s1, s10, $0xb8;
	[tilespmem:$0x2B00] =	vst v63  }
0xac: {  	_ =	swait.ge [sflag:s6], $0x7D  }
0xad: {  	s1 =	sld [smem:$0x7DE]  }
0xae: {  	[sflag:s6] =	ssyncset.done $0x0  }
0xaf: {  	[sflag:s6] =	ssyncadd.s32 $0xFFFFFF83  }
0xb0: {  	[spmem:s2] =	stream.indirect.scatter.add.f32 [tilespmem:s9], [sflag:$0x1], $0x1, s1, s10, $0xb8;
	[tilespmem:$0x2B00] =	vst v63  }
0xb1: {  	_ =	swait.ge [sflag:s6], $0x7D  }
0xb2: {  	s1 =	sld [smem:$0x7DF]  }
0xb3: {  	[sflag:s6] =	ssyncset.done $0x0  }
0xb4: {  	[sflag:s6] =	ssyncadd.s32 $0xFFFFFF83  }
0xb5: {  	[spmem:s2] =	stream.indirect.scatter.add.f32 [tilespmem:s9], [sflag:$0x1], $0x1, s1, s10, $0xb8;
	[tilespmem:$0x2B00] =	vst v63  }
0xb6: {  	_ =	swait.ge [sflag:s6], $0x7D  }
0xb7: {  	s1 =	sld [smem:$0x7E0]  }
0xb8: {  	[sflag:s6] =	ssyncset.done $0x0  }
0xb9: {  	[sflag:s6] =	ssyncadd.s32 $0xFFFFFF83  }
0xba: {  	[spmem:s2] =	stream.indirect.scatter.add.f32 [tilespmem:s9], [sflag:$0x1], $0x1, s1, s10, $0xb8;
	[tilespmem:$0x2B00] =	vst v63  }
0xbb: {  	_ =	swait.ge [sflag:s6], $0x7D  }
0xbc: {  	s1 =	sld [smem:$0x7E1]  }
0xbd: {  	[sflag:s6] =	ssyncset.done $0x0  }
0xbe: {  	[sflag:s6] =	ssyncadd.s32 $0xFFFFFF83  }
0xbf: {  	[spmem:s2] =	stream.indirect.scatter.add.f32 [tilespmem:s9], [sflag:$0x1], $0x1, s1, s10, $0xb8;
	[tilespmem:$0x2B00] =	vst v63  }
0xc0: {  	_ =	swait.ge [sflag:s6], $0x7D  }
0xc1: {  	s1 =	sld [smem:$0x7E2]  }
0xc2: {  	[sflag:s6] =	ssyncset.done $0x0  }
0xc3: {  	[sflag:s6] =	ssyncadd.s32 $0xFFFFFF83  }
0xc4: {  	[spmem:s2] =	stream.indirect.scatter.add.f32 [tilespmem:s9], [sflag:$0x1], $0x1, s1, s10, $0xb8;
	[tilespmem:$0x2B00] =	vst v63  }
0xc5: {  	_ =	swait.ge [sflag:s6], $0x7D  }
0xc6: {  	s1 =	sld [smem:$0x7E3]  }
0xc7: {  	[sflag:s6] =	ssyncset.done $0x0  }
0xc8: {  	[sflag:s6] =	ssyncadd.s32 $0xFFFFFF83  }
0xc9: {  	[spmem:s2] =	stream.indirect.scatter.add.f32 [tilespmem:s9], [sflag:$0x1], $0x1, s1, s10, $0xb8;
	[tilespmem:$0x2B00] =	vst v63  }
0xca: {  	_ =	swait.ge [sflag:s6], $0x7D  }
0xcb: {  	s1 =	sld [smem:$0x7E4]  }
0xcc: {  	[sflag:s6] =	ssyncset.done $0x0  }
0xcd: {  	[sflag:s6] =	ssyncadd.s32 $0xFFFFFF83  }
0xce: {  	[spmem:s2] =	stream.indirect.scatter.add.f32 [tilespmem:s9], [sflag:$0x1], $0x1, s1, s10, $0xb8;
	[tilespmem:$0x2B00] =	vst v63  }
0xcf: {  	_ =	swait.ge [sflag:s6], $0x7D  }
0xd0: {  	s1 =	sld [smem:$0x7E5]  }
0xd1: {  	[sflag:s6] =	ssyncset.done $0x0  }
0xd2: {  	[sflag:s6] =	ssyncadd.s32 $0xFFFFFF83  }
0xd3: {  	[spmem:s2] =	stream.indirect.scatter.add.f32 [tilespmem:s9], [sflag:$0x1], $0x1, s1, s10, $0xb8;
	[tilespmem:$0x2B00] =	vst v63  }
0xd4: {  	_ =	swait.ge [sflag:s6], $0x7D  }
0xd5: {  	s1 =	sld [smem:$0x7E6]  }
0xd6: {  	[sflag:s6] =	ssyncset.done $0x0  }
0xd7: {  	[sflag:s6] =	ssyncadd.s32 $0xFFFFFF83  }
0xd8: {  	[spmem:s2] =	stream.indirect.scatter.add.f32 [tilespmem:s9], [sflag:$0x1], $0x1, s1, s10, $0xb8;
	[tilespmem:$0x2B00] =	vst v63  }
0xd9: {  	_ =	swait.ge [sflag:s6], $0x7D  }
0xda: {  	s1 =	sld [smem:$0x7E7]  }
0xdb: {  	[sflag:s6] =	ssyncset.done $0x0  }
0xdc: {  	[sflag:s6] =	ssyncadd.s32 $0xFFFFFF83  }
0xdd: {  	[spmem:s2] =	stream.indirect.scatter.add.f32 [tilespmem:s9], [sflag:$0x1], $0x1, s1, s10, $0xb8;
	[tilespmem:$0x2B00] =	vst v63  }
0xde: {  	_ =	swait.ge [sflag:s6], $0x7D  }
0xdf: {  	s1 =	sld [smem:$0x7E8]  }
0xe0: {  	[sflag:s6] =	ssyncset.done $0x0  }
0xe1: {  	[sflag:s6] =	ssyncadd.s32 $0xFFFFFF83  }
0xe2: {  	[spmem:s2] =	stream.indirect.scatter.add.f32 [tilespmem:s9], [sflag:$0x1], $0x1, s1, s10, $0xb8;
	[tilespmem:$0x2B00] =	vst v63  }
0xe3: {  	_ =	swait.ge [sflag:s6], $0x7D  }
0xe4: {  	s1 =	sld [smem:$0x7E9]  }
0xe5: {  	[sflag:s6] =	ssyncset.done $0x0  }
0xe6: {  	[sflag:s6] =	ssyncadd.s32 $0xFFFFFF83  }
0xe7: {  	[spmem:s2] =	stream.indirect.scatter.add.f32 [tilespmem:s9], [sflag:$0x1], $0x1, s1, s10, $0xb8;
	[tilespmem:$0x2B00] =	vst v63  }
0xe8: {  	_ =	swait.ge [sflag:s6], $0x7D  }
0xe9: {  	s1 =	sld [smem:$0x7EA]  }
0xea: {  	[sflag:s6] =	ssyncset.done $0x0  }
0xeb: {  	[sflag:s6] =	ssyncadd.s32 $0xFFFFFF83  }
0xec: {  	[spmem:s2] =	stream.indirect.scatter.add.f32 [tilespmem:s9], [sflag:$0x1], $0x1, s1, s10, $0xb8;
	[tilespmem:$0x2B00] =	vst v63  }
0xed: {  	_ =	swait.ge [sflag:s6], $0x7D  }
0xee: {  	s1 =	sld [smem:$0x7EB]  }
0xef: {  	[sflag:s6] =	ssyncset.done $0x0  }
0xf0: {  	[sflag:s6] =	ssyncadd.s32 $0xFFFFFF83  }
0xf1: {  	[spmem:s2] =	stream.indirect.scatter.add.f32 [tilespmem:s9], [sflag:$0x1], $0x1, s1, s10, $0xb8;
	[tilespmem:$0x2B00] =	vst v63  }
0xf2: {  	_ =	swait.ge [sflag:s6], $0x7D  }
0xf3: {  	s1 =	sld [smem:$0x7EC]  }
0xf4: {  	[sflag:s6] =	ssyncset.done $0x0  }
0xf5: {  	[sflag:s6] =	ssyncadd.s32 $0xFFFFFF83  }
0xf6: {  	[spmem:s2] =	stream.indirect.scatter.add.f32 [tilespmem:s9], [sflag:$0x1], $0x1, s1, s10, $0xb8;
	[tilespmem:$0x2B00] =	vst v63  }
0xf7: {  	_ =	swait.ge [sflag:s6], $0x7D  }
0xf8: {  	s1 =	sld [smem:$0x7ED]  }
0xf9: {  	[sflag:s6] =	ssyncset.done $0x0  }
0xfa: {  	[sflag:s6] =	ssyncadd.s32 $0xFFFFFF83  }
0xfb: {  	[spmem:s2] =	stream.indirect.scatter.add.f32 [tilespmem:s9], [sflag:$0x1], $0x1, s1, s10, $0xb8;
	[tilespmem:$0x2B00] =	vst v63  }
0xfc: {  	_ =	swait.ge [sflag:s6], $0x7D  }
0xfd: {  	s1 =	sld [smem:$0x7EE]  }
0xfe: {  	[sflag:s6] =	ssyncset.done $0x0  }
0xff: {  	[sflag:s6] =	ssyncadd.s32 $0xFFFFFF83  }
0x100: {  	[spmem:s2] =	stream.indirect.scatter.add.f32 [tilespmem:s9], [sflag:$0x1], $0x1, s1, s10, $0xb8;
	[tilespmem:$0x2B00] =	vst v63  }
0x101: {  	_ =	swait.ge [sflag:s6], $0x7D  }
0x102: {  	s1 =	sld [smem:$0x7EF]  }
0x103: {  	[sflag:s6] =	ssyncset.done $0x0  }
0x104: {  	[sflag:s6] =	ssyncadd.s32 $0xFFFFFF83  }
0x105: {  	[spmem:s2] =	stream.indirect.scatter.add.f32 [tilespmem:s9], [sflag:$0x1], $0x1, s1, s10, $0xb8;
	[tilespmem:$0x2B00] =	vst v63  }
0x106: {  	_ =	swait.ge [sflag:s6], $0x7D  }
0x107: {  	s1 =	sld [smem:$0x7F0]  }
0x108: {  	[sflag:s6] =	ssyncset.done $0x0  }
0x109: {  	[sflag:s6] =	ssyncadd.s32 $0xFFFFFF83  }
0x10a: {  	[spmem:s2] =	stream.indirect.scatter.add.f32 [tilespmem:s9], [sflag:$0x1], $0x1, s1, s10, $0xb8;
	[tilespmem:$0x2B00] =	vst v63  }
0x10b: {  	_ =	swait.ge [sflag:s6], $0x7D  }
0x10c: {  	s1 =	sld [smem:$0x7F1]  }
0x10d: {  	[sflag:s6] =	ssyncset.done $0x0  }
0x10e: {  	[sflag:s6] =	ssyncadd.s32 $0xFFFFFF83  }
0x10f: {  	[spmem:s2] =	stream.indirect.scatter.add.f32 [tilespmem:s9], [sflag:$0x1], $0x1, s1, s10, $0xb8;
	[tilespmem:$0x2B00] =	vst v63  }
0x110: {  	_ =	swait.ge [sflag:s6], $0x7D  }
0x111: {  	s1 =	sld [smem:$0x7F2]  }
0x112: {  	[sflag:s6] =	ssyncset.done $0x0  }
0x113: {  	[sflag:s6] =	ssyncadd.s32 $0xFFFFFF83  }
0x114: {  	[spmem:s2] =	stream.indirect.scatter.add.f32 [tilespmem:s9], [sflag:$0x1], $0x1, s1, s10, $0xb8;
	[tilespmem:$0x2B00] =	vst v63  }
0x115: {  	_ =	swait.ge [sflag:s6], $0x7D  }
0x116: {  	s1 =	sld [smem:$0x7F3]  }
0x117: {  	[sflag:s6] =	ssyncset.done $0x0  }
0x118: {  	[sflag:s6] =	ssyncadd.s32 $0xFFFFFF83  }
0x119: {  	[spmem:s2] =	stream.indirect.scatter.add.f32 [tilespmem:s9], [sflag:$0x1], $0x1, s1, s10, $0xb8;
	[tilespmem:$0x2B00] =	vst v63  }
0x11a: {  	_ =	swait.ge [sflag:s6], $0x7D  }
0x11b: {  	s1 =	sld [smem:$0x7F4]  }
0x11c: {  	[sflag:s6] =	ssyncset.done $0x0  }
0x11d: {  	[sflag:s6] =	ssyncadd.s32 $0xFFFFFF83  }
0x11e: {  	[spmem:s2] =	stream.indirect.scatter.add.f32 [tilespmem:s9], [sflag:$0x1], $0x1, s1, s10, $0xb8;
	[tilespmem:$0x2B00] =	vst v63  }
0x11f: {  	_ =	swait.ge [sflag:s6], $0x7D  }
0x120: {  	s1 =	sld [smem:$0x7F5]  }
0x121: {  	[sflag:s6] =	ssyncset.done $0x0  }
0x122: {  	[sflag:s6] =	ssyncadd.s32 $0xFFFFFF83  }
0x123: {  	[spmem:s2] =	stream.indirect.scatter.add.f32 [tilespmem:s9], [sflag:$0x1], $0x1, s1, s10, $0xb8;
	[tilespmem:$0x2B00] =	vst v63  }
0x124: {  	_ =	swait.ge [sflag:s6], $0x7D  }
0x125: {  	s1 =	sld [smem:$0x7F6]  }
0x126: {  	[sflag:s6] =	ssyncset.done $0x0  }
0x127: {  	[sflag:s6] =	ssyncadd.s32 $0xFFFFFF83  }
0x128: {  	[spmem:s2] =	stream.indirect.scatter.add.f32 [tilespmem:s9], [sflag:$0x1], $0x1, s1, s10, $0xb8;
	[tilespmem:$0x2B00] =	vst v63  }
0x129: {  	_ =	swait.ge [sflag:s6], $0x7D  }
0x12a: {  	s1 =	sld [smem:$0x7F7]  }
0x12b: {  	[sflag:s6] =	ssyncset.done $0x0  }
0x12c: {  	[sflag:s6] =	ssyncadd.s32 $0xFFFFFF83  }
0x12d: {  	[spmem:s2] =	stream.indirect.scatter.add.f32 [tilespmem:s9], [sflag:$0x1], $0x1, s1, s10, $0xb8;
	[tilespmem:$0x2B00] =	vst v63  }
0x12e: {  	_ =	swait.ge [sflag:s6], $0x7D  }
0x12f: {  	s1 =	sld [smem:$0x7F8]  }
0x130: {  	[sflag:s6] =	ssyncset.done $0x0  }
0x131: {  	[sflag:s6] =	ssyncadd.s32 $0xFFFFFF83  }
0x132: {  	[spmem:s2] =	stream.indirect.scatter.add.f32 [tilespmem:s9], [sflag:$0x1], $0x1, s1, s10, $0xb8;
	[tilespmem:$0x2B00] =	vst v63  }
0x133: {  	_ =	swait.ge [sflag:s6], $0x7D  }
0x134: {  	s1 =	sld [smem:$0x7F9]  }
0x135: {  	[sflag:s6] =	ssyncset.done $0x0  }
0x136: {  	[sflag:s6] =	ssyncadd.s32 $0xFFFFFF83  }
0x137: {  	[spmem:s2] =	stream.indirect.scatter.add.f32 [tilespmem:s9], [sflag:$0x1], $0x1, s1, s10, $0xb8;
	[tilespmem:$0x2B00] =	vst v63  }
0x138: {  	_ =	swait.ge [sflag:s6], $0x7D  }
0x139: {  	s1 =	sld [smem:$0x7FA]  }
0x13a: {  	[sflag:s6] =	ssyncset.done $0x0  }
0x13b: {  	[sflag:s6] =	ssyncadd.s32 $0xFFFFFF83  }
0x13c: {  	[spmem:s2] =	stream.indirect.scatter.add.f32 [tilespmem:s9], [sflag:$0x1], $0x1, s1, s10, $0xb8;
	[tilespmem:$0x2B00] =	vst v63  }
0x13d: {  	_ =	swait.ge [sflag:s6], $0x7D  }
0x13e: {  	s1 =	sld [smem:$0x7FB]  }
0x13f: {  	[sflag:s6] =	ssyncset.done $0x0  }
0x140: {  	[sflag:s6] =	ssyncadd.s32 $0xFFFFFF83  }
0x141: {  	[spmem:s2] =	stream.indirect.scatter.add.f32 [tilespmem:s9], [sflag:$0x1], $0x1, s1, s10, $0xb8;
	[tilespmem:$0x2B00] =	vst v63  }
0x142: {  	_ =	swait.ge [sflag:s6], $0x7D  }
0x143: {  	s1 =	sld [smem:$0x7FC]  }
0x144: {  	[sflag:s6] =	ssyncset.done $0x0  }
0x145: {  	[sflag:s6] =	ssyncadd.s32 $0xFFFFFF83  }
0x146: {  	[spmem:s2] =	stream.indirect.scatter.add.f32 [tilespmem:s9], [sflag:$0x1], $0x1, s1, s10, $0xb8;
	[tilespmem:$0x2B00] =	vst v63  }
0x147: {  	_ =	swait.ge [sflag:s6], $0x7D  }
0x148: {  	s1 =	sld [smem:$0x7FD]  }
0x149: {  	[sflag:s6] =	ssyncset.done $0x0  }
0x14a: {  	[sflag:s6] =	ssyncadd.s32 $0xFFFFFF83  }
0x14b: {  	[spmem:s2] =	stream.indirect.scatter.add.f32 [tilespmem:s9], [sflag:$0x1], $0x1, s1, s10, $0xb8;
	[tilespmem:$0x2B00] =	vst v63  }
0x14c: {  	_ =	swait.ge [sflag:s6], $0x7D  }
0x14d: {  	[sflag:s6] =	ssyncset.done $0x0  }
0x14e: {  	[sflag:s6] =	ssyncadd.s32 $0xFFFFFF83  }
0x14f: {  	[spmem:s2] =	stream.indirect.scatter.add.f32 [tilespmem:s9], [sflag:$0x1], $0x1, s30, s10, $0xb8;
	[tilespmem:$0x2B00] =	vst v63  }
0x150: {  	_ =	swait.ge [sflag:s6], $0x7D  }
0x151: {  	[sflag:s6] =	ssyncset.done $0x0  }
0x152: {  	[sflag:s6] =	ssyncadd.s32 $0xFFFFFF83  }
0x153: {  	[spmem:s2] =	stream.indirect.scatter.add.f32 [tilespmem:s9], [sflag:$0x1], $0x1, s29, s10, $0xb8;
	[tilespmem:$0x2B00] =	vst v63  }
0x154: {  	_ =	swait.ge [sflag:s6], $0x7D  }
0x155: {  	[sflag:s6] =	ssyncset.done $0x0  }
0x156: {  	[sflag:s6] =	ssyncadd.s32 $0xFFFFFF83  }
0x157: {  	[spmem:s2] =	stream.indirect.scatter.add.f32 [tilespmem:s9], [sflag:$0x1], $0x1, s28, s10, $0xb8;
	[tilespmem:$0x2B00] =	vst v63  }
0x158: {  	_ =	swait.ge [sflag:s6], $0x7D  }
0x159: {  	[sflag:s6] =	ssyncset.done $0x0  }
0x15a: {  	[sflag:s6] =	ssyncadd.s32 $0xFFFFFF83  }
0x15b: {  	[spmem:s2] =	stream.indirect.scatter.add.f32 [tilespmem:s9], [sflag:$0x1], $0x1, s26, s10, $0xb8;
	[tilespmem:$0x2B00] =	vst v63  }
0x15c: {  	_ =	swait.ge [sflag:s6], $0x7D  }
0x15d: {  	[sflag:s6] =	ssyncset.done $0x0  }
0x15e: {  	[sflag:s6] =	ssyncadd.s32 $0xFFFFFF83  }
0x15f: {  	[spmem:s2] =	stream.indirect.scatter.add.f32 [tilespmem:s9], [sflag:$0x1], $0x1, s25, s10, $0xb8;
	[tilespmem:$0x2B00] =	vst v63  }
0x160: {  	_ =	swait.ge [sflag:s6], $0x7D  }
0x161: {  	[sflag:s6] =	ssyncset.done $0x0  }
0x162: {  	[sflag:s6] =	ssyncadd.s32 $0xFFFFFF83  }
0x163: {  	[spmem:s2] =	stream.indirect.scatter.add.f32 [tilespmem:s9], [sflag:$0x1], $0x1, s24, s10, $0xb8;
	[tilespmem:$0x2B00] =	vst v63  }
0x164: {  	_ =	swait.ge [sflag:s6], $0x7D  }
0x165: {  	[sflag:s6] =	ssyncset.done $0x0  }
0x166: {  	[sflag:s6] =	ssyncadd.s32 $0xFFFFFF83  }
0x167: {  	[spmem:s2] =	stream.indirect.scatter.add.f32 [tilespmem:s9], [sflag:$0x1], $0x1, s23, s10, $0xb8;
	[tilespmem:$0x2B00] =	vst v63  }
0x168: {  	_ =	swait.ge [sflag:s6], $0x7D  }
0x169: {  	[sflag:s6] =	ssyncset.done $0x0  }
0x16a: {  	[sflag:s6] =	ssyncadd.s32 $0xFFFFFF83  }
0x16b: {  	[spmem:s2] =	stream.indirect.scatter.add.f32 [tilespmem:s9], [sflag:$0x1], $0x1, s22, s10, $0xb8;
	[tilespmem:$0x2B00] =	vst v63  }
0x16c: {  	_ =	swait.ge [sflag:s6], $0x7D  }
0x16d: {  	[sflag:s6] =	ssyncset.done $0x0  }
0x16e: {  	[sflag:s6] =	ssyncadd.s32 $0xFFFFFF83  }
0x16f: {  	[spmem:s2] =	stream.indirect.scatter.add.f32 [tilespmem:s9], [sflag:$0x1], $0x1, s21, s10, $0xb8;
	[tilespmem:$0x2B00] =	vst v63  }
0x170: {  	_ =	swait.ge [sflag:s6], $0x7D  }
0x171: {  	[sflag:s6] =	ssyncset.done $0x0  }
0x172: {  	[sflag:s6] =	ssyncadd.s32 $0xFFFFFF83  }
0x173: {  	[spmem:s2] =	stream.indirect.scatter.add.f32 [tilespmem:s9], [sflag:$0x1], $0x1, s20, s10, $0xb8;
	[tilespmem:$0x2B00] =	vst v63  }
0x174: {  	_ =	swait.ge [sflag:s6], $0x7D  }
0x175: {  	[sflag:s6] =	ssyncset.done $0x0  }
0x176: {  	[sflag:s6] =	ssyncadd.s32 $0xFFFFFF83  }
0x177: {  	[spmem:s2] =	stream.indirect.scatter.add.f32 [tilespmem:s9], [sflag:$0x1], $0x1, s19, s10, $0xb8;
	[tilespmem:$0x2B00] =	vst v63  }
0x178: {  	_ =	swait.ge [sflag:s6], $0x7D  }
0x179: {  	[sflag:s6] =	ssyncset.done $0x0  }
0x17a: {  	[sflag:s6] =	ssyncadd.s32 $0xFFFFFF83  }
0x17b: {  	[spmem:s2] =	stream.indirect.scatter.add.f32 [tilespmem:s9], [sflag:$0x1], $0x1, s18, s10, $0xb8;
	[tilespmem:$0x2B00] =	vst v63  }
0x17c: {  	_ =	swait.ge [sflag:s6], $0x7D  }
0x17d: {  	[sflag:s6] =	ssyncset.done $0x0  }
0x17e: {  	[sflag:s6] =	ssyncadd.s32 $0xFFFFFF83  }
0x17f: {  	[spmem:s2] =	stream.indirect.scatter.add.f32 [tilespmem:s9], [sflag:$0x1], $0x1, s17, s10, $0xb8;
	[tilespmem:$0x2B00] =	vst v63  }
0x180: {  	_ =	swait.ge [sflag:s6], $0x7D  }
0x181: {  	[sflag:s6] =	ssyncset.done $0x0  }
0x182: {  	[sflag:s6] =	ssyncadd.s32 $0xFFFFFF83  }
0x183: {  	[spmem:s2] =	stream.indirect.scatter.add.f32 [tilespmem:s9], [sflag:$0x1], $0x1, s16, s10, $0xb8;
	[tilespmem:$0x2B00] =	vst v63  }
0x184: {  	_ =	swait.ge [sflag:s6], $0x7D  }
0x185: {  	[sflag:s6] =	ssyncset.done $0x0  }
0x186: {  	[sflag:s6] =	ssyncadd.s32 $0xFFFFFF83  }
0x187: {  	[spmem:s2] =	stream.indirect.scatter.add.f32 [tilespmem:s9], [sflag:$0x1], $0x1, s14, s10, $0xb8;
	[tilespmem:$0x2B00] =	vst v63  }
0x188: {  	_ =	swait.ge [sflag:s6], $0x7D  }
0x189: {  	[sflag:s6] =	ssyncset.done $0x0  }
0x18a: {  	[sflag:s6] =	ssyncadd.s32 $0xFFFFFF83  }
0x18b: {  	[spmem:s2] =	stream.indirect.scatter.add.f32 [tilespmem:s9], [sflag:$0x1], $0x1, s15, s10, $0xb8;
	[tilespmem:$0x2B00] =	vst v63  }
0x18c: {  	_ =	swait.ge [sflag:s6], $0x7D  }
0x18d: {  	[sflag:s6] =	ssyncset.done $0x0  }
0x18e: {  	[sflag:s6] =	ssyncadd.s32 $0xFFFFFF83  }
0x18f: {  	[spmem:s2] =	stream.indirect.scatter.add.f32 [tilespmem:s9], [sflag:$0x1], $0x1, s13, s10, $0xb8;
	[tilespmem:$0x2B00] =	vst v63  }
0x190: {  	_ =	swait.ge [sflag:s6], $0x7D  }
0x191: {  	[sflag:s6] =	ssyncset.done $0x0  }
0x192: {  	[sflag:s6] =	ssyncadd.s32 $0xFFFFFF83  }
0x193: {  	[spmem:s2] =	stream.indirect.scatter.add.f32 [tilespmem:s9], [sflag:$0x1], $0x1, s12, s10, $0xb8;
	[tilespmem:$0x2B00] =	vst v63  }
0x194: {  	_ =	swait.ge [sflag:s6], $0x7D  }
0x195: {  	[sflag:s6] =	ssyncset.done $0x0  }
0x196: {  	[sflag:s6] =	ssyncadd.s32 $0xFFFFFF83  }
0x197: {  	[spmem:s2] =	stream.indirect.scatter.add.f32 [tilespmem:s9], [sflag:$0x1], $0x1, s11, s10, $0xb8;
	[tilespmem:$0x2B00] =	vst v63  }
0x198: {  	_ =	swait.ge [sflag:s6], $0x7D  }
0x199: {  	[sflag:s6] =	ssyncset.done $0x0  }
0x19a: {  	[sflag:s6] =	ssyncadd.s32 $0xFFFFFF83  }
0x19b: {  	_ =	swait.ge [sflag:s6], $0x7D  }
0x19c: {  	[sflag:s6] =	ssyncset.done $0x0  }
0x19d: {  	[sflag:s6] =	ssyncadd.s32 $0xFFFFFF83  }
0x19e: {  	_ =	swait.ge [sflag:s6], $0x7D  }
0x19f: {  	[sflag:s6] =	ssyncset.done $0x0  }
0x1a0: {  	[sflag:s6] =	ssyncadd.s32 $0xFFFFFF83  }
0x1a1: {  	_ =	swait.ge [sflag:s6], $0x7D  }
0x1a2: {  	[sflag:s6] =	ssyncset.done $0x0  }
0x1a3: {  	[sflag:s6] =	ssyncadd.s32 $0xFFFFFF83  }
0x1a4: {  	_ =	swait.ge [sflag:s6], $0x7D  }
0x1a5: {  	[sflag:s6] =	ssyncset.done $0x0  }
0x1a6: {  	[sflag:s6] =	ssyncadd.s32 $0xFFFFFF83  }
0x1a7: {  	_ =	swait.ge [sflag:s6], $0x7D  }
0x1a8: {  	[sflag:s6] =	ssyncset.done $0x0  }
0x1a9: {  	[sflag:s6] =	ssyncadd.s32 $0xFFFFFF83  }
0x1aa: {  	_ =	swait.ge [sflag:s6], $0x7D  }
0x1ab: {  	[sflag:s6] =	ssyncset.done $0x0  }
0x1ac: {  	[sflag:s6] =	ssyncadd.s32 $0xFFFFFF83  }
0x1ad: {  	_ =	swait.ge [sflag:s6], $0x7D  }
0x1ae: {  	[sflag:s6] =	ssyncset.done $0x0  }
0x1af: {  	[sflag:s6] =	ssyncadd.s32 $0xFFFFFF83  }
0x1b0: {  	_ =	swait.ge [sflag:s6], $0x7D  }
0x1b1: {  	[sflag:s6] =	ssyncset.done $0x0  }
0x1b2: {  	[sflag:s6] =	ssyncadd.s32 $0xFFFFFF83  }
0x1b3: {  	_ =	swait.ge [sflag:s6], $0x7D  }
0x1b4: {  	[sflag:s6] =	ssyncset.done $0x0  }
0x1b5: {  	[sflag:s6] =	ssyncadd.s32 $0xFFFFFF83  }
0x1b6: {  	_ =	swait.ge [sflag:s6], $0x7D  }
0x1b7: {  	[sflag:s6] =	ssyncset.done $0x0  }
0x1b8: {  	[sflag:s6] =	ssyncadd.s32 $0xFFFFFF83  }
0x1b9: {  	_ =	swait.ge [sflag:s6], $0x7D  }
0x1ba: {  	[sflag:s6] =	ssyncset.done $0x0  }
0x1bb: {  	[sflag:s6] =	ssyncadd.s32 $0xFFFFFF83  }
0x1bc: {  	_ =	swait.ge [sflag:s6], $0x7D  }
0x1bd: {  	[sflag:s6] =	ssyncset.done $0x0  }
0x1be: {  	[sflag:s6] =	ssyncadd.s32 $0xFFFFFF83  }
0x1bf: {  	_ =	swait.ge [sflag:s6], $0x7D  }
0x1c0: {  	[sflag:s6] =	ssyncset.done $0x0  }
0x1c1: {  	[sflag:s6] =	ssyncadd.s32 $0xFFFFFF83  }
0x1c2: {  	_ =	swait.ge [sflag:s6], $0x7D  }
0x1c3: {  	[sflag:s6] =	ssyncset.done $0x0  }
0x1c4: {  	[sflag:s6] =	ssyncadd.s32 $0xFFFFFF83  }
0x1c5: {  	_ =	swait.ge [sflag:s6], $0x7D  }
0x1c6: {  	[sflag:s6] =	ssyncset.done $0x0  }
0x1c7: {  	[sflag:s6] =	ssyncadd.s32 $0xFFFFFF83  }
0x1c8: {  	[bflag:$0x0] =	sbarrier.arrive $0xFFFF  }
0x1c9: {  	s1 =	rddreg [dreg:$0x7]  }
0x1ca: {  	[hbm:s1@s7], [sflag:s4] =	dma.strided [spmem:s5@s8], $0x50, s6, $0x10   }
0x1cb: {  	s0 =	sld [smem:$0x7D9];
	_ =	sdelay $0x2  }
0x1cc: {  	p1 =	sne.s32 s0, $0x1  }
.Ltmp1:
0x1cd: {  	_ = 	snop;
	(pc) =	sbr.rel @!p1 .LBB2_3-.Ltmp1, $3  }
0x1ce: {  	_ =	sdelay $0x1  }
0x1cf: {  	p0 =	por $0x1, $0x1;
	_ =	swait.ge [sflag:s3], $0x50  }
0x1d0: {  	s1 =	rddreg [dreg:$0x5];
	[sflag:s3] =	ssyncset.done $0x0;
	s0 =	sadd.s32 $0xFFFFFFFF, s0  }
.LBB2_2:
0x1d1: {  	[sflag:s3] =	ssyncadd.s32 $0xFFFFFFB0  }
0x1d2: {  	[tilespmem:s31], [sflag:$0x2] =	stream.linear.gather [hbm4b:s1+s31], $0x2800, $0x38;
	[tilespmem:$0x2B00] =	vst v63  }
0x1d3: {  	_ =	swait.ge [sflag:s3], $0x2800  }
0x1d4: {  	[sflag:s3] =	ssyncset.done $0x0  }
0x1d5: {  	s7 =	rddreg [dreg:$0x4];
	[sflag:s3] =	ssyncadd.s32 $0xFFFFD800  }
0x1d6: {  	[tilespmem:s9], [sflag:$0x2] =	stream.linear.gather [hbm4b:s7+s31], $0x80, $0x38;
	[tilespmem:$0x2B00] =	vst v63  }
0x1d7: {  	_ =	swait.ge [sflag:s3], $0x80  }
0x1d8: {  	[sflag:s3] =	ssyncset.done $0x0  }
0x1d9: {  	s7 =	rddreg [dreg:$0x6];
	[sflag:s3] =	ssyncadd.s32 $0xFFFFFF80  }
0x1da: {  	[spmem:s5], [sflag:s4] =	dma.local [hbm:s7], $0x50  }
0x1db: {  	_ =	swait.ge [sflag:s3], $0x50  }
0x1dc: {  	[sflag:s3] =	ssyncset.done $0x0  }
0x1dd: {  	[sflag:s3] =	ssyncadd.s32 $0xFFFFFFB0  }
0x1de: {  	[bflag:$0x0] =	sbarrier.arrive $0xFFFF  }
0x1df: {  	[spmem:s2] =	stream.indirect.scatter.add.f32 [tilespmem:s9], [sflag:$0x1], $0x1, s31, s10, $0xb8;
	[tilespmem:$0x2B00] =	vst v63  }
0x1e0: {  	s1 =	rddreg [dreg:$0x8]  }
0x1e1: {  	[spmem:s2] =	stream.indirect.scatter.add.f32 [tilespmem:s9], [sflag:$0x1], $0x1, s1, s10, $0xb8;
	[tilespmem:$0x2B00] =	vst v63  }
0x1e2: {  	s7 =	rddreg [dreg:$0x9]  }
0x1e3: {  	[spmem:s2] =	stream.indirect.scatter.add.f32 [tilespmem:s9], [sflag:$0x1], $0x1, s7, s10, $0xb8;
	[tilespmem:$0x2B00] =	vst v63  }
0x1e4: {  	s1 =	rddreg [dreg:$0xa]  }
0x1e5: {  	[spmem:s2] =	stream.indirect.scatter.add.f32 [tilespmem:s9], [sflag:$0x1], $0x1, s1, s10, $0xb8;
	[tilespmem:$0x2B00] =	vst v63  }
0x1e6: {  	s7 =	rddreg [dreg:$0xb]  }
0x1e7: {  	[spmem:s2] =	stream.indirect.scatter.add.f32 [tilespmem:s9], [sflag:$0x1], $0x1, s7, s10, $0xb8;
	[tilespmem:$0x2B00] =	vst v63  }
0x1e8: {  	s1 =	rddreg [dreg:$0xc]  }
0x1e9: {  	[spmem:s2] =	stream.indirect.scatter.add.f32 [tilespmem:s9], [sflag:$0x1], $0x1, s1, s10, $0xb8;
	[tilespmem:$0x2B00] =	vst v63  }
0x1ea: {  	s7 =	rddreg [dreg:$0xd]  }
0x1eb: {  	[spmem:s2] =	stream.indirect.scatter.add.f32 [tilespmem:s9], [sflag:$0x1], $0x1, s7, s10, $0xb8;
	[tilespmem:$0x2B00] =	vst v63  }
0x1ec: {  	s1 =	rddreg [dreg:$0xe]  }
0x1ed: {  	[spmem:s2] =	stream.indirect.scatter.add.f32 [tilespmem:s9], [sflag:$0x1], $0x1, s1, s10, $0xb8;
	[tilespmem:$0x2B00] =	vst v63  }
0x1ee: {  	s7 =	rddreg [dreg:$0xf]  }
0x1ef: {  	[spmem:s2] =	stream.indirect.scatter.add.f32 [tilespmem:s9], [sflag:$0x1], $0x1, s7, s10, $0xb8;
	[tilespmem:$0x2B00] =	vst v63  }
0x1f0: {  	s1 =	rddreg [dreg:$0x10]  }
0x1f1: {  	[spmem:s2] =	stream.indirect.scatter.add.f32 [tilespmem:s9], [sflag:$0x1], $0x1, s1, s10, $0xb8;
	[tilespmem:$0x2B00] =	vst v63  }
0x1f2: {  	s7 =	rddreg [dreg:$0x11]  }
0x1f3: {  	[spmem:s2] =	stream.indirect.scatter.add.f32 [tilespmem:s9], [sflag:$0x1], $0x1, s7, s10, $0xb8;
	[tilespmem:$0x2B00] =	vst v63  }
0x1f4: {  	s1 =	rddreg [dreg:$0x12]  }
0x1f5: {  	[spmem:s2] =	stream.indirect.scatter.add.f32 [tilespmem:s9], [sflag:$0x1], $0x1, s1, s10, $0xb8;
	[tilespmem:$0x2B00] =	vst v63  }
0x1f6: {  	s7 =	rddreg [dreg:$0x13]  }
0x1f7: {  	[spmem:s2] =	stream.indirect.scatter.add.f32 [tilespmem:s9], [sflag:$0x1], $0x1, s7, s10, $0xb8;
	[tilespmem:$0x2B00] =	vst v63  }
0x1f8: {  	s1 =	rddreg [dreg:$0x14]  }
0x1f9: {  	[spmem:s2] =	stream.indirect.scatter.add.f32 [tilespmem:s9], [sflag:$0x1], $0x1, s1, s10, $0xb8;
	[tilespmem:$0x2B00] =	vst v63  }
0x1fa: {  	s7 =	rddreg [dreg:$0x15]  }
0x1fb: {  	[spmem:s2] =	stream.indirect.scatter.add.f32 [tilespmem:s9], [sflag:$0x1], $0x1, s7, s10, $0xb8;
	[tilespmem:$0x2B00] =	vst v63  }
0x1fc: {  	s1 =	rddreg [dreg:$0x16]  }
0x1fd: {  	[spmem:s2] =	stream.indirect.scatter.add.f32 [tilespmem:s9], [sflag:$0x1], $0x1, s1, s10, $0xb8;
	[tilespmem:$0x2B00] =	vst v63  }
0x1fe: {  	_ =	swait.ge [sflag:s6], $0x7D  }
0x1ff: {  	[sflag:s6] =	ssyncset.done $0x0  }
0x200: {  	s1 =	rddreg [dreg:$0x17];
	[sflag:s6] =	ssyncadd.s32 $0xFFFFFF83  }
0x201: {  	[spmem:s2] =	stream.indirect.scatter.add.f32 [tilespmem:s9], [sflag:$0x1], $0x1, s1, s10, $0xb8;
	[tilespmem:$0x2B00] =	vst v63  }
0x202: {  	_ =	swait.ge [sflag:s6], $0x7D  }
0x203: {  	[sflag:s6] =	ssyncset.done $0x0  }
0x204: {  	s1 =	rddreg [dreg:$0x18];
	[sflag:s6] =	ssyncadd.s32 $0xFFFFFF83  }
0x205: {  	[spmem:s2] =	stream.indirect.scatter.add.f32 [tilespmem:s9], [sflag:$0x1], $0x1, s1, s10, $0xb8;
	[tilespmem:$0x2B00] =	vst v63  }
0x206: {  	_ =	swait.ge [sflag:s6], $0x7D  }
0x207: {  	[sflag:s6] =	ssyncset.done $0x0  }
0x208: {  	s1 =	rddreg [dreg:$0x19];
	[sflag:s6] =	ssyncadd.s32 $0xFFFFFF83  }
0x209: {  	[spmem:s2] =	stream.indirect.scatter.add.f32 [tilespmem:s9], [sflag:$0x1], $0x1, s1, s10, $0xb8;
	[tilespmem:$0x2B00] =	vst v63  }
0x20a: {  	_ =	swait.ge [sflag:s6], $0x7D  }
0x20b: {  	[sflag:s6] =	ssyncset.done $0x0  }
0x20c: {  	s1 =	rddreg [dreg:$0x1a];
	[sflag:s6] =	ssyncadd.s32 $0xFFFFFF83  }
0x20d: {  	[spmem:s2] =	stream.indirect.scatter.add.f32 [tilespmem:s9], [sflag:$0x1], $0x1, s1, s10, $0xb8;
	[tilespmem:$0x2B00] =	vst v63  }
0x20e: {  	_ =	swait.ge [sflag:s6], $0x7D  }
0x20f: {  	[sflag:s6] =	ssyncset.done $0x0  }
0x210: {  	s1 =	rddreg [dreg:$0x1b];
	[sflag:s6] =	ssyncadd.s32 $0xFFFFFF83  }
0x211: {  	[spmem:s2] =	stream.indirect.scatter.add.f32 [tilespmem:s9], [sflag:$0x1], $0x1, s1, s10, $0xb8;
	[tilespmem:$0x2B00] =	vst v63  }
0x212: {  	_ =	swait.ge [sflag:s6], $0x7D  }
0x213: {  	[sflag:s6] =	ssyncset.done $0x0  }
0x214: {  	s1 =	rddreg [dreg:$0x1c];
	[sflag:s6] =	ssyncadd.s32 $0xFFFFFF83  }
0x215: {  	[spmem:s2] =	stream.indirect.scatter.add.f32 [tilespmem:s9], [sflag:$0x1], $0x1, s1, s10, $0xb8;
	[tilespmem:$0x2B00] =	vst v63  }
0x216: {  	_ =	swait.ge [sflag:s6], $0x7D  }
0x217: {  	[sflag:s6] =	ssyncset.done $0x0  }
0x218: {  	s1 =	rddreg [dreg:$0x1d];
	[sflag:s6] =	ssyncadd.s32 $0xFFFFFF83  }
0x219: {  	[spmem:s2] =	stream.indirect.scatter.add.f32 [tilespmem:s9], [sflag:$0x1], $0x1, s1, s10, $0xb8;
	[tilespmem:$0x2B00] =	vst v63  }
0x21a: {  	_ =	swait.ge [sflag:s6], $0x7D  }
0x21b: {  	[sflag:s6] =	ssyncset.done $0x0  }
0x21c: {  	s1 =	rddreg [dreg:$0x1e];
	[sflag:s6] =	ssyncadd.s32 $0xFFFFFF83  }
0x21d: {  	[spmem:s2] =	stream.indirect.scatter.add.f32 [tilespmem:s9], [sflag:$0x1], $0x1, s1, s10, $0xb8;
	[tilespmem:$0x2B00] =	vst v63  }
0x21e: {  	_ =	swait.ge [sflag:s6], $0x7D  }
0x21f: {  	[sflag:s6] =	ssyncset.done $0x0  }
0x220: {  	s1 =	rddreg [dreg:$0x1f];
	[sflag:s6] =	ssyncadd.s32 $0xFFFFFF83  }
0x221: {  	[spmem:s2] =	stream.indirect.scatter.add.f32 [tilespmem:s9], [sflag:$0x1], $0x1, s1, s10, $0xb8;
	[tilespmem:$0x2B00] =	vst v63  }
0x222: {  	_ =	swait.ge [sflag:s6], $0x7D  }
0x223: {  	s1 =	sld [smem:$0x7DA]  }
0x224: {  	[sflag:s6] =	ssyncset.done $0x0  }
0x225: {  	[sflag:s6] =	ssyncadd.s32 $0xFFFFFF83  }
0x226: {  	[spmem:s2] =	stream.indirect.scatter.add.f32 [tilespmem:s9], [sflag:$0x1], $0x1, s1, s10, $0xb8;
	[tilespmem:$0x2B00] =	vst v63  }
0x227: {  	_ =	swait.ge [sflag:s6], $0x7D  }
0x228: {  	s1 =	sld [smem:$0x7DB]  }
0x229: {  	[sflag:s6] =	ssyncset.done $0x0  }
0x22a: {  	[sflag:s6] =	ssyncadd.s32 $0xFFFFFF83  }
0x22b: {  	[spmem:s2] =	stream.indirect.scatter.add.f32 [tilespmem:s9], [sflag:$0x1], $0x1, s1, s10, $0xb8;
	[tilespmem:$0x2B00] =	vst v63  }
0x22c: {  	_ =	swait.ge [sflag:s6], $0x7D  }
0x22d: {  	s1 =	sld [smem:$0x7DC]  }
0x22e: {  	[sflag:s6] =	ssyncset.done $0x0  }
0x22f: {  	[sflag:s6] =	ssyncadd.s32 $0xFFFFFF83  }
0x230: {  	[spmem:s2] =	stream.indirect.scatter.add.f32 [tilespmem:s9], [sflag:$0x1], $0x1, s1, s10, $0xb8;
	[tilespmem:$0x2B00] =	vst v63  }
0x231: {  	_ =	swait.ge [sflag:s6], $0x7D  }
0x232: {  	s1 =	sld [smem:$0x7DD]  }
0x233: {  	[sflag:s6] =	ssyncset.done $0x0  }
0x234: {  	[sflag:s6] =	ssyncadd.s32 $0xFFFFFF83  }
0x235: {  	[spmem:s2] =	stream.indirect.scatter.add.f32 [tilespmem:s9], [sflag:$0x1], $0x1, s1, s10, $0xb8;
	[tilespmem:$0x2B00] =	vst v63  }
0x236: {  	_ =	swait.ge [sflag:s6], $0x7D  }
0x237: {  	s1 =	sld [smem:$0x7DE]  }
0x238: {  	[sflag:s6] =	ssyncset.done $0x0  }
0x239: {  	[sflag:s6] =	ssyncadd.s32 $0xFFFFFF83  }
0x23a: {  	[spmem:s2] =	stream.indirect.scatter.add.f32 [tilespmem:s9], [sflag:$0x1], $0x1, s1, s10, $0xb8;
	[tilespmem:$0x2B00] =	vst v63  }
0x23b: {  	_ =	swait.ge [sflag:s6], $0x7D  }
0x23c: {  	s1 =	sld [smem:$0x7DF]  }
0x23d: {  	[sflag:s6] =	ssyncset.done $0x0  }
0x23e: {  	[sflag:s6] =	ssyncadd.s32 $0xFFFFFF83  }
0x23f: {  	[spmem:s2] =	stream.indirect.scatter.add.f32 [tilespmem:s9], [sflag:$0x1], $0x1, s1, s10, $0xb8;
	[tilespmem:$0x2B00] =	vst v63  }
0x240: {  	_ =	swait.ge [sflag:s6], $0x7D  }
0x241: {  	s1 =	sld [smem:$0x7E0]  }
0x242: {  	[sflag:s6] =	ssyncset.done $0x0  }
0x243: {  	[sflag:s6] =	ssyncadd.s32 $0xFFFFFF83  }
0x244: {  	[spmem:s2] =	stream.indirect.scatter.add.f32 [tilespmem:s9], [sflag:$0x1], $0x1, s1, s10, $0xb8;
	[tilespmem:$0x2B00] =	vst v63  }
0x245: {  	_ =	swait.ge [sflag:s6], $0x7D  }
0x246: {  	s1 =	sld [smem:$0x7E1]  }
0x247: {  	[sflag:s6] =	ssyncset.done $0x0  }
0x248: {  	[sflag:s6] =	ssyncadd.s32 $0xFFFFFF83  }
0x249: {  	[spmem:s2] =	stream.indirect.scatter.add.f32 [tilespmem:s9], [sflag:$0x1], $0x1, s1, s10, $0xb8;
	[tilespmem:$0x2B00] =	vst v63  }
0x24a: {  	_ =	swait.ge [sflag:s6], $0x7D  }
0x24b: {  	s1 =	sld [smem:$0x7E2]  }
0x24c: {  	[sflag:s6] =	ssyncset.done $0x0  }
0x24d: {  	[sflag:s6] =	ssyncadd.s32 $0xFFFFFF83  }
0x24e: {  	[spmem:s2] =	stream.indirect.scatter.add.f32 [tilespmem:s9], [sflag:$0x1], $0x1, s1, s10, $0xb8;
	[tilespmem:$0x2B00] =	vst v63  }
0x24f: {  	_ =	swait.ge [sflag:s6], $0x7D  }
0x250: {  	s1 =	sld [smem:$0x7E3]  }
0x251: {  	[sflag:s6] =	ssyncset.done $0x0  }
0x252: {  	[sflag:s6] =	ssyncadd.s32 $0xFFFFFF83  }
0x253: {  	[spmem:s2] =	stream.indirect.scatter.add.f32 [tilespmem:s9], [sflag:$0x1], $0x1, s1, s10, $0xb8;
	[tilespmem:$0x2B00] =	vst v63  }
0x254: {  	_ =	swait.ge [sflag:s6], $0x7D  }
0x255: {  	s1 =	sld [smem:$0x7E4]  }
0x256: {  	[sflag:s6] =	ssyncset.done $0x0  }
0x257: {  	[sflag:s6] =	ssyncadd.s32 $0xFFFFFF83  }
0x258: {  	[spmem:s2] =	stream.indirect.scatter.add.f32 [tilespmem:s9], [sflag:$0x1], $0x1, s1, s10, $0xb8;
	[tilespmem:$0x2B00] =	vst v63  }
0x259: {  	_ =	swait.ge [sflag:s6], $0x7D  }
0x25a: {  	s1 =	sld [smem:$0x7E5]  }
0x25b: {  	[sflag:s6] =	ssyncset.done $0x0  }
0x25c: {  	[sflag:s6] =	ssyncadd.s32 $0xFFFFFF83  }
0x25d: {  	[spmem:s2] =	stream.indirect.scatter.add.f32 [tilespmem:s9], [sflag:$0x1], $0x1, s1, s10, $0xb8;
	[tilespmem:$0x2B00] =	vst v63  }
0x25e: {  	_ =	swait.ge [sflag:s6], $0x7D  }
0x25f: {  	s1 =	sld [smem:$0x7E6]  }
0x260: {  	[sflag:s6] =	ssyncset.done $0x0  }
0x261: {  	[sflag:s6] =	ssyncadd.s32 $0xFFFFFF83  }
0x262: {  	[spmem:s2] =	stream.indirect.scatter.add.f32 [tilespmem:s9], [sflag:$0x1], $0x1, s1, s10, $0xb8;
	[tilespmem:$0x2B00] =	vst v63  }
0x263: {  	_ =	swait.ge [sflag:s6], $0x7D  }
0x264: {  	s1 =	sld [smem:$0x7E7]  }
0x265: {  	[sflag:s6] =	ssyncset.done $0x0  }
0x266: {  	[sflag:s6] =	ssyncadd.s32 $0xFFFFFF83  }
0x267: {  	[spmem:s2] =	stream.indirect.scatter.add.f32 [tilespmem:s9], [sflag:$0x1], $0x1, s1, s10, $0xb8;
	[tilespmem:$0x2B00] =	vst v63  }
0x268: {  	_ =	swait.ge [sflag:s6], $0x7D  }
0x269: {  	s1 =	sld [smem:$0x7E8]  }
0x26a: {  	[sflag:s6] =	ssyncset.done $0x0  }
0x26b: {  	[sflag:s6] =	ssyncadd.s32 $0xFFFFFF83  }
0x26c: {  	[spmem:s2] =	stream.indirect.scatter.add.f32 [tilespmem:s9], [sflag:$0x1], $0x1, s1, s10, $0xb8;
	[tilespmem:$0x2B00] =	vst v63  }
0x26d: {  	_ =	swait.ge [sflag:s6], $0x7D  }
0x26e: {  	s1 =	sld [smem:$0x7E9]  }
0x26f: {  	[sflag:s6] =	ssyncset.done $0x0  }
0x270: {  	[sflag:s6] =	ssyncadd.s32 $0xFFFFFF83  }
0x271: {  	[spmem:s2] =	stream.indirect.scatter.add.f32 [tilespmem:s9], [sflag:$0x1], $0x1, s1, s10, $0xb8;
	[tilespmem:$0x2B00] =	vst v63  }
0x272: {  	_ =	swait.ge [sflag:s6], $0x7D  }
0x273: {  	s1 =	sld [smem:$0x7EA]  }
0x274: {  	[sflag:s6] =	ssyncset.done $0x0  }
0x275: {  	[sflag:s6] =	ssyncadd.s32 $0xFFFFFF83  }
0x276: {  	[spmem:s2] =	stream.indirect.scatter.add.f32 [tilespmem:s9], [sflag:$0x1], $0x1, s1, s10, $0xb8;
	[tilespmem:$0x2B00] =	vst v63  }
0x277: {  	_ =	swait.ge [sflag:s6], $0x7D  }
0x278: {  	s1 =	sld [smem:$0x7EB]  }
0x279: {  	[sflag:s6] =	ssyncset.done $0x0  }
0x27a: {  	[sflag:s6] =	ssyncadd.s32 $0xFFFFFF83  }
0x27b: {  	[spmem:s2] =	stream.indirect.scatter.add.f32 [tilespmem:s9], [sflag:$0x1], $0x1, s1, s10, $0xb8;
	[tilespmem:$0x2B00] =	vst v63  }
0x27c: {  	_ =	swait.ge [sflag:s6], $0x7D  }
0x27d: {  	s1 =	sld [smem:$0x7EC]  }
0x27e: {  	[sflag:s6] =	ssyncset.done $0x0  }
0x27f: {  	[sflag:s6] =	ssyncadd.s32 $0xFFFFFF83  }
0x280: {  	[spmem:s2] =	stream.indirect.scatter.add.f32 [tilespmem:s9], [sflag:$0x1], $0x1, s1, s10, $0xb8;
	[tilespmem:$0x2B00] =	vst v63  }
0x281: {  	_ =	swait.ge [sflag:s6], $0x7D  }
0x282: {  	s1 =	sld [smem:$0x7ED]  }
0x283: {  	[sflag:s6] =	ssyncset.done $0x0  }
0x284: {  	[sflag:s6] =	ssyncadd.s32 $0xFFFFFF83  }
0x285: {  	[spmem:s2] =	stream.indirect.scatter.add.f32 [tilespmem:s9], [sflag:$0x1], $0x1, s1, s10, $0xb8;
	[tilespmem:$0x2B00] =	vst v63  }
0x286: {  	_ =	swait.ge [sflag:s6], $0x7D  }
0x287: {  	s1 =	sld [smem:$0x7EE]  }
0x288: {  	[sflag:s6] =	ssyncset.done $0x0  }
0x289: {  	[sflag:s6] =	ssyncadd.s32 $0xFFFFFF83  }
0x28a: {  	[spmem:s2] =	stream.indirect.scatter.add.f32 [tilespmem:s9], [sflag:$0x1], $0x1, s1, s10, $0xb8;
	[tilespmem:$0x2B00] =	vst v63  }
0x28b: {  	_ =	swait.ge [sflag:s6], $0x7D  }
0x28c: {  	s1 =	sld [smem:$0x7EF]  }
0x28d: {  	[sflag:s6] =	ssyncset.done $0x0  }
0x28e: {  	[sflag:s6] =	ssyncadd.s32 $0xFFFFFF83  }
0x28f: {  	[spmem:s2] =	stream.indirect.scatter.add.f32 [tilespmem:s9], [sflag:$0x1], $0x1, s1, s10, $0xb8;
	[tilespmem:$0x2B00] =	vst v63  }
0x290: {  	_ =	swait.ge [sflag:s6], $0x7D  }
0x291: {  	s1 =	sld [smem:$0x7F0]  }
0x292: {  	[sflag:s6] =	ssyncset.done $0x0  }
0x293: {  	[sflag:s6] =	ssyncadd.s32 $0xFFFFFF83  }
0x294: {  	[spmem:s2] =	stream.indirect.scatter.add.f32 [tilespmem:s9], [sflag:$0x1], $0x1, s1, s10, $0xb8;
	[tilespmem:$0x2B00] =	vst v63  }
0x295: {  	_ =	swait.ge [sflag:s6], $0x7D  }
0x296: {  	s1 =	sld [smem:$0x7F1]  }
0x297: {  	[sflag:s6] =	ssyncset.done $0x0  }
0x298: {  	[sflag:s6] =	ssyncadd.s32 $0xFFFFFF83  }
0x299: {  	[spmem:s2] =	stream.indirect.scatter.add.f32 [tilespmem:s9], [sflag:$0x1], $0x1, s1, s10, $0xb8;
	[tilespmem:$0x2B00] =	vst v63  }
0x29a: {  	_ =	swait.ge [sflag:s6], $0x7D  }
0x29b: {  	s1 =	sld [smem:$0x7F2]  }
0x29c: {  	[sflag:s6] =	ssyncset.done $0x0  }
0x29d: {  	[sflag:s6] =	ssyncadd.s32 $0xFFFFFF83  }
0x29e: {  	[spmem:s2] =	stream.indirect.scatter.add.f32 [tilespmem:s9], [sflag:$0x1], $0x1, s1, s10, $0xb8;
	[tilespmem:$0x2B00] =	vst v63  }
0x29f: {  	_ =	swait.ge [sflag:s6], $0x7D  }
0x2a0: {  	s1 =	sld [smem:$0x7F3]  }
0x2a1: {  	[sflag:s6] =	ssyncset.done $0x0  }
0x2a2: {  	[sflag:s6] =	ssyncadd.s32 $0xFFFFFF83  }
0x2a3: {  	[spmem:s2] =	stream.indirect.scatter.add.f32 [tilespmem:s9], [sflag:$0x1], $0x1, s1, s10, $0xb8;
	[tilespmem:$0x2B00] =	vst v63  }
0x2a4: {  	_ =	swait.ge [sflag:s6], $0x7D  }
0x2a5: {  	s1 =	sld [smem:$0x7F4]  }
0x2a6: {  	[sflag:s6] =	ssyncset.done $0x0  }
0x2a7: {  	[sflag:s6] =	ssyncadd.s32 $0xFFFFFF83  }
0x2a8: {  	[spmem:s2] =	stream.indirect.scatter.add.f32 [tilespmem:s9], [sflag:$0x1], $0x1, s1, s10, $0xb8;
	[tilespmem:$0x2B00] =	vst v63  }
0x2a9: {  	_ =	swait.ge [sflag:s6], $0x7D  }
0x2aa: {  	s1 =	sld [smem:$0x7F5]  }
0x2ab: {  	[sflag:s6] =	ssyncset.done $0x0  }
0x2ac: {  	[sflag:s6] =	ssyncadd.s32 $0xFFFFFF83  }
0x2ad: {  	[spmem:s2] =	stream.indirect.scatter.add.f32 [tilespmem:s9], [sflag:$0x1], $0x1, s1, s10, $0xb8;
	[tilespmem:$0x2B00] =	vst v63  }
0x2ae: {  	_ =	swait.ge [sflag:s6], $0x7D  }
0x2af: {  	s1 =	sld [smem:$0x7F6]  }
0x2b0: {  	[sflag:s6] =	ssyncset.done $0x0  }
0x2b1: {  	[sflag:s6] =	ssyncadd.s32 $0xFFFFFF83  }
0x2b2: {  	[spmem:s2] =	stream.indirect.scatter.add.f32 [tilespmem:s9], [sflag:$0x1], $0x1, s1, s10, $0xb8;
	[tilespmem:$0x2B00] =	vst v63  }
0x2b3: {  	_ =	swait.ge [sflag:s6], $0x7D  }
0x2b4: {  	s1 =	sld [smem:$0x7F7]  }
0x2b5: {  	[sflag:s6] =	ssyncset.done $0x0  }
0x2b6: {  	[sflag:s6] =	ssyncadd.s32 $0xFFFFFF83  }
0x2b7: {  	[spmem:s2] =	stream.indirect.scatter.add.f32 [tilespmem:s9], [sflag:$0x1], $0x1, s1, s10, $0xb8;
	[tilespmem:$0x2B00] =	vst v63  }
0x2b8: {  	_ =	swait.ge [sflag:s6], $0x7D  }
0x2b9: {  	s1 =	sld [smem:$0x7F8]  }
0x2ba: {  	[sflag:s6] =	ssyncset.done $0x0  }
0x2bb: {  	[sflag:s6] =	ssyncadd.s32 $0xFFFFFF83  }
0x2bc: {  	[spmem:s2] =	stream.indirect.scatter.add.f32 [tilespmem:s9], [sflag:$0x1], $0x1, s1, s10, $0xb8;
	[tilespmem:$0x2B00] =	vst v63  }
0x2bd: {  	_ =	swait.ge [sflag:s6], $0x7D  }
0x2be: {  	s1 =	sld [smem:$0x7F9]  }
0x2bf: {  	[sflag:s6] =	ssyncset.done $0x0  }
0x2c0: {  	[sflag:s6] =	ssyncadd.s32 $0xFFFFFF83  }
0x2c1: {  	[spmem:s2] =	stream.indirect.scatter.add.f32 [tilespmem:s9], [sflag:$0x1], $0x1, s1, s10, $0xb8;
	[tilespmem:$0x2B00] =	vst v63  }
0x2c2: {  	_ =	swait.ge [sflag:s6], $0x7D  }
0x2c3: {  	s1 =	sld [smem:$0x7FA]  }
0x2c4: {  	[sflag:s6] =	ssyncset.done $0x0  }
0x2c5: {  	[sflag:s6] =	ssyncadd.s32 $0xFFFFFF83  }
0x2c6: {  	[spmem:s2] =	stream.indirect.scatter.add.f32 [tilespmem:s9], [sflag:$0x1], $0x1, s1, s10, $0xb8;
	[tilespmem:$0x2B00] =	vst v63  }
0x2c7: {  	_ =	swait.ge [sflag:s6], $0x7D  }
0x2c8: {  	s1 =	sld [smem:$0x7FB]  }
0x2c9: {  	[sflag:s6] =	ssyncset.done $0x0  }
0x2ca: {  	[sflag:s6] =	ssyncadd.s32 $0xFFFFFF83  }
0x2cb: {  	[spmem:s2] =	stream.indirect.scatter.add.f32 [tilespmem:s9], [sflag:$0x1], $0x1, s1, s10, $0xb8;
	[tilespmem:$0x2B00] =	vst v63  }
0x2cc: {  	_ =	swait.ge [sflag:s6], $0x7D  }
0x2cd: {  	s1 =	sld [smem:$0x7FC]  }
0x2ce: {  	[sflag:s6] =	ssyncset.done $0x0  }
0x2cf: {  	[sflag:s6] =	ssyncadd.s32 $0xFFFFFF83  }
0x2d0: {  	[spmem:s2] =	stream.indirect.scatter.add.f32 [tilespmem:s9], [sflag:$0x1], $0x1, s1, s10, $0xb8;
	[tilespmem:$0x2B00] =	vst v63  }
0x2d1: {  	_ =	swait.ge [sflag:s6], $0x7D  }
0x2d2: {  	s1 =	sld [smem:$0x7FD]  }
0x2d3: {  	[sflag:s6] =	ssyncset.done $0x0  }
0x2d4: {  	[sflag:s6] =	ssyncadd.s32 $0xFFFFFF83  }
0x2d5: {  	[spmem:s2] =	stream.indirect.scatter.add.f32 [tilespmem:s9], [sflag:$0x1], $0x1, s1, s10, $0xb8;
	[tilespmem:$0x2B00] =	vst v63  }
0x2d6: {  	_ =	swait.ge [sflag:s6], $0x7D  }
0x2d7: {  	[sflag:s6] =	ssyncset.done $0x0  }
0x2d8: {  	[sflag:s6] =	ssyncadd.s32 $0xFFFFFF83  }
0x2d9: {  	[spmem:s2] =	stream.indirect.scatter.add.f32 [tilespmem:s9], [sflag:$0x1], $0x1, s30, s10, $0xb8;
	[tilespmem:$0x2B00] =	vst v63  }
0x2da: {  	_ =	swait.ge [sflag:s6], $0x7D  }
0x2db: {  	[sflag:s6] =	ssyncset.done $0x0  }
0x2dc: {  	[sflag:s6] =	ssyncadd.s32 $0xFFFFFF83  }
0x2dd: {  	[spmem:s2] =	stream.indirect.scatter.add.f32 [tilespmem:s9], [sflag:$0x1], $0x1, s29, s10, $0xb8;
	[tilespmem:$0x2B00] =	vst v63  }
0x2de: {  	_ =	swait.ge [sflag:s6], $0x7D  }
0x2df: {  	[sflag:s6] =	ssyncset.done $0x0  }
0x2e0: {  	[sflag:s6] =	ssyncadd.s32 $0xFFFFFF83  }
0x2e1: {  	[spmem:s2] =	stream.indirect.scatter.add.f32 [tilespmem:s9], [sflag:$0x1], $0x1, s28, s10, $0xb8;
	[tilespmem:$0x2B00] =	vst v63  }
0x2e2: {  	_ =	swait.ge [sflag:s6], $0x7D  }
0x2e3: {  	[sflag:s6] =	ssyncset.done $0x0  }
0x2e4: {  	[sflag:s6] =	ssyncadd.s32 $0xFFFFFF83  }
0x2e5: {  	[spmem:s2] =	stream.indirect.scatter.add.f32 [tilespmem:s9], [sflag:$0x1], $0x1, s26, s10, $0xb8;
	[tilespmem:$0x2B00] =	vst v63  }
0x2e6: {  	_ =	swait.ge [sflag:s6], $0x7D  }
0x2e7: {  	[sflag:s6] =	ssyncset.done $0x0  }
0x2e8: {  	[sflag:s6] =	ssyncadd.s32 $0xFFFFFF83  }
0x2e9: {  	[spmem:s2] =	stream.indirect.scatter.add.f32 [tilespmem:s9], [sflag:$0x1], $0x1, s25, s10, $0xb8;
	[tilespmem:$0x2B00] =	vst v63  }
0x2ea: {  	_ =	swait.ge [sflag:s6], $0x7D  }
0x2eb: {  	[sflag:s6] =	ssyncset.done $0x0  }
0x2ec: {  	[sflag:s6] =	ssyncadd.s32 $0xFFFFFF83  }
0x2ed: {  	[spmem:s2] =	stream.indirect.scatter.add.f32 [tilespmem:s9], [sflag:$0x1], $0x1, s24, s10, $0xb8;
	[tilespmem:$0x2B00] =	vst v63  }
0x2ee: {  	_ =	swait.ge [sflag:s6], $0x7D  }
0x2ef: {  	[sflag:s6] =	ssyncset.done $0x0  }
0x2f0: {  	[sflag:s6] =	ssyncadd.s32 $0xFFFFFF83  }
0x2f1: {  	[spmem:s2] =	stream.indirect.scatter.add.f32 [tilespmem:s9], [sflag:$0x1], $0x1, s23, s10, $0xb8;
	[tilespmem:$0x2B00] =	vst v63  }
0x2f2: {  	_ =	swait.ge [sflag:s6], $0x7D  }
0x2f3: {  	[sflag:s6] =	ssyncset.done $0x0  }
0x2f4: {  	[sflag:s6] =	ssyncadd.s32 $0xFFFFFF83  }
0x2f5: {  	[spmem:s2] =	stream.indirect.scatter.add.f32 [tilespmem:s9], [sflag:$0x1], $0x1, s22, s10, $0xb8;
	[tilespmem:$0x2B00] =	vst v63  }
0x2f6: {  	_ =	swait.ge [sflag:s6], $0x7D  }
0x2f7: {  	[sflag:s6] =	ssyncset.done $0x0  }
0x2f8: {  	[sflag:s6] =	ssyncadd.s32 $0xFFFFFF83  }
0x2f9: {  	[spmem:s2] =	stream.indirect.scatter.add.f32 [tilespmem:s9], [sflag:$0x1], $0x1, s21, s10, $0xb8;
	[tilespmem:$0x2B00] =	vst v63  }
0x2fa: {  	_ =	swait.ge [sflag:s6], $0x7D  }
0x2fb: {  	[sflag:s6] =	ssyncset.done $0x0  }
0x2fc: {  	[sflag:s6] =	ssyncadd.s32 $0xFFFFFF83  }
0x2fd: {  	[spmem:s2] =	stream.indirect.scatter.add.f32 [tilespmem:s9], [sflag:$0x1], $0x1, s20, s10, $0xb8;
	[tilespmem:$0x2B00] =	vst v63  }
0x2fe: {  	_ =	swait.ge [sflag:s6], $0x7D  }
0x2ff: {  	[sflag:s6] =	ssyncset.done $0x0  }
0x300: {  	[sflag:s6] =	ssyncadd.s32 $0xFFFFFF83  }
0x301: {  	[spmem:s2] =	stream.indirect.scatter.add.f32 [tilespmem:s9], [sflag:$0x1], $0x1, s19, s10, $0xb8;
	[tilespmem:$0x2B00] =	vst v63  }
0x302: {  	_ =	swait.ge [sflag:s6], $0x7D  }
0x303: {  	[sflag:s6] =	ssyncset.done $0x0  }
0x304: {  	[sflag:s6] =	ssyncadd.s32 $0xFFFFFF83  }
0x305: {  	[spmem:s2] =	stream.indirect.scatter.add.f32 [tilespmem:s9], [sflag:$0x1], $0x1, s18, s10, $0xb8;
	[tilespmem:$0x2B00] =	vst v63  }
0x306: {  	_ =	swait.ge [sflag:s6], $0x7D  }
0x307: {  	[sflag:s6] =	ssyncset.done $0x0  }
0x308: {  	[sflag:s6] =	ssyncadd.s32 $0xFFFFFF83  }
0x309: {  	[spmem:s2] =	stream.indirect.scatter.add.f32 [tilespmem:s9], [sflag:$0x1], $0x1, s17, s10, $0xb8;
	[tilespmem:$0x2B00] =	vst v63  }
0x30a: {  	_ =	swait.ge [sflag:s6], $0x7D  }
0x30b: {  	[sflag:s6] =	ssyncset.done $0x0  }
0x30c: {  	[sflag:s6] =	ssyncadd.s32 $0xFFFFFF83  }
0x30d: {  	[spmem:s2] =	stream.indirect.scatter.add.f32 [tilespmem:s9], [sflag:$0x1], $0x1, s16, s10, $0xb8;
	[tilespmem:$0x2B00] =	vst v63  }
0x30e: {  	_ =	swait.ge [sflag:s6], $0x7D  }
0x30f: {  	[sflag:s6] =	ssyncset.done $0x0  }
0x310: {  	[sflag:s6] =	ssyncadd.s32 $0xFFFFFF83  }
0x311: {  	[spmem:s2] =	stream.indirect.scatter.add.f32 [tilespmem:s9], [sflag:$0x1], $0x1, s14, s10, $0xb8;
	[tilespmem:$0x2B00] =	vst v63  }
0x312: {  	_ =	swait.ge [sflag:s6], $0x7D  }
0x313: {  	[sflag:s6] =	ssyncset.done $0x0  }
0x314: {  	[sflag:s6] =	ssyncadd.s32 $0xFFFFFF83  }
0x315: {  	[spmem:s2] =	stream.indirect.scatter.add.f32 [tilespmem:s9], [sflag:$0x1], $0x1, s15, s10, $0xb8;
	[tilespmem:$0x2B00] =	vst v63  }
0x316: {  	_ =	swait.ge [sflag:s6], $0x7D  }
0x317: {  	[sflag:s6] =	ssyncset.done $0x0  }
0x318: {  	[sflag:s6] =	ssyncadd.s32 $0xFFFFFF83  }
0x319: {  	[spmem:s2] =	stream.indirect.scatter.add.f32 [tilespmem:s9], [sflag:$0x1], $0x1, s13, s10, $0xb8;
	[tilespmem:$0x2B00] =	vst v63  }
0x31a: {  	_ =	swait.ge [sflag:s6], $0x7D  }
0x31b: {  	[sflag:s6] =	ssyncset.done $0x0  }
0x31c: {  	[sflag:s6] =	ssyncadd.s32 $0xFFFFFF83  }
0x31d: {  	[spmem:s2] =	stream.indirect.scatter.add.f32 [tilespmem:s9], [sflag:$0x1], $0x1, s12, s10, $0xb8;
	[tilespmem:$0x2B00] =	vst v63  }
0x31e: {  	_ =	swait.ge [sflag:s6], $0x7D  }
0x31f: {  	[sflag:s6] =	ssyncset.done $0x0  }
0x320: {  	[sflag:s6] =	ssyncadd.s32 $0xFFFFFF83  }
0x321: {  	[spmem:s2] =	stream.indirect.scatter.add.f32 [tilespmem:s9], [sflag:$0x1], $0x1, s11, s10, $0xb8;
	[tilespmem:$0x2B00] =	vst v63  }
0x322: {  	_ =	swait.ge [sflag:s6], $0x7D  }
0x323: {  	[sflag:s6] =	ssyncset.done $0x0  }
0x324: {  	[sflag:s6] =	ssyncadd.s32 $0xFFFFFF83  }
0x325: {  	_ =	swait.ge [sflag:s6], $0x7D  }
0x326: {  	[sflag:s6] =	ssyncset.done $0x0  }
0x327: {  	[sflag:s6] =	ssyncadd.s32 $0xFFFFFF83  }
0x328: {  	_ =	swait.ge [sflag:s6], $0x7D  }
0x329: {  	[sflag:s6] =	ssyncset.done $0x0  }
0x32a: {  	[sflag:s6] =	ssyncadd.s32 $0xFFFFFF83  }
0x32b: {  	_ =	swait.ge [sflag:s6], $0x7D  }
0x32c: {  	[sflag:s6] =	ssyncset.done $0x0  }
0x32d: {  	[sflag:s6] =	ssyncadd.s32 $0xFFFFFF83  }
0x32e: {  	_ =	swait.ge [sflag:s6], $0x7D  }
0x32f: {  	[sflag:s6] =	ssyncset.done $0x0  }
0x330: {  	[sflag:s6] =	ssyncadd.s32 $0xFFFFFF83  }
0x331: {  	_ =	swait.ge [sflag:s6], $0x7D  }
0x332: {  	[sflag:s6] =	ssyncset.done $0x0  }
0x333: {  	[sflag:s6] =	ssyncadd.s32 $0xFFFFFF83  }
0x334: {  	_ =	swait.ge [sflag:s6], $0x7D  }
0x335: {  	[sflag:s6] =	ssyncset.done $0x0  }
0x336: {  	[sflag:s6] =	ssyncadd.s32 $0xFFFFFF83  }
0x337: {  	_ =	swait.ge [sflag:s6], $0x7D  }
0x338: {  	[sflag:s6] =	ssyncset.done $0x0  }
0x339: {  	[sflag:s6] =	ssyncadd.s32 $0xFFFFFF83  }
0x33a: {  	_ =	swait.ge [sflag:s6], $0x7D  }
0x33b: {  	[sflag:s6] =	ssyncset.done $0x0  }
0x33c: {  	[sflag:s6] =	ssyncadd.s32 $0xFFFFFF83  }
0x33d: {  	_ =	swait.ge [sflag:s6], $0x7D  }
0x33e: {  	[sflag:s6] =	ssyncset.done $0x0  }
0x33f: {  	[sflag:s6] =	ssyncadd.s32 $0xFFFFFF83  }
0x340: {  	_ =	swait.ge [sflag:s6], $0x7D  }
0x341: {  	[sflag:s6] =	ssyncset.done $0x0  }
0x342: {  	[sflag:s6] =	ssyncadd.s32 $0xFFFFFF83  }
0x343: {  	_ =	swait.ge [sflag:s6], $0x7D  }
0x344: {  	[sflag:s6] =	ssyncset.done $0x0  }
0x345: {  	[sflag:s6] =	ssyncadd.s32 $0xFFFFFF83  }
0x346: {  	_ =	swait.ge [sflag:s6], $0x7D  }
0x347: {  	[sflag:s6] =	ssyncset.done $0x0  }
0x348: {  	[sflag:s6] =	ssyncadd.s32 $0xFFFFFF83  }
0x349: {  	_ =	swait.ge [sflag:s6], $0x7D  }
0x34a: {  	[sflag:s6] =	ssyncset.done $0x0  }
0x34b: {  	[sflag:s6] =	ssyncadd.s32 $0xFFFFFF83  }
0x34c: {  	_ =	swait.ge [sflag:s6], $0x7D  }
0x34d: {  	[sflag:s6] =	ssyncset.done $0x0  }
0x34e: {  	[sflag:s6] =	ssyncadd.s32 $0xFFFFFF83  }
0x34f: {  	_ =	swait.ge [sflag:s6], $0x7D  }
0x350: {  	[sflag:s6] =	ssyncset.done $0x0  }
0x351: {  	p1 =	sne.s32 s0, $0x1;
	[sflag:s6] =	ssyncadd.s32 $0xFFFFFF83  }
.Ltmp2:
0x352: {  	[bflag:$0x0] =	sbarrier.arrive $0xFFFF;
	(pc) =	sbr.rel @p1 .LBB2_2-.Ltmp2, $4  }
0x353: {  	s7 =	simm.s32 $0x20;
	s1 =	rddreg [dreg:$0x7]  }
0x354: {  	[hbm:s1@s7], [sflag:s4] =	dma.strided [spmem:s5@s8], $0x50, s6, $0x10   }
0x355: {  	_ =	swait.ge [sflag:s3], $0x50  }
0x356: {  	s0 =	sadd.s32 $0xFFFFFFFF, s0;
	s1 =	rddreg [dreg:$0x5];
	[sflag:s3] =	ssyncset.done $0x0  }
.LBB2_3:
0x357: {  	[sflag:s3] =	ssyncadd.s32 @p0 $0xFFFFFFB0  }
0x358: {  	[tilespmem:s31], [sflag:$0x2] =	stream.linear.gather [hbm4b:s1+s31], $0x2800, $0x38;
	[tilespmem:$0x2B00] =	vst v63  }
0x359: {  	_ =	swait.ge [sflag:s3], $0x2800  }
0x35a: {  	[sflag:s3] =	ssyncset.done $0x0  }
0x35b: {  	s0 =	rddreg [dreg:$0x4];
	[sflag:s3] =	ssyncadd.s32 $0xFFFFD800  }
0x35c: {  	[tilespmem:s9], [sflag:$0x2] =	stream.linear.gather [hbm4b:s0+s31], $0x80, $0x38;
	[tilespmem:$0x2B00] =	vst v63  }
0x35d: {  	_ =	swait.ge [sflag:s3], $0x80  }
0x35e: {  	[sflag:s3] =	ssyncset.done $0x0  }
0x35f: {  	s1 =	rddreg [dreg:$0x6];
	[sflag:s3] =	ssyncadd.s32 $0xFFFFFF80  }
0x360: {  	[spmem:s5], [sflag:s4] =	dma.local [hbm:s1], $0x50  }
0x361: {  	_ =	swait.ge [sflag:s3], $0x50  }
0x362: {  	[sflag:s3] =	ssyncset.done $0x0  }
0x363: {  	[sflag:s3] =	ssyncadd.s32 $0xFFFFFFB0  }
0x364: {  	[bflag:$0x0] =	sbarrier.arrive $0xFFFF  }
0x365: {  	[spmem:s2] =	stream.indirect.scatter.add.f32 [tilespmem:s9], [sflag:$0x1], $0x1, s31, s10, $0xb8;
	[tilespmem:$0x2B00] =	vst v63  }
0x366: {  	s0 =	rddreg [dreg:$0x8]  }
0x367: {  	[spmem:s2] =	stream.indirect.scatter.add.f32 [tilespmem:s9], [sflag:$0x1], $0x1, s0, s10, $0xb8;
	[tilespmem:$0x2B00] =	vst v63  }
0x368: {  	s1 =	rddreg [dreg:$0x9]  }
0x369: {  	[spmem:s2] =	stream.indirect.scatter.add.f32 [tilespmem:s9], [sflag:$0x1], $0x1, s1, s10, $0xb8;
	[tilespmem:$0x2B00] =	vst v63  }
0x36a: {  	s31 =	rddreg [dreg:$0xa]  }
0x36b: {  	[spmem:s2] =	stream.indirect.scatter.add.f32 [tilespmem:s9], [sflag:$0x1], $0x1, s31, s10, $0xb8;
	[tilespmem:$0x2B00] =	vst v63  }
0x36c: {  	s1 =	rddreg [dreg:$0xb]  }
0x36d: {  	[spmem:s2] =	stream.indirect.scatter.add.f32 [tilespmem:s9], [sflag:$0x1], $0x1, s1, s10, $0xb8;
	[tilespmem:$0x2B00] =	vst v63  }
0x36e: {  	s31 =	rddreg [dreg:$0xc]  }
0x36f: {  	[spmem:s2] =	stream.indirect.scatter.add.f32 [tilespmem:s9], [sflag:$0x1], $0x1, s31, s10, $0xb8;
	[tilespmem:$0x2B00] =	vst v63  }
0x370: {  	s1 =	rddreg [dreg:$0xd]  }
0x371: {  	[spmem:s2] =	stream.indirect.scatter.add.f32 [tilespmem:s9], [sflag:$0x1], $0x1, s1, s10, $0xb8;
	[tilespmem:$0x2B00] =	vst v63  }
0x372: {  	s31 =	rddreg [dreg:$0xe]  }
0x373: {  	[spmem:s2] =	stream.indirect.scatter.add.f32 [tilespmem:s9], [sflag:$0x1], $0x1, s31, s10, $0xb8;
	[tilespmem:$0x2B00] =	vst v63  }
0x374: {  	s1 =	rddreg [dreg:$0xf]  }
0x375: {  	[spmem:s2] =	stream.indirect.scatter.add.f32 [tilespmem:s9], [sflag:$0x1], $0x1, s1, s10, $0xb8;
	[tilespmem:$0x2B00] =	vst v63  }
0x376: {  	s31 =	rddreg [dreg:$0x10]  }
0x377: {  	[spmem:s2] =	stream.indirect.scatter.add.f32 [tilespmem:s9], [sflag:$0x1], $0x1, s31, s10, $0xb8;
	[tilespmem:$0x2B00] =	vst v63  }
0x378: {  	s1 =	rddreg [dreg:$0x11]  }
0x379: {  	[spmem:s2] =	stream.indirect.scatter.add.f32 [tilespmem:s9], [sflag:$0x1], $0x1, s1, s10, $0xb8;
	[tilespmem:$0x2B00] =	vst v63  }
0x37a: {  	s31 =	rddreg [dreg:$0x12]  }
0x37b: {  	[spmem:s2] =	stream.indirect.scatter.add.f32 [tilespmem:s9], [sflag:$0x1], $0x1, s31, s10, $0xb8;
	[tilespmem:$0x2B00] =	vst v63  }
0x37c: {  	s1 =	rddreg [dreg:$0x13]  }
0x37d: {  	[spmem:s2] =	stream.indirect.scatter.add.f32 [tilespmem:s9], [sflag:$0x1], $0x1, s1, s10, $0xb8;
	[tilespmem:$0x2B00] =	vst v63  }
0x37e: {  	s31 =	rddreg [dreg:$0x14]  }
0x37f: {  	[spmem:s2] =	stream.indirect.scatter.add.f32 [tilespmem:s9], [sflag:$0x1], $0x1, s31, s10, $0xb8;
	[tilespmem:$0x2B00] =	vst v63  }
0x380: {  	s1 =	rddreg [dreg:$0x15]  }
0x381: {  	[spmem:s2] =	stream.indirect.scatter.add.f32 [tilespmem:s9], [sflag:$0x1], $0x1, s1, s10, $0xb8;
	[tilespmem:$0x2B00] =	vst v63  }
0x382: {  	s31 =	rddreg [dreg:$0x16]  }
0x383: {  	[spmem:s2] =	stream.indirect.scatter.add.f32 [tilespmem:s9], [sflag:$0x1], $0x1, s31, s10, $0xb8;
	[tilespmem:$0x2B00] =	vst v63  }
0x384: {  	_ =	swait.ge [sflag:s6], $0x7D  }
0x385: {  	[sflag:s6] =	ssyncset.done $0x0  }
0x386: {  	s1 =	rddreg [dreg:$0x17];
	[sflag:s6] =	ssyncadd.s32 $0xFFFFFF83  }
0x387: {  	[spmem:s2] =	stream.indirect.scatter.add.f32 [tilespmem:s9], [sflag:$0x1], $0x1, s1, s10, $0xb8;
	[tilespmem:$0x2B00] =	vst v63  }
0x388: {  	_ =	swait.ge [sflag:s6], $0x7D  }
0x389: {  	[sflag:s6] =	ssyncset.done $0x0  }
0x38a: {  	s31 =	rddreg [dreg:$0x18];
	[sflag:s6] =	ssyncadd.s32 $0xFFFFFF83  }
0x38b: {  	[spmem:s2] =	stream.indirect.scatter.add.f32 [tilespmem:s9], [sflag:$0x1], $0x1, s31, s10, $0xb8;
	[tilespmem:$0x2B00] =	vst v63  }
0x38c: {  	_ =	swait.ge [sflag:s6], $0x7D  }
0x38d: {  	[sflag:s6] =	ssyncset.done $0x0  }
0x38e: {  	s1 =	rddreg [dreg:$0x19];
	[sflag:s6] =	ssyncadd.s32 $0xFFFFFF83  }
0x38f: {  	[spmem:s2] =	stream.indirect.scatter.add.f32 [tilespmem:s9], [sflag:$0x1], $0x1, s1, s10, $0xb8;
	[tilespmem:$0x2B00] =	vst v63  }
0x390: {  	_ =	swait.ge [sflag:s6], $0x7D  }
0x391: {  	[sflag:s6] =	ssyncset.done $0x0  }
0x392: {  	s31 =	rddreg [dreg:$0x1a];
	[sflag:s6] =	ssyncadd.s32 $0xFFFFFF83  }
0x393: {  	[spmem:s2] =	stream.indirect.scatter.add.f32 [tilespmem:s9], [sflag:$0x1], $0x1, s31, s10, $0xb8;
	[tilespmem:$0x2B00] =	vst v63  }
0x394: {  	_ =	swait.ge [sflag:s6], $0x7D  }
0x395: {  	[sflag:s6] =	ssyncset.done $0x0  }
0x396: {  	s1 =	rddreg [dreg:$0x1b];
	[sflag:s6] =	ssyncadd.s32 $0xFFFFFF83  }
0x397: {  	[spmem:s2] =	stream.indirect.scatter.add.f32 [tilespmem:s9], [sflag:$0x1], $0x1, s1, s10, $0xb8;
	[tilespmem:$0x2B00] =	vst v63  }
0x398: {  	_ =	swait.ge [sflag:s6], $0x7D  }
0x399: {  	[sflag:s6] =	ssyncset.done $0x0  }
0x39a: {  	s31 =	rddreg [dreg:$0x1c];
	[sflag:s6] =	ssyncadd.s32 $0xFFFFFF83  }
0x39b: {  	[spmem:s2] =	stream.indirect.scatter.add.f32 [tilespmem:s9], [sflag:$0x1], $0x1, s31, s10, $0xb8;
	[tilespmem:$0x2B00] =	vst v63  }
0x39c: {  	_ =	swait.ge [sflag:s6], $0x7D  }
0x39d: {  	[sflag:s6] =	ssyncset.done $0x0  }
0x39e: {  	s1 =	rddreg [dreg:$0x1d];
	[sflag:s6] =	ssyncadd.s32 $0xFFFFFF83  }
0x39f: {  	[spmem:s2] =	stream.indirect.scatter.add.f32 [tilespmem:s9], [sflag:$0x1], $0x1, s1, s10, $0xb8;
	[tilespmem:$0x2B00] =	vst v63  }
0x3a0: {  	_ =	swait.ge [sflag:s6], $0x7D  }
0x3a1: {  	[sflag:s6] =	ssyncset.done $0x0  }
0x3a2: {  	s31 =	rddreg [dreg:$0x1e];
	[sflag:s6] =	ssyncadd.s32 $0xFFFFFF83  }
0x3a3: {  	[spmem:s2] =	stream.indirect.scatter.add.f32 [tilespmem:s9], [sflag:$0x1], $0x1, s31, s10, $0xb8;
	[tilespmem:$0x2B00] =	vst v63  }
0x3a4: {  	_ =	swait.ge [sflag:s6], $0x7D  }
0x3a5: {  	[sflag:s6] =	ssyncset.done $0x0  }
0x3a6: {  	s1 =	rddreg [dreg:$0x1f];
	[sflag:s6] =	ssyncadd.s32 $0xFFFFFF83  }
0x3a7: {  	[spmem:s2] =	stream.indirect.scatter.add.f32 [tilespmem:s9], [sflag:$0x1], $0x1, s1, s10, $0xb8;
	[tilespmem:$0x2B00] =	vst v63  }
0x3a8: {  	_ =	swait.ge [sflag:s6], $0x7D  }
0x3a9: {  	s31 =	sld [smem:$0x7DA]  }
0x3aa: {  	[sflag:s6] =	ssyncset.done $0x0  }
0x3ab: {  	[sflag:s6] =	ssyncadd.s32 $0xFFFFFF83  }
0x3ac: {  	[spmem:s2] =	stream.indirect.scatter.add.f32 [tilespmem:s9], [sflag:$0x1], $0x1, s31, s10, $0xb8;
	[tilespmem:$0x2B00] =	vst v63  }
0x3ad: {  	_ =	swait.ge [sflag:s6], $0x7D  }
0x3ae: {  	s1 =	sld [smem:$0x7DB]  }
0x3af: {  	[sflag:s6] =	ssyncset.done $0x0  }
0x3b0: {  	[sflag:s6] =	ssyncadd.s32 $0xFFFFFF83  }
0x3b1: {  	[spmem:s2] =	stream.indirect.scatter.add.f32 [tilespmem:s9], [sflag:$0x1], $0x1, s1, s10, $0xb8;
	[tilespmem:$0x2B00] =	vst v63  }
0x3b2: {  	_ =	swait.ge [sflag:s6], $0x7D  }
0x3b3: {  	s31 =	sld [smem:$0x7DC]  }
0x3b4: {  	[sflag:s6] =	ssyncset.done $0x0  }
0x3b5: {  	[sflag:s6] =	ssyncadd.s32 $0xFFFFFF83  }
0x3b6: {  	[spmem:s2] =	stream.indirect.scatter.add.f32 [tilespmem:s9], [sflag:$0x1], $0x1, s31, s10, $0xb8;
	[tilespmem:$0x2B00] =	vst v63  }
0x3b7: {  	_ =	swait.ge [sflag:s6], $0x7D  }
0x3b8: {  	s1 =	sld [smem:$0x7DD]  }
0x3b9: {  	[sflag:s6] =	ssyncset.done $0x0  }
0x3ba: {  	[sflag:s6] =	ssyncadd.s32 $0xFFFFFF83  }
0x3bb: {  	[spmem:s2] =	stream.indirect.scatter.add.f32 [tilespmem:s9], [sflag:$0x1], $0x1, s1, s10, $0xb8;
	[tilespmem:$0x2B00] =	vst v63  }
0x3bc: {  	_ =	swait.ge [sflag:s6], $0x7D  }
0x3bd: {  	s31 =	sld [smem:$0x7DE]  }
0x3be: {  	[sflag:s6] =	ssyncset.done $0x0  }
0x3bf: {  	[sflag:s6] =	ssyncadd.s32 $0xFFFFFF83  }
0x3c0: {  	[spmem:s2] =	stream.indirect.scatter.add.f32 [tilespmem:s9], [sflag:$0x1], $0x1, s31, s10, $0xb8;
	[tilespmem:$0x2B00] =	vst v63  }
0x3c1: {  	_ =	swait.ge [sflag:s6], $0x7D  }
0x3c2: {  	s1 =	sld [smem:$0x7DF]  }
0x3c3: {  	[sflag:s6] =	ssyncset.done $0x0  }
0x3c4: {  	[sflag:s6] =	ssyncadd.s32 $0xFFFFFF83  }
0x3c5: {  	[spmem:s2] =	stream.indirect.scatter.add.f32 [tilespmem:s9], [sflag:$0x1], $0x1, s1, s10, $0xb8;
	[tilespmem:$0x2B00] =	vst v63  }
0x3c6: {  	_ =	swait.ge [sflag:s6], $0x7D  }
0x3c7: {  	s31 =	sld [smem:$0x7E0]  }
0x3c8: {  	[sflag:s6] =	ssyncset.done $0x0  }
0x3c9: {  	[sflag:s6] =	ssyncadd.s32 $0xFFFFFF83  }
0x3ca: {  	[spmem:s2] =	stream.indirect.scatter.add.f32 [tilespmem:s9], [sflag:$0x1], $0x1, s31, s10, $0xb8;
	[tilespmem:$0x2B00] =	vst v63  }
0x3cb: {  	_ =	swait.ge [sflag:s6], $0x7D  }
0x3cc: {  	s1 =	sld [smem:$0x7E1]  }
0x3cd: {  	[sflag:s6] =	ssyncset.done $0x0  }
0x3ce: {  	[sflag:s6] =	ssyncadd.s32 $0xFFFFFF83  }
0x3cf: {  	[spmem:s2] =	stream.indirect.scatter.add.f32 [tilespmem:s9], [sflag:$0x1], $0x1, s1, s10, $0xb8;
	[tilespmem:$0x2B00] =	vst v63  }
0x3d0: {  	_ =	swait.ge [sflag:s6], $0x7D  }
0x3d1: {  	s31 =	sld [smem:$0x7E2]  }
0x3d2: {  	[sflag:s6] =	ssyncset.done $0x0  }
0x3d3: {  	[sflag:s6] =	ssyncadd.s32 $0xFFFFFF83  }
0x3d4: {  	[spmem:s2] =	stream.indirect.scatter.add.f32 [tilespmem:s9], [sflag:$0x1], $0x1, s31, s10, $0xb8;
	[tilespmem:$0x2B00] =	vst v63  }
0x3d5: {  	_ =	swait.ge [sflag:s6], $0x7D  }
0x3d6: {  	s1 =	sld [smem:$0x7E3]  }
0x3d7: {  	[sflag:s6] =	ssyncset.done $0x0  }
0x3d8: {  	[sflag:s6] =	ssyncadd.s32 $0xFFFFFF83  }
0x3d9: {  	[spmem:s2] =	stream.indirect.scatter.add.f32 [tilespmem:s9], [sflag:$0x1], $0x1, s1, s10, $0xb8;
	[tilespmem:$0x2B00] =	vst v63  }
0x3da: {  	_ =	swait.ge [sflag:s6], $0x7D  }
0x3db: {  	s31 =	sld [smem:$0x7E4]  }
0x3dc: {  	[sflag:s6] =	ssyncset.done $0x0  }
0x3dd: {  	[sflag:s6] =	ssyncadd.s32 $0xFFFFFF83  }
0x3de: {  	[spmem:s2] =	stream.indirect.scatter.add.f32 [tilespmem:s9], [sflag:$0x1], $0x1, s31, s10, $0xb8;
	[tilespmem:$0x2B00] =	vst v63  }
0x3df: {  	_ =	swait.ge [sflag:s6], $0x7D  }
0x3e0: {  	s1 =	sld [smem:$0x7E5]  }
0x3e1: {  	[sflag:s6] =	ssyncset.done $0x0  }
0x3e2: {  	[sflag:s6] =	ssyncadd.s32 $0xFFFFFF83  }
0x3e3: {  	[spmem:s2] =	stream.indirect.scatter.add.f32 [tilespmem:s9], [sflag:$0x1], $0x1, s1, s10, $0xb8;
	[tilespmem:$0x2B00] =	vst v63  }
0x3e4: {  	_ =	swait.ge [sflag:s6], $0x7D  }
0x3e5: {  	s31 =	sld [smem:$0x7E6]  }
0x3e6: {  	[sflag:s6] =	ssyncset.done $0x0  }
0x3e7: {  	[sflag:s6] =	ssyncadd.s32 $0xFFFFFF83  }
0x3e8: {  	[spmem:s2] =	stream.indirect.scatter.add.f32 [tilespmem:s9], [sflag:$0x1], $0x1, s31, s10, $0xb8;
	[tilespmem:$0x2B00] =	vst v63  }
0x3e9: {  	_ =	swait.ge [sflag:s6], $0x7D  }
0x3ea: {  	s1 =	sld [smem:$0x7E7]  }
0x3eb: {  	[sflag:s6] =	ssyncset.done $0x0  }
0x3ec: {  	[sflag:s6] =	ssyncadd.s32 $0xFFFFFF83  }
0x3ed: {  	[spmem:s2] =	stream.indirect.scatter.add.f32 [tilespmem:s9], [sflag:$0x1], $0x1, s1, s10, $0xb8;
	[tilespmem:$0x2B00] =	vst v63  }
0x3ee: {  	_ =	swait.ge [sflag:s6], $0x7D  }
0x3ef: {  	s31 =	sld [smem:$0x7E8]  }
0x3f0: {  	[sflag:s6] =	ssyncset.done $0x0  }
0x3f1: {  	[sflag:s6] =	ssyncadd.s32 $0xFFFFFF83  }
0x3f2: {  	[spmem:s2] =	stream.indirect.scatter.add.f32 [tilespmem:s9], [sflag:$0x1], $0x1, s31, s10, $0xb8;
	[tilespmem:$0x2B00] =	vst v63  }
0x3f3: {  	_ =	swait.ge [sflag:s6], $0x7D  }
0x3f4: {  	s1 =	sld [smem:$0x7E9]  }
0x3f5: {  	[sflag:s6] =	ssyncset.done $0x0  }
0x3f6: {  	[sflag:s6] =	ssyncadd.s32 $0xFFFFFF83  }
0x3f7: {  	[spmem:s2] =	stream.indirect.scatter.add.f32 [tilespmem:s9], [sflag:$0x1], $0x1, s1, s10, $0xb8;
	[tilespmem:$0x2B00] =	vst v63  }
0x3f8: {  	_ =	swait.ge [sflag:s6], $0x7D  }
0x3f9: {  	s31 =	sld [smem:$0x7EA]  }
0x3fa: {  	[sflag:s6] =	ssyncset.done $0x0  }
0x3fb: {  	[sflag:s6] =	ssyncadd.s32 $0xFFFFFF83  }
0x3fc: {  	[spmem:s2] =	stream.indirect.scatter.add.f32 [tilespmem:s9], [sflag:$0x1], $0x1, s31, s10, $0xb8;
	[tilespmem:$0x2B00] =	vst v63  }
0x3fd: {  	_ =	swait.ge [sflag:s6], $0x7D  }
0x3fe: {  	s1 =	sld [smem:$0x7EB]  }
0x3ff: {  	[sflag:s6] =	ssyncset.done $0x0  }
0x400: {  	[sflag:s6] =	ssyncadd.s32 $0xFFFFFF83  }
0x401: {  	[spmem:s2] =	stream.indirect.scatter.add.f32 [tilespmem:s9], [sflag:$0x1], $0x1, s1, s10, $0xb8;
	[tilespmem:$0x2B00] =	vst v63  }
0x402: {  	_ =	swait.ge [sflag:s6], $0x7D  }
0x403: {  	s31 =	sld [smem:$0x7EC]  }
0x404: {  	[sflag:s6] =	ssyncset.done $0x0  }
0x405: {  	[sflag:s6] =	ssyncadd.s32 $0xFFFFFF83  }
0x406: {  	[spmem:s2] =	stream.indirect.scatter.add.f32 [tilespmem:s9], [sflag:$0x1], $0x1, s31, s10, $0xb8;
	[tilespmem:$0x2B00] =	vst v63  }
0x407: {  	_ =	swait.ge [sflag:s6], $0x7D  }
0x408: {  	s1 =	sld [smem:$0x7ED]  }
0x409: {  	[sflag:s6] =	ssyncset.done $0x0  }
0x40a: {  	[sflag:s6] =	ssyncadd.s32 $0xFFFFFF83  }
0x40b: {  	[spmem:s2] =	stream.indirect.scatter.add.f32 [tilespmem:s9], [sflag:$0x1], $0x1, s1, s10, $0xb8;
	[tilespmem:$0x2B00] =	vst v63  }
0x40c: {  	_ =	swait.ge [sflag:s6], $0x7D  }
0x40d: {  	s31 =	sld [smem:$0x7EE]  }
0x40e: {  	[sflag:s6] =	ssyncset.done $0x0  }
0x40f: {  	[sflag:s6] =	ssyncadd.s32 $0xFFFFFF83  }
0x410: {  	[spmem:s2] =	stream.indirect.scatter.add.f32 [tilespmem:s9], [sflag:$0x1], $0x1, s31, s10, $0xb8;
	[tilespmem:$0x2B00] =	vst v63  }
0x411: {  	_ =	swait.ge [sflag:s6], $0x7D  }
0x412: {  	s1 =	sld [smem:$0x7EF]  }
0x413: {  	[sflag:s6] =	ssyncset.done $0x0  }
0x414: {  	[sflag:s6] =	ssyncadd.s32 $0xFFFFFF83  }
0x415: {  	[spmem:s2] =	stream.indirect.scatter.add.f32 [tilespmem:s9], [sflag:$0x1], $0x1, s1, s10, $0xb8;
	[tilespmem:$0x2B00] =	vst v63  }
0x416: {  	_ =	swait.ge [sflag:s6], $0x7D  }
0x417: {  	s31 =	sld [smem:$0x7F0]  }
0x418: {  	[sflag:s6] =	ssyncset.done $0x0  }
0x419: {  	[sflag:s6] =	ssyncadd.s32 $0xFFFFFF83  }
0x41a: {  	[spmem:s2] =	stream.indirect.scatter.add.f32 [tilespmem:s9], [sflag:$0x1], $0x1, s31, s10, $0xb8;
	[tilespmem:$0x2B00] =	vst v63  }
0x41b: {  	_ =	swait.ge [sflag:s6], $0x7D  }
0x41c: {  	s1 =	sld [smem:$0x7F1]  }
0x41d: {  	[sflag:s6] =	ssyncset.done $0x0  }
0x41e: {  	[sflag:s6] =	ssyncadd.s32 $0xFFFFFF83  }
0x41f: {  	[spmem:s2] =	stream.indirect.scatter.add.f32 [tilespmem:s9], [sflag:$0x1], $0x1, s1, s10, $0xb8;
	[tilespmem:$0x2B00] =	vst v63  }
0x420: {  	_ =	swait.ge [sflag:s6], $0x7D  }
0x421: {  	s31 =	sld [smem:$0x7F2]  }
0x422: {  	[sflag:s6] =	ssyncset.done $0x0  }
0x423: {  	[sflag:s6] =	ssyncadd.s32 $0xFFFFFF83  }
0x424: {  	[spmem:s2] =	stream.indirect.scatter.add.f32 [tilespmem:s9], [sflag:$0x1], $0x1, s31, s10, $0xb8;
	[tilespmem:$0x2B00] =	vst v63  }
0x425: {  	_ =	swait.ge [sflag:s6], $0x7D  }
0x426: {  	s1 =	sld [smem:$0x7F3]  }
0x427: {  	[sflag:s6] =	ssyncset.done $0x0  }
0x428: {  	[sflag:s6] =	ssyncadd.s32 $0xFFFFFF83  }
0x429: {  	[spmem:s2] =	stream.indirect.scatter.add.f32 [tilespmem:s9], [sflag:$0x1], $0x1, s1, s10, $0xb8;
	[tilespmem:$0x2B00] =	vst v63  }
0x42a: {  	_ =	swait.ge [sflag:s6], $0x7D  }
0x42b: {  	s31 =	sld [smem:$0x7F4]  }
0x42c: {  	[sflag:s6] =	ssyncset.done $0x0  }
0x42d: {  	[sflag:s6] =	ssyncadd.s32 $0xFFFFFF83  }
0x42e: {  	[spmem:s2] =	stream.indirect.scatter.add.f32 [tilespmem:s9], [sflag:$0x1], $0x1, s31, s10, $0xb8;
	[tilespmem:$0x2B00] =	vst v63  }
0x42f: {  	_ =	swait.ge [sflag:s6], $0x7D  }
0x430: {  	s1 =	sld [smem:$0x7F5]  }
0x431: {  	[sflag:s6] =	ssyncset.done $0x0  }
0x432: {  	[sflag:s6] =	ssyncadd.s32 $0xFFFFFF83  }
0x433: {  	[spmem:s2] =	stream.indirect.scatter.add.f32 [tilespmem:s9], [sflag:$0x1], $0x1, s1, s10, $0xb8;
	[tilespmem:$0x2B00] =	vst v63  }
0x434: {  	_ =	swait.ge [sflag:s6], $0x7D  }
0x435: {  	s31 =	sld [smem:$0x7F6]  }
0x436: {  	[sflag:s6] =	ssyncset.done $0x0  }
0x437: {  	[sflag:s6] =	ssyncadd.s32 $0xFFFFFF83  }
0x438: {  	[spmem:s2] =	stream.indirect.scatter.add.f32 [tilespmem:s9], [sflag:$0x1], $0x1, s31, s10, $0xb8;
	[tilespmem:$0x2B00] =	vst v63  }
0x439: {  	_ =	swait.ge [sflag:s6], $0x7D  }
0x43a: {  	s1 =	sld [smem:$0x7F7]  }
0x43b: {  	[sflag:s6] =	ssyncset.done $0x0  }
0x43c: {  	[sflag:s6] =	ssyncadd.s32 $0xFFFFFF83  }
0x43d: {  	[spmem:s2] =	stream.indirect.scatter.add.f32 [tilespmem:s9], [sflag:$0x1], $0x1, s1, s10, $0xb8;
	[tilespmem:$0x2B00] =	vst v63  }
0x43e: {  	_ =	swait.ge [sflag:s6], $0x7D  }
0x43f: {  	s31 =	sld [smem:$0x7F8]  }
0x440: {  	[sflag:s6] =	ssyncset.done $0x0  }
0x441: {  	[sflag:s6] =	ssyncadd.s32 $0xFFFFFF83  }
0x442: {  	[spmem:s2] =	stream.indirect.scatter.add.f32 [tilespmem:s9], [sflag:$0x1], $0x1, s31, s10, $0xb8;
	[tilespmem:$0x2B00] =	vst v63  }
0x443: {  	_ =	swait.ge [sflag:s6], $0x7D  }
0x444: {  	s1 =	sld [smem:$0x7F9]  }
0x445: {  	[sflag:s6] =	ssyncset.done $0x0  }
0x446: {  	[sflag:s6] =	ssyncadd.s32 $0xFFFFFF83  }
0x447: {  	[spmem:s2] =	stream.indirect.scatter.add.f32 [tilespmem:s9], [sflag:$0x1], $0x1, s1, s10, $0xb8;
	[tilespmem:$0x2B00] =	vst v63  }
0x448: {  	_ =	swait.ge [sflag:s6], $0x7D  }
0x449: {  	s31 =	sld [smem:$0x7FA]  }
0x44a: {  	[sflag:s6] =	ssyncset.done $0x0  }
0x44b: {  	[sflag:s6] =	ssyncadd.s32 $0xFFFFFF83  }
0x44c: {  	[spmem:s2] =	stream.indirect.scatter.add.f32 [tilespmem:s9], [sflag:$0x1], $0x1, s31, s10, $0xb8;
	[tilespmem:$0x2B00] =	vst v63  }
0x44d: {  	_ =	swait.ge [sflag:s6], $0x7D  }
0x44e: {  	s1 =	sld [smem:$0x7FB]  }
0x44f: {  	[sflag:s6] =	ssyncset.done $0x0  }
0x450: {  	[sflag:s6] =	ssyncadd.s32 $0xFFFFFF83  }
0x451: {  	[spmem:s2] =	stream.indirect.scatter.add.f32 [tilespmem:s9], [sflag:$0x1], $0x1, s1, s10, $0xb8;
	[tilespmem:$0x2B00] =	vst v63  }
0x452: {  	_ =	swait.ge [sflag:s6], $0x7D  }
0x453: {  	s31 =	sld [smem:$0x7FC]  }
0x454: {  	[sflag:s6] =	ssyncset.done $0x0  }
0x455: {  	[sflag:s6] =	ssyncadd.s32 $0xFFFFFF83  }
0x456: {  	[spmem:s2] =	stream.indirect.scatter.add.f32 [tilespmem:s9], [sflag:$0x1], $0x1, s31, s10, $0xb8;
	[tilespmem:$0x2B00] =	vst v63  }
0x457: {  	_ =	swait.ge [sflag:s6], $0x7D  }
0x458: {  	s1 =	sld [smem:$0x7FD]  }
0x459: {  	[sflag:s6] =	ssyncset.done $0x0  }
0x45a: {  	[sflag:s6] =	ssyncadd.s32 $0xFFFFFF83  }
0x45b: {  	[spmem:s2] =	stream.indirect.scatter.add.f32 [tilespmem:s9], [sflag:$0x1], $0x1, s1, s10, $0xb8;
	[tilespmem:$0x2B00] =	vst v63  }
0x45c: {  	_ =	swait.ge [sflag:s6], $0x7D  }
0x45d: {  	[sflag:s6] =	ssyncset.done $0x0  }
0x45e: {  	[sflag:s6] =	ssyncadd.s32 $0xFFFFFF83  }
0x45f: {  	[spmem:s2] =	stream.indirect.scatter.add.f32 [tilespmem:s9], [sflag:$0x1], $0x1, s30, s10, $0xb8;
	[tilespmem:$0x2B00] =	vst v63  }
0x460: {  	_ =	swait.ge [sflag:s6], $0x7D  }
0x461: {  	[sflag:s6] =	ssyncset.done $0x0  }
0x462: {  	[sflag:s6] =	ssyncadd.s32 $0xFFFFFF83  }
0x463: {  	[spmem:s2] =	stream.indirect.scatter.add.f32 [tilespmem:s9], [sflag:$0x1], $0x1, s29, s10, $0xb8;
	[tilespmem:$0x2B00] =	vst v63  }
0x464: {  	_ =	swait.ge [sflag:s6], $0x7D  }
0x465: {  	[sflag:s6] =	ssyncset.done $0x0  }
0x466: {  	[sflag:s6] =	ssyncadd.s32 $0xFFFFFF83  }
0x467: {  	[spmem:s2] =	stream.indirect.scatter.add.f32 [tilespmem:s9], [sflag:$0x1], $0x1, s28, s10, $0xb8;
	[tilespmem:$0x2B00] =	vst v63  }
0x468: {  	_ =	swait.ge [sflag:s6], $0x7D  }
0x469: {  	[sflag:s6] =	ssyncset.done $0x0  }
0x46a: {  	[sflag:s6] =	ssyncadd.s32 $0xFFFFFF83  }
0x46b: {  	[spmem:s2] =	stream.indirect.scatter.add.f32 [tilespmem:s9], [sflag:$0x1], $0x1, s26, s10, $0xb8;
	[tilespmem:$0x2B00] =	vst v63  }
0x46c: {  	_ =	swait.ge [sflag:s6], $0x7D  }
0x46d: {  	[sflag:s6] =	ssyncset.done $0x0  }
0x46e: {  	[sflag:s6] =	ssyncadd.s32 $0xFFFFFF83  }
0x46f: {  	[spmem:s2] =	stream.indirect.scatter.add.f32 [tilespmem:s9], [sflag:$0x1], $0x1, s25, s10, $0xb8;
	[tilespmem:$0x2B00] =	vst v63  }
0x470: {  	_ =	swait.ge [sflag:s6], $0x7D  }
0x471: {  	[sflag:s6] =	ssyncset.done $0x0  }
0x472: {  	[sflag:s6] =	ssyncadd.s32 $0xFFFFFF83  }
0x473: {  	[spmem:s2] =	stream.indirect.scatter.add.f32 [tilespmem:s9], [sflag:$0x1], $0x1, s24, s10, $0xb8;
	[tilespmem:$0x2B00] =	vst v63  }
0x474: {  	_ =	swait.ge [sflag:s6], $0x7D  }
0x475: {  	[sflag:s6] =	ssyncset.done $0x0  }
0x476: {  	[sflag:s6] =	ssyncadd.s32 $0xFFFFFF83  }
0x477: {  	[spmem:s2] =	stream.indirect.scatter.add.f32 [tilespmem:s9], [sflag:$0x1], $0x1, s23, s10, $0xb8;
	[tilespmem:$0x2B00] =	vst v63  }
0x478: {  	_ =	swait.ge [sflag:s6], $0x7D  }
0x479: {  	[sflag:s6] =	ssyncset.done $0x0  }
0x47a: {  	[sflag:s6] =	ssyncadd.s32 $0xFFFFFF83  }
0x47b: {  	[spmem:s2] =	stream.indirect.scatter.add.f32 [tilespmem:s9], [sflag:$0x1], $0x1, s22, s10, $0xb8;
	[tilespmem:$0x2B00] =	vst v63  }
0x47c: {  	_ =	swait.ge [sflag:s6], $0x7D  }
0x47d: {  	[sflag:s6] =	ssyncset.done $0x0  }
0x47e: {  	[sflag:s6] =	ssyncadd.s32 $0xFFFFFF83  }
0x47f: {  	[spmem:s2] =	stream.indirect.scatter.add.f32 [tilespmem:s9], [sflag:$0x1], $0x1, s21, s10, $0xb8;
	[tilespmem:$0x2B00] =	vst v63  }
0x480: {  	_ =	swait.ge [sflag:s6], $0x7D  }
0x481: {  	[sflag:s6] =	ssyncset.done $0x0  }
0x482: {  	[sflag:s6] =	ssyncadd.s32 $0xFFFFFF83  }
0x483: {  	[spmem:s2] =	stream.indirect.scatter.add.f32 [tilespmem:s9], [sflag:$0x1], $0x1, s20, s10, $0xb8;
	[tilespmem:$0x2B00] =	vst v63  }
0x484: {  	_ =	swait.ge [sflag:s6], $0x7D  }
0x485: {  	[sflag:s6] =	ssyncset.done $0x0  }
0x486: {  	[sflag:s6] =	ssyncadd.s32 $0xFFFFFF83  }
0x487: {  	[spmem:s2] =	stream.indirect.scatter.add.f32 [tilespmem:s9], [sflag:$0x1], $0x1, s19, s10, $0xb8;
	[tilespmem:$0x2B00] =	vst v63  }
0x488: {  	_ =	swait.ge [sflag:s6], $0x7D  }
0x489: {  	[sflag:s6] =	ssyncset.done $0x0  }
0x48a: {  	[sflag:s6] =	ssyncadd.s32 $0xFFFFFF83  }
0x48b: {  	[spmem:s2] =	stream.indirect.scatter.add.f32 [tilespmem:s9], [sflag:$0x1], $0x1, s18, s10, $0xb8;
	[tilespmem:$0x2B00] =	vst v63  }
0x48c: {  	_ =	swait.ge [sflag:s6], $0x7D  }
0x48d: {  	[sflag:s6] =	ssyncset.done $0x0  }
0x48e: {  	[sflag:s6] =	ssyncadd.s32 $0xFFFFFF83  }
0x48f: {  	[spmem:s2] =	stream.indirect.scatter.add.f32 [tilespmem:s9], [sflag:$0x1], $0x1, s17, s10, $0xb8;
	[tilespmem:$0x2B00] =	vst v63  }
0x490: {  	_ =	swait.ge [sflag:s6], $0x7D  }
0x491: {  	[sflag:s6] =	ssyncset.done $0x0  }
0x492: {  	[sflag:s6] =	ssyncadd.s32 $0xFFFFFF83  }
0x493: {  	[spmem:s2] =	stream.indirect.scatter.add.f32 [tilespmem:s9], [sflag:$0x1], $0x1, s16, s10, $0xb8;
	[tilespmem:$0x2B00] =	vst v63  }
0x494: {  	_ =	swait.ge [sflag:s6], $0x7D  }
0x495: {  	[sflag:s6] =	ssyncset.done $0x0  }
0x496: {  	[sflag:s6] =	ssyncadd.s32 $0xFFFFFF83  }
0x497: {  	[spmem:s2] =	stream.indirect.scatter.add.f32 [tilespmem:s9], [sflag:$0x1], $0x1, s14, s10, $0xb8;
	[tilespmem:$0x2B00] =	vst v63  }
0x498: {  	_ =	swait.ge [sflag:s6], $0x7D  }
0x499: {  	[sflag:s6] =	ssyncset.done $0x0  }
0x49a: {  	[sflag:s6] =	ssyncadd.s32 $0xFFFFFF83  }
0x49b: {  	[spmem:s2] =	stream.indirect.scatter.add.f32 [tilespmem:s9], [sflag:$0x1], $0x1, s15, s10, $0xb8;
	[tilespmem:$0x2B00] =	vst v63  }
0x49c: {  	_ =	swait.ge [sflag:s6], $0x7D  }
0x49d: {  	[sflag:s6] =	ssyncset.done $0x0  }
0x49e: {  	[sflag:s6] =	ssyncadd.s32 $0xFFFFFF83  }
0x49f: {  	[spmem:s2] =	stream.indirect.scatter.add.f32 [tilespmem:s9], [sflag:$0x1], $0x1, s13, s10, $0xb8;
	[tilespmem:$0x2B00] =	vst v63  }
0x4a0: {  	_ =	swait.ge [sflag:s6], $0x7D  }
0x4a1: {  	[sflag:s6] =	ssyncset.done $0x0  }
0x4a2: {  	[sflag:s6] =	ssyncadd.s32 $0xFFFFFF83  }
0x4a3: {  	[spmem:s2] =	stream.indirect.scatter.add.f32 [tilespmem:s9], [sflag:$0x1], $0x1, s12, s10, $0xb8;
	[tilespmem:$0x2B00] =	vst v63  }
0x4a4: {  	_ =	swait.ge [sflag:s6], $0x7D  }
0x4a5: {  	[sflag:s6] =	ssyncset.done $0x0  }
0x4a6: {  	[sflag:s6] =	ssyncadd.s32 $0xFFFFFF83  }
0x4a7: {  	[spmem:s2] =	stream.indirect.scatter.add.f32 [tilespmem:s9], [sflag:$0x1], $0x1, s11, s10, $0xb8;
	[tilespmem:$0x2B00] =	vst v63  }
0x4a8: {  	_ =	swait.ge [sflag:s6], $0x7D  }
0x4a9: {  	[sflag:s6] =	ssyncset.done $0x0  }
0x4aa: {  	[sflag:s6] =	ssyncadd.s32 $0xFFFFFF83  }
0x4ab: {  	_ =	swait.ge [sflag:s6], $0x7D  }
0x4ac: {  	[sflag:s6] =	ssyncset.done $0x0  }
0x4ad: {  	[sflag:s6] =	ssyncadd.s32 $0xFFFFFF83  }
0x4ae: {  	_ =	swait.ge [sflag:s6], $0x7D  }
0x4af: {  	[sflag:s6] =	ssyncset.done $0x0  }
0x4b0: {  	[sflag:s6] =	ssyncadd.s32 $0xFFFFFF83  }
0x4b1: {  	_ =	swait.ge [sflag:s6], $0x7D  }
0x4b2: {  	[sflag:s6] =	ssyncset.done $0x0  }
0x4b3: {  	[sflag:s6] =	ssyncadd.s32 $0xFFFFFF83  }
0x4b4: {  	_ =	swait.ge [sflag:s6], $0x7D  }
0x4b5: {  	[sflag:s6] =	ssyncset.done $0x0  }
0x4b6: {  	[sflag:s6] =	ssyncadd.s32 $0xFFFFFF83  }
0x4b7: {  	_ =	swait.ge [sflag:s6], $0x7D  }
0x4b8: {  	[sflag:s6] =	ssyncset.done $0x0  }
0x4b9: {  	[sflag:s6] =	ssyncadd.s32 $0xFFFFFF83  }
0x4ba: {  	_ =	swait.ge [sflag:s6], $0x7D  }
0x4bb: {  	[sflag:s6] =	ssyncset.done $0x0  }
0x4bc: {  	[sflag:s6] =	ssyncadd.s32 $0xFFFFFF83  }
0x4bd: {  	_ =	swait.ge [sflag:s6], $0x7D  }
0x4be: {  	[sflag:s6] =	ssyncset.done $0x0  }
0x4bf: {  	[sflag:s6] =	ssyncadd.s32 $0xFFFFFF83  }
0x4c0: {  	_ =	swait.ge [sflag:s6], $0x7D  }
0x4c1: {  	[sflag:s6] =	ssyncset.done $0x0  }
0x4c2: {  	[sflag:s6] =	ssyncadd.s32 $0xFFFFFF83  }
0x4c3: {  	_ =	swait.ge [sflag:s6], $0x7D  }
0x4c4: {  	[sflag:s6] =	ssyncset.done $0x0  }
0x4c5: {  	[sflag:s6] =	ssyncadd.s32 $0xFFFFFF83  }
0x4c6: {  	_ =	swait.ge [sflag:s6], $0x7D  }
0x4c7: {  	[sflag:s6] =	ssyncset.done $0x0  }
0x4c8: {  	[sflag:s6] =	ssyncadd.s32 $0xFFFFFF83  }
0x4c9: {  	_ =	swait.ge [sflag:s6], $0x7D  }
0x4ca: {  	[sflag:s6] =	ssyncset.done $0x0  }
0x4cb: {  	[sflag:s6] =	ssyncadd.s32 $0xFFFFFF83  }
0x4cc: {  	_ =	swait.ge [sflag:s6], $0x7D  }
0x4cd: {  	[sflag:s6] =	ssyncset.done $0x0  }
0x4ce: {  	[sflag:s6] =	ssyncadd.s32 $0xFFFFFF83  }
0x4cf: {  	_ =	swait.ge [sflag:s6], $0x7D  }
0x4d0: {  	[sflag:s6] =	ssyncset.done $0x0  }
0x4d1: {  	[sflag:s6] =	ssyncadd.s32 $0xFFFFFF83  }
0x4d2: {  	_ =	swait.ge [sflag:s6], $0x7D  }
0x4d3: {  	[sflag:s6] =	ssyncset.done $0x0  }
0x4d4: {  	[sflag:s6] =	ssyncadd.s32 $0xFFFFFF83  }
0x4d5: {  	_ =	swait.ge [sflag:s6], $0x7D  }
0x4d6: {  	[sflag:s6] =	ssyncset.done $0x0  }
0x4d7: {  	[sflag:s6] =	ssyncadd.s32 $0xFFFFFF83  }
0x4d8: {  	[bflag:$0x0] =	sbarrier.arrive $0xFFFF  }
0x4d9: {  	s30 =	rddreg [dreg:$0x7]  }
0x4da: {  	[hbm:s30@s7], [sflag:s4] =	dma.strided [spmem:s5@s8], $0x50, s6, $0x10   }
0x4db: {  	_ =	swait.ge [sflag:s3], $0x50  }
0x4dc: {  	[sflag:s3] =	ssyncset.done $0x0  }
0x4dd: {  	[sflag:s3] =	ssyncadd.s32 $0xFFFFFFB0  }
0x4de: {  	_ =	sfence.sel $0x180000  }
0x4df: {  	[bflag:$0x0] =	sbarrier.arrive $0xFFFF  }
0x4e0: {  	_ =	strace $0x90000047  }
0x4e1: {  	s31 =	stileid.u32;
	[bflag:$0x2] =	sbarrier.arrive $0xFFFF  }
0x4e2: {  	p0 =	sne.s32 s31, $0x0;
	s0 =	rddreg [dreg:$0x3]  }
0x4e3: {  	s0 =	sadd.s32 @!p0 $0x100000, s0  }
0x4e4: {  	[sflag:s0] =	ssyncadd.tile.s32 @!p0 $0x1;
	_ =	shalt  }
.Lfunc_end2:
_tile_overlayer_lowered:
.L_overlay_start_2:
0x4e5: {  	(tag) =	ssettag $0x2  }
0x4e6: {  	s0 =	rddreg [dreg:$0x0];
	s2 =	stileid.u32  }
0x4e7: {  	s1 =	rddreg [dreg:$0x1];
	p0 =	sne.s32 s2, $0x0  }
0x4e8: {  	s3 =	rddreg [dreg:$0x2];
	[bflag:$0x3] =	sbarrier.arrive $0xFFFF;
	s2 =	simm.s32 @!p0 $0x1C02  }
0x4e9: {  	[timem:s3], [sflag:s2] =	dma.local @!p0 [hbm:s0], s1  }
0x4ea: {  	s0 =	simm.s32 @!p0 $0x2  }
0x4eb: {  	_ =	swait.ge @!p0 [sflag:s0], s1  }
0x4ec: {  	s1 =	ssub.s32 @!p0 $0x0, s1;
	[sflag:s0] =	ssyncset.done @!p0 $0x0  }
0x4ed: {  	[sflag:s0] =	ssyncadd.s32 @!p0 s1  }
0x4ee: {  	[bflag:$0x3] =	sbarrier.arrive $0xFFFF  }
0x4ef: {  	_ =	shalt  }

</sc_bundles>
